<compile_context>
chip_gen: v7x
topology: tpu7x:2x2x1
jax: 0.10.2.dev20260603
libtpu: 0.0.44.dev20260713+nightly
codegen_flags: <defaults>
</compile_context>

<pallas_src>
import jax
import jax.numpy as jnp
from jax import lax
from jax.experimental import pallas as pl
from jax.experimental.pallas import tpu as pltpu
from jax.experimental.pallas import tpu_sc as plsc

B = 16384
N_NODES = 100000
MD = 128
ED = 16
TD = 100

NC, NS, L = 2, 16, 16
NW = NC * NS
TWO_B = 2 * B
PERW = TWO_B // NW
GC = 256
TBL = 3136
CT = 18080
CPW = (N_NODES - CT) // NW
CCH = 256
SCCH = 384
IDC = 2048


def _gather_body(mem_hbm, ids_hbm, out_hbm, idx0, idx1, r0, r1, s0, s1):
    wid = lax.axis_index("s") * NC + lax.axis_index("c")
    base = wid * PERW
    part = wid // (NW // 2)
    pbase = base - part * B
    nch = PERW // GC
    idx = (idx0, idx1)
    rows = (r0, r1)
    sems = (s0, s1)

    pltpu.sync_copy(ids_hbm.at[pl.ds(base, GC)], idx0)
    pltpu.async_copy(mem_hbm.at[idx0], r0, s0)
    for i in range(1, nch):
        b, pb = i % 2, (i - 1) % 2
        off = base + i * GC
        pltpu.sync_copy(ids_hbm.at[pl.ds(off, GC)], idx[b])
        pltpu.async_copy(mem_hbm.at[idx[b]], rows[b], sems[b])
        pltpu.make_async_copy(mem_hbm.at[idx[pb]], rows[pb], sems[pb]).wait()
        pltpu.sync_copy(rows[pb],
                        out_hbm.at[part].at[pl.ds(pbase + (i - 1) * GC, GC)])
    pb = (nch - 1) % 2
    pltpu.make_async_copy(mem_hbm.at[idx[pb]], rows[pb], sems[pb]).wait()
    pltpu.sync_copy(rows[pb],
                    out_hbm.at[part].at[pl.ds(pbase + (nch - 1) * GC, GC)])


def _sc_gather(memory, ids):
    mesh = plsc.VectorSubcoreMesh(core_axis_name="c", subcore_axis_name="s")
    fn = pl.kernel(
        _gather_body,
        out_type=jax.ShapeDtypeStruct((2, B, MD), jnp.float32),
        mesh=mesh,
        compiler_params=pltpu.CompilerParams(needs_layout_passes=False),
        scratch_types=[
            pltpu.VMEM((GC,), jnp.int32),
            pltpu.VMEM((GC,), jnp.int32),
            pltpu.VMEM((GC, MD), jnp.float32),
            pltpu.VMEM((GC, MD), jnp.float32),
            pltpu.SemaphoreType.DMA,
            pltpu.SemaphoreType.DMA,
        ],
    )
    return fn(memory, ids)


def _winners_body(ids_hbm, mem_hbm, base_ref, wl_hbm, cnt_hbm,
                  idc, wl, table, c0, c1, s0, s1, o0, o1):
    wid = lax.axis_index("s") * NC + lax.axis_index("c")
    iota = lax.iota(jnp.int32, L)
    cbase = CT + wid * CPW
    bufs = (c0, c1)
    insems = (s0, s1)
    outsems = (o0, o1)
    nco = CPW // CCH

    def cp_in(i):
        pltpu.async_copy(mem_hbm.at[pl.ds(cbase + i * CCH, CCH)],
                         bufs[i % 2], insems[i % 2])

    def cp_wait_in(i):
        pltpu.make_async_copy(mem_hbm.at[pl.ds(cbase + i * CCH, CCH)],
                              bufs[i % 2], insems[i % 2]).wait()

    def cp_out(i):
        pltpu.async_copy(bufs[i % 2], base_ref.at[pl.ds(cbase + i * CCH, CCH)],
                         outsems[i % 2])

    def cp_wait_out(i):
        pltpu.make_async_copy(bufs[i % 2],
                              base_ref.at[pl.ds(cbase + i * CCH, CCH)],
                              outsems[i % 2]).wait()

    off = jnp.int32(0)
    for c in range(TWO_B // IDC):
        if c < nco:
            if c >= 2:
                cp_wait_out(c - 2)
            cp_in(c)
        if 1 <= c <= nco:
            cp_wait_in(c - 1)
            cp_out(c - 1)
        pltpu.sync_copy(ids_hbm.at[pl.ds(c * IDC, IDC)], idc)

        def inner(k, off, c=c):
            v = idc[pl.ds(k * L, L)]
            m = (v & (NW - 1)) == wid
            pos = c * IDC + k * L + iota
            packed = ((v >> 5) << 15) | pos
            plsc.store_compressed(wl.at[pl.ds(off, L)], packed, mask=m)
            cntv = plsc.all_reduce_population_count(m)
            return off + cntv[0]

        off = lax.fori_loop(0, IDC // L, inner, off)
    n = off
    cp_wait_out(nco - 2)
    cp_wait_out(nco - 1)
    nv = lax.div(n + (L - 1), jnp.int32(L))

    def initk(k, carry):
        valid = (k * L + iota) < n
        v = wl[pl.ds(k * L, L)]
        vr_s = jnp.where(valid, v >> 15, 0)
        plsc.store_scatter(table, [vr_s], v & 32767, mask=valid)
        return carry

    lax.fori_loop(0, nv, initk, 0)

    def round_body(state):
        def rk(k, cnt):
            valid = (k * L + iota) < n
            v = wl[pl.ds(k * L, L)]
            vp = v & 32767
            vr_s = jnp.where(valid, v >> 15, 0)
            t = plsc.load_gather(table, [vr_s])
            m2 = valid & (vp > t)
            plsc.store_scatter(table, [vr_s], vp, mask=m2)
            return cnt + jnp.sum(m2.astype(jnp.int32))

        c = lax.fori_loop(0, nv, rk, jnp.int32(0))
        return (c, state[1] + 1)

    lax.while_loop(lambda s: s[0] > 0, round_body, (jnp.int32(1), jnp.int32(0)))

    def wk(k, woff):
        valid = (k * L + iota) < n
        v = wl[pl.ds(k * L, L)]
        vp = v & 32767
        vr_s = jnp.where(valid, v >> 15, 0)
        t = plsc.load_gather(table, [vr_s])
        w = valid & (t == vp)
        wi = w.astype(jnp.int32)
        slots = woff + plsc.cumsum(wi) - 1
        slots = jnp.where(w, slots, 0)
        plsc.store_scatter(wl, [slots], v, mask=w)
        return woff + jnp.sum(wi)

    m = lax.fori_loop(0, nv, wk, jnp.int32(0))

    mpad = lax.div(m + (SCCH - 1), jnp.int32(SCCH)) * SCCH

    @pl.when(m > 0)
    def _pad():
        def padk(k, carry):
            idxs = m + k * L + iota
            mk = idxs < mpad
            src = idxs % m
            vals = plsc.load_gather(wl, [src])
            idxs_s = jnp.where(mk, idxs, 0)
            plsc.store_scatter(wl, [idxs_s], vals, mask=mk)
            return carry

        lax.fori_loop(0, SCCH // L, padk, 0)

    def wout(i, carry):
        pltpu.sync_copy(wl.at[pl.ds(i * IDC, IDC)],
                        wl_hbm.at[wid].at[pl.ds(i * IDC, IDC)])
        return carry

    lax.fori_loop(0, (mpad + (IDC - 1)) // IDC, wout, 0)
    for j in range(MD // L):
        idc[pl.ds(j * L, L)] = jnp.broadcast_to(mpad, (L,))
    pltpu.sync_copy(idc.at[pl.ds(0, MD)], cnt_hbm.at[wid])



def _sc_winners(ids, memory, base_ref):
    mesh = plsc.VectorSubcoreMesh(core_axis_name="c", subcore_axis_name="s")
    fn = pl.kernel(
        _winners_body,
        out_type=(
            jax.ShapeDtypeStruct((NW, TWO_B), jnp.int32),
            jax.ShapeDtypeStruct((NW, MD), jnp.int32),
        ),
        mesh=mesh,
        compiler_params=pltpu.CompilerParams(needs_layout_passes=False),
        scratch_types=[
            pltpu.VMEM((IDC,), jnp.int32),
            pltpu.VMEM((TWO_B + L,), jnp.int32),
            pltpu.VMEM((TBL,), jnp.int32),
            pltpu.VMEM((CCH, MD), jnp.float32),
            pltpu.VMEM((CCH, MD), jnp.float32),
            pltpu.SemaphoreType.DMA,
            pltpu.SemaphoreType.DMA,
            pltpu.SemaphoreType.DMA,
            pltpu.SemaphoreType.DMA,
        ],
    )
    return fn(ids, memory, base_ref)


def _apply_body(base_hbm, upd_hbm, wl_hbm, cnt_hbm,
                cbuf, wbuf, sg0, sp0, r0, sg1, sp1, r1, sem0, sem1):
    wid = lax.axis_index("s") * NC + lax.axis_index("c")
    pltpu.sync_copy(cnt_hbm.at[wid], cbuf)
    cv = cbuf[pl.ds(0, L)]
    mpad = cv[0]
    nch = mpad // SCCH

    def stage_and_fire(c, sg, sp, rows, sem):
        pltpu.sync_copy(wl_hbm.at[wid].at[pl.ds(c * SCCH, SCCH)], wbuf)

        def upk(k, carry):
            v = wbuf[pl.ds(k * L, L)]
            sp[pl.ds(k * L, L)] = v & 32767
            sg[pl.ds(k * L, L)] = ((v >> 15) << 5) | wid
            return carry

        lax.fori_loop(0, SCCH // L, upk, 0)
        pltpu.async_copy(upd_hbm.at[sp], rows, sem)

    def drain_and_scatter(sg, sp, rows, sem):
        pltpu.make_async_copy(upd_hbm.at[sp], rows, sem).wait()
        pltpu.async_copy(rows, base_hbm.at[sg], sem).wait()

    @pl.when(nch > 0)
    def _go():
        stage_and_fire(0, sg0, sp0, r0, sem0)

        def sck(c, carry):
            @pl.when(c % 2 == 0)
            def _even():
                @pl.when(c + 1 < nch)
                def _pf():
                    stage_and_fire(c + 1, sg1, sp1, r1, sem1)
                drain_and_scatter(sg0, sp0, r0, sem0)

            @pl.when(c % 2 == 1)
            def _odd():
                @pl.when(c + 1 < nch)
                def _pf():
                    stage_and_fire(c + 1, sg0, sp0, r0, sem0)
                drain_and_scatter(sg1, sp1, r1, sem1)

            return carry

        lax.fori_loop(0, nch, sck, 0)


def _sc_apply(base_ref, upds, wl, cnt):
    mesh = plsc.VectorSubcoreMesh(core_axis_name="c", subcore_axis_name="s")
    fn = pl.kernel(
        _apply_body,
        out_type=(),
        mesh=mesh,
        compiler_params=pltpu.CompilerParams(needs_layout_passes=False),
        scratch_types=[
            pltpu.VMEM((MD,), jnp.int32),
            pltpu.VMEM((SCCH,), jnp.int32),
            pltpu.VMEM((SCCH,), jnp.int32),
            pltpu.VMEM((SCCH,), jnp.int32),
            pltpu.VMEM((SCCH, MD), jnp.float32),
            pltpu.VMEM((SCCH,), jnp.int32),
            pltpu.VMEM((SCCH,), jnp.int32),
            pltpu.VMEM((SCCH, MD), jnp.float32),
            pltpu.SemaphoreType.DMA,
            pltpu.SemaphoreType.DMA,
        ],
    )
    fn(base_ref, upds, wl, cnt)


def _dense_body(g_ref, se_ref, de_ref, ef_ref, ts_ref, tw_ref, tb_ref,
                evm_ref, evt_ref, as_ref, ao_ref, ae_ref, at_ref,
                ca_ref, ce_ref, ct_ref, cw2_ref, ou_ref, on_ref,
                eb_ref, ab_ref, c1b_ref, c2b_ref, ob_ref,
                out_ref, upd_ref):
    f32 = jnp.float32
    bf16 = jnp.bfloat16

    def dot(a, b):
        return lax.dot_general(a.astype(bf16), b, (((1,), (0,)), ((), ())),
                               preferred_element_type=f32)

    te = jnp.cos(ts_ref[...] * tw_ref[...] + tb_ref[...])
    ef = ef_ref[...]
    sm = g_ref[0]
    dm = g_ref[1]

    sh_e = dot(te, evt_ref[...]) + eb_ref[...]
    s_ev = jnp.tanh(dot(sm, evm_ref[...]) + sh_e)
    d_ev = jnp.tanh(dot(dm, evm_ref[...]) + sh_e)

    sh_a = dot(ef, ae_ref[...]) + dot(te, at_ref[...]) + ab_ref[...]
    s_as = jnp.tanh(dot(s_ev, as_ref[...]) + dot(d_ev, ao_ref[...]) + sh_a)
    d_as = jnp.tanh(dot(d_ev, as_ref[...]) + dot(s_ev, ao_ref[...]) + sh_a)

    sh_c = dot(ef, ce_ref[...]) + dot(te, ct_ref[...]) + c1b_ref[...]
    s_c1 = jnp.maximum(dot(s_as, ca_ref[...]) + sh_c, 0.0)
    d_c1 = jnp.maximum(dot(d_as, ca_ref[...]) + sh_c, 0.0)
    s_cm = jnp.tanh(dot(s_c1, cw2_ref[...]) + c2b_ref[...])
    d_cm = jnp.tanh(dot(d_c1, cw2_ref[...]) + c2b_ref[...])

    u_s = s_ev + s_cm
    u_d = d_ev + d_cm
    upd_ref[0] = u_s
    upd_ref[1] = u_d
    out_ref[0] = dot(u_s, ou_ref[...]) + dot(se_ref[...], on_ref[...]) + ob_ref[...]
    out_ref[1] = dot(u_d, ou_ref[...]) + dot(de_ref[...], on_ref[...]) + ob_ref[...]


BLK = 2048


def _tc_dense(g3, semb, demb, ef, ts2, tw, tb, weights):
    f32 = jnp.float32
    grid = (B // BLK,)

    def full(shape):
        return pl.BlockSpec(shape, lambda g: tuple(0 for _ in shape))

    in_specs = [
        pl.BlockSpec((2, BLK, MD), lambda g: (0, g, 0)),
        pl.BlockSpec((BLK, MD), lambda g: (g, 0)),
        pl.BlockSpec((BLK, MD), lambda g: (g, 0)),
        pl.BlockSpec((BLK, ED), lambda g: (g, 0)),
        pl.BlockSpec((BLK, 1), lambda g: (g, 0)),
        full((1, MD)), full((1, MD)),
        full((MD, MD)), full((MD, MD)),
        full((MD, MD)), full((MD, MD)), full((ED, MD)), full((MD, MD)),
        full((MD, MD)), full((ED, MD)), full((MD, MD)), full((MD, MD)),
        full((MD, MD)), full((MD, MD)),
        full((1, MD)), full((1, MD)), full((1, MD)), full((1, MD)), full((1, MD)),
    ]
    out_specs = [
        pl.BlockSpec((2, BLK, MD), lambda g: (0, g, 0)),
        pl.BlockSpec((2, BLK, MD), lambda g: (0, g, 0)),
    ]
    out_shape = [
        jax.ShapeDtypeStruct((2, B, MD), f32),
        jax.ShapeDtypeStruct((2, B, MD), f32),
    ]
    return pl.pallas_call(
        _dense_body,
        grid=grid,
        in_specs=in_specs,
        out_specs=out_specs,
        out_shape=out_shape,
    )(g3, semb, demb, ef, ts2, tw, tb, *weights)


CPB = 4520


def _copy_body(src_ref, dst_ref):
    dst_ref[...] = src_ref[...]


def _tc_copy(memory):
    return pl.pallas_call(
        _copy_body,
        grid=(CT // CPB,),
        in_specs=[pl.BlockSpec((CPB, MD), lambda g: (g, 0))],
        out_specs=pl.BlockSpec((CPB, MD), lambda g: (g, 0)),
        out_shape=jax.ShapeDtypeStruct((N_NODES, MD), jnp.float32),
    )(memory)


def kernel(src_node_embeddings, dst_node_embeddings, src_node_ids,
           dst_node_ids, edge_features, timestamps, memory,
           time_w, time_b, evo_w, evo_b, assoc_w, assoc_b,
           comm_w1, comm_b1, comm_w2, comm_b2, out_w, out_b):
    f32 = jnp.float32
    ids = jnp.concatenate([src_node_ids.astype(jnp.int32),
                           dst_node_ids.astype(jnp.int32)])

    g3 = _sc_gather(memory, ids)

    ts2 = timestamps.reshape(B, 1)
    pad_t = MD - TD
    tw = jnp.pad(time_w, (0, pad_t)).reshape(1, MD)
    tb = jnp.pad(time_b, (0, pad_t)).reshape(1, MD)
    evm = evo_w[:MD]
    evt = jnp.pad(evo_w[MD:], ((0, pad_t), (0, 0)))
    a_s = assoc_w[:MD]
    a_o = assoc_w[MD:2 * MD]
    a_e = assoc_w[2 * MD:2 * MD + ED]
    a_t = jnp.pad(assoc_w[2 * MD + ED:], ((0, pad_t), (0, 0)))
    c_a = comm_w1[:MD]
    c_e = comm_w1[MD:MD + ED]
    c_t = jnp.pad(comm_w1[MD + ED:], ((0, pad_t), (0, 0)))
    o_u = out_w[:MD]
    o_n = out_w[MD:]
    bf16 = jnp.bfloat16
    weights = tuple(w.astype(bf16) for w in
                    (evm, evt, a_s, a_o, a_e, a_t, c_a, c_e, c_t, comm_w2,
                     o_u, o_n)) + (
               evo_b.reshape(1, MD), assoc_b.reshape(1, MD),
               comm_b1.reshape(1, MD), comm_b2.reshape(1, MD),
               out_b.reshape(1, MD))

    base = _tc_copy(memory)
    base_ref = jax.new_ref(base)
    wl, cnt = _sc_winners(ids, memory, base_ref)
    outp3, upd3 = _tc_dense(g3, src_node_embeddings, dst_node_embeddings,
                            edge_features, ts2, tw, tb, weights)

    output = outp3.reshape(TWO_B, MD)
    upds = upd3.reshape(TWO_B, MD)
    _sc_apply(base_ref, upds, wl, cnt)
    new_memory = base_ref[...]
    return output, new_memory

# --- scband reference (transcript-rebuilt; emitter-appended) ---
"""Pipeline reference for scband-integrated-dy-rep-layer-15401752723644 (READ-ONLY COPY).

The authoritative reference and input builder live on the scoring server;
editing this copy changes nothing except your own understanding.
"""

import jax, jax.numpy as jnp
import numpy as np

B = 16384
N_NODES = 100000
MD = 128
ED = 16
TD = 100


def _glorot(key, shape):
    fan_in, fan_out = shape[0], shape[1]
    lim = np.sqrt(6.0 / (fan_in + fan_out))
    return jax.random.uniform(key, shape, dtype=jnp.float32, minval=-lim, maxval=lim)


def setup_inputs(seed: int = 0) -> dict:
    key = jax.random.key(seed)
    ks = jax.random.split(key, 24)
    inp = {}
    inp['src_node_embeddings'] = jax.random.normal(ks[0], (B, MD), dtype=jnp.float32)
    inp['dst_node_embeddings'] = jax.random.normal(ks[1], (B, MD), dtype=jnp.float32)
    inp['src_node_ids'] = jax.random.randint(ks[2], (B,), 0, N_NODES, dtype=jnp.int64 if jax.config.jax_enable_x64 else jnp.int32)
    inp['dst_node_ids'] = jax.random.randint(ks[3], (B,), 0, N_NODES, dtype=jnp.int64 if jax.config.jax_enable_x64 else jnp.int32)
    inp['edge_features'] = jax.random.normal(ks[4], (B, ED), dtype=jnp.float32)
    inp['timestamps'] = jax.random.uniform(ks[5], (B,), dtype=jnp.float32) * 1000.0
    # memory bank state (the scattered-into memory)
    inp['memory'] = jax.random.normal(ks[6], (N_NODES, MD), dtype=jnp.float32) * 0.1
    # TimeEncoder: Linear(1 -> TD) followed by cos
    inp['time_w'] = jax.random.normal(ks[7], (TD,), dtype=jnp.float32)
    inp['time_b'] = jnp.zeros((TD,), dtype=jnp.float32)
    # evolution_function: Linear(MD+TD -> MD), Tanh
    inp['evo_w'] = _glorot(ks[8], (MD + TD, MD))
    inp['evo_b'] = jnp.zeros((MD,), dtype=jnp.float32)
    # association_function: Linear(2*MD+ED+TD -> MD), Tanh
    inp['assoc_w'] = _glorot(ks[9], (2 * MD + ED + TD, MD))
    inp['assoc_b'] = jnp.zeros((MD,), dtype=jnp.float32)
    # communication_function: Linear(MD+ED+TD -> MD), ReLU, Linear(MD -> MD), Tanh
    inp['comm_w1'] = _glorot(ks[10], (MD + ED + TD, MD))
    inp['comm_b1'] = jnp.zeros((MD,), dtype=jnp.float32)
    inp['comm_w2'] = _glorot(ks[11], (MD, MD))
    inp['comm_b2'] = jnp.zeros((MD,), dtype=jnp.float32)
    # output_proj: Linear(2*MD -> MD)
    inp['out_w'] = _glorot(ks[12], (2 * MD, MD))
    inp['out_b'] = jnp.zeros((MD,), dtype=jnp.float32)
    return inp


def reference(src_node_embeddings, dst_node_embeddings, src_node_ids, dst_node_ids,
              edge_features, timestamps, memory,
              time_w, time_b, evo_w, evo_b, assoc_w, assoc_b,
              comm_w1, comm_b1, comm_w2, comm_b2, out_w, out_b):
    # node_feat_dim == memory_dim, so no lazy enhanced_feat_proj; projection is identity
    src_node_projected = src_node_embeddings
    dst_node_projected = dst_node_embeddings
    # memory bank gather
    src_memory = jnp.take(memory, src_node_ids, axis=0)
    dst_memory = jnp.take(memory, dst_node_ids, axis=0)
    # TimeEncoder: cos(Linear(1->TD)(t))
    te = jnp.cos(timestamps[:, None] * time_w[None, :] + time_b[None, :])
    # evolution (dropout is identity in eval)
    src_evolved = jnp.tanh(jnp.concatenate([src_memory, te], axis=1) @ evo_w + evo_b)
    dst_evolved = jnp.tanh(jnp.concatenate([dst_memory, te], axis=1) @ evo_w + evo_b)
    # association
    src_assoc_in = jnp.concatenate([src_evolved, dst_evolved, edge_features, te], axis=1)
    dst_assoc_in = jnp.concatenate([dst_evolved, src_evolved, edge_features, te], axis=1)
    src_associated = jnp.tanh(src_assoc_in @ assoc_w + assoc_b)
    dst_associated = jnp.tanh(dst_assoc_in @ assoc_w + assoc_b)
    # communication
    src_comm_in = jnp.concatenate([src_associated, edge_features, te], axis=1)
    dst_comm_in = jnp.concatenate([dst_associated, edge_features, te], axis=1)
    src_communicated = jnp.tanh(jax.nn.relu(src_comm_in @ comm_w1 + comm_b1) @ comm_w2 + comm_b2)
    dst_communicated = jnp.tanh(jax.nn.relu(dst_comm_in @ comm_w1 + comm_b1) @ comm_w2 + comm_b2)
    updated_src_memory = src_evolved + src_communicated
    updated_dst_memory = dst_evolved + dst_communicated
    # memory bank scatter-overwrite (update_memory)
    new_memory = memory.at[src_node_ids].set(updated_src_memory)
    new_memory = new_memory.at[dst_node_ids].set(updated_dst_memory)
    # output projection
    src_combined = jnp.concatenate([updated_src_memory, src_node_projected], axis=1)
    dst_combined = jnp.concatenate([updated_dst_memory, dst_node_projected], axis=1)
    src_output = src_combined @ out_w + out_b
    dst_output = dst_combined @ out_w + out_b
    output = jnp.concatenate([src_output, dst_output], axis=0)
    # dropout_layer is identity in eval mode
    return output, new_memory

if __name__ == "__main__":
    import jax
    _d = setup_inputs()
    print(jax.jit(kernel)(*tuple(_d.values())))

</pallas_src>

<mosaic_0001>
#map = affine_map<(d0, d1) -> (0)>
#map1 = affine_map<(d0, d1) -> (0, 0)>
module attributes {stable_mosaic.version = 14 : i64} {
  func.func @new_body(%arg0: i32, %arg1: i32, %arg2: memref<32768xi32, #tpu.memory_space<hbm>>, %arg3: memref<100000x128xf32, #tpu.memory_space<hbm>>, %arg4: memref<100000x128xf32, #tpu.memory_space<hbm>>, %arg5: memref<32x32768xi32, #tpu.memory_space<hbm>>, %arg6: memref<32x128xi32, #tpu.memory_space<hbm>>, %arg7: memref<100000x128xf32, #tpu.memory_space<hbm>>, %arg8: memref<2048xi32, #tpu.memory_space<vmem>>, %arg9: memref<32784xi32, #tpu.memory_space<vmem>>, %arg10: memref<3136xi32, #tpu.memory_space<vmem>>, %arg11: memref<256x128xf32, #tpu.memory_space<vmem>>, %arg12: memref<256x128xf32, #tpu.memory_space<vmem>>, %arg13: memref<!tpu.dma_semaphore, #tpu.memory_space<semaphore_mem>>, %arg14: memref<!tpu.dma_semaphore, #tpu.memory_space<semaphore_mem>>, %arg15: memref<!tpu.dma_semaphore, #tpu.memory_space<semaphore_mem>>, %arg16: memref<!tpu.dma_semaphore, #tpu.memory_space<semaphore_mem>>) attributes {dimension_semantics = [#tpu.dimension_semantics<core_parallel>, #tpu.dimension_semantics<subcore_parallel>], iteration_bounds = array<i64: 2, 16>, scalar_prefetch = 0 : i64, scratch_operands = 9 : i64, tpu.core_type = #tpu.core_type<sc_vector_subcore>, window_params = [{transform_indices = #map}, {transform_indices = #map1}, {transform_indices = #map1}, {transform_indices = #map1}, {transform_indices = #map1}, {transform_indices = #map1}]} {
    %mul3A = arith.constant 2 : i32
    %mul3A_0 = arith.muli %arg1, %mul3A : i32
    %add3A = arith.addi %mul3A_0, %arg0 : i32
    %iota3A = tpu.iota {dimensions = array<i32: 0>} : vector<16xi32>
    %mul3A_1 = arith.constant 2560 : i32
    %mul3A_2 = arith.muli %add3A, %mul3A_1 : i32
    %add3A_3 = arith.constant 18080 : i32
    %add3A_4 = arith.addi %add3A_3, %mul3A_2 : i32
    %add3A_5 = arith.constant 0 : i32
    %add3A_6 = arith.addi %add3A_4, %add3A_5 : i32
    %dma_start3A = arith.constant 0 : i32
    %dma_start3A_7 = tpu.memref_slice %arg3[%add3A_6, %dma_start3A] : memref<100000x128xf32, #tpu.memory_space<hbm>> -> memref<256x128xf32, #tpu.memory_space<hbm>>
    %dma_start3A_8 = arith.constant 0 : i32
    %dma_start3A_9 = tpu.memref_slice %arg3[%add3A_6, %dma_start3A_8] : memref<100000x128xf32, #tpu.memory_space<hbm>> -> memref<256x128xf32, #tpu.memory_space<hbm>>
    tpu.enqueue_dma source(%dma_start3A_9 : memref<256x128xf32, #tpu.memory_space<hbm>>) target(%arg11 : memref<256x128xf32, #tpu.memory_space<vmem>>) target_semaphore(%arg13 : memref<!tpu.dma_semaphore, #tpu.memory_space<semaphore_mem>>)
    "tpu.region"() ({
      %run_scoped3A = tpu.sem_alloc : memref<!tpu.dma_semaphore, #tpu.memory_space<semaphore_mem>>
      %dma_start3A_425 = arith.constant 0 : i32
      %dma_start3A_426 = tpu.memref_slice %arg2[%dma_start3A_425] : memref<32768xi32, #tpu.memory_space<hbm>> -> memref<2048xi32, #tpu.memory_space<hbm>>
      %dma_start3A_427 = arith.constant 0 : i32
      %dma_start3A_428 = tpu.memref_slice %arg2[%dma_start3A_427] : memref<32768xi32, #tpu.memory_space<hbm>> -> memref<2048xi32, #tpu.memory_space<hbm>>
      tpu.enqueue_dma source(%dma_start3A_428 : memref<2048xi32, #tpu.memory_space<hbm>>) target(%arg8 : memref<2048xi32, #tpu.memory_space<vmem>>) target_semaphore(%run_scoped3A : memref<!tpu.dma_semaphore, #tpu.memory_space<semaphore_mem>>)
      %dma_wait3A_429 = arith.constant 0 : i32
      %dma_wait3A_430 = tpu.memref_slice %arg2[%dma_wait3A_429] : memref<32768xi32, #tpu.memory_space<hbm>> -> memref<2048xi32, #tpu.memory_space<hbm>>
      %dma_wait3A_431 = arith.constant 0 : i32
      %dma_wait3A_432 = tpu.memref_slice %arg2[%dma_wait3A_431] : memref<32768xi32, #tpu.memory_space<hbm>> -> memref<2048xi32, #tpu.memory_space<hbm>>
      tpu.wait_dma2 semaphore(%run_scoped3A : memref<!tpu.dma_semaphore, #tpu.memory_space<semaphore_mem>>) src(%dma_wait3A_432 : memref<2048xi32, #tpu.memory_space<hbm>>) dst(%arg8 : memref<2048xi32, #tpu.memory_space<vmem>>)
      tpu.yield
    }) : () -> ()
    %scan3A = arith.constant 0 : i32
    %scan3A_10 = arith.constant 0 : i32
    %scan3A_11 = arith.constant 128 : i32
    %scan3A_12 = arith.addi %scan3A_10, %scan3A_11 : i32
    %scan3A_13 = arith.constant 1 : i32
    %scan3A_14 = scf.for %scan3A_425 = %scan3A_10 to %scan3A_12 step %scan3A_13 iter_args(%scan3A_426 = %scan3A) -> (i32)  : i32 {
      %mul3A_427 = arith.constant 16 : i32
      %mul3A_428 = arith.muli %scan3A_425, %mul3A_427 : i32
      %get3A = arith.index_cast %mul3A_428 : i32 to index
      %get3A_429 = tpu.vector_load %arg8[%get3A] {strides = array<i32>} : memref<2048xi32, #tpu.memory_space<vmem>>, vector<16xi32>,
      %and3A_430 = arith.constant 31 : i32
      %and3A_431 = vector.broadcast %and3A_430 : i32 to vector<16xi32>
      %and3A_432 = arith.andi %get3A_429, %and3A_431 : vector<16xi32>
      %eq3A = vector.broadcast %add3A : i32 to vector<16xi32>
      %eq3A_433 = arith.cmpi eq, %and3A_432, %eq3A : vector<16xi32>
      %mul3A_434 = arith.constant 16 : i32
      %mul3A_435 = arith.muli %scan3A_425, %mul3A_434 : i32
      %add3A_436 = arith.constant 0 : i32
      %add3A_437 = arith.addi %add3A_436, %mul3A_435 : i32
      %add3A_438 = vector.broadcast %add3A_437 : i32 to vector<16xi32>
      %add3A_439 = arith.addi %add3A_438, %iota3A : vector<16xi32>
      %shift_right_arithmetic3A = arith.constant 5 : i32
      %shift_right_arithmetic3A_440 = vector.broadcast %shift_right_arithmetic3A : i32 to vector<16xi32>
      %shift_right_arithmetic3A_441 = arith.shrsi %get3A_429, %shift_right_arithmetic3A_440 : vector<16xi32>
      %shift_left3A = arith.constant 15 : i32
      %shift_left3A_442 = vector.broadcast %shift_left3A : i32 to vector<16xi32>
      %shift_left3A_443 = arith.shli %shift_right_arithmetic3A_441, %shift_left3A_442 : vector<16xi32>
      %or3A = arith.ori %shift_left3A_443, %add3A_439 : vector<16xi32>
      %swap3A_444 = arith.index_cast %scan3A_426 : i32 to index
      %swap3A_445 = tpu.vector_load %arg9[%swap3A_444] masked %eq3A_433 {strides = array<i32>} : memref<32784xi32, #tpu.memory_space<vmem>>, vector<16xi32>, vector<16xi1>
      tpu.vector_store %arg9[%swap3A_444], %or3A masked %eq3A_433 {strides = array<i32>} : memref<32784xi32, #tpu.memory_space<vmem>>, vector<16xi32>, vector<16xi1>
      %all_reduce_population_count3A = tpu.all_reduce %eq3A_433 {dim = 0 : i64, kind = #tpu.reduction_kind<sum>} : vector<16xi1> -> vector<16xi32>
      %slice3A = vector.extract_strided_slice %all_reduce_population_count3A {offsets = [0], sizes = [1], strides = [1]} : vector<16xi32> to vector<1xi32>
      %squeeze3A = vector.extract %slice3A[0] : i32 from vector<1xi32>
      %add3A_446 = arith.addi %scan3A_426, %squeeze3A : i32
      scf.yield %add3A_446 : i32
    }
    %scan3A_15 = arith.constant 128 : i32
    %add3A_16 = arith.constant 256 : i32
    %add3A_17 = arith.addi %add3A_4, %add3A_16 : i32
    %dma_start3A_18 = arith.constant 0 : i32
    %dma_start3A_19 = tpu.memref_slice %arg3[%add3A_17, %dma_start3A_18] : memref<100000x128xf32, #tpu.memory_space<hbm>> -> memref<256x128xf32, #tpu.memory_space<hbm>>
    %dma_start3A_20 = arith.constant 0 : i32
    %dma_start3A_21 = tpu.memref_slice %arg3[%add3A_17, %dma_start3A_20] : memref<100000x128xf32, #tpu.memory_space<hbm>> -> memref<256x128xf32, #tpu.memory_space<hbm>>
    tpu.enqueue_dma source(%dma_start3A_21 : memref<256x128xf32, #tpu.memory_space<hbm>>) target(%arg12 : memref<256x128xf32, #tpu.memory_space<vmem>>) target_semaphore(%arg14 : memref<!tpu.dma_semaphore, #tpu.memory_space<semaphore_mem>>)
    %add3A_22 = arith.constant 0 : i32
    %add3A_23 = arith.addi %add3A_4, %add3A_22 : i32
    %dma_wait3A = arith.constant 0 : i32
    %dma_wait3A_24 = tpu.memref_slice %arg3[%add3A_23, %dma_wait3A] : memref<100000x128xf32, #tpu.memory_space<hbm>> -> memref<256x128xf32, #tpu.memory_space<hbm>>
    %dma_wait3A_25 = arith.constant 0 : i32
    %dma_wait3A_26 = tpu.memref_slice %arg3[%add3A_23, %dma_wait3A_25] : memref<100000x128xf32, #tpu.memory_space<hbm>> -> memref<256x128xf32, #tpu.memory_space<hbm>>
    tpu.wait_dma2 semaphore(%arg13 : memref<!tpu.dma_semaphore, #tpu.memory_space<semaphore_mem>>) src(%dma_wait3A_26 : memref<256x128xf32, #tpu.memory_space<hbm>>) dst(%arg11 : memref<256x128xf32, #tpu.memory_space<vmem>>)
    %add3A_27 = arith.constant 0 : i32
    %add3A_28 = arith.addi %add3A_4, %add3A_27 : i32
    %dma_start3A_29 = arith.constant 0 : i32
    %dma_start3A_30 = tpu.memref_slice %arg4[%add3A_28, %dma_start3A_29] : memref<100000x128xf32, #tpu.memory_space<hbm>> -> memref<256x128xf32, #tpu.memory_space<hbm>>
    %dma_start3A_31 = arith.constant 0 : i32
    %dma_start3A_32 = tpu.memref_slice %arg4[%add3A_28, %dma_start3A_31] : memref<100000x128xf32, #tpu.memory_space<hbm>> -> memref<256x128xf32, #tpu.memory_space<hbm>>
    tpu.enqueue_dma source(%arg11 : memref<256x128xf32, #tpu.memory_space<vmem>>) target(%dma_start3A_32 : memref<256x128xf32, #tpu.memory_space<hbm>>) target_semaphore(%arg15 : memref<!tpu.dma_semaphore, #tpu.memory_space<semaphore_mem>>)
    "tpu.region"() ({
      %run_scoped3A = tpu.sem_alloc : memref<!tpu.dma_semaphore, #tpu.memory_space<semaphore_mem>>
      %dma_start3A_425 = arith.constant 2048 : i32
      %dma_start3A_426 = tpu.memref_slice %arg2[%dma_start3A_425] : memref<32768xi32, #tpu.memory_space<hbm>> -> memref<2048xi32, #tpu.memory_space<hbm>>
      %dma_start3A_427 = arith.constant 2048 : i32
      %dma_start3A_428 = tpu.memref_slice %arg2[%dma_start3A_427] : memref<32768xi32, #tpu.memory_space<hbm>> -> memref<2048xi32, #tpu.memory_space<hbm>>
      tpu.enqueue_dma source(%dma_start3A_428 : memref<2048xi32, #tpu.memory_space<hbm>>) target(%arg8 : memref<2048xi32, #tpu.memory_space<vmem>>) target_semaphore(%run_scoped3A : memref<!tpu.dma_semaphore, #tpu.memory_space<semaphore_mem>>)
      %dma_wait3A_429 = arith.constant 2048 : i32
      %dma_wait3A_430 = tpu.memref_slice %arg2[%dma_wait3A_429] : memref<32768xi32, #tpu.memory_space<hbm>> -> memref<2048xi32, #tpu.memory_space<hbm>>
      %dma_wait3A_431 = arith.constant 2048 : i32
      %dma_wait3A_432 = tpu.memref_slice %arg2[%dma_wait3A_431] : memref<32768xi32, #tpu.memory_space<hbm>> -> memref<2048xi32, #tpu.memory_space<hbm>>
      tpu.wait_dma2 semaphore(%run_scoped3A : memref<!tpu.dma_semaphore, #tpu.memory_space<semaphore_mem>>) src(%dma_wait3A_432 : memref<2048xi32, #tpu.memory_space<hbm>>) dst(%arg8 : memref<2048xi32, #tpu.memory_space<vmem>>)
      tpu.yield
    }) : () -> ()
    %scan3A_33 = arith.constant 0 : i32
    %scan3A_34 = arith.constant 128 : i32
    %scan3A_35 = arith.addi %scan3A_33, %scan3A_34 : i32
    %scan3A_36 = arith.constant 1 : i32
    %scan3A_37 = scf.for %scan3A_425 = %scan3A_33 to %scan3A_35 step %scan3A_36 iter_args(%scan3A_426 = %scan3A_14) -> (i32)  : i32 {
      %mul3A_427 = arith.constant 16 : i32
      %mul3A_428 = arith.muli %scan3A_425, %mul3A_427 : i32
      %get3A = arith.index_cast %mul3A_428 : i32 to index
      %get3A_429 = tpu.vector_load %arg8[%get3A] {strides = array<i32>} : memref<2048xi32, #tpu.memory_space<vmem>>, vector<16xi32>,
      %and3A_430 = arith.constant 31 : i32
      %and3A_431 = vector.broadcast %and3A_430 : i32 to vector<16xi32>
      %and3A_432 = arith.andi %get3A_429, %and3A_431 : vector<16xi32>
      %eq3A = vector.broadcast %add3A : i32 to vector<16xi32>
      %eq3A_433 = arith.cmpi eq, %and3A_432, %eq3A : vector<16xi32>
      %mul3A_434 = arith.constant 16 : i32
      %mul3A_435 = arith.muli %scan3A_425, %mul3A_434 : i32
      %add3A_436 = arith.constant 2048 : i32
      %add3A_437 = arith.addi %add3A_436, %mul3A_435 : i32
      %add3A_438 = vector.broadcast %add3A_437 : i32 to vector<16xi32>
      %add3A_439 = arith.addi %add3A_438, %iota3A : vector<16xi32>
      %shift_right_arithmetic3A = arith.constant 5 : i32
      %shift_right_arithmetic3A_440 = vector.broadcast %shift_right_arithmetic3A : i32 to vector<16xi32>
      %shift_right_arithmetic3A_441 = arith.shrsi %get3A_429, %shift_right_arithmetic3A_440 : vector<16xi32>
      %shift_left3A = arith.constant 15 : i32
      %shift_left3A_442 = vector.broadcast %shift_left3A : i32 to vector<16xi32>
      %shift_left3A_443 = arith.shli %shift_right_arithmetic3A_441, %shift_left3A_442 : vector<16xi32>
      %or3A = arith.ori %shift_left3A_443, %add3A_439 : vector<16xi32>
      %swap3A_444 = arith.index_cast %scan3A_426 : i32 to index
      %swap3A_445 = tpu.vector_load %arg9[%swap3A_444] masked %eq3A_433 {strides = array<i32>} : memref<32784xi32, #tpu.memory_space<vmem>>, vector<16xi32>, vector<16xi1>
      tpu.vector_store %arg9[%swap3A_444], %or3A masked %eq3A_433 {strides = array<i32>} : memref<32784xi32, #tpu.memory_space<vmem>>, vector<16xi32>, vector<16xi1>
      %all_reduce_population_count3A = tpu.all_reduce %eq3A_433 {dim = 0 : i64, kind = #tpu.reduction_kind<sum>} : vector<16xi1> -> vector<16xi32>
      %slice3A = vector.extract_strided_slice %all_reduce_population_count3A {offsets = [0], sizes = [1], strides = [1]} : vector<16xi32> to vector<1xi32>
      %squeeze3A = vector.extract %slice3A[0] : i32 from vector<1xi32>
      %add3A_446 = arith.addi %scan3A_426, %squeeze3A : i32
      scf.yield %add3A_446 : i32
    }
    %scan3A_38 = arith.constant 128 : i32
    %add3A_39 = arith.constant 0 : i32
    %add3A_40 = arith.addi %add3A_4, %add3A_39 : i32
    %dma_wait3A_41 = arith.constant 0 : i32
    %dma_wait3A_42 = tpu.memref_slice %arg4[%add3A_40, %dma_wait3A_41] : memref<100000x128xf32, #tpu.memory_space<hbm>> -> memref<256x128xf32, #tpu.memory_space<hbm>>
    %dma_wait3A_43 = arith.constant 0 : i32
    %dma_wait3A_44 = tpu.memref_slice %arg4[%add3A_40, %dma_wait3A_43] : memref<100000x128xf32, #tpu.memory_space<hbm>> -> memref<256x128xf32, #tpu.memory_space<hbm>>
    tpu.wait_dma2 semaphore(%arg15 : memref<!tpu.dma_semaphore, #tpu.memory_space<semaphore_mem>>) src(%arg11 : memref<256x128xf32, #tpu.memory_space<vmem>>) dst(%dma_wait3A_44 : memref<256x128xf32, #tpu.memory_space<hbm>>)
    %add3A_45 = arith.constant 512 : i32
    %add3A_46 = arith.addi %add3A_4, %add3A_45 : i32
    %dma_start3A_47 = arith.constant 0 : i32
    %dma_start3A_48 = tpu.memref_slice %arg3[%add3A_46, %dma_start3A_47] : memref<100000x128xf32, #tpu.memory_space<hbm>> -> memref<256x128xf32, #tpu.memory_space<hbm>>
    %dma_start3A_49 = arith.constant 0 : i32
    %dma_start3A_50 = tpu.memref_slice %arg3[%add3A_46, %dma_start3A_49] : memref<100000x128xf32, #tpu.memory_space<hbm>> -> memref<256x128xf32, #tpu.memory_space<hbm>>
    tpu.enqueue_dma source(%dma_start3A_50 : memref<256x128xf32, #tpu.memory_space<hbm>>) target(%arg11 : memref<256x128xf32, #tpu.memory_space<vmem>>) target_semaphore(%arg13 : memref<!tpu.dma_semaphore, #tpu.memory_space<semaphore_mem>>)
    %add3A_51 = arith.constant 256 : i32
    %add3A_52 = arith.addi %add3A_4, %add3A_51 : i32
    %dma_wait3A_53 = arith.constant 0 : i32
    %dma_wait3A_54 = tpu.memref_slice %arg3[%add3A_52, %dma_wait3A_53] : memref<100000x128xf32, #tpu.memory_space<hbm>> -> memref<256x128xf32, #tpu.memory_space<hbm>>
    %dma_wait3A_55 = arith.constant 0 : i32
    %dma_wait3A_56 = tpu.memref_slice %arg3[%add3A_52, %dma_wait3A_55] : memref<100000x128xf32, #tpu.memory_space<hbm>> -> memref<256x128xf32, #tpu.memory_space<hbm>>
    tpu.wait_dma2 semaphore(%arg14 : memref<!tpu.dma_semaphore, #tpu.memory_space<semaphore_mem>>) src(%dma_wait3A_56 : memref<256x128xf32, #tpu.memory_space<hbm>>) dst(%arg12 : memref<256x128xf32, #tpu.memory_space<vmem>>)
    %add3A_57 = arith.constant 256 : i32
    %add3A_58 = arith.addi %add3A_4, %add3A_57 : i32
    %dma_start3A_59 = arith.constant 0 : i32
    %dma_start3A_60 = tpu.memref_slice %arg4[%add3A_58, %dma_start3A_59] : memref<100000x128xf32, #tpu.memory_space<hbm>> -> memref<256x128xf32, #tpu.memory_space<hbm>>
    %dma_start3A_61 = arith.constant 0 : i32
    %dma_start3A_62 = tpu.memref_slice %arg4[%add3A_58, %dma_start3A_61] : memref<100000x128xf32, #tpu.memory_space<hbm>> -> memref<256x128xf32, #tpu.memory_space<hbm>>
    tpu.enqueue_dma source(%arg12 : memref<256x128xf32, #tpu.memory_space<vmem>>) target(%dma_start3A_62 : memref<256x128xf32, #tpu.memory_space<hbm>>) target_semaphore(%arg16 : memref<!tpu.dma_semaphore, #tpu.memory_space<semaphore_mem>>)
    "tpu.region"() ({
      %run_scoped3A = tpu.sem_alloc : memref<!tpu.dma_semaphore, #tpu.memory_space<semaphore_mem>>
      %dma_start3A_425 = arith.constant 4096 : i32
      %dma_start3A_426 = tpu.memref_slice %arg2[%dma_start3A_425] : memref<32768xi32, #tpu.memory_space<hbm>> -> memref<2048xi32, #tpu.memory_space<hbm>>
      %dma_start3A_427 = arith.constant 4096 : i32
      %dma_start3A_428 = tpu.memref_slice %arg2[%dma_start3A_427] : memref<32768xi32, #tpu.memory_space<hbm>> -> memref<2048xi32, #tpu.memory_space<hbm>>
      tpu.enqueue_dma source(%dma_start3A_428 : memref<2048xi32, #tpu.memory_space<hbm>>) target(%arg8 : memref<2048xi32, #tpu.memory_space<vmem>>) target_semaphore(%run_scoped3A : memref<!tpu.dma_semaphore, #tpu.memory_space<semaphore_mem>>)
      %dma_wait3A_429 = arith.constant 4096 : i32
      %dma_wait3A_430 = tpu.memref_slice %arg2[%dma_wait3A_429] : memref<32768xi32, #tpu.memory_space<hbm>> -> memref<2048xi32, #tpu.memory_space<hbm>>
      %dma_wait3A_431 = arith.constant 4096 : i32
      %dma_wait3A_432 = tpu.memref_slice %arg2[%dma_wait3A_431] : memref<32768xi32, #tpu.memory_space<hbm>> -> memref<2048xi32, #tpu.memory_space<hbm>>
      tpu.wait_dma2 semaphore(%run_scoped3A : memref<!tpu.dma_semaphore, #tpu.memory_space<semaphore_mem>>) src(%dma_wait3A_432 : memref<2048xi32, #tpu.memory_space<hbm>>) dst(%arg8 : memref<2048xi32, #tpu.memory_space<vmem>>)
      tpu.yield
    }) : () -> ()
    %scan3A_63 = arith.constant 0 : i32
    %scan3A_64 = arith.constant 128 : i32
    %scan3A_65 = arith.addi %scan3A_63, %scan3A_64 : i32
    %scan3A_66 = arith.constant 1 : i32
    %scan3A_67 = scf.for %scan3A_425 = %scan3A_63 to %scan3A_65 step %scan3A_66 iter_args(%scan3A_426 = %scan3A_37) -> (i32)  : i32 {
      %mul3A_427 = arith.constant 16 : i32
      %mul3A_428 = arith.muli %scan3A_425, %mul3A_427 : i32
      %get3A = arith.index_cast %mul3A_428 : i32 to index
      %get3A_429 = tpu.vector_load %arg8[%get3A] {strides = array<i32>} : memref<2048xi32, #tpu.memory_space<vmem>>, vector<16xi32>,
      %and3A_430 = arith.constant 31 : i32
      %and3A_431 = vector.broadcast %and3A_430 : i32 to vector<16xi32>
      %and3A_432 = arith.andi %get3A_429, %and3A_431 : vector<16xi32>
      %eq3A = vector.broadcast %add3A : i32 to vector<16xi32>
      %eq3A_433 = arith.cmpi eq, %and3A_432, %eq3A : vector<16xi32>
      %mul3A_434 = arith.constant 16 : i32
      %mul3A_435 = arith.muli %scan3A_425, %mul3A_434 : i32
      %add3A_436 = arith.constant 4096 : i32
      %add3A_437 = arith.addi %add3A_436, %mul3A_435 : i32
      %add3A_438 = vector.broadcast %add3A_437 : i32 to vector<16xi32>
      %add3A_439 = arith.addi %add3A_438, %iota3A : vector<16xi32>
      %shift_right_arithmetic3A = arith.constant 5 : i32
      %shift_right_arithmetic3A_440 = vector.broadcast %shift_right_arithmetic3A : i32 to vector<16xi32>
      %shift_right_arithmetic3A_441 = arith.shrsi %get3A_429, %shift_right_arithmetic3A_440 : vector<16xi32>
      %shift_left3A = arith.constant 15 : i32
      %shift_left3A_442 = vector.broadcast %shift_left3A : i32 to vector<16xi32>
      %shift_left3A_443 = arith.shli %shift_right_arithmetic3A_441, %shift_left3A_442 : vector<16xi32>
      %or3A = arith.ori %shift_left3A_443, %add3A_439 : vector<16xi32>
      %swap3A_444 = arith.index_cast %scan3A_426 : i32 to index
      %swap3A_445 = tpu.vector_load %arg9[%swap3A_444] masked %eq3A_433 {strides = array<i32>} : memref<32784xi32, #tpu.memory_space<vmem>>, vector<16xi32>, vector<16xi1>
      tpu.vector_store %arg9[%swap3A_444], %or3A masked %eq3A_433 {strides = array<i32>} : memref<32784xi32, #tpu.memory_space<vmem>>, vector<16xi32>, vector<16xi1>
      %all_reduce_population_count3A = tpu.all_reduce %eq3A_433 {dim = 0 : i64, kind = #tpu.reduction_kind<sum>} : vector<16xi1> -> vector<16xi32>
      %slice3A = vector.extract_strided_slice %all_reduce_population_count3A {offsets = [0], sizes = [1], strides = [1]} : vector<16xi32> to vector<1xi32>
      %squeeze3A = vector.extract %slice3A[0] : i32 from vector<1xi32>
      %add3A_446 = arith.addi %scan3A_426, %squeeze3A : i32
      scf.yield %add3A_446 : i32
    }
    %scan3A_68 = arith.constant 128 : i32
    %add3A_69 = arith.constant 256 : i32
    %add3A_70 = arith.addi %add3A_4, %add3A_69 : i32
    %dma_wait3A_71 = arith.constant 0 : i32
    %dma_wait3A_72 = tpu.memref_slice %arg4[%add3A_70, %dma_wait3A_71] : memref<100000x128xf32, #tpu.memory_space<hbm>> -> memref<256x128xf32, #tpu.memory_space<hbm>>
    %dma_wait3A_73 = arith.constant 0 : i32
    %dma_wait3A_74 = tpu.memref_slice %arg4[%add3A_70, %dma_wait3A_73] : memref<100000x128xf32, #tpu.memory_space<hbm>> -> memref<256x128xf32, #tpu.memory_space<hbm>>
    tpu.wait_dma2 semaphore(%arg16 : memref<!tpu.dma_semaphore, #tpu.memory_space<semaphore_mem>>) src(%arg12 : memref<256x128xf32, #tpu.memory_space<vmem>>) dst(%dma_wait3A_74 : memref<256x128xf32, #tpu.memory_space<hbm>>)
    %add3A_75 = arith.constant 768 : i32
    %add3A_76 = arith.addi %add3A_4, %add3A_75 : i32
    %dma_start3A_77 = arith.constant 0 : i32
    %dma_start3A_78 = tpu.memref_slice %arg3[%add3A_76, %dma_start3A_77] : memref<100000x128xf32, #tpu.memory_space<hbm>> -> memref<256x128xf32, #tpu.memory_space<hbm>>
    %dma_start3A_79 = arith.constant 0 : i32
    %dma_start3A_80 = tpu.memref_slice %arg3[%add3A_76, %dma_start3A_79] : memref<100000x128xf32, #tpu.memory_space<hbm>> -> memref<256x128xf32, #tpu.memory_space<hbm>>
    tpu.enqueue_dma source(%dma_start3A_80 : memref<256x128xf32, #tpu.memory_space<hbm>>) target(%arg12 : memref<256x128xf32, #tpu.memory_space<vmem>>) target_semaphore(%arg14 : memref<!tpu.dma_semaphore, #tpu.memory_space<semaphore_mem>>)
    %add3A_81 = arith.constant 512 : i32
    %add3A_82 = arith.addi %add3A_4, %add3A_81 : i32
    %dma_wait3A_83 = arith.constant 0 : i32
    %dma_wait3A_84 = tpu.memref_slice %arg3[%add3A_82, %dma_wait3A_83] : memref<100000x128xf32, #tpu.memory_space<hbm>> -> memref<256x128xf32, #tpu.memory_space<hbm>>
    %dma_wait3A_85 = arith.constant 0 : i32
    %dma_wait3A_86 = tpu.memref_slice %arg3[%add3A_82, %dma_wait3A_85] : memref<100000x128xf32, #tpu.memory_space<hbm>> -> memref<256x128xf32, #tpu.memory_space<hbm>>
    tpu.wait_dma2 semaphore(%arg13 : memref<!tpu.dma_semaphore, #tpu.memory_space<semaphore_mem>>) src(%dma_wait3A_86 : memref<256x128xf32, #tpu.memory_space<hbm>>) dst(%arg11 : memref<256x128xf32, #tpu.memory_space<vmem>>)
    %add3A_87 = arith.constant 512 : i32
    %add3A_88 = arith.addi %add3A_4, %add3A_87 : i32
    %dma_start3A_89 = arith.constant 0 : i32
    %dma_start3A_90 = tpu.memref_slice %arg4[%add3A_88, %dma_start3A_89] : memref<100000x128xf32, #tpu.memory_space<hbm>> -> memref<256x128xf32, #tpu.memory_space<hbm>>
    %dma_start3A_91 = arith.constant 0 : i32
    %dma_start3A_92 = tpu.memref_slice %arg4[%add3A_88, %dma_start3A_91] : memref<100000x128xf32, #tpu.memory_space<hbm>> -> memref<256x128xf32, #tpu.memory_space<hbm>>
    tpu.enqueue_dma source(%arg11 : memref<256x128xf32, #tpu.memory_space<vmem>>) target(%dma_start3A_92 : memref<256x128xf32, #tpu.memory_space<hbm>>) target_semaphore(%arg15 : memref<!tpu.dma_semaphore, #tpu.memory_space<semaphore_mem>>)
    "tpu.region"() ({
      %run_scoped3A = tpu.sem_alloc : memref<!tpu.dma_semaphore, #tpu.memory_space<semaphore_mem>>
      %dma_start3A_425 = arith.constant 6144 : i32
      %dma_start3A_426 = tpu.memref_slice %arg2[%dma_start3A_425] : memref<32768xi32, #tpu.memory_space<hbm>> -> memref<2048xi32, #tpu.memory_space<hbm>>
      %dma_start3A_427 = arith.constant 6144 : i32
      %dma_start3A_428 = tpu.memref_slice %arg2[%dma_start3A_427] : memref<32768xi32, #tpu.memory_space<hbm>> -> memref<2048xi32, #tpu.memory_space<hbm>>
      tpu.enqueue_dma source(%dma_start3A_428 : memref<2048xi32, #tpu.memory_space<hbm>>) target(%arg8 : memref<2048xi32, #tpu.memory_space<vmem>>) target_semaphore(%run_scoped3A : memref<!tpu.dma_semaphore, #tpu.memory_space<semaphore_mem>>)
      %dma_wait3A_429 = arith.constant 6144 : i32
      %dma_wait3A_430 = tpu.memref_slice %arg2[%dma_wait3A_429] : memref<32768xi32, #tpu.memory_space<hbm>> -> memref<2048xi32, #tpu.memory_space<hbm>>
      %dma_wait3A_431 = arith.constant 6144 : i32
      %dma_wait3A_432 = tpu.memref_slice %arg2[%dma_wait3A_431] : memref<32768xi32, #tpu.memory_space<hbm>> -> memref<2048xi32, #tpu.memory_space<hbm>>
      tpu.wait_dma2 semaphore(%run_scoped3A : memref<!tpu.dma_semaphore, #tpu.memory_space<semaphore_mem>>) src(%dma_wait3A_432 : memref<2048xi32, #tpu.memory_space<hbm>>) dst(%arg8 : memref<2048xi32, #tpu.memory_space<vmem>>)
      tpu.yield
    }) : () -> ()
    %scan3A_93 = arith.constant 0 : i32
    %scan3A_94 = arith.constant 128 : i32
    %scan3A_95 = arith.addi %scan3A_93, %scan3A_94 : i32
    %scan3A_96 = arith.constant 1 : i32
    %scan3A_97 = scf.for %scan3A_425 = %scan3A_93 to %scan3A_95 step %scan3A_96 iter_args(%scan3A_426 = %scan3A_67) -> (i32)  : i32 {
      %mul3A_427 = arith.constant 16 : i32
      %mul3A_428 = arith.muli %scan3A_425, %mul3A_427 : i32
      %get3A = arith.index_cast %mul3A_428 : i32 to index
      %get3A_429 = tpu.vector_load %arg8[%get3A] {strides = array<i32>} : memref<2048xi32, #tpu.memory_space<vmem>>, vector<16xi32>,
      %and3A_430 = arith.constant 31 : i32
      %and3A_431 = vector.broadcast %and3A_430 : i32 to vector<16xi32>
      %and3A_432 = arith.andi %get3A_429, %and3A_431 : vector<16xi32>
      %eq3A = vector.broadcast %add3A : i32 to vector<16xi32>
      %eq3A_433 = arith.cmpi eq, %and3A_432, %eq3A : vector<16xi32>
      %mul3A_434 = arith.constant 16 : i32
      %mul3A_435 = arith.muli %scan3A_425, %mul3A_434 : i32
      %add3A_436 = arith.constant 6144 : i32
      %add3A_437 = arith.addi %add3A_436, %mul3A_435 : i32
      %add3A_438 = vector.broadcast %add3A_437 : i32 to vector<16xi32>
      %add3A_439 = arith.addi %add3A_438, %iota3A : vector<16xi32>
      %shift_right_arithmetic3A = arith.constant 5 : i32
      %shift_right_arithmetic3A_440 = vector.broadcast %shift_right_arithmetic3A : i32 to vector<16xi32>
      %shift_right_arithmetic3A_441 = arith.shrsi %get3A_429, %shift_right_arithmetic3A_440 : vector<16xi32>
      %shift_left3A = arith.constant 15 : i32
      %shift_left3A_442 = vector.broadcast %shift_left3A : i32 to vector<16xi32>
      %shift_left3A_443 = arith.shli %shift_right_arithmetic3A_441, %shift_left3A_442 : vector<16xi32>
      %or3A = arith.ori %shift_left3A_443, %add3A_439 : vector<16xi32>
      %swap3A_444 = arith.index_cast %scan3A_426 : i32 to index
      %swap3A_445 = tpu.vector_load %arg9[%swap3A_444] masked %eq3A_433 {strides = array<i32>} : memref<32784xi32, #tpu.memory_space<vmem>>, vector<16xi32>, vector<16xi1>
      tpu.vector_store %arg9[%swap3A_444], %or3A masked %eq3A_433 {strides = array<i32>} : memref<32784xi32, #tpu.memory_space<vmem>>, vector<16xi32>, vector<16xi1>
      %all_reduce_population_count3A = tpu.all_reduce %eq3A_433 {dim = 0 : i64, kind = #tpu.reduction_kind<sum>} : vector<16xi1> -> vector<16xi32>
      %slice3A = vector.extract_strided_slice %all_reduce_population_count3A {offsets = [0], sizes = [1], strides = [1]} : vector<16xi32> to vector<1xi32>
      %squeeze3A = vector.extract %slice3A[0] : i32 from vector<1xi32>
      %add3A_446 = arith.addi %scan3A_426, %squeeze3A : i32
      scf.yield %add3A_446 : i32
    }
    %scan3A_98 = arith.constant 128 : i32
    %add3A_99 = arith.constant 512 : i32
    %add3A_100 = arith.addi %add3A_4, %add3A_99 : i32
    %dma_wait3A_101 = arith.constant 0 : i32
    %dma_wait3A_102 = tpu.memref_slice %arg4[%add3A_100, %dma_wait3A_101] : memref<100000x128xf32, #tpu.memory_space<hbm>> -> memref<256x128xf32, #tpu.memory_space<hbm>>
    %dma_wait3A_103 = arith.constant 0 : i32
    %dma_wait3A_104 = tpu.memref_slice %arg4[%add3A_100, %dma_wait3A_103] : memref<100000x128xf32, #tpu.memory_space<hbm>> -> memref<256x128xf32, #tpu.memory_space<hbm>>
    tpu.wait_dma2 semaphore(%arg15 : memref<!tpu.dma_semaphore, #tpu.memory_space<semaphore_mem>>) src(%arg11 : memref<256x128xf32, #tpu.memory_space<vmem>>) dst(%dma_wait3A_104 : memref<256x128xf32, #tpu.memory_space<hbm>>)
    %add3A_105 = arith.constant 1024 : i32
    %add3A_106 = arith.addi %add3A_4, %add3A_105 : i32
    %dma_start3A_107 = arith.constant 0 : i32
    %dma_start3A_108 = tpu.memref_slice %arg3[%add3A_106, %dma_start3A_107] : memref<100000x128xf32, #tpu.memory_space<hbm>> -> memref<256x128xf32, #tpu.memory_space<hbm>>
    %dma_start3A_109 = arith.constant 0 : i32
    %dma_start3A_110 = tpu.memref_slice %arg3[%add3A_106, %dma_start3A_109] : memref<100000x128xf32, #tpu.memory_space<hbm>> -> memref<256x128xf32, #tpu.memory_space<hbm>>
    tpu.enqueue_dma source(%dma_start3A_110 : memref<256x128xf32, #tpu.memory_space<hbm>>) target(%arg11 : memref<256x128xf32, #tpu.memory_space<vmem>>) target_semaphore(%arg13 : memref<!tpu.dma_semaphore, #tpu.memory_space<semaphore_mem>>)
    %add3A_111 = arith.constant 768 : i32
    %add3A_112 = arith.addi %add3A_4, %add3A_111 : i32
    %dma_wait3A_113 = arith.constant 0 : i32
    %dma_wait3A_114 = tpu.memref_slice %arg3[%add3A_112, %dma_wait3A_113] : memref<100000x128xf32, #tpu.memory_space<hbm>> -> memref<256x128xf32, #tpu.memory_space<hbm>>
    %dma_wait3A_115 = arith.constant 0 : i32
    %dma_wait3A_116 = tpu.memref_slice %arg3[%add3A_112, %dma_wait3A_115] : memref<100000x128xf32, #tpu.memory_space<hbm>> -> memref<256x128xf32, #tpu.memory_space<hbm>>
    tpu.wait_dma2 semaphore(%arg14 : memref<!tpu.dma_semaphore, #tpu.memory_space<semaphore_mem>>) src(%dma_wait3A_116 : memref<256x128xf32, #tpu.memory_space<hbm>>) dst(%arg12 : memref<256x128xf32, #tpu.memory_space<vmem>>)
    %add3A_117 = arith.constant 768 : i32
    %add3A_118 = arith.addi %add3A_4, %add3A_117 : i32
    %dma_start3A_119 = arith.constant 0 : i32
    %dma_start3A_120 = tpu.memref_slice %arg4[%add3A_118, %dma_start3A_119] : memref<100000x128xf32, #tpu.memory_space<hbm>> -> memref<256x128xf32, #tpu.memory_space<hbm>>
    %dma_start3A_121 = arith.constant 0 : i32
    %dma_start3A_122 = tpu.memref_slice %arg4[%add3A_118, %dma_start3A_121] : memref<100000x128xf32, #tpu.memory_space<hbm>> -> memref<256x128xf32, #tpu.memory_space<hbm>>
    tpu.enqueue_dma source(%arg12 : memref<256x128xf32, #tpu.memory_space<vmem>>) target(%dma_start3A_122 : memref<256x128xf32, #tpu.memory_space<hbm>>) target_semaphore(%arg16 : memref<!tpu.dma_semaphore, #tpu.memory_space<semaphore_mem>>)
    "tpu.region"() ({
      %run_scoped3A = tpu.sem_alloc : memref<!tpu.dma_semaphore, #tpu.memory_space<semaphore_mem>>
      %dma_start3A_425 = arith.constant 8192 : i32
      %dma_start3A_426 = tpu.memref_slice %arg2[%dma_start3A_425] : memref<32768xi32, #tpu.memory_space<hbm>> -> memref<2048xi32, #tpu.memory_space<hbm>>
      %dma_start3A_427 = arith.constant 8192 : i32
      %dma_start3A_428 = tpu.memref_slice %arg2[%dma_start3A_427] : memref<32768xi32, #tpu.memory_space<hbm>> -> memref<2048xi32, #tpu.memory_space<hbm>>
      tpu.enqueue_dma source(%dma_start3A_428 : memref<2048xi32, #tpu.memory_space<hbm>>) target(%arg8 : memref<2048xi32, #tpu.memory_space<vmem>>) target_semaphore(%run_scoped3A : memref<!tpu.dma_semaphore, #tpu.memory_space<semaphore_mem>>)
      %dma_wait3A_429 = arith.constant 8192 : i32
      %dma_wait3A_430 = tpu.memref_slice %arg2[%dma_wait3A_429] : memref<32768xi32, #tpu.memory_space<hbm>> -> memref<2048xi32, #tpu.memory_space<hbm>>
      %dma_wait3A_431 = arith.constant 8192 : i32
      %dma_wait3A_432 = tpu.memref_slice %arg2[%dma_wait3A_431] : memref<32768xi32, #tpu.memory_space<hbm>> -> memref<2048xi32, #tpu.memory_space<hbm>>
      tpu.wait_dma2 semaphore(%run_scoped3A : memref<!tpu.dma_semaphore, #tpu.memory_space<semaphore_mem>>) src(%dma_wait3A_432 : memref<2048xi32, #tpu.memory_space<hbm>>) dst(%arg8 : memref<2048xi32, #tpu.memory_space<vmem>>)
      tpu.yield
    }) : () -> ()
    %scan3A_123 = arith.constant 0 : i32
    %scan3A_124 = arith.constant 128 : i32
    %scan3A_125 = arith.addi %scan3A_123, %scan3A_124 : i32
    %scan3A_126 = arith.constant 1 : i32
    %scan3A_127 = scf.for %scan3A_425 = %scan3A_123 to %scan3A_125 step %scan3A_126 iter_args(%scan3A_426 = %scan3A_97) -> (i32)  : i32 {
      %mul3A_427 = arith.constant 16 : i32
      %mul3A_428 = arith.muli %scan3A_425, %mul3A_427 : i32
      %get3A = arith.index_cast %mul3A_428 : i32 to index
      %get3A_429 = tpu.vector_load %arg8[%get3A] {strides = array<i32>} : memref<2048xi32, #tpu.memory_space<vmem>>, vector<16xi32>,
      %and3A_430 = arith.constant 31 : i32
      %and3A_431 = vector.broadcast %and3A_430 : i32 to vector<16xi32>
      %and3A_432 = arith.andi %get3A_429, %and3A_431 : vector<16xi32>
      %eq3A = vector.broadcast %add3A : i32 to vector<16xi32>
      %eq3A_433 = arith.cmpi eq, %and3A_432, %eq3A : vector<16xi32>
      %mul3A_434 = arith.constant 16 : i32
      %mul3A_435 = arith.muli %scan3A_425, %mul3A_434 : i32
      %add3A_436 = arith.constant 8192 : i32
      %add3A_437 = arith.addi %add3A_436, %mul3A_435 : i32
      %add3A_438 = vector.broadcast %add3A_437 : i32 to vector<16xi32>
      %add3A_439 = arith.addi %add3A_438, %iota3A : vector<16xi32>
      %shift_right_arithmetic3A = arith.constant 5 : i32
      %shift_right_arithmetic3A_440 = vector.broadcast %shift_right_arithmetic3A : i32 to vector<16xi32>
      %shift_right_arithmetic3A_441 = arith.shrsi %get3A_429, %shift_right_arithmetic3A_440 : vector<16xi32>
      %shift_left3A = arith.constant 15 : i32
      %shift_left3A_442 = vector.broadcast %shift_left3A : i32 to vector<16xi32>
      %shift_left3A_443 = arith.shli %shift_right_arithmetic3A_441, %shift_left3A_442 : vector<16xi32>
      %or3A = arith.ori %shift_left3A_443, %add3A_439 : vector<16xi32>
      %swap3A_444 = arith.index_cast %scan3A_426 : i32 to index
      %swap3A_445 = tpu.vector_load %arg9[%swap3A_444] masked %eq3A_433 {strides = array<i32>} : memref<32784xi32, #tpu.memory_space<vmem>>, vector<16xi32>, vector<16xi1>
      tpu.vector_store %arg9[%swap3A_444], %or3A masked %eq3A_433 {strides = array<i32>} : memref<32784xi32, #tpu.memory_space<vmem>>, vector<16xi32>, vector<16xi1>
      %all_reduce_population_count3A = tpu.all_reduce %eq3A_433 {dim = 0 : i64, kind = #tpu.reduction_kind<sum>} : vector<16xi1> -> vector<16xi32>
      %slice3A = vector.extract_strided_slice %all_reduce_population_count3A {offsets = [0], sizes = [1], strides = [1]} : vector<16xi32> to vector<1xi32>
      %squeeze3A = vector.extract %slice3A[0] : i32 from vector<1xi32>
      %add3A_446 = arith.addi %scan3A_426, %squeeze3A : i32
      scf.yield %add3A_446 : i32
    }
    %scan3A_128 = arith.constant 128 : i32
    %add3A_129 = arith.constant 768 : i32
    %add3A_130 = arith.addi %add3A_4, %add3A_129 : i32
    %dma_wait3A_131 = arith.constant 0 : i32
    %dma_wait3A_132 = tpu.memref_slice %arg4[%add3A_130, %dma_wait3A_131] : memref<100000x128xf32, #tpu.memory_space<hbm>> -> memref<256x128xf32, #tpu.memory_space<hbm>>
    %dma_wait3A_133 = arith.constant 0 : i32
    %dma_wait3A_134 = tpu.memref_slice %arg4[%add3A_130, %dma_wait3A_133] : memref<100000x128xf32, #tpu.memory_space<hbm>> -> memref<256x128xf32, #tpu.memory_space<hbm>>
    tpu.wait_dma2 semaphore(%arg16 : memref<!tpu.dma_semaphore, #tpu.memory_space<semaphore_mem>>) src(%arg12 : memref<256x128xf32, #tpu.memory_space<vmem>>) dst(%dma_wait3A_134 : memref<256x128xf32, #tpu.memory_space<hbm>>)
    %add3A_135 = arith.constant 1280 : i32
    %add3A_136 = arith.addi %add3A_4, %add3A_135 : i32
    %dma_start3A_137 = arith.constant 0 : i32
    %dma_start3A_138 = tpu.memref_slice %arg3[%add3A_136, %dma_start3A_137] : memref<100000x128xf32, #tpu.memory_space<hbm>> -> memref<256x128xf32, #tpu.memory_space<hbm>>
    %dma_start3A_139 = arith.constant 0 : i32
    %dma_start3A_140 = tpu.memref_slice %arg3[%add3A_136, %dma_start3A_139] : memref<100000x128xf32, #tpu.memory_space<hbm>> -> memref<256x128xf32, #tpu.memory_space<hbm>>
    tpu.enqueue_dma source(%dma_start3A_140 : memref<256x128xf32, #tpu.memory_space<hbm>>) target(%arg12 : memref<256x128xf32, #tpu.memory_space<vmem>>) target_semaphore(%arg14 : memref<!tpu.dma_semaphore, #tpu.memory_space<semaphore_mem>>)
    %add3A_141 = arith.constant 1024 : i32
    %add3A_142 = arith.addi %add3A_4, %add3A_141 : i32
    %dma_wait3A_143 = arith.constant 0 : i32
    %dma_wait3A_144 = tpu.memref_slice %arg3[%add3A_142, %dma_wait3A_143] : memref<100000x128xf32, #tpu.memory_space<hbm>> -> memref<256x128xf32, #tpu.memory_space<hbm>>
    %dma_wait3A_145 = arith.constant 0 : i32
    %dma_wait3A_146 = tpu.memref_slice %arg3[%add3A_142, %dma_wait3A_145] : memref<100000x128xf32, #tpu.memory_space<hbm>> -> memref<256x128xf32, #tpu.memory_space<hbm>>
    tpu.wait_dma2 semaphore(%arg13 : memref<!tpu.dma_semaphore, #tpu.memory_space<semaphore_mem>>) src(%dma_wait3A_146 : memref<256x128xf32, #tpu.memory_space<hbm>>) dst(%arg11 : memref<256x128xf32, #tpu.memory_space<vmem>>)
    %add3A_147 = arith.constant 1024 : i32
    %add3A_148 = arith.addi %add3A_4, %add3A_147 : i32
    %dma_start3A_149 = arith.constant 0 : i32
    %dma_start3A_150 = tpu.memref_slice %arg4[%add3A_148, %dma_start3A_149] : memref<100000x128xf32, #tpu.memory_space<hbm>> -> memref<256x128xf32, #tpu.memory_space<hbm>>
    %dma_start3A_151 = arith.constant 0 : i32
    %dma_start3A_152 = tpu.memref_slice %arg4[%add3A_148, %dma_start3A_151] : memref<100000x128xf32, #tpu.memory_space<hbm>> -> memref<256x128xf32, #tpu.memory_space<hbm>>
    tpu.enqueue_dma source(%arg11 : memref<256x128xf32, #tpu.memory_space<vmem>>) target(%dma_start3A_152 : memref<256x128xf32, #tpu.memory_space<hbm>>) target_semaphore(%arg15 : memref<!tpu.dma_semaphore, #tpu.memory_space<semaphore_mem>>)
    "tpu.region"() ({
      %run_scoped3A = tpu.sem_alloc : memref<!tpu.dma_semaphore, #tpu.memory_space<semaphore_mem>>
      %dma_start3A_425 = arith.constant 10240 : i32
      %dma_start3A_426 = tpu.memref_slice %arg2[%dma_start3A_425] : memref<32768xi32, #tpu.memory_space<hbm>> -> memref<2048xi32, #tpu.memory_space<hbm>>
      %dma_start3A_427 = arith.constant 10240 : i32
      %dma_start3A_428 = tpu.memref_slice %arg2[%dma_start3A_427] : memref<32768xi32, #tpu.memory_space<hbm>> -> memref<2048xi32, #tpu.memory_space<hbm>>
      tpu.enqueue_dma source(%dma_start3A_428 : memref<2048xi32, #tpu.memory_space<hbm>>) target(%arg8 : memref<2048xi32, #tpu.memory_space<vmem>>) target_semaphore(%run_scoped3A : memref<!tpu.dma_semaphore, #tpu.memory_space<semaphore_mem>>)
      %dma_wait3A_429 = arith.constant 10240 : i32
      %dma_wait3A_430 = tpu.memref_slice %arg2[%dma_wait3A_429] : memref<32768xi32, #tpu.memory_space<hbm>> -> memref<2048xi32, #tpu.memory_space<hbm>>
      %dma_wait3A_431 = arith.constant 10240 : i32
      %dma_wait3A_432 = tpu.memref_slice %arg2[%dma_wait3A_431] : memref<32768xi32, #tpu.memory_space<hbm>> -> memref<2048xi32, #tpu.memory_space<hbm>>
      tpu.wait_dma2 semaphore(%run_scoped3A : memref<!tpu.dma_semaphore, #tpu.memory_space<semaphore_mem>>) src(%dma_wait3A_432 : memref<2048xi32, #tpu.memory_space<hbm>>) dst(%arg8 : memref<2048xi32, #tpu.memory_space<vmem>>)
      tpu.yield
    }) : () -> ()
    %scan3A_153 = arith.constant 0 : i32
    %scan3A_154 = arith.constant 128 : i32
    %scan3A_155 = arith.addi %scan3A_153, %scan3A_154 : i32
    %scan3A_156 = arith.constant 1 : i32
    %scan3A_157 = scf.for %scan3A_425 = %scan3A_153 to %scan3A_155 step %scan3A_156 iter_args(%scan3A_426 = %scan3A_127) -> (i32)  : i32 {
      %mul3A_427 = arith.constant 16 : i32
      %mul3A_428 = arith.muli %scan3A_425, %mul3A_427 : i32
      %get3A = arith.index_cast %mul3A_428 : i32 to index
      %get3A_429 = tpu.vector_load %arg8[%get3A] {strides = array<i32>} : memref<2048xi32, #tpu.memory_space<vmem>>, vector<16xi32>,
      %and3A_430 = arith.constant 31 : i32
      %and3A_431 = vector.broadcast %and3A_430 : i32 to vector<16xi32>
      %and3A_432 = arith.andi %get3A_429, %and3A_431 : vector<16xi32>
      %eq3A = vector.broadcast %add3A : i32 to vector<16xi32>
      %eq3A_433 = arith.cmpi eq, %and3A_432, %eq3A : vector<16xi32>
      %mul3A_434 = arith.constant 16 : i32
      %mul3A_435 = arith.muli %scan3A_425, %mul3A_434 : i32
      %add3A_436 = arith.constant 10240 : i32
      %add3A_437 = arith.addi %add3A_436, %mul3A_435 : i32
      %add3A_438 = vector.broadcast %add3A_437 : i32 to vector<16xi32>
      %add3A_439 = arith.addi %add3A_438, %iota3A : vector<16xi32>
      %shift_right_arithmetic3A = arith.constant 5 : i32
      %shift_right_arithmetic3A_440 = vector.broadcast %shift_right_arithmetic3A : i32 to vector<16xi32>
      %shift_right_arithmetic3A_441 = arith.shrsi %get3A_429, %shift_right_arithmetic3A_440 : vector<16xi32>
      %shift_left3A = arith.constant 15 : i32
      %shift_left3A_442 = vector.broadcast %shift_left3A : i32 to vector<16xi32>
      %shift_left3A_443 = arith.shli %shift_right_arithmetic3A_441, %shift_left3A_442 : vector<16xi32>
      %or3A = arith.ori %shift_left3A_443, %add3A_439 : vector<16xi32>
      %swap3A_444 = arith.index_cast %scan3A_426 : i32 to index
      %swap3A_445 = tpu.vector_load %arg9[%swap3A_444] masked %eq3A_433 {strides = array<i32>} : memref<32784xi32, #tpu.memory_space<vmem>>, vector<16xi32>, vector<16xi1>
      tpu.vector_store %arg9[%swap3A_444], %or3A masked %eq3A_433 {strides = array<i32>} : memref<32784xi32, #tpu.memory_space<vmem>>, vector<16xi32>, vector<16xi1>
      %all_reduce_population_count3A = tpu.all_reduce %eq3A_433 {dim = 0 : i64, kind = #tpu.reduction_kind<sum>} : vector<16xi1> -> vector<16xi32>
      %slice3A = vector.extract_strided_slice %all_reduce_population_count3A {offsets = [0], sizes = [1], strides = [1]} : vector<16xi32> to vector<1xi32>
      %squeeze3A = vector.extract %slice3A[0] : i32 from vector<1xi32>
      %add3A_446 = arith.addi %scan3A_426, %squeeze3A : i32
      scf.yield %add3A_446 : i32
    }
    %scan3A_158 = arith.constant 128 : i32
    %add3A_159 = arith.constant 1024 : i32
    %add3A_160 = arith.addi %add3A_4, %add3A_159 : i32
    %dma_wait3A_161 = arith.constant 0 : i32
    %dma_wait3A_162 = tpu.memref_slice %arg4[%add3A_160, %dma_wait3A_161] : memref<100000x128xf32, #tpu.memory_space<hbm>> -> memref<256x128xf32, #tpu.memory_space<hbm>>
    %dma_wait3A_163 = arith.constant 0 : i32
    %dma_wait3A_164 = tpu.memref_slice %arg4[%add3A_160, %dma_wait3A_163] : memref<100000x128xf32, #tpu.memory_space<hbm>> -> memref<256x128xf32, #tpu.memory_space<hbm>>
    tpu.wait_dma2 semaphore(%arg15 : memref<!tpu.dma_semaphore, #tpu.memory_space<semaphore_mem>>) src(%arg11 : memref<256x128xf32, #tpu.memory_space<vmem>>) dst(%dma_wait3A_164 : memref<256x128xf32, #tpu.memory_space<hbm>>)
    %add3A_165 = arith.constant 1536 : i32
    %add3A_166 = arith.addi %add3A_4, %add3A_165 : i32
    %dma_start3A_167 = arith.constant 0 : i32
    %dma_start3A_168 = tpu.memref_slice %arg3[%add3A_166, %dma_start3A_167] : memref<100000x128xf32, #tpu.memory_space<hbm>> -> memref<256x128xf32, #tpu.memory_space<hbm>>
    %dma_start3A_169 = arith.constant 0 : i32
    %dma_start3A_170 = tpu.memref_slice %arg3[%add3A_166, %dma_start3A_169] : memref<100000x128xf32, #tpu.memory_space<hbm>> -> memref<256x128xf32, #tpu.memory_space<hbm>>
    tpu.enqueue_dma source(%dma_start3A_170 : memref<256x128xf32, #tpu.memory_space<hbm>>) target(%arg11 : memref<256x128xf32, #tpu.memory_space<vmem>>) target_semaphore(%arg13 : memref<!tpu.dma_semaphore, #tpu.memory_space<semaphore_mem>>)
    %add3A_171 = arith.constant 1280 : i32
    %add3A_172 = arith.addi %add3A_4, %add3A_171 : i32
    %dma_wait3A_173 = arith.constant 0 : i32
    %dma_wait3A_174 = tpu.memref_slice %arg3[%add3A_172, %dma_wait3A_173] : memref<100000x128xf32, #tpu.memory_space<hbm>> -> memref<256x128xf32, #tpu.memory_space<hbm>>
    %dma_wait3A_175 = arith.constant 0 : i32
    %dma_wait3A_176 = tpu.memref_slice %arg3[%add3A_172, %dma_wait3A_175] : memref<100000x128xf32, #tpu.memory_space<hbm>> -> memref<256x128xf32, #tpu.memory_space<hbm>>
    tpu.wait_dma2 semaphore(%arg14 : memref<!tpu.dma_semaphore, #tpu.memory_space<semaphore_mem>>) src(%dma_wait3A_176 : memref<256x128xf32, #tpu.memory_space<hbm>>) dst(%arg12 : memref<256x128xf32, #tpu.memory_space<vmem>>)
    %add3A_177 = arith.constant 1280 : i32
    %add3A_178 = arith.addi %add3A_4, %add3A_177 : i32
    %dma_start3A_179 = arith.constant 0 : i32
    %dma_start3A_180 = tpu.memref_slice %arg4[%add3A_178, %dma_start3A_179] : memref<100000x128xf32, #tpu.memory_space<hbm>> -> memref<256x128xf32, #tpu.memory_space<hbm>>
    %dma_start3A_181 = arith.constant 0 : i32
    %dma_start3A_182 = tpu.memref_slice %arg4[%add3A_178, %dma_start3A_181] : memref<100000x128xf32, #tpu.memory_space<hbm>> -> memref<256x128xf32, #tpu.memory_space<hbm>>
    tpu.enqueue_dma source(%arg12 : memref<256x128xf32, #tpu.memory_space<vmem>>) target(%dma_start3A_182 : memref<256x128xf32, #tpu.memory_space<hbm>>) target_semaphore(%arg16 : memref<!tpu.dma_semaphore, #tpu.memory_space<semaphore_mem>>)
    "tpu.region"() ({
      %run_scoped3A = tpu.sem_alloc : memref<!tpu.dma_semaphore, #tpu.memory_space<semaphore_mem>>
      %dma_start3A_425 = arith.constant 12288 : i32
      %dma_start3A_426 = tpu.memref_slice %arg2[%dma_start3A_425] : memref<32768xi32, #tpu.memory_space<hbm>> -> memref<2048xi32, #tpu.memory_space<hbm>>
      %dma_start3A_427 = arith.constant 12288 : i32
      %dma_start3A_428 = tpu.memref_slice %arg2[%dma_start3A_427] : memref<32768xi32, #tpu.memory_space<hbm>> -> memref<2048xi32, #tpu.memory_space<hbm>>
      tpu.enqueue_dma source(%dma_start3A_428 : memref<2048xi32, #tpu.memory_space<hbm>>) target(%arg8 : memref<2048xi32, #tpu.memory_space<vmem>>) target_semaphore(%run_scoped3A : memref<!tpu.dma_semaphore, #tpu.memory_space<semaphore_mem>>)
      %dma_wait3A_429 = arith.constant 12288 : i32
      %dma_wait3A_430 = tpu.memref_slice %arg2[%dma_wait3A_429] : memref<32768xi32, #tpu.memory_space<hbm>> -> memref<2048xi32, #tpu.memory_space<hbm>>
      %dma_wait3A_431 = arith.constant 12288 : i32
      %dma_wait3A_432 = tpu.memref_slice %arg2[%dma_wait3A_431] : memref<32768xi32, #tpu.memory_space<hbm>> -> memref<2048xi32, #tpu.memory_space<hbm>>
      tpu.wait_dma2 semaphore(%run_scoped3A : memref<!tpu.dma_semaphore, #tpu.memory_space<semaphore_mem>>) src(%dma_wait3A_432 : memref<2048xi32, #tpu.memory_space<hbm>>) dst(%arg8 : memref<2048xi32, #tpu.memory_space<vmem>>)
      tpu.yield
    }) : () -> ()
    %scan3A_183 = arith.constant 0 : i32
    %scan3A_184 = arith.constant 128 : i32
    %scan3A_185 = arith.addi %scan3A_183, %scan3A_184 : i32
    %scan3A_186 = arith.constant 1 : i32
    %scan3A_187 = scf.for %scan3A_425 = %scan3A_183 to %scan3A_185 step %scan3A_186 iter_args(%scan3A_426 = %scan3A_157) -> (i32)  : i32 {
      %mul3A_427 = arith.constant 16 : i32
      %mul3A_428 = arith.muli %scan3A_425, %mul3A_427 : i32
      %get3A = arith.index_cast %mul3A_428 : i32 to index
      %get3A_429 = tpu.vector_load %arg8[%get3A] {strides = array<i32>} : memref<2048xi32, #tpu.memory_space<vmem>>, vector<16xi32>,
      %and3A_430 = arith.constant 31 : i32
      %and3A_431 = vector.broadcast %and3A_430 : i32 to vector<16xi32>
      %and3A_432 = arith.andi %get3A_429, %and3A_431 : vector<16xi32>
      %eq3A = vector.broadcast %add3A : i32 to vector<16xi32>
      %eq3A_433 = arith.cmpi eq, %and3A_432, %eq3A : vector<16xi32>
      %mul3A_434 = arith.constant 16 : i32
      %mul3A_435 = arith.muli %scan3A_425, %mul3A_434 : i32
      %add3A_436 = arith.constant 12288 : i32
      %add3A_437 = arith.addi %add3A_436, %mul3A_435 : i32
      %add3A_438 = vector.broadcast %add3A_437 : i32 to vector<16xi32>
      %add3A_439 = arith.addi %add3A_438, %iota3A : vector<16xi32>
      %shift_right_arithmetic3A = arith.constant 5 : i32
      %shift_right_arithmetic3A_440 = vector.broadcast %shift_right_arithmetic3A : i32 to vector<16xi32>
      %shift_right_arithmetic3A_441 = arith.shrsi %get3A_429, %shift_right_arithmetic3A_440 : vector<16xi32>
      %shift_left3A = arith.constant 15 : i32
      %shift_left3A_442 = vector.broadcast %shift_left3A : i32 to vector<16xi32>
      %shift_left3A_443 = arith.shli %shift_right_arithmetic3A_441, %shift_left3A_442 : vector<16xi32>
      %or3A = arith.ori %shift_left3A_443, %add3A_439 : vector<16xi32>
      %swap3A_444 = arith.index_cast %scan3A_426 : i32 to index
      %swap3A_445 = tpu.vector_load %arg9[%swap3A_444] masked %eq3A_433 {strides = array<i32>} : memref<32784xi32, #tpu.memory_space<vmem>>, vector<16xi32>, vector<16xi1>
      tpu.vector_store %arg9[%swap3A_444], %or3A masked %eq3A_433 {strides = array<i32>} : memref<32784xi32, #tpu.memory_space<vmem>>, vector<16xi32>, vector<16xi1>
      %all_reduce_population_count3A = tpu.all_reduce %eq3A_433 {dim = 0 : i64, kind = #tpu.reduction_kind<sum>} : vector<16xi1> -> vector<16xi32>
      %slice3A = vector.extract_strided_slice %all_reduce_population_count3A {offsets = [0], sizes = [1], strides = [1]} : vector<16xi32> to vector<1xi32>
      %squeeze3A = vector.extract %slice3A[0] : i32 from vector<1xi32>
      %add3A_446 = arith.addi %scan3A_426, %squeeze3A : i32
      scf.yield %add3A_446 : i32
    }
    %scan3A_188 = arith.constant 128 : i32
    %add3A_189 = arith.constant 1280 : i32
    %add3A_190 = arith.addi %add3A_4, %add3A_189 : i32
    %dma_wait3A_191 = arith.constant 0 : i32
    %dma_wait3A_192 = tpu.memref_slice %arg4[%add3A_190, %dma_wait3A_191] : memref<100000x128xf32, #tpu.memory_space<hbm>> -> memref<256x128xf32, #tpu.memory_space<hbm>>
    %dma_wait3A_193 = arith.constant 0 : i32
    %dma_wait3A_194 = tpu.memref_slice %arg4[%add3A_190, %dma_wait3A_193] : memref<100000x128xf32, #tpu.memory_space<hbm>> -> memref<256x128xf32, #tpu.memory_space<hbm>>
    tpu.wait_dma2 semaphore(%arg16 : memref<!tpu.dma_semaphore, #tpu.memory_space<semaphore_mem>>) src(%arg12 : memref<256x128xf32, #tpu.memory_space<vmem>>) dst(%dma_wait3A_194 : memref<256x128xf32, #tpu.memory_space<hbm>>)
    %add3A_195 = arith.constant 1792 : i32
    %add3A_196 = arith.addi %add3A_4, %add3A_195 : i32
    %dma_start3A_197 = arith.constant 0 : i32
    %dma_start3A_198 = tpu.memref_slice %arg3[%add3A_196, %dma_start3A_197] : memref<100000x128xf32, #tpu.memory_space<hbm>> -> memref<256x128xf32, #tpu.memory_space<hbm>>
    %dma_start3A_199 = arith.constant 0 : i32
    %dma_start3A_200 = tpu.memref_slice %arg3[%add3A_196, %dma_start3A_199] : memref<100000x128xf32, #tpu.memory_space<hbm>> -> memref<256x128xf32, #tpu.memory_space<hbm>>
    tpu.enqueue_dma source(%dma_start3A_200 : memref<256x128xf32, #tpu.memory_space<hbm>>) target(%arg12 : memref<256x128xf32, #tpu.memory_space<vmem>>) target_semaphore(%arg14 : memref<!tpu.dma_semaphore, #tpu.memory_space<semaphore_mem>>)
    %add3A_201 = arith.constant 1536 : i32
    %add3A_202 = arith.addi %add3A_4, %add3A_201 : i32
    %dma_wait3A_203 = arith.constant 0 : i32
    %dma_wait3A_204 = tpu.memref_slice %arg3[%add3A_202, %dma_wait3A_203] : memref<100000x128xf32, #tpu.memory_space<hbm>> -> memref<256x128xf32, #tpu.memory_space<hbm>>
    %dma_wait3A_205 = arith.constant 0 : i32
    %dma_wait3A_206 = tpu.memref_slice %arg3[%add3A_202, %dma_wait3A_205] : memref<100000x128xf32, #tpu.memory_space<hbm>> -> memref<256x128xf32, #tpu.memory_space<hbm>>
    tpu.wait_dma2 semaphore(%arg13 : memref<!tpu.dma_semaphore, #tpu.memory_space<semaphore_mem>>) src(%dma_wait3A_206 : memref<256x128xf32, #tpu.memory_space<hbm>>) dst(%arg11 : memref<256x128xf32, #tpu.memory_space<vmem>>)
    %add3A_207 = arith.constant 1536 : i32
    %add3A_208 = arith.addi %add3A_4, %add3A_207 : i32
    %dma_start3A_209 = arith.constant 0 : i32
    %dma_start3A_210 = tpu.memref_slice %arg4[%add3A_208, %dma_start3A_209] : memref<100000x128xf32, #tpu.memory_space<hbm>> -> memref<256x128xf32, #tpu.memory_space<hbm>>
    %dma_start3A_211 = arith.constant 0 : i32
    %dma_start3A_212 = tpu.memref_slice %arg4[%add3A_208, %dma_start3A_211] : memref<100000x128xf32, #tpu.memory_space<hbm>> -> memref<256x128xf32, #tpu.memory_space<hbm>>
    tpu.enqueue_dma source(%arg11 : memref<256x128xf32, #tpu.memory_space<vmem>>) target(%dma_start3A_212 : memref<256x128xf32, #tpu.memory_space<hbm>>) target_semaphore(%arg15 : memref<!tpu.dma_semaphore, #tpu.memory_space<semaphore_mem>>)
    "tpu.region"() ({
      %run_scoped3A = tpu.sem_alloc : memref<!tpu.dma_semaphore, #tpu.memory_space<semaphore_mem>>
      %dma_start3A_425 = arith.constant 14336 : i32
      %dma_start3A_426 = tpu.memref_slice %arg2[%dma_start3A_425] : memref<32768xi32, #tpu.memory_space<hbm>> -> memref<2048xi32, #tpu.memory_space<hbm>>
      %dma_start3A_427 = arith.constant 14336 : i32
      %dma_start3A_428 = tpu.memref_slice %arg2[%dma_start3A_427] : memref<32768xi32, #tpu.memory_space<hbm>> -> memref<2048xi32, #tpu.memory_space<hbm>>
      tpu.enqueue_dma source(%dma_start3A_428 : memref<2048xi32, #tpu.memory_space<hbm>>) target(%arg8 : memref<2048xi32, #tpu.memory_space<vmem>>) target_semaphore(%run_scoped3A : memref<!tpu.dma_semaphore, #tpu.memory_space<semaphore_mem>>)
      %dma_wait3A_429 = arith.constant 14336 : i32
      %dma_wait3A_430 = tpu.memref_slice %arg2[%dma_wait3A_429] : memref<32768xi32, #tpu.memory_space<hbm>> -> memref<2048xi32, #tpu.memory_space<hbm>>
      %dma_wait3A_431 = arith.constant 14336 : i32
      %dma_wait3A_432 = tpu.memref_slice %arg2[%dma_wait3A_431] : memref<32768xi32, #tpu.memory_space<hbm>> -> memref<2048xi32, #tpu.memory_space<hbm>>
      tpu.wait_dma2 semaphore(%run_scoped3A : memref<!tpu.dma_semaphore, #tpu.memory_space<semaphore_mem>>) src(%dma_wait3A_432 : memref<2048xi32, #tpu.memory_space<hbm>>) dst(%arg8 : memref<2048xi32, #tpu.memory_space<vmem>>)
      tpu.yield
    }) : () -> ()
    %scan3A_213 = arith.constant 0 : i32
    %scan3A_214 = arith.constant 128 : i32
    %scan3A_215 = arith.addi %scan3A_213, %scan3A_214 : i32
    %scan3A_216 = arith.constant 1 : i32
    %scan3A_217 = scf.for %scan3A_425 = %scan3A_213 to %scan3A_215 step %scan3A_216 iter_args(%scan3A_426 = %scan3A_187) -> (i32)  : i32 {
      %mul3A_427 = arith.constant 16 : i32
      %mul3A_428 = arith.muli %scan3A_425, %mul3A_427 : i32
      %get3A = arith.index_cast %mul3A_428 : i32 to index
      %get3A_429 = tpu.vector_load %arg8[%get3A] {strides = array<i32>} : memref<2048xi32, #tpu.memory_space<vmem>>, vector<16xi32>,
      %and3A_430 = arith.constant 31 : i32
      %and3A_431 = vector.broadcast %and3A_430 : i32 to vector<16xi32>
      %and3A_432 = arith.andi %get3A_429, %and3A_431 : vector<16xi32>
      %eq3A = vector.broadcast %add3A : i32 to vector<16xi32>
      %eq3A_433 = arith.cmpi eq, %and3A_432, %eq3A : vector<16xi32>
      %mul3A_434 = arith.constant 16 : i32
      %mul3A_435 = arith.muli %scan3A_425, %mul3A_434 : i32
      %add3A_436 = arith.constant 14336 : i32
      %add3A_437 = arith.addi %add3A_436, %mul3A_435 : i32
      %add3A_438 = vector.broadcast %add3A_437 : i32 to vector<16xi32>
      %add3A_439 = arith.addi %add3A_438, %iota3A : vector<16xi32>
      %shift_right_arithmetic3A = arith.constant 5 : i32
      %shift_right_arithmetic3A_440 = vector.broadcast %shift_right_arithmetic3A : i32 to vector<16xi32>
      %shift_right_arithmetic3A_441 = arith.shrsi %get3A_429, %shift_right_arithmetic3A_440 : vector<16xi32>
      %shift_left3A = arith.constant 15 : i32
      %shift_left3A_442 = vector.broadcast %shift_left3A : i32 to vector<16xi32>
      %shift_left3A_443 = arith.shli %shift_right_arithmetic3A_441, %shift_left3A_442 : vector<16xi32>
      %or3A = arith.ori %shift_left3A_443, %add3A_439 : vector<16xi32>
      %swap3A_444 = arith.index_cast %scan3A_426 : i32 to index
      %swap3A_445 = tpu.vector_load %arg9[%swap3A_444] masked %eq3A_433 {strides = array<i32>} : memref<32784xi32, #tpu.memory_space<vmem>>, vector<16xi32>, vector<16xi1>
      tpu.vector_store %arg9[%swap3A_444], %or3A masked %eq3A_433 {strides = array<i32>} : memref<32784xi32, #tpu.memory_space<vmem>>, vector<16xi32>, vector<16xi1>
      %all_reduce_population_count3A = tpu.all_reduce %eq3A_433 {dim = 0 : i64, kind = #tpu.reduction_kind<sum>} : vector<16xi1> -> vector<16xi32>
      %slice3A = vector.extract_strided_slice %all_reduce_population_count3A {offsets = [0], sizes = [1], strides = [1]} : vector<16xi32> to vector<1xi32>
      %squeeze3A = vector.extract %slice3A[0] : i32 from vector<1xi32>
      %add3A_446 = arith.addi %scan3A_426, %squeeze3A : i32
      scf.yield %add3A_446 : i32
    }
    %scan3A_218 = arith.constant 128 : i32
    %add3A_219 = arith.constant 1536 : i32
    %add3A_220 = arith.addi %add3A_4, %add3A_219 : i32
    %dma_wait3A_221 = arith.constant 0 : i32
    %dma_wait3A_222 = tpu.memref_slice %arg4[%add3A_220, %dma_wait3A_221] : memref<100000x128xf32, #tpu.memory_space<hbm>> -> memref<256x128xf32, #tpu.memory_space<hbm>>
    %dma_wait3A_223 = arith.constant 0 : i32
    %dma_wait3A_224 = tpu.memref_slice %arg4[%add3A_220, %dma_wait3A_223] : memref<100000x128xf32, #tpu.memory_space<hbm>> -> memref<256x128xf32, #tpu.memory_space<hbm>>
    tpu.wait_dma2 semaphore(%arg15 : memref<!tpu.dma_semaphore, #tpu.memory_space<semaphore_mem>>) src(%arg11 : memref<256x128xf32, #tpu.memory_space<vmem>>) dst(%dma_wait3A_224 : memref<256x128xf32, #tpu.memory_space<hbm>>)
    %add3A_225 = arith.constant 2048 : i32
    %add3A_226 = arith.addi %add3A_4, %add3A_225 : i32
    %dma_start3A_227 = arith.constant 0 : i32
    %dma_start3A_228 = tpu.memref_slice %arg3[%add3A_226, %dma_start3A_227] : memref<100000x128xf32, #tpu.memory_space<hbm>> -> memref<256x128xf32, #tpu.memory_space<hbm>>
    %dma_start3A_229 = arith.constant 0 : i32
    %dma_start3A_230 = tpu.memref_slice %arg3[%add3A_226, %dma_start3A_229] : memref<100000x128xf32, #tpu.memory_space<hbm>> -> memref<256x128xf32, #tpu.memory_space<hbm>>
    tpu.enqueue_dma source(%dma_start3A_230 : memref<256x128xf32, #tpu.memory_space<hbm>>) target(%arg11 : memref<256x128xf32, #tpu.memory_space<vmem>>) target_semaphore(%arg13 : memref<!tpu.dma_semaphore, #tpu.memory_space<semaphore_mem>>)
    %add3A_231 = arith.constant 1792 : i32
    %add3A_232 = arith.addi %add3A_4, %add3A_231 : i32
    %dma_wait3A_233 = arith.constant 0 : i32
    %dma_wait3A_234 = tpu.memref_slice %arg3[%add3A_232, %dma_wait3A_233] : memref<100000x128xf32, #tpu.memory_space<hbm>> -> memref<256x128xf32, #tpu.memory_space<hbm>>
    %dma_wait3A_235 = arith.constant 0 : i32
    %dma_wait3A_236 = tpu.memref_slice %arg3[%add3A_232, %dma_wait3A_235] : memref<100000x128xf32, #tpu.memory_space<hbm>> -> memref<256x128xf32, #tpu.memory_space<hbm>>
    tpu.wait_dma2 semaphore(%arg14 : memref<!tpu.dma_semaphore, #tpu.memory_space<semaphore_mem>>) src(%dma_wait3A_236 : memref<256x128xf32, #tpu.memory_space<hbm>>) dst(%arg12 : memref<256x128xf32, #tpu.memory_space<vmem>>)
    %add3A_237 = arith.constant 1792 : i32
    %add3A_238 = arith.addi %add3A_4, %add3A_237 : i32
    %dma_start3A_239 = arith.constant 0 : i32
    %dma_start3A_240 = tpu.memref_slice %arg4[%add3A_238, %dma_start3A_239] : memref<100000x128xf32, #tpu.memory_space<hbm>> -> memref<256x128xf32, #tpu.memory_space<hbm>>
    %dma_start3A_241 = arith.constant 0 : i32
    %dma_start3A_242 = tpu.memref_slice %arg4[%add3A_238, %dma_start3A_241] : memref<100000x128xf32, #tpu.memory_space<hbm>> -> memref<256x128xf32, #tpu.memory_space<hbm>>
    tpu.enqueue_dma source(%arg12 : memref<256x128xf32, #tpu.memory_space<vmem>>) target(%dma_start3A_242 : memref<256x128xf32, #tpu.memory_space<hbm>>) target_semaphore(%arg16 : memref<!tpu.dma_semaphore, #tpu.memory_space<semaphore_mem>>)
    "tpu.region"() ({
      %run_scoped3A = tpu.sem_alloc : memref<!tpu.dma_semaphore, #tpu.memory_space<semaphore_mem>>
      %dma_start3A_425 = arith.constant 16384 : i32
      %dma_start3A_426 = tpu.memref_slice %arg2[%dma_start3A_425] : memref<32768xi32, #tpu.memory_space<hbm>> -> memref<2048xi32, #tpu.memory_space<hbm>>
      %dma_start3A_427 = arith.constant 16384 : i32
      %dma_start3A_428 = tpu.memref_slice %arg2[%dma_start3A_427] : memref<32768xi32, #tpu.memory_space<hbm>> -> memref<2048xi32, #tpu.memory_space<hbm>>
      tpu.enqueue_dma source(%dma_start3A_428 : memref<2048xi32, #tpu.memory_space<hbm>>) target(%arg8 : memref<2048xi32, #tpu.memory_space<vmem>>) target_semaphore(%run_scoped3A : memref<!tpu.dma_semaphore, #tpu.memory_space<semaphore_mem>>)
      %dma_wait3A_429 = arith.constant 16384 : i32
      %dma_wait3A_430 = tpu.memref_slice %arg2[%dma_wait3A_429] : memref<32768xi32, #tpu.memory_space<hbm>> -> memref<2048xi32, #tpu.memory_space<hbm>>
      %dma_wait3A_431 = arith.constant 16384 : i32
      %dma_wait3A_432 = tpu.memref_slice %arg2[%dma_wait3A_431] : memref<32768xi32, #tpu.memory_space<hbm>> -> memref<2048xi32, #tpu.memory_space<hbm>>
      tpu.wait_dma2 semaphore(%run_scoped3A : memref<!tpu.dma_semaphore, #tpu.memory_space<semaphore_mem>>) src(%dma_wait3A_432 : memref<2048xi32, #tpu.memory_space<hbm>>) dst(%arg8 : memref<2048xi32, #tpu.memory_space<vmem>>)
      tpu.yield
    }) : () -> ()
    %scan3A_243 = arith.constant 0 : i32
    %scan3A_244 = arith.constant 128 : i32
    %scan3A_245 = arith.addi %scan3A_243, %scan3A_244 : i32
    %scan3A_246 = arith.constant 1 : i32
    %scan3A_247 = scf.for %scan3A_425 = %scan3A_243 to %scan3A_245 step %scan3A_246 iter_args(%scan3A_426 = %scan3A_217) -> (i32)  : i32 {
      %mul3A_427 = arith.constant 16 : i32
      %mul3A_428 = arith.muli %scan3A_425, %mul3A_427 : i32
      %get3A = arith.index_cast %mul3A_428 : i32 to index
      %get3A_429 = tpu.vector_load %arg8[%get3A] {strides = array<i32>} : memref<2048xi32, #tpu.memory_space<vmem>>, vector<16xi32>,
      %and3A_430 = arith.constant 31 : i32
      %and3A_431 = vector.broadcast %and3A_430 : i32 to vector<16xi32>
      %and3A_432 = arith.andi %get3A_429, %and3A_431 : vector<16xi32>
      %eq3A = vector.broadcast %add3A : i32 to vector<16xi32>
      %eq3A_433 = arith.cmpi eq, %and3A_432, %eq3A : vector<16xi32>
      %mul3A_434 = arith.constant 16 : i32
      %mul3A_435 = arith.muli %scan3A_425, %mul3A_434 : i32
      %add3A_436 = arith.constant 16384 : i32
      %add3A_437 = arith.addi %add3A_436, %mul3A_435 : i32
      %add3A_438 = vector.broadcast %add3A_437 : i32 to vector<16xi32>
      %add3A_439 = arith.addi %add3A_438, %iota3A : vector<16xi32>
      %shift_right_arithmetic3A = arith.constant 5 : i32
      %shift_right_arithmetic3A_440 = vector.broadcast %shift_right_arithmetic3A : i32 to vector<16xi32>
      %shift_right_arithmetic3A_441 = arith.shrsi %get3A_429, %shift_right_arithmetic3A_440 : vector<16xi32>
      %shift_left3A = arith.constant 15 : i32
      %shift_left3A_442 = vector.broadcast %shift_left3A : i32 to vector<16xi32>
      %shift_left3A_443 = arith.shli %shift_right_arithmetic3A_441, %shift_left3A_442 : vector<16xi32>
      %or3A = arith.ori %shift_left3A_443, %add3A_439 : vector<16xi32>
      %swap3A_444 = arith.index_cast %scan3A_426 : i32 to index
      %swap3A_445 = tpu.vector_load %arg9[%swap3A_444] masked %eq3A_433 {strides = array<i32>} : memref<32784xi32, #tpu.memory_space<vmem>>, vector<16xi32>, vector<16xi1>
      tpu.vector_store %arg9[%swap3A_444], %or3A masked %eq3A_433 {strides = array<i32>} : memref<32784xi32, #tpu.memory_space<vmem>>, vector<16xi32>, vector<16xi1>
      %all_reduce_population_count3A = tpu.all_reduce %eq3A_433 {dim = 0 : i64, kind = #tpu.reduction_kind<sum>} : vector<16xi1> -> vector<16xi32>
      %slice3A = vector.extract_strided_slice %all_reduce_population_count3A {offsets = [0], sizes = [1], strides = [1]} : vector<16xi32> to vector<1xi32>
      %squeeze3A = vector.extract %slice3A[0] : i32 from vector<1xi32>
      %add3A_446 = arith.addi %scan3A_426, %squeeze3A : i32
      scf.yield %add3A_446 : i32
    }
    %scan3A_248 = arith.constant 128 : i32
    %add3A_249 = arith.constant 1792 : i32
    %add3A_250 = arith.addi %add3A_4, %add3A_249 : i32
    %dma_wait3A_251 = arith.constant 0 : i32
    %dma_wait3A_252 = tpu.memref_slice %arg4[%add3A_250, %dma_wait3A_251] : memref<100000x128xf32, #tpu.memory_space<hbm>> -> memref<256x128xf32, #tpu.memory_space<hbm>>
    %dma_wait3A_253 = arith.constant 0 : i32
    %dma_wait3A_254 = tpu.memref_slice %arg4[%add3A_250, %dma_wait3A_253] : memref<100000x128xf32, #tpu.memory_space<hbm>> -> memref<256x128xf32, #tpu.memory_space<hbm>>
    tpu.wait_dma2 semaphore(%arg16 : memref<!tpu.dma_semaphore, #tpu.memory_space<semaphore_mem>>) src(%arg12 : memref<256x128xf32, #tpu.memory_space<vmem>>) dst(%dma_wait3A_254 : memref<256x128xf32, #tpu.memory_space<hbm>>)
    %add3A_255 = arith.constant 2304 : i32
    %add3A_256 = arith.addi %add3A_4, %add3A_255 : i32
    %dma_start3A_257 = arith.constant 0 : i32
    %dma_start3A_258 = tpu.memref_slice %arg3[%add3A_256, %dma_start3A_257] : memref<100000x128xf32, #tpu.memory_space<hbm>> -> memref<256x128xf32, #tpu.memory_space<hbm>>
    %dma_start3A_259 = arith.constant 0 : i32
    %dma_start3A_260 = tpu.memref_slice %arg3[%add3A_256, %dma_start3A_259] : memref<100000x128xf32, #tpu.memory_space<hbm>> -> memref<256x128xf32, #tpu.memory_space<hbm>>
    tpu.enqueue_dma source(%dma_start3A_260 : memref<256x128xf32, #tpu.memory_space<hbm>>) target(%arg12 : memref<256x128xf32, #tpu.memory_space<vmem>>) target_semaphore(%arg14 : memref<!tpu.dma_semaphore, #tpu.memory_space<semaphore_mem>>)
    %add3A_261 = arith.constant 2048 : i32
    %add3A_262 = arith.addi %add3A_4, %add3A_261 : i32
    %dma_wait3A_263 = arith.constant 0 : i32
    %dma_wait3A_264 = tpu.memref_slice %arg3[%add3A_262, %dma_wait3A_263] : memref<100000x128xf32, #tpu.memory_space<hbm>> -> memref<256x128xf32, #tpu.memory_space<hbm>>
    %dma_wait3A_265 = arith.constant 0 : i32
    %dma_wait3A_266 = tpu.memref_slice %arg3[%add3A_262, %dma_wait3A_265] : memref<100000x128xf32, #tpu.memory_space<hbm>> -> memref<256x128xf32, #tpu.memory_space<hbm>>
    tpu.wait_dma2 semaphore(%arg13 : memref<!tpu.dma_semaphore, #tpu.memory_space<semaphore_mem>>) src(%dma_wait3A_266 : memref<256x128xf32, #tpu.memory_space<hbm>>) dst(%arg11 : memref<256x128xf32, #tpu.memory_space<vmem>>)
    %add3A_267 = arith.constant 2048 : i32
    %add3A_268 = arith.addi %add3A_4, %add3A_267 : i32
    %dma_start3A_269 = arith.constant 0 : i32
    %dma_start3A_270 = tpu.memref_slice %arg4[%add3A_268, %dma_start3A_269] : memref<100000x128xf32, #tpu.memory_space<hbm>> -> memref<256x128xf32, #tpu.memory_space<hbm>>
    %dma_start3A_271 = arith.constant 0 : i32
    %dma_start3A_272 = tpu.memref_slice %arg4[%add3A_268, %dma_start3A_271] : memref<100000x128xf32, #tpu.memory_space<hbm>> -> memref<256x128xf32, #tpu.memory_space<hbm>>
    tpu.enqueue_dma source(%arg11 : memref<256x128xf32, #tpu.memory_space<vmem>>) target(%dma_start3A_272 : memref<256x128xf32, #tpu.memory_space<hbm>>) target_semaphore(%arg15 : memref<!tpu.dma_semaphore, #tpu.memory_space<semaphore_mem>>)
    "tpu.region"() ({
      %run_scoped3A = tpu.sem_alloc : memref<!tpu.dma_semaphore, #tpu.memory_space<semaphore_mem>>
      %dma_start3A_425 = arith.constant 18432 : i32
      %dma_start3A_426 = tpu.memref_slice %arg2[%dma_start3A_425] : memref<32768xi32, #tpu.memory_space<hbm>> -> memref<2048xi32, #tpu.memory_space<hbm>>
      %dma_start3A_427 = arith.constant 18432 : i32
      %dma_start3A_428 = tpu.memref_slice %arg2[%dma_start3A_427] : memref<32768xi32, #tpu.memory_space<hbm>> -> memref<2048xi32, #tpu.memory_space<hbm>>
      tpu.enqueue_dma source(%dma_start3A_428 : memref<2048xi32, #tpu.memory_space<hbm>>) target(%arg8 : memref<2048xi32, #tpu.memory_space<vmem>>) target_semaphore(%run_scoped3A : memref<!tpu.dma_semaphore, #tpu.memory_space<semaphore_mem>>)
      %dma_wait3A_429 = arith.constant 18432 : i32
      %dma_wait3A_430 = tpu.memref_slice %arg2[%dma_wait3A_429] : memref<32768xi32, #tpu.memory_space<hbm>> -> memref<2048xi32, #tpu.memory_space<hbm>>
      %dma_wait3A_431 = arith.constant 18432 : i32
      %dma_wait3A_432 = tpu.memref_slice %arg2[%dma_wait3A_431] : memref<32768xi32, #tpu.memory_space<hbm>> -> memref<2048xi32, #tpu.memory_space<hbm>>
      tpu.wait_dma2 semaphore(%run_scoped3A : memref<!tpu.dma_semaphore, #tpu.memory_space<semaphore_mem>>) src(%dma_wait3A_432 : memref<2048xi32, #tpu.memory_space<hbm>>) dst(%arg8 : memref<2048xi32, #tpu.memory_space<vmem>>)
      tpu.yield
    }) : () -> ()
    %scan3A_273 = arith.constant 0 : i32
    %scan3A_274 = arith.constant 128 : i32
    %scan3A_275 = arith.addi %scan3A_273, %scan3A_274 : i32
    %scan3A_276 = arith.constant 1 : i32
    %scan3A_277 = scf.for %scan3A_425 = %scan3A_273 to %scan3A_275 step %scan3A_276 iter_args(%scan3A_426 = %scan3A_247) -> (i32)  : i32 {
      %mul3A_427 = arith.constant 16 : i32
      %mul3A_428 = arith.muli %scan3A_425, %mul3A_427 : i32
      %get3A = arith.index_cast %mul3A_428 : i32 to index
      %get3A_429 = tpu.vector_load %arg8[%get3A] {strides = array<i32>} : memref<2048xi32, #tpu.memory_space<vmem>>, vector<16xi32>,
      %and3A_430 = arith.constant 31 : i32
      %and3A_431 = vector.broadcast %and3A_430 : i32 to vector<16xi32>
      %and3A_432 = arith.andi %get3A_429, %and3A_431 : vector<16xi32>
      %eq3A = vector.broadcast %add3A : i32 to vector<16xi32>
      %eq3A_433 = arith.cmpi eq, %and3A_432, %eq3A : vector<16xi32>
      %mul3A_434 = arith.constant 16 : i32
      %mul3A_435 = arith.muli %scan3A_425, %mul3A_434 : i32
      %add3A_436 = arith.constant 18432 : i32
      %add3A_437 = arith.addi %add3A_436, %mul3A_435 : i32
      %add3A_438 = vector.broadcast %add3A_437 : i32 to vector<16xi32>
      %add3A_439 = arith.addi %add3A_438, %iota3A : vector<16xi32>
      %shift_right_arithmetic3A = arith.constant 5 : i32
      %shift_right_arithmetic3A_440 = vector.broadcast %shift_right_arithmetic3A : i32 to vector<16xi32>
      %shift_right_arithmetic3A_441 = arith.shrsi %get3A_429, %shift_right_arithmetic3A_440 : vector<16xi32>
      %shift_left3A = arith.constant 15 : i32
      %shift_left3A_442 = vector.broadcast %shift_left3A : i32 to vector<16xi32>
      %shift_left3A_443 = arith.shli %shift_right_arithmetic3A_441, %shift_left3A_442 : vector<16xi32>
      %or3A = arith.ori %shift_left3A_443, %add3A_439 : vector<16xi32>
      %swap3A_444 = arith.index_cast %scan3A_426 : i32 to index
      %swap3A_445 = tpu.vector_load %arg9[%swap3A_444] masked %eq3A_433 {strides = array<i32>} : memref<32784xi32, #tpu.memory_space<vmem>>, vector<16xi32>, vector<16xi1>
      tpu.vector_store %arg9[%swap3A_444], %or3A masked %eq3A_433 {strides = array<i32>} : memref<32784xi32, #tpu.memory_space<vmem>>, vector<16xi32>, vector<16xi1>
      %all_reduce_population_count3A = tpu.all_reduce %eq3A_433 {dim = 0 : i64, kind = #tpu.reduction_kind<sum>} : vector<16xi1> -> vector<16xi32>
      %slice3A = vector.extract_strided_slice %all_reduce_population_count3A {offsets = [0], sizes = [1], strides = [1]} : vector<16xi32> to vector<1xi32>
      %squeeze3A = vector.extract %slice3A[0] : i32 from vector<1xi32>
      %add3A_446 = arith.addi %scan3A_426, %squeeze3A : i32
      scf.yield %add3A_446 : i32
    }
    %scan3A_278 = arith.constant 128 : i32
    %add3A_279 = arith.constant 2304 : i32
    %add3A_280 = arith.addi %add3A_4, %add3A_279 : i32
    %dma_wait3A_281 = arith.constant 0 : i32
    %dma_wait3A_282 = tpu.memref_slice %arg3[%add3A_280, %dma_wait3A_281] : memref<100000x128xf32, #tpu.memory_space<hbm>> -> memref<256x128xf32, #tpu.memory_space<hbm>>
    %dma_wait3A_283 = arith.constant 0 : i32
    %dma_wait3A_284 = tpu.memref_slice %arg3[%add3A_280, %dma_wait3A_283] : memref<100000x128xf32, #tpu.memory_space<hbm>> -> memref<256x128xf32, #tpu.memory_space<hbm>>
    tpu.wait_dma2 semaphore(%arg14 : memref<!tpu.dma_semaphore, #tpu.memory_space<semaphore_mem>>) src(%dma_wait3A_284 : memref<256x128xf32, #tpu.memory_space<hbm>>) dst(%arg12 : memref<256x128xf32, #tpu.memory_space<vmem>>)
    %add3A_285 = arith.constant 2304 : i32
    %add3A_286 = arith.addi %add3A_4, %add3A_285 : i32
    %dma_start3A_287 = arith.constant 0 : i32
    %dma_start3A_288 = tpu.memref_slice %arg4[%add3A_286, %dma_start3A_287] : memref<100000x128xf32, #tpu.memory_space<hbm>> -> memref<256x128xf32, #tpu.memory_space<hbm>>
    %dma_start3A_289 = arith.constant 0 : i32
    %dma_start3A_290 = tpu.memref_slice %arg4[%add3A_286, %dma_start3A_289] : memref<100000x128xf32, #tpu.memory_space<hbm>> -> memref<256x128xf32, #tpu.memory_space<hbm>>
    tpu.enqueue_dma source(%arg12 : memref<256x128xf32, #tpu.memory_space<vmem>>) target(%dma_start3A_290 : memref<256x128xf32, #tpu.memory_space<hbm>>) target_semaphore(%arg16 : memref<!tpu.dma_semaphore, #tpu.memory_space<semaphore_mem>>)
    "tpu.region"() ({
      %run_scoped3A = tpu.sem_alloc : memref<!tpu.dma_semaphore, #tpu.memory_space<semaphore_mem>>
      %dma_start3A_425 = arith.constant 20480 : i32
      %dma_start3A_426 = tpu.memref_slice %arg2[%dma_start3A_425] : memref<32768xi32, #tpu.memory_space<hbm>> -> memref<2048xi32, #tpu.memory_space<hbm>>
      %dma_start3A_427 = arith.constant 20480 : i32
      %dma_start3A_428 = tpu.memref_slice %arg2[%dma_start3A_427] : memref<32768xi32, #tpu.memory_space<hbm>> -> memref<2048xi32, #tpu.memory_space<hbm>>
      tpu.enqueue_dma source(%dma_start3A_428 : memref<2048xi32, #tpu.memory_space<hbm>>) target(%arg8 : memref<2048xi32, #tpu.memory_space<vmem>>) target_semaphore(%run_scoped3A : memref<!tpu.dma_semaphore, #tpu.memory_space<semaphore_mem>>)
      %dma_wait3A_429 = arith.constant 20480 : i32
      %dma_wait3A_430 = tpu.memref_slice %arg2[%dma_wait3A_429] : memref<32768xi32, #tpu.memory_space<hbm>> -> memref<2048xi32, #tpu.memory_space<hbm>>
      %dma_wait3A_431 = arith.constant 20480 : i32
      %dma_wait3A_432 = tpu.memref_slice %arg2[%dma_wait3A_431] : memref<32768xi32, #tpu.memory_space<hbm>> -> memref<2048xi32, #tpu.memory_space<hbm>>
      tpu.wait_dma2 semaphore(%run_scoped3A : memref<!tpu.dma_semaphore, #tpu.memory_space<semaphore_mem>>) src(%dma_wait3A_432 : memref<2048xi32, #tpu.memory_space<hbm>>) dst(%arg8 : memref<2048xi32, #tpu.memory_space<vmem>>)
      tpu.yield
    }) : () -> ()
    %scan3A_291 = arith.constant 0 : i32
    %scan3A_292 = arith.constant 128 : i32
    %scan3A_293 = arith.addi %scan3A_291, %scan3A_292 : i32
    %scan3A_294 = arith.constant 1 : i32
    %scan3A_295 = scf.for %scan3A_425 = %scan3A_291 to %scan3A_293 step %scan3A_294 iter_args(%scan3A_426 = %scan3A_277) -> (i32)  : i32 {
      %mul3A_427 = arith.constant 16 : i32
      %mul3A_428 = arith.muli %scan3A_425, %mul3A_427 : i32
      %get3A = arith.index_cast %mul3A_428 : i32 to index
      %get3A_429 = tpu.vector_load %arg8[%get3A] {strides = array<i32>} : memref<2048xi32, #tpu.memory_space<vmem>>, vector<16xi32>,
      %and3A_430 = arith.constant 31 : i32
      %and3A_431 = vector.broadcast %and3A_430 : i32 to vector<16xi32>
      %and3A_432 = arith.andi %get3A_429, %and3A_431 : vector<16xi32>
      %eq3A = vector.broadcast %add3A : i32 to vector<16xi32>
      %eq3A_433 = arith.cmpi eq, %and3A_432, %eq3A : vector<16xi32>
      %mul3A_434 = arith.constant 16 : i32
      %mul3A_435 = arith.muli %scan3A_425, %mul3A_434 : i32
      %add3A_436 = arith.constant 20480 : i32
      %add3A_437 = arith.addi %add3A_436, %mul3A_435 : i32
      %add3A_438 = vector.broadcast %add3A_437 : i32 to vector<16xi32>
      %add3A_439 = arith.addi %add3A_438, %iota3A : vector<16xi32>
      %shift_right_arithmetic3A = arith.constant 5 : i32
      %shift_right_arithmetic3A_440 = vector.broadcast %shift_right_arithmetic3A : i32 to vector<16xi32>
      %shift_right_arithmetic3A_441 = arith.shrsi %get3A_429, %shift_right_arithmetic3A_440 : vector<16xi32>
      %shift_left3A = arith.constant 15 : i32
      %shift_left3A_442 = vector.broadcast %shift_left3A : i32 to vector<16xi32>
      %shift_left3A_443 = arith.shli %shift_right_arithmetic3A_441, %shift_left3A_442 : vector<16xi32>
      %or3A = arith.ori %shift_left3A_443, %add3A_439 : vector<16xi32>
      %swap3A_444 = arith.index_cast %scan3A_426 : i32 to index
      %swap3A_445 = tpu.vector_load %arg9[%swap3A_444] masked %eq3A_433 {strides = array<i32>} : memref<32784xi32, #tpu.memory_space<vmem>>, vector<16xi32>, vector<16xi1>
      tpu.vector_store %arg9[%swap3A_444], %or3A masked %eq3A_433 {strides = array<i32>} : memref<32784xi32, #tpu.memory_space<vmem>>, vector<16xi32>, vector<16xi1>
      %all_reduce_population_count3A = tpu.all_reduce %eq3A_433 {dim = 0 : i64, kind = #tpu.reduction_kind<sum>} : vector<16xi1> -> vector<16xi32>
      %slice3A = vector.extract_strided_slice %all_reduce_population_count3A {offsets = [0], sizes = [1], strides = [1]} : vector<16xi32> to vector<1xi32>
      %squeeze3A = vector.extract %slice3A[0] : i32 from vector<1xi32>
      %add3A_446 = arith.addi %scan3A_426, %squeeze3A : i32
      scf.yield %add3A_446 : i32
    }
    %scan3A_296 = arith.constant 128 : i32
    "tpu.region"() ({
      %run_scoped3A = tpu.sem_alloc : memref<!tpu.dma_semaphore, #tpu.memory_space<semaphore_mem>>
      %dma_start3A_425 = arith.constant 22528 : i32
      %dma_start3A_426 = tpu.memref_slice %arg2[%dma_start3A_425] : memref<32768xi32, #tpu.memory_space<hbm>> -> memref<2048xi32, #tpu.memory_space<hbm>>
      %dma_start3A_427 = arith.constant 22528 : i32
      %dma_start3A_428 = tpu.memref_slice %arg2[%dma_start3A_427] : memref<32768xi32, #tpu.memory_space<hbm>> -> memref<2048xi32, #tpu.memory_space<hbm>>
      tpu.enqueue_dma source(%dma_start3A_428 : memref<2048xi32, #tpu.memory_space<hbm>>) target(%arg8 : memref<2048xi32, #tpu.memory_space<vmem>>) target_semaphore(%run_scoped3A : memref<!tpu.dma_semaphore, #tpu.memory_space<semaphore_mem>>)
      %dma_wait3A_429 = arith.constant 22528 : i32
      %dma_wait3A_430 = tpu.memref_slice %arg2[%dma_wait3A_429] : memref<32768xi32, #tpu.memory_space<hbm>> -> memref<2048xi32, #tpu.memory_space<hbm>>
      %dma_wait3A_431 = arith.constant 22528 : i32
      %dma_wait3A_432 = tpu.memref_slice %arg2[%dma_wait3A_431] : memref<32768xi32, #tpu.memory_space<hbm>> -> memref<2048xi32, #tpu.memory_space<hbm>>
      tpu.wait_dma2 semaphore(%run_scoped3A : memref<!tpu.dma_semaphore, #tpu.memory_space<semaphore_mem>>) src(%dma_wait3A_432 : memref<2048xi32, #tpu.memory_space<hbm>>) dst(%arg8 : memref<2048xi32, #tpu.memory_space<vmem>>)
      tpu.yield
    }) : () -> ()
    %scan3A_297 = arith.constant 0 : i32
    %scan3A_298 = arith.constant 128 : i32
    %scan3A_299 = arith.addi %scan3A_297, %scan3A_298 : i32
    %scan3A_300 = arith.constant 1 : i32
    %scan3A_301 = scf.for %scan3A_425 = %scan3A_297 to %scan3A_299 step %scan3A_300 iter_args(%scan3A_426 = %scan3A_295) -> (i32)  : i32 {
      %mul3A_427 = arith.constant 16 : i32
      %mul3A_428 = arith.muli %scan3A_425, %mul3A_427 : i32
      %get3A = arith.index_cast %mul3A_428 : i32 to index
      %get3A_429 = tpu.vector_load %arg8[%get3A] {strides = array<i32>} : memref<2048xi32, #tpu.memory_space<vmem>>, vector<16xi32>,
      %and3A_430 = arith.constant 31 : i32
      %and3A_431 = vector.broadcast %and3A_430 : i32 to vector<16xi32>
      %and3A_432 = arith.andi %get3A_429, %and3A_431 : vector<16xi32>
      %eq3A = vector.broadcast %add3A : i32 to vector<16xi32>
      %eq3A_433 = arith.cmpi eq, %and3A_432, %eq3A : vector<16xi32>
      %mul3A_434 = arith.constant 16 : i32
      %mul3A_435 = arith.muli %scan3A_425, %mul3A_434 : i32
      %add3A_436 = arith.constant 22528 : i32
      %add3A_437 = arith.addi %add3A_436, %mul3A_435 : i32
      %add3A_438 = vector.broadcast %add3A_437 : i32 to vector<16xi32>
      %add3A_439 = arith.addi %add3A_438, %iota3A : vector<16xi32>
      %shift_right_arithmetic3A = arith.constant 5 : i32
      %shift_right_arithmetic3A_440 = vector.broadcast %shift_right_arithmetic3A : i32 to vector<16xi32>
      %shift_right_arithmetic3A_441 = arith.shrsi %get3A_429, %shift_right_arithmetic3A_440 : vector<16xi32>
      %shift_left3A = arith.constant 15 : i32
      %shift_left3A_442 = vector.broadcast %shift_left3A : i32 to vector<16xi32>
      %shift_left3A_443 = arith.shli %shift_right_arithmetic3A_441, %shift_left3A_442 : vector<16xi32>
      %or3A = arith.ori %shift_left3A_443, %add3A_439 : vector<16xi32>
      %swap3A_444 = arith.index_cast %scan3A_426 : i32 to index
      %swap3A_445 = tpu.vector_load %arg9[%swap3A_444] masked %eq3A_433 {strides = array<i32>} : memref<32784xi32, #tpu.memory_space<vmem>>, vector<16xi32>, vector<16xi1>
      tpu.vector_store %arg9[%swap3A_444], %or3A masked %eq3A_433 {strides = array<i32>} : memref<32784xi32, #tpu.memory_space<vmem>>, vector<16xi32>, vector<16xi1>
      %all_reduce_population_count3A = tpu.all_reduce %eq3A_433 {dim = 0 : i64, kind = #tpu.reduction_kind<sum>} : vector<16xi1> -> vector<16xi32>
      %slice3A = vector.extract_strided_slice %all_reduce_population_count3A {offsets = [0], sizes = [1], strides = [1]} : vector<16xi32> to vector<1xi32>
      %squeeze3A = vector.extract %slice3A[0] : i32 from vector<1xi32>
      %add3A_446 = arith.addi %scan3A_426, %squeeze3A : i32
      scf.yield %add3A_446 : i32
    }
    %scan3A_302 = arith.constant 128 : i32
    "tpu.region"() ({
      %run_scoped3A = tpu.sem_alloc : memref<!tpu.dma_semaphore, #tpu.memory_space<semaphore_mem>>
      %dma_start3A_425 = arith.constant 24576 : i32
      %dma_start3A_426 = tpu.memref_slice %arg2[%dma_start3A_425] : memref<32768xi32, #tpu.memory_space<hbm>> -> memref<2048xi32, #tpu.memory_space<hbm>>
      %dma_start3A_427 = arith.constant 24576 : i32
      %dma_start3A_428 = tpu.memref_slice %arg2[%dma_start3A_427] : memref<32768xi32, #tpu.memory_space<hbm>> -> memref<2048xi32, #tpu.memory_space<hbm>>
      tpu.enqueue_dma source(%dma_start3A_428 : memref<2048xi32, #tpu.memory_space<hbm>>) target(%arg8 : memref<2048xi32, #tpu.memory_space<vmem>>) target_semaphore(%run_scoped3A : memref<!tpu.dma_semaphore, #tpu.memory_space<semaphore_mem>>)
      %dma_wait3A_429 = arith.constant 24576 : i32
      %dma_wait3A_430 = tpu.memref_slice %arg2[%dma_wait3A_429] : memref<32768xi32, #tpu.memory_space<hbm>> -> memref<2048xi32, #tpu.memory_space<hbm>>
      %dma_wait3A_431 = arith.constant 24576 : i32
      %dma_wait3A_432 = tpu.memref_slice %arg2[%dma_wait3A_431] : memref<32768xi32, #tpu.memory_space<hbm>> -> memref<2048xi32, #tpu.memory_space<hbm>>
      tpu.wait_dma2 semaphore(%run_scoped3A : memref<!tpu.dma_semaphore, #tpu.memory_space<semaphore_mem>>) src(%dma_wait3A_432 : memref<2048xi32, #tpu.memory_space<hbm>>) dst(%arg8 : memref<2048xi32, #tpu.memory_space<vmem>>)
      tpu.yield
    }) : () -> ()
    %scan3A_303 = arith.constant 0 : i32
    %scan3A_304 = arith.constant 128 : i32
    %scan3A_305 = arith.addi %scan3A_303, %scan3A_304 : i32
    %scan3A_306 = arith.constant 1 : i32
    %scan3A_307 = scf.for %scan3A_425 = %scan3A_303 to %scan3A_305 step %scan3A_306 iter_args(%scan3A_426 = %scan3A_301) -> (i32)  : i32 {
      %mul3A_427 = arith.constant 16 : i32
      %mul3A_428 = arith.muli %scan3A_425, %mul3A_427 : i32
      %get3A = arith.index_cast %mul3A_428 : i32 to index
      %get3A_429 = tpu.vector_load %arg8[%get3A] {strides = array<i32>} : memref<2048xi32, #tpu.memory_space<vmem>>, vector<16xi32>,
      %and3A_430 = arith.constant 31 : i32
      %and3A_431 = vector.broadcast %and3A_430 : i32 to vector<16xi32>
      %and3A_432 = arith.andi %get3A_429, %and3A_431 : vector<16xi32>
      %eq3A = vector.broadcast %add3A : i32 to vector<16xi32>
      %eq3A_433 = arith.cmpi eq, %and3A_432, %eq3A : vector<16xi32>
      %mul3A_434 = arith.constant 16 : i32
      %mul3A_435 = arith.muli %scan3A_425, %mul3A_434 : i32
      %add3A_436 = arith.constant 24576 : i32
      %add3A_437 = arith.addi %add3A_436, %mul3A_435 : i32
      %add3A_438 = vector.broadcast %add3A_437 : i32 to vector<16xi32>
      %add3A_439 = arith.addi %add3A_438, %iota3A : vector<16xi32>
      %shift_right_arithmetic3A = arith.constant 5 : i32
      %shift_right_arithmetic3A_440 = vector.broadcast %shift_right_arithmetic3A : i32 to vector<16xi32>
      %shift_right_arithmetic3A_441 = arith.shrsi %get3A_429, %shift_right_arithmetic3A_440 : vector<16xi32>
      %shift_left3A = arith.constant 15 : i32
      %shift_left3A_442 = vector.broadcast %shift_left3A : i32 to vector<16xi32>
      %shift_left3A_443 = arith.shli %shift_right_arithmetic3A_441, %shift_left3A_442 : vector<16xi32>
      %or3A = arith.ori %shift_left3A_443, %add3A_439 : vector<16xi32>
      %swap3A_444 = arith.index_cast %scan3A_426 : i32 to index
      %swap3A_445 = tpu.vector_load %arg9[%swap3A_444] masked %eq3A_433 {strides = array<i32>} : memref<32784xi32, #tpu.memory_space<vmem>>, vector<16xi32>, vector<16xi1>
      tpu.vector_store %arg9[%swap3A_444], %or3A masked %eq3A_433 {strides = array<i32>} : memref<32784xi32, #tpu.memory_space<vmem>>, vector<16xi32>, vector<16xi1>
      %all_reduce_population_count3A = tpu.all_reduce %eq3A_433 {dim = 0 : i64, kind = #tpu.reduction_kind<sum>} : vector<16xi1> -> vector<16xi32>
      %slice3A = vector.extract_strided_slice %all_reduce_population_count3A {offsets = [0], sizes = [1], strides = [1]} : vector<16xi32> to vector<1xi32>
      %squeeze3A = vector.extract %slice3A[0] : i32 from vector<1xi32>
      %add3A_446 = arith.addi %scan3A_426, %squeeze3A : i32
      scf.yield %add3A_446 : i32
    }
    %scan3A_308 = arith.constant 128 : i32
    "tpu.region"() ({
      %run_scoped3A = tpu.sem_alloc : memref<!tpu.dma_semaphore, #tpu.memory_space<semaphore_mem>>
      %dma_start3A_425 = arith.constant 26624 : i32
      %dma_start3A_426 = tpu.memref_slice %arg2[%dma_start3A_425] : memref<32768xi32, #tpu.memory_space<hbm>> -> memref<2048xi32, #tpu.memory_space<hbm>>
      %dma_start3A_427 = arith.constant 26624 : i32
      %dma_start3A_428 = tpu.memref_slice %arg2[%dma_start3A_427] : memref<32768xi32, #tpu.memory_space<hbm>> -> memref<2048xi32, #tpu.memory_space<hbm>>
      tpu.enqueue_dma source(%dma_start3A_428 : memref<2048xi32, #tpu.memory_space<hbm>>) target(%arg8 : memref<2048xi32, #tpu.memory_space<vmem>>) target_semaphore(%run_scoped3A : memref<!tpu.dma_semaphore, #tpu.memory_space<semaphore_mem>>)
      %dma_wait3A_429 = arith.constant 26624 : i32
      %dma_wait3A_430 = tpu.memref_slice %arg2[%dma_wait3A_429] : memref<32768xi32, #tpu.memory_space<hbm>> -> memref<2048xi32, #tpu.memory_space<hbm>>
      %dma_wait3A_431 = arith.constant 26624 : i32
      %dma_wait3A_432 = tpu.memref_slice %arg2[%dma_wait3A_431] : memref<32768xi32, #tpu.memory_space<hbm>> -> memref<2048xi32, #tpu.memory_space<hbm>>
      tpu.wait_dma2 semaphore(%run_scoped3A : memref<!tpu.dma_semaphore, #tpu.memory_space<semaphore_mem>>) src(%dma_wait3A_432 : memref<2048xi32, #tpu.memory_space<hbm>>) dst(%arg8 : memref<2048xi32, #tpu.memory_space<vmem>>)
      tpu.yield
    }) : () -> ()
    %scan3A_309 = arith.constant 0 : i32
    %scan3A_310 = arith.constant 128 : i32
    %scan3A_311 = arith.addi %scan3A_309, %scan3A_310 : i32
    %scan3A_312 = arith.constant 1 : i32
    %scan3A_313 = scf.for %scan3A_425 = %scan3A_309 to %scan3A_311 step %scan3A_312 iter_args(%scan3A_426 = %scan3A_307) -> (i32)  : i32 {
      %mul3A_427 = arith.constant 16 : i32
      %mul3A_428 = arith.muli %scan3A_425, %mul3A_427 : i32
      %get3A = arith.index_cast %mul3A_428 : i32 to index
      %get3A_429 = tpu.vector_load %arg8[%get3A] {strides = array<i32>} : memref<2048xi32, #tpu.memory_space<vmem>>, vector<16xi32>,
      %and3A_430 = arith.constant 31 : i32
      %and3A_431 = vector.broadcast %and3A_430 : i32 to vector<16xi32>
      %and3A_432 = arith.andi %get3A_429, %and3A_431 : vector<16xi32>
      %eq3A = vector.broadcast %add3A : i32 to vector<16xi32>
      %eq3A_433 = arith.cmpi eq, %and3A_432, %eq3A : vector<16xi32>
      %mul3A_434 = arith.constant 16 : i32
      %mul3A_435 = arith.muli %scan3A_425, %mul3A_434 : i32
      %add3A_436 = arith.constant 26624 : i32
      %add3A_437 = arith.addi %add3A_436, %mul3A_435 : i32
      %add3A_438 = vector.broadcast %add3A_437 : i32 to vector<16xi32>
      %add3A_439 = arith.addi %add3A_438, %iota3A : vector<16xi32>
      %shift_right_arithmetic3A = arith.constant 5 : i32
      %shift_right_arithmetic3A_440 = vector.broadcast %shift_right_arithmetic3A : i32 to vector<16xi32>
      %shift_right_arithmetic3A_441 = arith.shrsi %get3A_429, %shift_right_arithmetic3A_440 : vector<16xi32>
      %shift_left3A = arith.constant 15 : i32
      %shift_left3A_442 = vector.broadcast %shift_left3A : i32 to vector<16xi32>
      %shift_left3A_443 = arith.shli %shift_right_arithmetic3A_441, %shift_left3A_442 : vector<16xi32>
      %or3A = arith.ori %shift_left3A_443, %add3A_439 : vector<16xi32>
      %swap3A_444 = arith.index_cast %scan3A_426 : i32 to index
      %swap3A_445 = tpu.vector_load %arg9[%swap3A_444] masked %eq3A_433 {strides = array<i32>} : memref<32784xi32, #tpu.memory_space<vmem>>, vector<16xi32>, vector<16xi1>
      tpu.vector_store %arg9[%swap3A_444], %or3A masked %eq3A_433 {strides = array<i32>} : memref<32784xi32, #tpu.memory_space<vmem>>, vector<16xi32>, vector<16xi1>
      %all_reduce_population_count3A = tpu.all_reduce %eq3A_433 {dim = 0 : i64, kind = #tpu.reduction_kind<sum>} : vector<16xi1> -> vector<16xi32>
      %slice3A = vector.extract_strided_slice %all_reduce_population_count3A {offsets = [0], sizes = [1], strides = [1]} : vector<16xi32> to vector<1xi32>
      %squeeze3A = vector.extract %slice3A[0] : i32 from vector<1xi32>
      %add3A_446 = arith.addi %scan3A_426, %squeeze3A : i32
      scf.yield %add3A_446 : i32
    }
    %scan3A_314 = arith.constant 128 : i32
    "tpu.region"() ({
      %run_scoped3A = tpu.sem_alloc : memref<!tpu.dma_semaphore, #tpu.memory_space<semaphore_mem>>
      %dma_start3A_425 = arith.constant 28672 : i32
      %dma_start3A_426 = tpu.memref_slice %arg2[%dma_start3A_425] : memref<32768xi32, #tpu.memory_space<hbm>> -> memref<2048xi32, #tpu.memory_space<hbm>>
      %dma_start3A_427 = arith.constant 28672 : i32
      %dma_start3A_428 = tpu.memref_slice %arg2[%dma_start3A_427] : memref<32768xi32, #tpu.memory_space<hbm>> -> memref<2048xi32, #tpu.memory_space<hbm>>
      tpu.enqueue_dma source(%dma_start3A_428 : memref<2048xi32, #tpu.memory_space<hbm>>) target(%arg8 : memref<2048xi32, #tpu.memory_space<vmem>>) target_semaphore(%run_scoped3A : memref<!tpu.dma_semaphore, #tpu.memory_space<semaphore_mem>>)
      %dma_wait3A_429 = arith.constant 28672 : i32
      %dma_wait3A_430 = tpu.memref_slice %arg2[%dma_wait3A_429] : memref<32768xi32, #tpu.memory_space<hbm>> -> memref<2048xi32, #tpu.memory_space<hbm>>
      %dma_wait3A_431 = arith.constant 28672 : i32
      %dma_wait3A_432 = tpu.memref_slice %arg2[%dma_wait3A_431] : memref<32768xi32, #tpu.memory_space<hbm>> -> memref<2048xi32, #tpu.memory_space<hbm>>
      tpu.wait_dma2 semaphore(%run_scoped3A : memref<!tpu.dma_semaphore, #tpu.memory_space<semaphore_mem>>) src(%dma_wait3A_432 : memref<2048xi32, #tpu.memory_space<hbm>>) dst(%arg8 : memref<2048xi32, #tpu.memory_space<vmem>>)
      tpu.yield
    }) : () -> ()
    %scan3A_315 = arith.constant 0 : i32
    %scan3A_316 = arith.constant 128 : i32
    %scan3A_317 = arith.addi %scan3A_315, %scan3A_316 : i32
    %scan3A_318 = arith.constant 1 : i32
    %scan3A_319 = scf.for %scan3A_425 = %scan3A_315 to %scan3A_317 step %scan3A_318 iter_args(%scan3A_426 = %scan3A_313) -> (i32)  : i32 {
      %mul3A_427 = arith.constant 16 : i32
      %mul3A_428 = arith.muli %scan3A_425, %mul3A_427 : i32
      %get3A = arith.index_cast %mul3A_428 : i32 to index
      %get3A_429 = tpu.vector_load %arg8[%get3A] {strides = array<i32>} : memref<2048xi32, #tpu.memory_space<vmem>>, vector<16xi32>,
      %and3A_430 = arith.constant 31 : i32
      %and3A_431 = vector.broadcast %and3A_430 : i32 to vector<16xi32>
      %and3A_432 = arith.andi %get3A_429, %and3A_431 : vector<16xi32>
      %eq3A = vector.broadcast %add3A : i32 to vector<16xi32>
      %eq3A_433 = arith.cmpi eq, %and3A_432, %eq3A : vector<16xi32>
      %mul3A_434 = arith.constant 16 : i32
      %mul3A_435 = arith.muli %scan3A_425, %mul3A_434 : i32
      %add3A_436 = arith.constant 28672 : i32
      %add3A_437 = arith.addi %add3A_436, %mul3A_435 : i32
      %add3A_438 = vector.broadcast %add3A_437 : i32 to vector<16xi32>
      %add3A_439 = arith.addi %add3A_438, %iota3A : vector<16xi32>
      %shift_right_arithmetic3A = arith.constant 5 : i32
      %shift_right_arithmetic3A_440 = vector.broadcast %shift_right_arithmetic3A : i32 to vector<16xi32>
      %shift_right_arithmetic3A_441 = arith.shrsi %get3A_429, %shift_right_arithmetic3A_440 : vector<16xi32>
      %shift_left3A = arith.constant 15 : i32
      %shift_left3A_442 = vector.broadcast %shift_left3A : i32 to vector<16xi32>
      %shift_left3A_443 = arith.shli %shift_right_arithmetic3A_441, %shift_left3A_442 : vector<16xi32>
      %or3A = arith.ori %shift_left3A_443, %add3A_439 : vector<16xi32>
      %swap3A_444 = arith.index_cast %scan3A_426 : i32 to index
      %swap3A_445 = tpu.vector_load %arg9[%swap3A_444] masked %eq3A_433 {strides = array<i32>} : memref<32784xi32, #tpu.memory_space<vmem>>, vector<16xi32>, vector<16xi1>
      tpu.vector_store %arg9[%swap3A_444], %or3A masked %eq3A_433 {strides = array<i32>} : memref<32784xi32, #tpu.memory_space<vmem>>, vector<16xi32>, vector<16xi1>
      %all_reduce_population_count3A = tpu.all_reduce %eq3A_433 {dim = 0 : i64, kind = #tpu.reduction_kind<sum>} : vector<16xi1> -> vector<16xi32>
      %slice3A = vector.extract_strided_slice %all_reduce_population_count3A {offsets = [0], sizes = [1], strides = [1]} : vector<16xi32> to vector<1xi32>
      %squeeze3A = vector.extract %slice3A[0] : i32 from vector<1xi32>
      %add3A_446 = arith.addi %scan3A_426, %squeeze3A : i32
      scf.yield %add3A_446 : i32
    }
    %scan3A_320 = arith.constant 128 : i32
    "tpu.region"() ({
      %run_scoped3A = tpu.sem_alloc : memref<!tpu.dma_semaphore, #tpu.memory_space<semaphore_mem>>
      %dma_start3A_425 = arith.constant 30720 : i32
      %dma_start3A_426 = tpu.memref_slice %arg2[%dma_start3A_425] : memref<32768xi32, #tpu.memory_space<hbm>> -> memref<2048xi32, #tpu.memory_space<hbm>>
      %dma_start3A_427 = arith.constant 30720 : i32
      %dma_start3A_428 = tpu.memref_slice %arg2[%dma_start3A_427] : memref<32768xi32, #tpu.memory_space<hbm>> -> memref<2048xi32, #tpu.memory_space<hbm>>
      tpu.enqueue_dma source(%dma_start3A_428 : memref<2048xi32, #tpu.memory_space<hbm>>) target(%arg8 : memref<2048xi32, #tpu.memory_space<vmem>>) target_semaphore(%run_scoped3A : memref<!tpu.dma_semaphore, #tpu.memory_space<semaphore_mem>>)
      %dma_wait3A_429 = arith.constant 30720 : i32
      %dma_wait3A_430 = tpu.memref_slice %arg2[%dma_wait3A_429] : memref<32768xi32, #tpu.memory_space<hbm>> -> memref<2048xi32, #tpu.memory_space<hbm>>
      %dma_wait3A_431 = arith.constant 30720 : i32
      %dma_wait3A_432 = tpu.memref_slice %arg2[%dma_wait3A_431] : memref<32768xi32, #tpu.memory_space<hbm>> -> memref<2048xi32, #tpu.memory_space<hbm>>
      tpu.wait_dma2 semaphore(%run_scoped3A : memref<!tpu.dma_semaphore, #tpu.memory_space<semaphore_mem>>) src(%dma_wait3A_432 : memref<2048xi32, #tpu.memory_space<hbm>>) dst(%arg8 : memref<2048xi32, #tpu.memory_space<vmem>>)
      tpu.yield
    }) : () -> ()
    %scan3A_321 = arith.constant 0 : i32
    %scan3A_322 = arith.constant 128 : i32
    %scan3A_323 = arith.addi %scan3A_321, %scan3A_322 : i32
    %scan3A_324 = arith.constant 1 : i32
    %scan3A_325 = scf.for %scan3A_425 = %scan3A_321 to %scan3A_323 step %scan3A_324 iter_args(%scan3A_426 = %scan3A_319) -> (i32)  : i32 {
      %mul3A_427 = arith.constant 16 : i32
      %mul3A_428 = arith.muli %scan3A_425, %mul3A_427 : i32
      %get3A = arith.index_cast %mul3A_428 : i32 to index
      %get3A_429 = tpu.vector_load %arg8[%get3A] {strides = array<i32>} : memref<2048xi32, #tpu.memory_space<vmem>>, vector<16xi32>,
      %and3A_430 = arith.constant 31 : i32
      %and3A_431 = vector.broadcast %and3A_430 : i32 to vector<16xi32>
      %and3A_432 = arith.andi %get3A_429, %and3A_431 : vector<16xi32>
      %eq3A = vector.broadcast %add3A : i32 to vector<16xi32>
      %eq3A_433 = arith.cmpi eq, %and3A_432, %eq3A : vector<16xi32>
      %mul3A_434 = arith.constant 16 : i32
      %mul3A_435 = arith.muli %scan3A_425, %mul3A_434 : i32
      %add3A_436 = arith.constant 30720 : i32
      %add3A_437 = arith.addi %add3A_436, %mul3A_435 : i32
      %add3A_438 = vector.broadcast %add3A_437 : i32 to vector<16xi32>
      %add3A_439 = arith.addi %add3A_438, %iota3A : vector<16xi32>
      %shift_right_arithmetic3A = arith.constant 5 : i32
      %shift_right_arithmetic3A_440 = vector.broadcast %shift_right_arithmetic3A : i32 to vector<16xi32>
      %shift_right_arithmetic3A_441 = arith.shrsi %get3A_429, %shift_right_arithmetic3A_440 : vector<16xi32>
      %shift_left3A = arith.constant 15 : i32
      %shift_left3A_442 = vector.broadcast %shift_left3A : i32 to vector<16xi32>
      %shift_left3A_443 = arith.shli %shift_right_arithmetic3A_441, %shift_left3A_442 : vector<16xi32>
      %or3A = arith.ori %shift_left3A_443, %add3A_439 : vector<16xi32>
      %swap3A_444 = arith.index_cast %scan3A_426 : i32 to index
      %swap3A_445 = tpu.vector_load %arg9[%swap3A_444] masked %eq3A_433 {strides = array<i32>} : memref<32784xi32, #tpu.memory_space<vmem>>, vector<16xi32>, vector<16xi1>
      tpu.vector_store %arg9[%swap3A_444], %or3A masked %eq3A_433 {strides = array<i32>} : memref<32784xi32, #tpu.memory_space<vmem>>, vector<16xi32>, vector<16xi1>
      %all_reduce_population_count3A = tpu.all_reduce %eq3A_433 {dim = 0 : i64, kind = #tpu.reduction_kind<sum>} : vector<16xi1> -> vector<16xi32>
      %slice3A = vector.extract_strided_slice %all_reduce_population_count3A {offsets = [0], sizes = [1], strides = [1]} : vector<16xi32> to vector<1xi32>
      %squeeze3A = vector.extract %slice3A[0] : i32 from vector<1xi32>
      %add3A_446 = arith.addi %scan3A_426, %squeeze3A : i32
      scf.yield %add3A_446 : i32
    }
    %scan3A_326 = arith.constant 128 : i32
    %add3A_327 = arith.constant 2048 : i32
    %add3A_328 = arith.addi %add3A_4, %add3A_327 : i32
    %dma_wait3A_329 = arith.constant 0 : i32
    %dma_wait3A_330 = tpu.memref_slice %arg4[%add3A_328, %dma_wait3A_329] : memref<100000x128xf32, #tpu.memory_space<hbm>> -> memref<256x128xf32, #tpu.memory_space<hbm>>
    %dma_wait3A_331 = arith.constant 0 : i32
    %dma_wait3A_332 = tpu.memref_slice %arg4[%add3A_328, %dma_wait3A_331] : memref<100000x128xf32, #tpu.memory_space<hbm>> -> memref<256x128xf32, #tpu.memory_space<hbm>>
    tpu.wait_dma2 semaphore(%arg15 : memref<!tpu.dma_semaphore, #tpu.memory_space<semaphore_mem>>) src(%arg11 : memref<256x128xf32, #tpu.memory_space<vmem>>) dst(%dma_wait3A_332 : memref<256x128xf32, #tpu.memory_space<hbm>>)
    %add3A_333 = arith.constant 2304 : i32
    %add3A_334 = arith.addi %add3A_4, %add3A_333 : i32
    %dma_wait3A_335 = arith.constant 0 : i32
    %dma_wait3A_336 = tpu.memref_slice %arg4[%add3A_334, %dma_wait3A_335] : memref<100000x128xf32, #tpu.memory_space<hbm>> -> memref<256x128xf32, #tpu.memory_space<hbm>>
    %dma_wait3A_337 = arith.constant 0 : i32
    %dma_wait3A_338 = tpu.memref_slice %arg4[%add3A_334, %dma_wait3A_337] : memref<100000x128xf32, #tpu.memory_space<hbm>> -> memref<256x128xf32, #tpu.memory_space<hbm>>
    tpu.wait_dma2 semaphore(%arg16 : memref<!tpu.dma_semaphore, #tpu.memory_space<semaphore_mem>>) src(%arg12 : memref<256x128xf32, #tpu.memory_space<vmem>>) dst(%dma_wait3A_338 : memref<256x128xf32, #tpu.memory_space<hbm>>)
    %add3A_339 = arith.constant 15 : i32
    %add3A_340 = arith.addi %scan3A_325, %add3A_339 : i32
    %div3A = arith.constant 16 : i32
    %div3A_341 = arith.divsi %add3A_340, %div3A : i32
    %while3A = arith.constant 0 : i32
    %while3A_342 = arith.constant 0 : i32
    %while3A_343 = arith.subi %div3A_341, %while3A_342 : i32
    %while3A_344 = arith.addi %while3A_342, %while3A_343 : i32
    %while3A_345 = arith.constant 1 : i32
    %while3A_346 = arith.divsi %while3A_343, %while3A_345 : i32
    %while3A_347 = arith.muli %while3A_346, %while3A_345 : i32
    %while3A_348 = arith.addi %while3A_342, %while3A_347 : i32
    %while3A_349 = arith.constant 1 : i32
    scf.for %while3A_425 = %while3A_342 to %while3A_348 step %while3A_349  : i32 {
      %mul3A_426 = arith.constant 16 : i32
      %mul3A_427 = arith.muli %while3A_425, %mul3A_426 : i32
      %add3A_428 = vector.broadcast %mul3A_427 : i32 to vector<16xi32>
      %add3A_429 = arith.addi %add3A_428, %iota3A : vector<16xi32>
      %lt3A = vector.broadcast %scan3A_325 : i32 to vector<16xi32>
      %lt3A_430 = arith.cmpi slt, %add3A_429, %lt3A : vector<16xi32>
      %mul3A_431 = arith.constant 16 : i32
      %mul3A_432 = arith.muli %while3A_425, %mul3A_431 : i32
      %get3A = arith.index_cast %mul3A_432 : i32 to index
      %get3A_433 = tpu.vector_load %arg9[%get3A] {strides = array<i32>} : memref<32784xi32, #tpu.memory_space<vmem>>, vector<16xi32>,
      %shift_right_arithmetic3A = arith.constant 15 : i32
      %shift_right_arithmetic3A_434 = vector.broadcast %shift_right_arithmetic3A : i32 to vector<16xi32>
      %shift_right_arithmetic3A_435 = arith.shrsi %get3A_433, %shift_right_arithmetic3A_434 : vector<16xi32>
      %jit3A_436 = arith.constant 0 : i32
      %broadcast_in_dim3A_437 = vector.broadcast %jit3A_436 : i32 to vector<16xi32>
      %select_n3A_438 = arith.select %lt3A_430, %shift_right_arithmetic3A_435, %broadcast_in_dim3A_437 : vector<16xi1>, vector<16xi32>
      %and3A_439 = arith.constant 32767 : i32
      %and3A_440 = vector.broadcast %and3A_439 : i32 to vector<16xi32>
      %and3A_441 = arith.andi %get3A_433, %and3A_440 : vector<16xi32>
      tpu.vector_store_idx %arg10[%select_n3A_438], %and3A_441 masked %lt3A_430 : memref<3136xi32, #tpu.memory_space<vmem>>[vector<16xi32>], vector<16xi32>, vector<16xi1>
    }
    %while3A_350 = arith.constant 1 : i32
    scf.for %while3A_425 = %while3A_348 to %while3A_344 step %while3A_350  : i32 {
      %mul3A_426 = arith.constant 16 : i32
      %mul3A_427 = arith.muli %while3A_425, %mul3A_426 : i32
      %add3A_428 = vector.broadcast %mul3A_427 : i32 to vector<16xi32>
      %add3A_429 = arith.addi %add3A_428, %iota3A : vector<16xi32>
      %lt3A = vector.broadcast %scan3A_325 : i32 to vector<16xi32>
      %lt3A_430 = arith.cmpi slt, %add3A_429, %lt3A : vector<16xi32>
      %mul3A_431 = arith.constant 16 : i32
      %mul3A_432 = arith.muli %while3A_425, %mul3A_431 : i32
      %get3A = arith.index_cast %mul3A_432 : i32 to index
      %get3A_433 = tpu.vector_load %arg9[%get3A] {strides = array<i32>} : memref<32784xi32, #tpu.memory_space<vmem>>, vector<16xi32>,
      %shift_right_arithmetic3A = arith.constant 15 : i32
      %shift_right_arithmetic3A_434 = vector.broadcast %shift_right_arithmetic3A : i32 to vector<16xi32>
      %shift_right_arithmetic3A_435 = arith.shrsi %get3A_433, %shift_right_arithmetic3A_434 : vector<16xi32>
      %jit3A_436 = arith.constant 0 : i32
      %broadcast_in_dim3A_437 = vector.broadcast %jit3A_436 : i32 to vector<16xi32>
      %select_n3A_438 = arith.select %lt3A_430, %shift_right_arithmetic3A_435, %broadcast_in_dim3A_437 : vector<16xi1>, vector<16xi32>
      %and3A_439 = arith.constant 32767 : i32
      %and3A_440 = vector.broadcast %and3A_439 : i32 to vector<16xi32>
      %and3A_441 = arith.andi %get3A_433, %and3A_440 : vector<16xi32>
      tpu.vector_store_idx %arg10[%select_n3A_438], %and3A_441 masked %lt3A_430 : memref<3136xi32, #tpu.memory_space<vmem>>[vector<16xi32>], vector<16xi32>, vector<16xi1>
    }
    %while3A_351 = arith.constant 1 : i32
    %while3A_352 = arith.constant 0 : i32
    %while3A_353:2 = scf.while (%while3A_425 = %while3A_351, %while3A_426 = %while3A_352) : (i32, i32) -> (i32, i32) {
      %gt3A_427 = arith.constant 0 : i32
      %gt3A_428 = arith.cmpi sgt, %while3A_425, %gt3A_427 : i32
      scf.condition(%gt3A_428) %while3A_425, %while3A_426 : i32, i32
    } do {
    ^bb0(%while3A_425: i32, %while3A_426: i32):
      %while3A_427 = arith.constant 0 : i32
      %while3A_428 = arith.constant 0 : i32
      %while3A_429 = arith.subi %div3A_341, %while3A_427 : i32
      %while3A_430 = arith.addi %while3A_427, %while3A_429 : i32
      %while3A_431 = arith.constant 1 : i32
      %while3A_432 = arith.divsi %while3A_429, %while3A_431 : i32
      %while3A_433 = arith.muli %while3A_432, %while3A_431 : i32
      %while3A_434 = arith.addi %while3A_427, %while3A_433 : i32
      %while3A_435 = arith.constant 1 : i32
      %while3A_436 = scf.for %while3A_441 = %while3A_427 to %while3A_434 step %while3A_435 iter_args(%while3A_442 = %while3A_428) -> (i32)  : i32 {
        %mul3A_443 = arith.constant 16 : i32
        %mul3A_444 = arith.muli %while3A_441, %mul3A_443 : i32
        %add3A_445 = vector.broadcast %mul3A_444 : i32 to vector<16xi32>
        %add3A_446 = arith.addi %add3A_445, %iota3A : vector<16xi32>
        %lt3A = vector.broadcast %scan3A_325 : i32 to vector<16xi32>
        %lt3A_447 = arith.cmpi slt, %add3A_446, %lt3A : vector<16xi32>
        %mul3A_448 = arith.constant 16 : i32
        %mul3A_449 = arith.muli %while3A_441, %mul3A_448 : i32
        %get3A = arith.index_cast %mul3A_449 : i32 to index
        %get3A_450 = tpu.vector_load %arg9[%get3A] {strides = array<i32>} : memref<32784xi32, #tpu.memory_space<vmem>>, vector<16xi32>,
        %and3A_451 = arith.constant 32767 : i32
        %and3A_452 = vector.broadcast %and3A_451 : i32 to vector<16xi32>
        %and3A_453 = arith.andi %get3A_450, %and3A_452 : vector<16xi32>
        %shift_right_arithmetic3A = arith.constant 15 : i32
        %shift_right_arithmetic3A_454 = vector.broadcast %shift_right_arithmetic3A : i32 to vector<16xi32>
        %shift_right_arithmetic3A_455 = arith.shrsi %get3A_450, %shift_right_arithmetic3A_454 : vector<16xi32>
        %jit3A_456 = arith.constant 0 : i32
        %broadcast_in_dim3A_457 = vector.broadcast %jit3A_456 : i32 to vector<16xi32>
        %select_n3A_458 = arith.select %lt3A_447, %shift_right_arithmetic3A_455, %broadcast_in_dim3A_457 : vector<16xi1>, vector<16xi32>
        %gather3A = tpu.vector_load_idx %arg10[%select_n3A_458] : memref<3136xi32, #tpu.memory_space<vmem>>[vector<16xi32>], vector<16xi32>,
        %gt3A_459 = arith.cmpi sgt, %and3A_453, %gather3A : vector<16xi32>
        %and3A_460 = arith.andi %lt3A_447, %gt3A_459 : vector<16xi1>
        tpu.vector_store_idx %arg10[%select_n3A_458], %and3A_453 masked %and3A_460 : memref<3136xi32, #tpu.memory_space<vmem>>[vector<16xi32>], vector<16xi32>, vector<16xi1>
        %convert_element_type3A_461 = arith.extui %and3A_460 : vector<16xi1> to vector<16xi32>
        %reduce_sum3A = arith.constant true
        %reduce_sum3A_462 = vector.broadcast %reduce_sum3A : i1 to vector<16xi1>
        %reduce_sum3A_463 = tpu.scan <sum>, %convert_element_type3A_461 masked %reduce_sum3A_462 : vector<16xi32>, vector<16xi1> -> vector<16xi32>
        %reduce_sum3A_464 = vector.extract %reduce_sum3A_463[15] : i32 from vector<16xi32>
        %add3A_465 = arith.addi %while3A_442, %reduce_sum3A_464 : i32
        scf.yield %add3A_465 : i32
      }
      %while3A_437 = arith.constant 1 : i32
      %while3A_438 = scf.for %while3A_441 = %while3A_434 to %while3A_430 step %while3A_437 iter_args(%while3A_442 = %while3A_436) -> (i32)  : i32 {
        %mul3A_443 = arith.constant 16 : i32
        %mul3A_444 = arith.muli %while3A_441, %mul3A_443 : i32
        %add3A_445 = vector.broadcast %mul3A_444 : i32 to vector<16xi32>
        %add3A_446 = arith.addi %add3A_445, %iota3A : vector<16xi32>
        %lt3A = vector.broadcast %scan3A_325 : i32 to vector<16xi32>
        %lt3A_447 = arith.cmpi slt, %add3A_446, %lt3A : vector<16xi32>
        %mul3A_448 = arith.constant 16 : i32
        %mul3A_449 = arith.muli %while3A_441, %mul3A_448 : i32
        %get3A = arith.index_cast %mul3A_449 : i32 to index
        %get3A_450 = tpu.vector_load %arg9[%get3A] {strides = array<i32>} : memref<32784xi32, #tpu.memory_space<vmem>>, vector<16xi32>,
        %and3A_451 = arith.constant 32767 : i32
        %and3A_452 = vector.broadcast %and3A_451 : i32 to vector<16xi32>
        %and3A_453 = arith.andi %get3A_450, %and3A_452 : vector<16xi32>
        %shift_right_arithmetic3A = arith.constant 15 : i32
        %shift_right_arithmetic3A_454 = vector.broadcast %shift_right_arithmetic3A : i32 to vector<16xi32>
        %shift_right_arithmetic3A_455 = arith.shrsi %get3A_450, %shift_right_arithmetic3A_454 : vector<16xi32>
        %jit3A_456 = arith.constant 0 : i32
        %broadcast_in_dim3A_457 = vector.broadcast %jit3A_456 : i32 to vector<16xi32>
        %select_n3A_458 = arith.select %lt3A_447, %shift_right_arithmetic3A_455, %broadcast_in_dim3A_457 : vector<16xi1>, vector<16xi32>
        %gather3A = tpu.vector_load_idx %arg10[%select_n3A_458] : memref<3136xi32, #tpu.memory_space<vmem>>[vector<16xi32>], vector<16xi32>,
        %gt3A_459 = arith.cmpi sgt, %and3A_453, %gather3A : vector<16xi32>
        %and3A_460 = arith.andi %lt3A_447, %gt3A_459 : vector<16xi1>
        tpu.vector_store_idx %arg10[%select_n3A_458], %and3A_453 masked %and3A_460 : memref<3136xi32, #tpu.memory_space<vmem>>[vector<16xi32>], vector<16xi32>, vector<16xi1>
        %convert_element_type3A_461 = arith.extui %and3A_460 : vector<16xi1> to vector<16xi32>
        %reduce_sum3A = arith.constant true
        %reduce_sum3A_462 = vector.broadcast %reduce_sum3A : i1 to vector<16xi1>
        %reduce_sum3A_463 = tpu.scan <sum>, %convert_element_type3A_461 masked %reduce_sum3A_462 : vector<16xi32>, vector<16xi1> -> vector<16xi32>
        %reduce_sum3A_464 = vector.extract %reduce_sum3A_463[15] : i32 from vector<16xi32>
        %add3A_465 = arith.addi %while3A_442, %reduce_sum3A_464 : i32
        scf.yield %add3A_465 : i32
      }
      %add3A_439 = arith.constant 1 : i32
      %add3A_440 = arith.addi %while3A_426, %add3A_439 : i32
      scf.yield %while3A_438, %add3A_440 : i32, i32
    }
    %while3A_354 = arith.constant 0 : i32
    %while3A_355 = arith.constant 0 : i32
    %while3A_356 = arith.subi %div3A_341, %while3A_354 : i32
    %while3A_357 = arith.addi %while3A_354, %while3A_356 : i32
    %while3A_358 = arith.constant 1 : i32
    %while3A_359 = arith.divsi %while3A_356, %while3A_358 : i32
    %while3A_360 = arith.muli %while3A_359, %while3A_358 : i32
    %while3A_361 = arith.addi %while3A_354, %while3A_360 : i32
    %while3A_362 = arith.constant 1 : i32
    %while3A_363 = scf.for %while3A_425 = %while3A_354 to %while3A_361 step %while3A_362 iter_args(%while3A_426 = %while3A_355) -> (i32)  : i32 {
      %mul3A_427 = arith.constant 16 : i32
      %mul3A_428 = arith.muli %while3A_425, %mul3A_427 : i32
      %add3A_429 = vector.broadcast %mul3A_428 : i32 to vector<16xi32>
      %add3A_430 = arith.addi %add3A_429, %iota3A : vector<16xi32>
      %lt3A = vector.broadcast %scan3A_325 : i32 to vector<16xi32>
      %lt3A_431 = arith.cmpi slt, %add3A_430, %lt3A : vector<16xi32>
      %mul3A_432 = arith.constant 16 : i32
      %mul3A_433 = arith.muli %while3A_425, %mul3A_432 : i32
      %get3A = arith.index_cast %mul3A_433 : i32 to index
      %get3A_434 = tpu.vector_load %arg9[%get3A] {strides = array<i32>} : memref<32784xi32, #tpu.memory_space<vmem>>, vector<16xi32>,
      %and3A_435 = arith.constant 32767 : i32
      %and3A_436 = vector.broadcast %and3A_435 : i32 to vector<16xi32>
      %and3A_437 = arith.andi %get3A_434, %and3A_436 : vector<16xi32>
      %shift_right_arithmetic3A = arith.constant 15 : i32
      %shift_right_arithmetic3A_438 = vector.broadcast %shift_right_arithmetic3A : i32 to vector<16xi32>
      %shift_right_arithmetic3A_439 = arith.shrsi %get3A_434, %shift_right_arithmetic3A_438 : vector<16xi32>
      %jit3A_440 = arith.constant 0 : i32
      %broadcast_in_dim3A_441 = vector.broadcast %jit3A_440 : i32 to vector<16xi32>
      %select_n3A_442 = arith.select %lt3A_431, %shift_right_arithmetic3A_439, %broadcast_in_dim3A_441 : vector<16xi1>, vector<16xi32>
      %gather3A = tpu.vector_load_idx %arg10[%select_n3A_442] : memref<3136xi32, #tpu.memory_space<vmem>>[vector<16xi32>], vector<16xi32>,
      %eq3A = arith.cmpi eq, %gather3A, %and3A_437 : vector<16xi32>
      %and3A_443 = arith.andi %lt3A_431, %eq3A : vector<16xi1>
      %convert_element_type3A_444 = arith.extui %and3A_443 : vector<16xi1> to vector<16xi32>
      %broadcast_in_dim3A_445 = arith.constant true
      %broadcast_in_dim3A_446 = vector.broadcast %broadcast_in_dim3A_445 : i1 to vector<16xi1>
      %masked_cumsum3A = tpu.scan <sum>, %convert_element_type3A_444 masked %broadcast_in_dim3A_446 : vector<16xi32>, vector<16xi1> -> vector<16xi32>
      %add3A_447 = vector.broadcast %while3A_426 : i32 to vector<16xi32>
      %add3A_448 = arith.addi %add3A_447, %masked_cumsum3A : vector<16xi32>
      %sub3A_449 = arith.constant 1 : i32
      %sub3A_450 = vector.broadcast %sub3A_449 : i32 to vector<16xi32>
      %sub3A_451 = arith.subi %add3A_448, %sub3A_450 : vector<16xi32>
      %jit3A_452 = arith.constant 0 : i32
      %broadcast_in_dim3A_453 = vector.broadcast %jit3A_452 : i32 to vector<16xi32>
      %select_n3A_454 = arith.select %and3A_443, %sub3A_451, %broadcast_in_dim3A_453 : vector<16xi1>, vector<16xi32>
      tpu.vector_store_idx %arg9[%select_n3A_454], %get3A_434 masked %and3A_443 : memref<32784xi32, #tpu.memory_space<vmem>>[vector<16xi32>], vector<16xi32>, vector<16xi1>
      %reduce_sum3A = arith.constant true
      %reduce_sum3A_455 = vector.broadcast %reduce_sum3A : i1 to vector<16xi1>
      %reduce_sum3A_456 = tpu.scan <sum>, %convert_element_type3A_444 masked %reduce_sum3A_455 : vector<16xi32>, vector<16xi1> -> vector<16xi32>
      %reduce_sum3A_457 = vector.extract %reduce_sum3A_456[15] : i32 from vector<16xi32>
      %add3A_458 = arith.addi %while3A_426, %reduce_sum3A_457 : i32
      scf.yield %add3A_458 : i32
    }
    %while3A_364 = arith.constant 1 : i32
    %while3A_365 = scf.for %while3A_425 = %while3A_361 to %while3A_357 step %while3A_364 iter_args(%while3A_426 = %while3A_363) -> (i32)  : i32 {
      %mul3A_427 = arith.constant 16 : i32
      %mul3A_428 = arith.muli %while3A_425, %mul3A_427 : i32
      %add3A_429 = vector.broadcast %mul3A_428 : i32 to vector<16xi32>
      %add3A_430 = arith.addi %add3A_429, %iota3A : vector<16xi32>
      %lt3A = vector.broadcast %scan3A_325 : i32 to vector<16xi32>
      %lt3A_431 = arith.cmpi slt, %add3A_430, %lt3A : vector<16xi32>
      %mul3A_432 = arith.constant 16 : i32
      %mul3A_433 = arith.muli %while3A_425, %mul3A_432 : i32
      %get3A = arith.index_cast %mul3A_433 : i32 to index
      %get3A_434 = tpu.vector_load %arg9[%get3A] {strides = array<i32>} : memref<32784xi32, #tpu.memory_space<vmem>>, vector<16xi32>,
      %and3A_435 = arith.constant 32767 : i32
      %and3A_436 = vector.broadcast %and3A_435 : i32 to vector<16xi32>
      %and3A_437 = arith.andi %get3A_434, %and3A_436 : vector<16xi32>
      %shift_right_arithmetic3A = arith.constant 15 : i32
      %shift_right_arithmetic3A_438 = vector.broadcast %shift_right_arithmetic3A : i32 to vector<16xi32>
      %shift_right_arithmetic3A_439 = arith.shrsi %get3A_434, %shift_right_arithmetic3A_438 : vector<16xi32>
      %jit3A_440 = arith.constant 0 : i32
      %broadcast_in_dim3A_441 = vector.broadcast %jit3A_440 : i32 to vector<16xi32>
      %select_n3A_442 = arith.select %lt3A_431, %shift_right_arithmetic3A_439, %broadcast_in_dim3A_441 : vector<16xi1>, vector<16xi32>
      %gather3A = tpu.vector_load_idx %arg10[%select_n3A_442] : memref<3136xi32, #tpu.memory_space<vmem>>[vector<16xi32>], vector<16xi32>,
      %eq3A = arith.cmpi eq, %gather3A, %and3A_437 : vector<16xi32>
      %and3A_443 = arith.andi %lt3A_431, %eq3A : vector<16xi1>
      %convert_element_type3A_444 = arith.extui %and3A_443 : vector<16xi1> to vector<16xi32>
      %broadcast_in_dim3A_445 = arith.constant true
      %broadcast_in_dim3A_446 = vector.broadcast %broadcast_in_dim3A_445 : i1 to vector<16xi1>
      %masked_cumsum3A = tpu.scan <sum>, %convert_element_type3A_444 masked %broadcast_in_dim3A_446 : vector<16xi32>, vector<16xi1> -> vector<16xi32>
      %add3A_447 = vector.broadcast %while3A_426 : i32 to vector<16xi32>
      %add3A_448 = arith.addi %add3A_447, %masked_cumsum3A : vector<16xi32>
      %sub3A_449 = arith.constant 1 : i32
      %sub3A_450 = vector.broadcast %sub3A_449 : i32 to vector<16xi32>
      %sub3A_451 = arith.subi %add3A_448, %sub3A_450 : vector<16xi32>
      %jit3A_452 = arith.constant 0 : i32
      %broadcast_in_dim3A_453 = vector.broadcast %jit3A_452 : i32 to vector<16xi32>
      %select_n3A_454 = arith.select %and3A_443, %sub3A_451, %broadcast_in_dim3A_453 : vector<16xi1>, vector<16xi32>
      tpu.vector_store_idx %arg9[%select_n3A_454], %get3A_434 masked %and3A_443 : memref<32784xi32, #tpu.memory_space<vmem>>[vector<16xi32>], vector<16xi32>, vector<16xi1>
      %reduce_sum3A = arith.constant true
      %reduce_sum3A_455 = vector.broadcast %reduce_sum3A : i1 to vector<16xi1>
      %reduce_sum3A_456 = tpu.scan <sum>, %convert_element_type3A_444 masked %reduce_sum3A_455 : vector<16xi32>, vector<16xi1> -> vector<16xi32>
      %reduce_sum3A_457 = vector.extract %reduce_sum3A_456[15] : i32 from vector<16xi32>
      %add3A_458 = arith.addi %while3A_426, %reduce_sum3A_457 : i32
      scf.yield %add3A_458 : i32
    }
    %add3A_366 = arith.constant 383 : i32
    %add3A_367 = arith.addi %while3A_365, %add3A_366 : i32
    %div3A_368 = arith.constant 384 : i32
    %div3A_369 = arith.divsi %add3A_367, %div3A_368 : i32
    %mul3A_370 = arith.constant 384 : i32
    %mul3A_371 = arith.muli %div3A_369, %mul3A_370 : i32
    %gt3A = arith.constant 0 : i32
    %gt3A_372 = arith.cmpi sgt, %while3A_365, %gt3A : i32
    %convert_element_type3A = arith.extui %gt3A_372 : i1 to i32
    %cond3A = arith.constant 0 : i32
    %cond3A_373 = arith.cmpi ne, %convert_element_type3A, %cond3A : i32
    scf.if %cond3A_373 {
      %scan3A_425 = arith.constant 0 : i32
      %scan3A_426 = arith.constant 0 : i32
      %scan3A_427 = arith.constant 24 : i32
      %scan3A_428 = arith.addi %scan3A_426, %scan3A_427 : i32
      %scan3A_429 = arith.constant 1 : i32
      scf.for %scan3A_431 = %scan3A_426 to %scan3A_428 step %scan3A_429  : i32 {
        %mul3A_432 = arith.constant 16 : i32
        %mul3A_433 = arith.muli %scan3A_431, %mul3A_432 : i32
        %add3A_434 = arith.addi %while3A_365, %mul3A_433 : i32
        %add3A_435 = vector.broadcast %add3A_434 : i32 to vector<16xi32>
        %add3A_436 = arith.addi %add3A_435, %iota3A : vector<16xi32>
        %lt3A = vector.broadcast %mul3A_371 : i32 to vector<16xi32>
        %lt3A_437 = arith.cmpi slt, %add3A_436, %lt3A : vector<16xi32>
        %eq3A = arith.constant 0 : i32
        %eq3A_438 = arith.cmpi eq, %while3A_365, %eq3A : i32
        %jit3A_439 = arith.constant 1 : i32
        %select_n3A_440 = arith.select %eq3A_438, %jit3A_439, %while3A_365 : i32
        %rem3A_441 = vector.broadcast %select_n3A_440 : i32 to vector<16xi32>
        %rem3A_442 = arith.remsi %add3A_436, %rem3A_441 : vector<16xi32>
        %ne3A_443 = arith.constant 0 : i32
        %ne3A_444 = vector.broadcast %ne3A_443 : i32 to vector<16xi32>
        %ne3A_445 = arith.cmpi ne, %rem3A_442, %ne3A_444 : vector<16xi32>
        %lt3A_446 = arith.constant 0 : i32
        %lt3A_447 = vector.broadcast %lt3A_446 : i32 to vector<16xi32>
        %lt3A_448 = arith.cmpi slt, %rem3A_442, %lt3A_447 : vector<16xi32>
        %lt3A_449 = arith.constant 0 : i32
        %lt3A_450 = arith.cmpi slt, %select_n3A_440, %lt3A_449 : i32
        %ne3A_451 = vector.broadcast %lt3A_450 : i1 to vector<16xi1>
        %ne3A_452 = vector.broadcast %ne3A_451 : vector<16xi1> to vector<16xi1>
        %ne3A_453 = arith.xori %lt3A_448, %ne3A_452 : vector<16xi1>
        %and3A_454 = arith.andi %ne3A_453, %ne3A_445 : vector<16xi1>
        %add3A_455 = vector.broadcast %select_n3A_440 : i32 to vector<16xi32>
        %add3A_456 = arith.addi %rem3A_442, %add3A_455 : vector<16xi32>
        %select_n3A_457 = arith.select %and3A_454, %add3A_456, %rem3A_442 : vector<16xi1>, vector<16xi32>
        %gather3A = tpu.vector_load_idx %arg9[%select_n3A_457] : memref<32784xi32, #tpu.memory_space<vmem>>[vector<16xi32>], vector<16xi32>,
        %jit3A_458 = arith.constant 0 : i32
        %broadcast_in_dim3A_459 = vector.broadcast %jit3A_458 : i32 to vector<16xi32>
        %select_n3A_460 = arith.select %lt3A_437, %add3A_436, %broadcast_in_dim3A_459 : vector<16xi1>, vector<16xi32>
        tpu.vector_store_idx %arg9[%select_n3A_460], %gather3A masked %lt3A_437 : memref<32784xi32, #tpu.memory_space<vmem>>[vector<16xi32>], vector<16xi32>, vector<16xi1>
      }
      %scan3A_430 = arith.constant 24 : i32
    } else {
    }
    %add3A_374 = arith.constant 2047 : i32
    %add3A_375 = arith.addi %mul3A_371, %add3A_374 : i32
    %jit3A = arith.constant 2048 : i32
    %div3A_376 = arith.divsi %add3A_375, %jit3A : i32
    %sign3A = arith.constant 0 : i32
    %sign3A_377 = arith.cmpi sgt, %add3A_375, %sign3A : i32
    %sign3A_378 = arith.extui %sign3A_377 : i1 to i32
    %sign3A_379 = arith.constant 0 : i32
    %sign3A_380 = arith.cmpi slt, %add3A_375, %sign3A_379 : i32
    %sign3A_381 = arith.extui %sign3A_380 : i1 to i32
    %sign3A_382 = arith.subi %sign3A_378, %sign3A_381 : i32
    %sign3A_383 = arith.constant 0 : i32
    %sign3A_384 = arith.cmpi sgt, %jit3A, %sign3A_383 : i32
    %sign3A_385 = arith.extui %sign3A_384 : i1 to i32
    %sign3A_386 = arith.constant 0 : i32
    %sign3A_387 = arith.cmpi slt, %jit3A, %sign3A_386 : i32
    %sign3A_388 = arith.extui %sign3A_387 : i1 to i32
    %sign3A_389 = arith.subi %sign3A_385, %sign3A_388 : i32
    %ne3A = arith.cmpi ne, %sign3A_382, %sign3A_389 : i32
    %rem3A = arith.remsi %add3A_375, %jit3A : i32
    %ne3A_390 = arith.constant 0 : i32
    %ne3A_391 = arith.cmpi ne, %rem3A, %ne3A_390 : i32
    %and3A = arith.andi %ne3A, %ne3A_391 : i1
    %sub3A = arith.constant 1 : i32
    %sub3A_392 = arith.subi %div3A_376, %sub3A : i32
    %select_n3A = arith.select %and3A, %sub3A_392, %div3A_376 : i32
    %while3A_393 = arith.constant 0 : i32
    %while3A_394 = arith.constant 0 : i32
    %while3A_395 = arith.subi %select_n3A, %while3A_394 : i32
    %while3A_396 = arith.addi %while3A_394, %while3A_395 : i32
    %while3A_397 = arith.constant 1 : i32
    %while3A_398 = arith.divsi %while3A_395, %while3A_397 : i32
    %while3A_399 = arith.muli %while3A_398, %while3A_397 : i32
    %while3A_400 = arith.addi %while3A_394, %while3A_399 : i32
    %while3A_401 = arith.constant 1 : i32
    scf.for %while3A_425 = %while3A_394 to %while3A_400 step %while3A_401  : i32 {
      %mul3A_426 = arith.constant 2048 : i32
      %mul3A_427 = arith.muli %while3A_425, %mul3A_426 : i32
      %mul3A_428 = arith.constant 2048 : i32
      %mul3A_429 = arith.muli %while3A_425, %mul3A_428 : i32
      "tpu.region"() ({
        %run_scoped3A = tpu.sem_alloc : memref<!tpu.dma_semaphore, #tpu.memory_space<semaphore_mem>>
        %dma_start3A_430 = tpu.memref_slice %arg9[%mul3A_427] : memref<32784xi32, #tpu.memory_space<vmem>> -> memref<2048xi32, #tpu.memory_space<vmem>>
        %dma_start3A_431 = arith.constant 0 : i32
        %dma_start3A_432 = tpu.memref_slice %arg5[%add3A, %dma_start3A_431] : memref<32x32768xi32, #tpu.memory_space<hbm>> -> memref<1x32768xi32, #tpu.memory_space<hbm>>
        %dma_start3A_433 = tpu.memref_squeeze %dma_start3A_432 : memref<1x32768xi32, #tpu.memory_space<hbm>> -> memref<32768xi32, #tpu.memory_space<hbm>>
        %dma_start3A_434 = tpu.memref_slice %dma_start3A_433[%mul3A_429] : memref<32768xi32, #tpu.memory_space<hbm>> -> memref<2048xi32, #tpu.memory_space<hbm>>
        %dma_start3A_435 = arith.constant 0 : i32
        %dma_start3A_436 = tpu.memref_slice %arg5[%add3A, %dma_start3A_435] : memref<32x32768xi32, #tpu.memory_space<hbm>> -> memref<1x32768xi32, #tpu.memory_space<hbm>>
        %dma_start3A_437 = tpu.memref_squeeze %dma_start3A_436 : memref<1x32768xi32, #tpu.memory_space<hbm>> -> memref<32768xi32, #tpu.memory_space<hbm>>
        %dma_start3A_438 = tpu.memref_slice %dma_start3A_437[%mul3A_429] : memref<32768xi32, #tpu.memory_space<hbm>> -> memref<2048xi32, #tpu.memory_space<hbm>>
        %dma_start3A_439 = tpu.memref_slice %arg9[%mul3A_427] : memref<32784xi32, #tpu.memory_space<vmem>> -> memref<2048xi32, #tpu.memory_space<vmem>>
        tpu.enqueue_dma source(%dma_start3A_439 : memref<2048xi32, #tpu.memory_space<vmem>>) target(%dma_start3A_438 : memref<2048xi32, #tpu.memory_space<hbm>>) target_semaphore(%run_scoped3A : memref<!tpu.dma_semaphore, #tpu.memory_space<semaphore_mem>>)
        %dma_wait3A_440 = tpu.memref_slice %arg9[%mul3A_427] : memref<32784xi32, #tpu.memory_space<vmem>> -> memref<2048xi32, #tpu.memory_space<vmem>>
        %dma_wait3A_441 = arith.constant 0 : i32
        %dma_wait3A_442 = tpu.memref_slice %arg5[%add3A, %dma_wait3A_441] : memref<32x32768xi32, #tpu.memory_space<hbm>> -> memref<1x32768xi32, #tpu.memory_space<hbm>>
        %dma_wait3A_443 = tpu.memref_squeeze %dma_wait3A_442 : memref<1x32768xi32, #tpu.memory_space<hbm>> -> memref<32768xi32, #tpu.memory_space<hbm>>
        %dma_wait3A_444 = tpu.memref_slice %dma_wait3A_443[%mul3A_429] : memref<32768xi32, #tpu.memory_space<hbm>> -> memref<2048xi32, #tpu.memory_space<hbm>>
        %dma_wait3A_445 = arith.constant 0 : i32
        %dma_wait3A_446 = tpu.memref_slice %arg5[%add3A, %dma_wait3A_445] : memref<32x32768xi32, #tpu.memory_space<hbm>> -> memref<1x32768xi32, #tpu.memory_space<hbm>>
        %dma_wait3A_447 = tpu.memref_squeeze %dma_wait3A_446 : memref<1x32768xi32, #tpu.memory_space<hbm>> -> memref<32768xi32, #tpu.memory_space<hbm>>
        %dma_wait3A_448 = tpu.memref_slice %dma_wait3A_447[%mul3A_429] : memref<32768xi32, #tpu.memory_space<hbm>> -> memref<2048xi32, #tpu.memory_space<hbm>>
        %dma_wait3A_449 = tpu.memref_slice %arg9[%mul3A_427] : memref<32784xi32, #tpu.memory_space<vmem>> -> memref<2048xi32, #tpu.memory_space<vmem>>
        tpu.wait_dma2 semaphore(%run_scoped3A : memref<!tpu.dma_semaphore, #tpu.memory_space<semaphore_mem>>) src(%dma_wait3A_449 : memref<2048xi32, #tpu.memory_space<vmem>>) dst(%dma_wait3A_448 : memref<2048xi32, #tpu.memory_space<hbm>>)
        tpu.yield
      }) : () -> ()
    }
    %while3A_402 = arith.constant 1 : i32
    scf.for %while3A_425 = %while3A_400 to %while3A_396 step %while3A_402  : i32 {
      %mul3A_426 = arith.constant 2048 : i32
      %mul3A_427 = arith.muli %while3A_425, %mul3A_426 : i32
      %mul3A_428 = arith.constant 2048 : i32
      %mul3A_429 = arith.muli %while3A_425, %mul3A_428 : i32
      "tpu.region"() ({
        %run_scoped3A = tpu.sem_alloc : memref<!tpu.dma_semaphore, #tpu.memory_space<semaphore_mem>>
        %dma_start3A_430 = tpu.memref_slice %arg9[%mul3A_427] : memref<32784xi32, #tpu.memory_space<vmem>> -> memref<2048xi32, #tpu.memory_space<vmem>>
        %dma_start3A_431 = arith.constant 0 : i32
        %dma_start3A_432 = tpu.memref_slice %arg5[%add3A, %dma_start3A_431] : memref<32x32768xi32, #tpu.memory_space<hbm>> -> memref<1x32768xi32, #tpu.memory_space<hbm>>
        %dma_start3A_433 = tpu.memref_squeeze %dma_start3A_432 : memref<1x32768xi32, #tpu.memory_space<hbm>> -> memref<32768xi32, #tpu.memory_space<hbm>>
        %dma_start3A_434 = tpu.memref_slice %dma_start3A_433[%mul3A_429] : memref<32768xi32, #tpu.memory_space<hbm>> -> memref<2048xi32, #tpu.memory_space<hbm>>
        %dma_start3A_435 = arith.constant 0 : i32
        %dma_start3A_436 = tpu.memref_slice %arg5[%add3A, %dma_start3A_435] : memref<32x32768xi32, #tpu.memory_space<hbm>> -> memref<1x32768xi32, #tpu.memory_space<hbm>>
        %dma_start3A_437 = tpu.memref_squeeze %dma_start3A_436 : memref<1x32768xi32, #tpu.memory_space<hbm>> -> memref<32768xi32, #tpu.memory_space<hbm>>
        %dma_start3A_438 = tpu.memref_slice %dma_start3A_437[%mul3A_429] : memref<32768xi32, #tpu.memory_space<hbm>> -> memref<2048xi32, #tpu.memory_space<hbm>>
        %dma_start3A_439 = tpu.memref_slice %arg9[%mul3A_427] : memref<32784xi32, #tpu.memory_space<vmem>> -> memref<2048xi32, #tpu.memory_space<vmem>>
        tpu.enqueue_dma source(%dma_start3A_439 : memref<2048xi32, #tpu.memory_space<vmem>>) target(%dma_start3A_438 : memref<2048xi32, #tpu.memory_space<hbm>>) target_semaphore(%run_scoped3A : memref<!tpu.dma_semaphore, #tpu.memory_space<semaphore_mem>>)
        %dma_wait3A_440 = tpu.memref_slice %arg9[%mul3A_427] : memref<32784xi32, #tpu.memory_space<vmem>> -> memref<2048xi32, #tpu.memory_space<vmem>>
        %dma_wait3A_441 = arith.constant 0 : i32
        %dma_wait3A_442 = tpu.memref_slice %arg5[%add3A, %dma_wait3A_441] : memref<32x32768xi32, #tpu.memory_space<hbm>> -> memref<1x32768xi32, #tpu.memory_space<hbm>>
        %dma_wait3A_443 = tpu.memref_squeeze %dma_wait3A_442 : memref<1x32768xi32, #tpu.memory_space<hbm>> -> memref<32768xi32, #tpu.memory_space<hbm>>
        %dma_wait3A_444 = tpu.memref_slice %dma_wait3A_443[%mul3A_429] : memref<32768xi32, #tpu.memory_space<hbm>> -> memref<2048xi32, #tpu.memory_space<hbm>>
        %dma_wait3A_445 = arith.constant 0 : i32
        %dma_wait3A_446 = tpu.memref_slice %arg5[%add3A, %dma_wait3A_445] : memref<32x32768xi32, #tpu.memory_space<hbm>> -> memref<1x32768xi32, #tpu.memory_space<hbm>>
        %dma_wait3A_447 = tpu.memref_squeeze %dma_wait3A_446 : memref<1x32768xi32, #tpu.memory_space<hbm>> -> memref<32768xi32, #tpu.memory_space<hbm>>
        %dma_wait3A_448 = tpu.memref_slice %dma_wait3A_447[%mul3A_429] : memref<32768xi32, #tpu.memory_space<hbm>> -> memref<2048xi32, #tpu.memory_space<hbm>>
        %dma_wait3A_449 = tpu.memref_slice %arg9[%mul3A_427] : memref<32784xi32, #tpu.memory_space<vmem>> -> memref<2048xi32, #tpu.memory_space<vmem>>
        tpu.wait_dma2 semaphore(%run_scoped3A : memref<!tpu.dma_semaphore, #tpu.memory_space<semaphore_mem>>) src(%dma_wait3A_449 : memref<2048xi32, #tpu.memory_space<vmem>>) dst(%dma_wait3A_448 : memref<2048xi32, #tpu.memory_space<hbm>>)
        tpu.yield
      }) : () -> ()
    }
    %broadcast_in_dim3A = vector.broadcast %mul3A_371 : i32 to vector<16xi32>
    %swap3A = arith.constant 0 : index
    %swap3A_403 = tpu.vector_load %arg8[%swap3A] {strides = array<i32>} : memref<2048xi32, #tpu.memory_space<vmem>>, vector<16xi32>,
    tpu.vector_store %arg8[%swap3A], %broadcast_in_dim3A {strides = array<i32>} : memref<2048xi32, #tpu.memory_space<vmem>>, vector<16xi32>,
    %broadcast_in_dim3A_404 = vector.broadcast %mul3A_371 : i32 to vector<16xi32>
    %swap3A_405 = arith.constant 16 : index
    %swap3A_406 = tpu.vector_load %arg8[%swap3A_405] {strides = array<i32>} : memref<2048xi32, #tpu.memory_space<vmem>>, vector<16xi32>,
    tpu.vector_store %arg8[%swap3A_405], %broadcast_in_dim3A_404 {strides = array<i32>} : memref<2048xi32, #tpu.memory_space<vmem>>, vector<16xi32>,
    %broadcast_in_dim3A_407 = vector.broadcast %mul3A_371 : i32 to vector<16xi32>
    %swap3A_408 = arith.constant 32 : index
    %swap3A_409 = tpu.vector_load %arg8[%swap3A_408] {strides = array<i32>} : memref<2048xi32, #tpu.memory_space<vmem>>, vector<16xi32>,
    tpu.vector_store %arg8[%swap3A_408], %broadcast_in_dim3A_407 {strides = array<i32>} : memref<2048xi32, #tpu.memory_space<vmem>>, vector<16xi32>,
    %broadcast_in_dim3A_410 = vector.broadcast %mul3A_371 : i32 to vector<16xi32>
    %swap3A_411 = arith.constant 48 : index
    %swap3A_412 = tpu.vector_load %arg8[%swap3A_411] {strides = array<i32>} : memref<2048xi32, #tpu.memory_space<vmem>>, vector<16xi32>,
    tpu.vector_store %arg8[%swap3A_411], %broadcast_in_dim3A_410 {strides = array<i32>} : memref<2048xi32, #tpu.memory_space<vmem>>, vector<16xi32>,
    %broadcast_in_dim3A_413 = vector.broadcast %mul3A_371 : i32 to vector<16xi32>
    %swap3A_414 = arith.constant 64 : index
    %swap3A_415 = tpu.vector_load %arg8[%swap3A_414] {strides = array<i32>} : memref<2048xi32, #tpu.memory_space<vmem>>, vector<16xi32>,
    tpu.vector_store %arg8[%swap3A_414], %broadcast_in_dim3A_413 {strides = array<i32>} : memref<2048xi32, #tpu.memory_space<vmem>>, vector<16xi32>,
    %broadcast_in_dim3A_416 = vector.broadcast %mul3A_371 : i32 to vector<16xi32>
    %swap3A_417 = arith.constant 80 : index
    %swap3A_418 = tpu.vector_load %arg8[%swap3A_417] {strides = array<i32>} : memref<2048xi32, #tpu.memory_space<vmem>>, vector<16xi32>,
    tpu.vector_store %arg8[%swap3A_417], %broadcast_in_dim3A_416 {strides = array<i32>} : memref<2048xi32, #tpu.memory_space<vmem>>, vector<16xi32>,
    %broadcast_in_dim3A_419 = vector.broadcast %mul3A_371 : i32 to vector<16xi32>
    %swap3A_420 = arith.constant 96 : index
    %swap3A_421 = tpu.vector_load %arg8[%swap3A_420] {strides = array<i32>} : memref<2048xi32, #tpu.memory_space<vmem>>, vector<16xi32>,
    tpu.vector_store %arg8[%swap3A_420], %broadcast_in_dim3A_419 {strides = array<i32>} : memref<2048xi32, #tpu.memory_space<vmem>>, vector<16xi32>,
    %broadcast_in_dim3A_422 = vector.broadcast %mul3A_371 : i32 to vector<16xi32>
    %swap3A_423 = arith.constant 112 : index
    %swap3A_424 = tpu.vector_load %arg8[%swap3A_423] {strides = array<i32>} : memref<2048xi32, #tpu.memory_space<vmem>>, vector<16xi32>,
    tpu.vector_store %arg8[%swap3A_423], %broadcast_in_dim3A_422 {strides = array<i32>} : memref<2048xi32, #tpu.memory_space<vmem>>, vector<16xi32>,
    "tpu.region"() ({
      %run_scoped3A = tpu.sem_alloc : memref<!tpu.dma_semaphore, #tpu.memory_space<semaphore_mem>>
      %dma_start3A_425 = arith.constant 0 : i32
      %dma_start3A_426 = tpu.memref_slice %arg8[%dma_start3A_425] : memref<2048xi32, #tpu.memory_space<vmem>> -> memref<128xi32, #tpu.memory_space<vmem>>
      %dma_start3A_427 = arith.constant 0 : i32
      %dma_start3A_428 = tpu.memref_slice %arg6[%add3A, %dma_start3A_427] : memref<32x128xi32, #tpu.memory_space<hbm>> -> memref<1x128xi32, #tpu.memory_space<hbm>>
      %dma_start3A_429 = tpu.memref_squeeze %dma_start3A_428 : memref<1x128xi32, #tpu.memory_space<hbm>> -> memref<128xi32, #tpu.memory_space<hbm>>
      %dma_start3A_430 = arith.constant 0 : i32
      %dma_start3A_431 = tpu.memref_slice %arg6[%add3A, %dma_start3A_430] : memref<32x128xi32, #tpu.memory_space<hbm>> -> memref<1x128xi32, #tpu.memory_space<hbm>>
      %dma_start3A_432 = tpu.memref_squeeze %dma_start3A_431 : memref<1x128xi32, #tpu.memory_space<hbm>> -> memref<128xi32, #tpu.memory_space<hbm>>
      %dma_start3A_433 = arith.constant 0 : i32
      %dma_start3A_434 = tpu.memref_slice %arg8[%dma_start3A_433] : memref<2048xi32, #tpu.memory_space<vmem>> -> memref<128xi32, #tpu.memory_space<vmem>>
      tpu.enqueue_dma source(%dma_start3A_434 : memref<128xi32, #tpu.memory_space<vmem>>) target(%dma_start3A_432 : memref<128xi32, #tpu.memory_space<hbm>>) target_semaphore(%run_scoped3A : memref<!tpu.dma_semaphore, #tpu.memory_space<semaphore_mem>>)
      %dma_wait3A_435 = arith.constant 0 : i32
      %dma_wait3A_436 = tpu.memref_slice %arg8[%dma_wait3A_435] : memref<2048xi32, #tpu.memory_space<vmem>> -> memref<128xi32, #tpu.memory_space<vmem>>
      %dma_wait3A_437 = arith.constant 0 : i32
      %dma_wait3A_438 = tpu.memref_slice %arg6[%add3A, %dma_wait3A_437] : memref<32x128xi32, #tpu.memory_space<hbm>> -> memref<1x128xi32, #tpu.memory_space<hbm>>
      %dma_wait3A_439 = tpu.memref_squeeze %dma_wait3A_438 : memref<1x128xi32, #tpu.memory_space<hbm>> -> memref<128xi32, #tpu.memory_space<hbm>>
      %dma_wait3A_440 = arith.constant 0 : i32
      %dma_wait3A_441 = tpu.memref_slice %arg6[%add3A, %dma_wait3A_440] : memref<32x128xi32, #tpu.memory_space<hbm>> -> memref<1x128xi32, #tpu.memory_space<hbm>>
      %dma_wait3A_442 = tpu.memref_squeeze %dma_wait3A_441 : memref<1x128xi32, #tpu.memory_space<hbm>> -> memref<128xi32, #tpu.memory_space<hbm>>
      %dma_wait3A_443 = arith.constant 0 : i32
      %dma_wait3A_444 = tpu.memref_slice %arg8[%dma_wait3A_443] : memref<2048xi32, #tpu.memory_space<vmem>> -> memref<128xi32, #tpu.memory_space<vmem>>
      tpu.wait_dma2 semaphore(%run_scoped3A : memref<!tpu.dma_semaphore, #tpu.memory_space<semaphore_mem>>) src(%dma_wait3A_444 : memref<128xi32, #tpu.memory_space<vmem>>) dst(%dma_wait3A_442 : memref<128xi32, #tpu.memory_space<hbm>>)
      tpu.yield
    }) : () -> ()
    return
  }
}

#map = affine_map<(d0, d1) -> (0, 0)>
#map1 = affine_map<(d0, d1) -> (0)>
#map2 = affine_map<(d0, d1) -> (0, 0, 0)>
module attributes {stable_mosaic.version = 14 : i64} {
  func.func @_gather_body(%arg0: i32, %arg1: i32, %arg2: memref<100000x128xf32, #tpu.memory_space<hbm>>, %arg3: memref<32768xi32, #tpu.memory_space<hbm>>, %arg4: memref<2x16384x128xf32, #tpu.memory_space<hbm>>, %arg5: memref<256xi32, #tpu.memory_space<vmem>>, %arg6: memref<256xi32, #tpu.memory_space<vmem>>, %arg7: memref<256x128xf32, #tpu.memory_space<vmem>>, %arg8: memref<256x128xf32, #tpu.memory_space<vmem>>, %arg9: memref<!tpu.dma_semaphore, #tpu.memory_space<semaphore_mem>>, %arg10: memref<!tpu.dma_semaphore, #tpu.memory_space<semaphore_mem>>) attributes {dimension_semantics = [#tpu.dimension_semantics<core_parallel>, #tpu.dimension_semantics<subcore_parallel>], iteration_bounds = array<i64: 2, 16>, scalar_prefetch = 0 : i64, scratch_operands = 6 : i64, tpu.core_type = #tpu.core_type<sc_vector_subcore>, window_params = [{transform_indices = #map}, {transform_indices = #map1}, {transform_indices = #map2}]} {
    %mul3A = arith.constant 2 : i32
    %mul3A_0 = arith.muli %arg1, %mul3A : i32
    %add3A = arith.addi %mul3A_0, %arg0 : i32
    %mul3A_1 = arith.constant 1024 : i32
    %mul3A_2 = arith.muli %add3A, %mul3A_1 : i32
    %jit3A = arith.constant 16 : i32
    %div3A = arith.divsi %add3A, %jit3A : i32
    %sign3A = arith.constant 0 : i32
    %sign3A_3 = arith.cmpi sgt, %add3A, %sign3A : i32
    %sign3A_4 = arith.extui %sign3A_3 : i1 to i32
    %sign3A_5 = arith.constant 0 : i32
    %sign3A_6 = arith.cmpi slt, %add3A, %sign3A_5 : i32
    %sign3A_7 = arith.extui %sign3A_6 : i1 to i32
    %sign3A_8 = arith.subi %sign3A_4, %sign3A_7 : i32
    %sign3A_9 = arith.constant 0 : i32
    %sign3A_10 = arith.cmpi sgt, %jit3A, %sign3A_9 : i32
    %sign3A_11 = arith.extui %sign3A_10 : i1 to i32
    %sign3A_12 = arith.constant 0 : i32
    %sign3A_13 = arith.cmpi slt, %jit3A, %sign3A_12 : i32
    %sign3A_14 = arith.extui %sign3A_13 : i1 to i32
    %sign3A_15 = arith.subi %sign3A_11, %sign3A_14 : i32
    %ne3A = arith.cmpi ne, %sign3A_8, %sign3A_15 : i32
    %rem3A = arith.remsi %add3A, %jit3A : i32
    %ne3A_16 = arith.constant 0 : i32
    %ne3A_17 = arith.cmpi ne, %rem3A, %ne3A_16 : i32
    %and3A = arith.andi %ne3A, %ne3A_17 : i1
    %sub3A = arith.constant 1 : i32
    %sub3A_18 = arith.subi %div3A, %sub3A : i32
    %select_n3A = arith.select %and3A, %sub3A_18, %div3A : i32
    %mul3A_19 = arith.constant 16384 : i32
    %mul3A_20 = arith.muli %select_n3A, %mul3A_19 : i32
    %sub3A_21 = arith.subi %mul3A_2, %mul3A_20 : i32
    "tpu.region"() ({
      %run_scoped3A = tpu.sem_alloc : memref<!tpu.dma_semaphore, #tpu.memory_space<semaphore_mem>>
      %dma_start3A_58 = tpu.memref_slice %arg3[%mul3A_2] : memref<32768xi32, #tpu.memory_space<hbm>> -> memref<256xi32, #tpu.memory_space<hbm>>
      %dma_start3A_59 = tpu.memref_slice %arg3[%mul3A_2] : memref<32768xi32, #tpu.memory_space<hbm>> -> memref<256xi32, #tpu.memory_space<hbm>>
      tpu.enqueue_dma source(%dma_start3A_59 : memref<256xi32, #tpu.memory_space<hbm>>) target(%arg5 : memref<256xi32, #tpu.memory_space<vmem>>) target_semaphore(%run_scoped3A : memref<!tpu.dma_semaphore, #tpu.memory_space<semaphore_mem>>)
      %dma_wait3A_60 = tpu.memref_slice %arg3[%mul3A_2] : memref<32768xi32, #tpu.memory_space<hbm>> -> memref<256xi32, #tpu.memory_space<hbm>>
      %dma_wait3A_61 = tpu.memref_slice %arg3[%mul3A_2] : memref<32768xi32, #tpu.memory_space<hbm>> -> memref<256xi32, #tpu.memory_space<hbm>>
      tpu.wait_dma2 semaphore(%run_scoped3A : memref<!tpu.dma_semaphore, #tpu.memory_space<semaphore_mem>>) src(%dma_wait3A_61 : memref<256xi32, #tpu.memory_space<hbm>>) dst(%arg5 : memref<256xi32, #tpu.memory_space<vmem>>)
      tpu.yield
    }) : () -> ()
    %dma_start3A = arith.constant 0 : i32
    %dma_start3A_22 = arith.constant 0 : i32
    %dma_start3A_23 = tpu.memref_slice %arg2[%dma_start3A, %dma_start3A_22] : memref<100000x128xf32, #tpu.memory_space<hbm>> -> memref<100000x128xf32, #tpu.memory_space<hbm>>
    tpu.enqueue_indirect_dma source(%dma_start3A_23 : memref<100000x128xf32, #tpu.memory_space<hbm>>) target(%arg7 : memref<256x128xf32, #tpu.memory_space<vmem>>) offsets(%arg5 : memref<256xi32, #tpu.memory_space<vmem>>) semaphore(%arg9 : memref<!tpu.dma_semaphore, #tpu.memory_space<semaphore_mem>>)
    %add3A_24 = arith.constant 256 : i32
    %add3A_25 = arith.addi %mul3A_2, %add3A_24 : i32
    "tpu.region"() ({
      %run_scoped3A = tpu.sem_alloc : memref<!tpu.dma_semaphore, #tpu.memory_space<semaphore_mem>>
      %dma_start3A_58 = tpu.memref_slice %arg3[%add3A_25] : memref<32768xi32, #tpu.memory_space<hbm>> -> memref<256xi32, #tpu.memory_space<hbm>>
      %dma_start3A_59 = tpu.memref_slice %arg3[%add3A_25] : memref<32768xi32, #tpu.memory_space<hbm>> -> memref<256xi32, #tpu.memory_space<hbm>>
      tpu.enqueue_dma source(%dma_start3A_59 : memref<256xi32, #tpu.memory_space<hbm>>) target(%arg6 : memref<256xi32, #tpu.memory_space<vmem>>) target_semaphore(%run_scoped3A : memref<!tpu.dma_semaphore, #tpu.memory_space<semaphore_mem>>)
      %dma_wait3A_60 = tpu.memref_slice %arg3[%add3A_25] : memref<32768xi32, #tpu.memory_space<hbm>> -> memref<256xi32, #tpu.memory_space<hbm>>
      %dma_wait3A_61 = tpu.memref_slice %arg3[%add3A_25] : memref<32768xi32, #tpu.memory_space<hbm>> -> memref<256xi32, #tpu.memory_space<hbm>>
      tpu.wait_dma2 semaphore(%run_scoped3A : memref<!tpu.dma_semaphore, #tpu.memory_space<semaphore_mem>>) src(%dma_wait3A_61 : memref<256xi32, #tpu.memory_space<hbm>>) dst(%arg6 : memref<256xi32, #tpu.memory_space<vmem>>)
      tpu.yield
    }) : () -> ()
    %dma_start3A_26 = arith.constant 0 : i32
    %dma_start3A_27 = arith.constant 0 : i32
    %dma_start3A_28 = tpu.memref_slice %arg2[%dma_start3A_26, %dma_start3A_27] : memref<100000x128xf32, #tpu.memory_space<hbm>> -> memref<100000x128xf32, #tpu.memory_space<hbm>>
    tpu.enqueue_indirect_dma source(%dma_start3A_28 : memref<100000x128xf32, #tpu.memory_space<hbm>>) target(%arg8 : memref<256x128xf32, #tpu.memory_space<vmem>>) offsets(%arg6 : memref<256xi32, #tpu.memory_space<vmem>>) semaphore(%arg10 : memref<!tpu.dma_semaphore, #tpu.memory_space<semaphore_mem>>)
    %dma_wait3A = arith.constant 0 : i32
    %dma_wait3A_29 = arith.constant 0 : i32
    %dma_wait3A_30 = tpu.memref_slice %arg2[%dma_wait3A, %dma_wait3A_29] : memref<100000x128xf32, #tpu.memory_space<hbm>> -> memref<100000x128xf32, #tpu.memory_space<hbm>>
    tpu.wait_indirect_dma semaphore(%arg9 : memref<!tpu.dma_semaphore, #tpu.memory_space<semaphore_mem>>) src(%dma_wait3A_30 : memref<100000x128xf32, #tpu.memory_space<hbm>>) dst(%arg7 : memref<256x128xf32, #tpu.memory_space<vmem>>)
    %add3A_31 = arith.constant 0 : i32
    %add3A_32 = arith.addi %sub3A_21, %add3A_31 : i32
    "tpu.region"() ({
      %run_scoped3A = tpu.sem_alloc : memref<!tpu.dma_semaphore, #tpu.memory_space<semaphore_mem>>
      %dma_start3A_58 = arith.constant 0 : i32
      %dma_start3A_59 = arith.constant 0 : i32
      %dma_start3A_60 = tpu.memref_slice %arg4[%select_n3A, %dma_start3A_58, %dma_start3A_59] : memref<2x16384x128xf32, #tpu.memory_space<hbm>> -> memref<1x16384x128xf32, #tpu.memory_space<hbm>>
      %dma_start3A_61 = tpu.memref_squeeze %dma_start3A_60 : memref<1x16384x128xf32, #tpu.memory_space<hbm>> -> memref<16384x128xf32, #tpu.memory_space<hbm>>
      %dma_start3A_62 = arith.constant 0 : i32
      %dma_start3A_63 = tpu.memref_slice %dma_start3A_61[%add3A_32, %dma_start3A_62] : memref<16384x128xf32, #tpu.memory_space<hbm>> -> memref<256x128xf32, #tpu.memory_space<hbm>>
      %dma_start3A_64 = arith.constant 0 : i32
      %dma_start3A_65 = arith.constant 0 : i32
      %dma_start3A_66 = tpu.memref_slice %arg4[%select_n3A, %dma_start3A_64, %dma_start3A_65] : memref<2x16384x128xf32, #tpu.memory_space<hbm>> -> memref<1x16384x128xf32, #tpu.memory_space<hbm>>
      %dma_start3A_67 = tpu.memref_squeeze %dma_start3A_66 : memref<1x16384x128xf32, #tpu.memory_space<hbm>> -> memref<16384x128xf32, #tpu.memory_space<hbm>>
      %dma_start3A_68 = arith.constant 0 : i32
      %dma_start3A_69 = tpu.memref_slice %dma_start3A_67[%add3A_32, %dma_start3A_68] : memref<16384x128xf32, #tpu.memory_space<hbm>> -> memref<256x128xf32, #tpu.memory_space<hbm>>
      tpu.enqueue_dma source(%arg7 : memref<256x128xf32, #tpu.memory_space<vmem>>) target(%dma_start3A_69 : memref<256x128xf32, #tpu.memory_space<hbm>>) target_semaphore(%run_scoped3A : memref<!tpu.dma_semaphore, #tpu.memory_space<semaphore_mem>>)
      %dma_wait3A_70 = arith.constant 0 : i32
      %dma_wait3A_71 = arith.constant 0 : i32
      %dma_wait3A_72 = tpu.memref_slice %arg4[%select_n3A, %dma_wait3A_70, %dma_wait3A_71] : memref<2x16384x128xf32, #tpu.memory_space<hbm>> -> memref<1x16384x128xf32, #tpu.memory_space<hbm>>
      %dma_wait3A_73 = tpu.memref_squeeze %dma_wait3A_72 : memref<1x16384x128xf32, #tpu.memory_space<hbm>> -> memref<16384x128xf32, #tpu.memory_space<hbm>>
      %dma_wait3A_74 = arith.constant 0 : i32
      %dma_wait3A_75 = tpu.memref_slice %dma_wait3A_73[%add3A_32, %dma_wait3A_74] : memref<16384x128xf32, #tpu.memory_space<hbm>> -> memref<256x128xf32, #tpu.memory_space<hbm>>
      %dma_wait3A_76 = arith.constant 0 : i32
      %dma_wait3A_77 = arith.constant 0 : i32
      %dma_wait3A_78 = tpu.memref_slice %arg4[%select_n3A, %dma_wait3A_76, %dma_wait3A_77] : memref<2x16384x128xf32, #tpu.memory_space<hbm>> -> memref<1x16384x128xf32, #tpu.memory_space<hbm>>
      %dma_wait3A_79 = tpu.memref_squeeze %dma_wait3A_78 : memref<1x16384x128xf32, #tpu.memory_space<hbm>> -> memref<16384x128xf32, #tpu.memory_space<hbm>>
      %dma_wait3A_80 = arith.constant 0 : i32
      %dma_wait3A_81 = tpu.memref_slice %dma_wait3A_79[%add3A_32, %dma_wait3A_80] : memref<16384x128xf32, #tpu.memory_space<hbm>> -> memref<256x128xf32, #tpu.memory_space<hbm>>
      tpu.wait_dma2 semaphore(%run_scoped3A : memref<!tpu.dma_semaphore, #tpu.memory_space<semaphore_mem>>) src(%arg7 : memref<256x128xf32, #tpu.memory_space<vmem>>) dst(%dma_wait3A_81 : memref<256x128xf32, #tpu.memory_space<hbm>>)
      tpu.yield
    }) : () -> ()
    %add3A_33 = arith.constant 512 : i32
    %add3A_34 = arith.addi %mul3A_2, %add3A_33 : i32
    "tpu.region"() ({
      %run_scoped3A = tpu.sem_alloc : memref<!tpu.dma_semaphore, #tpu.memory_space<semaphore_mem>>
      %dma_start3A_58 = tpu.memref_slice %arg3[%add3A_34] : memref<32768xi32, #tpu.memory_space<hbm>> -> memref<256xi32, #tpu.memory_space<hbm>>
      %dma_start3A_59 = tpu.memref_slice %arg3[%add3A_34] : memref<32768xi32, #tpu.memory_space<hbm>> -> memref<256xi32, #tpu.memory_space<hbm>>
      tpu.enqueue_dma source(%dma_start3A_59 : memref<256xi32, #tpu.memory_space<hbm>>) target(%arg5 : memref<256xi32, #tpu.memory_space<vmem>>) target_semaphore(%run_scoped3A : memref<!tpu.dma_semaphore, #tpu.memory_space<semaphore_mem>>)
      %dma_wait3A_60 = tpu.memref_slice %arg3[%add3A_34] : memref<32768xi32, #tpu.memory_space<hbm>> -> memref<256xi32, #tpu.memory_space<hbm>>
      %dma_wait3A_61 = tpu.memref_slice %arg3[%add3A_34] : memref<32768xi32, #tpu.memory_space<hbm>> -> memref<256xi32, #tpu.memory_space<hbm>>
      tpu.wait_dma2 semaphore(%run_scoped3A : memref<!tpu.dma_semaphore, #tpu.memory_space<semaphore_mem>>) src(%dma_wait3A_61 : memref<256xi32, #tpu.memory_space<hbm>>) dst(%arg5 : memref<256xi32, #tpu.memory_space<vmem>>)
      tpu.yield
    }) : () -> ()
    %dma_start3A_35 = arith.constant 0 : i32
    %dma_start3A_36 = arith.constant 0 : i32
    %dma_start3A_37 = tpu.memref_slice %arg2[%dma_start3A_35, %dma_start3A_36] : memref<100000x128xf32, #tpu.memory_space<hbm>> -> memref<100000x128xf32, #tpu.memory_space<hbm>>
    tpu.enqueue_indirect_dma source(%dma_start3A_37 : memref<100000x128xf32, #tpu.memory_space<hbm>>) target(%arg7 : memref<256x128xf32, #tpu.memory_space<vmem>>) offsets(%arg5 : memref<256xi32, #tpu.memory_space<vmem>>) semaphore(%arg9 : memref<!tpu.dma_semaphore, #tpu.memory_space<semaphore_mem>>)
    %dma_wait3A_38 = arith.constant 0 : i32
    %dma_wait3A_39 = arith.constant 0 : i32
    %dma_wait3A_40 = tpu.memref_slice %arg2[%dma_wait3A_38, %dma_wait3A_39] : memref<100000x128xf32, #tpu.memory_space<hbm>> -> memref<100000x128xf32, #tpu.memory_space<hbm>>
    tpu.wait_indirect_dma semaphore(%arg10 : memref<!tpu.dma_semaphore, #tpu.memory_space<semaphore_mem>>) src(%dma_wait3A_40 : memref<100000x128xf32, #tpu.memory_space<hbm>>) dst(%arg8 : memref<256x128xf32, #tpu.memory_space<vmem>>)
    %add3A_41 = arith.constant 256 : i32
    %add3A_42 = arith.addi %sub3A_21, %add3A_41 : i32
    "tpu.region"() ({
      %run_scoped3A = tpu.sem_alloc : memref<!tpu.dma_semaphore, #tpu.memory_space<semaphore_mem>>
      %dma_start3A_58 = arith.constant 0 : i32
      %dma_start3A_59 = arith.constant 0 : i32
      %dma_start3A_60 = tpu.memref_slice %arg4[%select_n3A, %dma_start3A_58, %dma_start3A_59] : memref<2x16384x128xf32, #tpu.memory_space<hbm>> -> memref<1x16384x128xf32, #tpu.memory_space<hbm>>
      %dma_start3A_61 = tpu.memref_squeeze %dma_start3A_60 : memref<1x16384x128xf32, #tpu.memory_space<hbm>> -> memref<16384x128xf32, #tpu.memory_space<hbm>>
      %dma_start3A_62 = arith.constant 0 : i32
      %dma_start3A_63 = tpu.memref_slice %dma_start3A_61[%add3A_42, %dma_start3A_62] : memref<16384x128xf32, #tpu.memory_space<hbm>> -> memref<256x128xf32, #tpu.memory_space<hbm>>
      %dma_start3A_64 = arith.constant 0 : i32
      %dma_start3A_65 = arith.constant 0 : i32
      %dma_start3A_66 = tpu.memref_slice %arg4[%select_n3A, %dma_start3A_64, %dma_start3A_65] : memref<2x16384x128xf32, #tpu.memory_space<hbm>> -> memref<1x16384x128xf32, #tpu.memory_space<hbm>>
      %dma_start3A_67 = tpu.memref_squeeze %dma_start3A_66 : memref<1x16384x128xf32, #tpu.memory_space<hbm>> -> memref<16384x128xf32, #tpu.memory_space<hbm>>
      %dma_start3A_68 = arith.constant 0 : i32
      %dma_start3A_69 = tpu.memref_slice %dma_start3A_67[%add3A_42, %dma_start3A_68] : memref<16384x128xf32, #tpu.memory_space<hbm>> -> memref<256x128xf32, #tpu.memory_space<hbm>>
      tpu.enqueue_dma source(%arg8 : memref<256x128xf32, #tpu.memory_space<vmem>>) target(%dma_start3A_69 : memref<256x128xf32, #tpu.memory_space<hbm>>) target_semaphore(%run_scoped3A : memref<!tpu.dma_semaphore, #tpu.memory_space<semaphore_mem>>)
      %dma_wait3A_70 = arith.constant 0 : i32
      %dma_wait3A_71 = arith.constant 0 : i32
      %dma_wait3A_72 = tpu.memref_slice %arg4[%select_n3A, %dma_wait3A_70, %dma_wait3A_71] : memref<2x16384x128xf32, #tpu.memory_space<hbm>> -> memref<1x16384x128xf32, #tpu.memory_space<hbm>>
      %dma_wait3A_73 = tpu.memref_squeeze %dma_wait3A_72 : memref<1x16384x128xf32, #tpu.memory_space<hbm>> -> memref<16384x128xf32, #tpu.memory_space<hbm>>
      %dma_wait3A_74 = arith.constant 0 : i32
      %dma_wait3A_75 = tpu.memref_slice %dma_wait3A_73[%add3A_42, %dma_wait3A_74] : memref<16384x128xf32, #tpu.memory_space<hbm>> -> memref<256x128xf32, #tpu.memory_space<hbm>>
      %dma_wait3A_76 = arith.constant 0 : i32
      %dma_wait3A_77 = arith.constant 0 : i32
      %dma_wait3A_78 = tpu.memref_slice %arg4[%select_n3A, %dma_wait3A_76, %dma_wait3A_77] : memref<2x16384x128xf32, #tpu.memory_space<hbm>> -> memref<1x16384x128xf32, #tpu.memory_space<hbm>>
      %dma_wait3A_79 = tpu.memref_squeeze %dma_wait3A_78 : memref<1x16384x128xf32, #tpu.memory_space<hbm>> -> memref<16384x128xf32, #tpu.memory_space<hbm>>
      %dma_wait3A_80 = arith.constant 0 : i32
      %dma_wait3A_81 = tpu.memref_slice %dma_wait3A_79[%add3A_42, %dma_wait3A_80] : memref<16384x128xf32, #tpu.memory_space<hbm>> -> memref<256x128xf32, #tpu.memory_space<hbm>>
      tpu.wait_dma2 semaphore(%run_scoped3A : memref<!tpu.dma_semaphore, #tpu.memory_space<semaphore_mem>>) src(%arg8 : memref<256x128xf32, #tpu.memory_space<vmem>>) dst(%dma_wait3A_81 : memref<256x128xf32, #tpu.memory_space<hbm>>)
      tpu.yield
    }) : () -> ()
    %add3A_43 = arith.constant 768 : i32
    %add3A_44 = arith.addi %mul3A_2, %add3A_43 : i32
    "tpu.region"() ({
      %run_scoped3A = tpu.sem_alloc : memref<!tpu.dma_semaphore, #tpu.memory_space<semaphore_mem>>
      %dma_start3A_58 = tpu.memref_slice %arg3[%add3A_44] : memref<32768xi32, #tpu.memory_space<hbm>> -> memref<256xi32, #tpu.memory_space<hbm>>
      %dma_start3A_59 = tpu.memref_slice %arg3[%add3A_44] : memref<32768xi32, #tpu.memory_space<hbm>> -> memref<256xi32, #tpu.memory_space<hbm>>
      tpu.enqueue_dma source(%dma_start3A_59 : memref<256xi32, #tpu.memory_space<hbm>>) target(%arg6 : memref<256xi32, #tpu.memory_space<vmem>>) target_semaphore(%run_scoped3A : memref<!tpu.dma_semaphore, #tpu.memory_space<semaphore_mem>>)
      %dma_wait3A_60 = tpu.memref_slice %arg3[%add3A_44] : memref<32768xi32, #tpu.memory_space<hbm>> -> memref<256xi32, #tpu.memory_space<hbm>>
      %dma_wait3A_61 = tpu.memref_slice %arg3[%add3A_44] : memref<32768xi32, #tpu.memory_space<hbm>> -> memref<256xi32, #tpu.memory_space<hbm>>
      tpu.wait_dma2 semaphore(%run_scoped3A : memref<!tpu.dma_semaphore, #tpu.memory_space<semaphore_mem>>) src(%dma_wait3A_61 : memref<256xi32, #tpu.memory_space<hbm>>) dst(%arg6 : memref<256xi32, #tpu.memory_space<vmem>>)
      tpu.yield
    }) : () -> ()
    %dma_start3A_45 = arith.constant 0 : i32
    %dma_start3A_46 = arith.constant 0 : i32
    %dma_start3A_47 = tpu.memref_slice %arg2[%dma_start3A_45, %dma_start3A_46] : memref<100000x128xf32, #tpu.memory_space<hbm>> -> memref<100000x128xf32, #tpu.memory_space<hbm>>
    tpu.enqueue_indirect_dma source(%dma_start3A_47 : memref<100000x128xf32, #tpu.memory_space<hbm>>) target(%arg8 : memref<256x128xf32, #tpu.memory_space<vmem>>) offsets(%arg6 : memref<256xi32, #tpu.memory_space<vmem>>) semaphore(%arg10 : memref<!tpu.dma_semaphore, #tpu.memory_space<semaphore_mem>>)
    %dma_wait3A_48 = arith.constant 0 : i32
    %dma_wait3A_49 = arith.constant 0 : i32
    %dma_wait3A_50 = tpu.memref_slice %arg2[%dma_wait3A_48, %dma_wait3A_49] : memref<100000x128xf32, #tpu.memory_space<hbm>> -> memref<100000x128xf32, #tpu.memory_space<hbm>>
    tpu.wait_indirect_dma semaphore(%arg9 : memref<!tpu.dma_semaphore, #tpu.memory_space<semaphore_mem>>) src(%dma_wait3A_50 : memref<100000x128xf32, #tpu.memory_space<hbm>>) dst(%arg7 : memref<256x128xf32, #tpu.memory_space<vmem>>)
    %add3A_51 = arith.constant 512 : i32
    %add3A_52 = arith.addi %sub3A_21, %add3A_51 : i32
    "tpu.region"() ({
      %run_scoped3A = tpu.sem_alloc : memref<!tpu.dma_semaphore, #tpu.memory_space<semaphore_mem>>
      %dma_start3A_58 = arith.constant 0 : i32
      %dma_start3A_59 = arith.constant 0 : i32
      %dma_start3A_60 = tpu.memref_slice %arg4[%select_n3A, %dma_start3A_58, %dma_start3A_59] : memref<2x16384x128xf32, #tpu.memory_space<hbm>> -> memref<1x16384x128xf32, #tpu.memory_space<hbm>>
      %dma_start3A_61 = tpu.memref_squeeze %dma_start3A_60 : memref<1x16384x128xf32, #tpu.memory_space<hbm>> -> memref<16384x128xf32, #tpu.memory_space<hbm>>
      %dma_start3A_62 = arith.constant 0 : i32
      %dma_start3A_63 = tpu.memref_slice %dma_start3A_61[%add3A_52, %dma_start3A_62] : memref<16384x128xf32, #tpu.memory_space<hbm>> -> memref<256x128xf32, #tpu.memory_space<hbm>>
      %dma_start3A_64 = arith.constant 0 : i32
      %dma_start3A_65 = arith.constant 0 : i32
      %dma_start3A_66 = tpu.memref_slice %arg4[%select_n3A, %dma_start3A_64, %dma_start3A_65] : memref<2x16384x128xf32, #tpu.memory_space<hbm>> -> memref<1x16384x128xf32, #tpu.memory_space<hbm>>
      %dma_start3A_67 = tpu.memref_squeeze %dma_start3A_66 : memref<1x16384x128xf32, #tpu.memory_space<hbm>> -> memref<16384x128xf32, #tpu.memory_space<hbm>>
      %dma_start3A_68 = arith.constant 0 : i32
      %dma_start3A_69 = tpu.memref_slice %dma_start3A_67[%add3A_52, %dma_start3A_68] : memref<16384x128xf32, #tpu.memory_space<hbm>> -> memref<256x128xf32, #tpu.memory_space<hbm>>
      tpu.enqueue_dma source(%arg7 : memref<256x128xf32, #tpu.memory_space<vmem>>) target(%dma_start3A_69 : memref<256x128xf32, #tpu.memory_space<hbm>>) target_semaphore(%run_scoped3A : memref<!tpu.dma_semaphore, #tpu.memory_space<semaphore_mem>>)
      %dma_wait3A_70 = arith.constant 0 : i32
      %dma_wait3A_71 = arith.constant 0 : i32
      %dma_wait3A_72 = tpu.memref_slice %arg4[%select_n3A, %dma_wait3A_70, %dma_wait3A_71] : memref<2x16384x128xf32, #tpu.memory_space<hbm>> -> memref<1x16384x128xf32, #tpu.memory_space<hbm>>
      %dma_wait3A_73 = tpu.memref_squeeze %dma_wait3A_72 : memref<1x16384x128xf32, #tpu.memory_space<hbm>> -> memref<16384x128xf32, #tpu.memory_space<hbm>>
      %dma_wait3A_74 = arith.constant 0 : i32
      %dma_wait3A_75 = tpu.memref_slice %dma_wait3A_73[%add3A_52, %dma_wait3A_74] : memref<16384x128xf32, #tpu.memory_space<hbm>> -> memref<256x128xf32, #tpu.memory_space<hbm>>
      %dma_wait3A_76 = arith.constant 0 : i32
      %dma_wait3A_77 = arith.constant 0 : i32
      %dma_wait3A_78 = tpu.memref_slice %arg4[%select_n3A, %dma_wait3A_76, %dma_wait3A_77] : memref<2x16384x128xf32, #tpu.memory_space<hbm>> -> memref<1x16384x128xf32, #tpu.memory_space<hbm>>
      %dma_wait3A_79 = tpu.memref_squeeze %dma_wait3A_78 : memref<1x16384x128xf32, #tpu.memory_space<hbm>> -> memref<16384x128xf32, #tpu.memory_space<hbm>>
      %dma_wait3A_80 = arith.constant 0 : i32
      %dma_wait3A_81 = tpu.memref_slice %dma_wait3A_79[%add3A_52, %dma_wait3A_80] : memref<16384x128xf32, #tpu.memory_space<hbm>> -> memref<256x128xf32, #tpu.memory_space<hbm>>
      tpu.wait_dma2 semaphore(%run_scoped3A : memref<!tpu.dma_semaphore, #tpu.memory_space<semaphore_mem>>) src(%arg7 : memref<256x128xf32, #tpu.memory_space<vmem>>) dst(%dma_wait3A_81 : memref<256x128xf32, #tpu.memory_space<hbm>>)
      tpu.yield
    }) : () -> ()
    %dma_wait3A_53 = arith.constant 0 : i32
    %dma_wait3A_54 = arith.constant 0 : i32
    %dma_wait3A_55 = tpu.memref_slice %arg2[%dma_wait3A_53, %dma_wait3A_54] : memref<100000x128xf32, #tpu.memory_space<hbm>> -> memref<100000x128xf32, #tpu.memory_space<hbm>>
    tpu.wait_indirect_dma semaphore(%arg10 : memref<!tpu.dma_semaphore, #tpu.memory_space<semaphore_mem>>) src(%dma_wait3A_55 : memref<100000x128xf32, #tpu.memory_space<hbm>>) dst(%arg8 : memref<256x128xf32, #tpu.memory_space<vmem>>)
    %add3A_56 = arith.constant 768 : i32
    %add3A_57 = arith.addi %sub3A_21, %add3A_56 : i32
    "tpu.region"() ({
      %run_scoped3A = tpu.sem_alloc : memref<!tpu.dma_semaphore, #tpu.memory_space<semaphore_mem>>
      %dma_start3A_58 = arith.constant 0 : i32
      %dma_start3A_59 = arith.constant 0 : i32
      %dma_start3A_60 = tpu.memref_slice %arg4[%select_n3A, %dma_start3A_58, %dma_start3A_59] : memref<2x16384x128xf32, #tpu.memory_space<hbm>> -> memref<1x16384x128xf32, #tpu.memory_space<hbm>>
      %dma_start3A_61 = tpu.memref_squeeze %dma_start3A_60 : memref<1x16384x128xf32, #tpu.memory_space<hbm>> -> memref<16384x128xf32, #tpu.memory_space<hbm>>
      %dma_start3A_62 = arith.constant 0 : i32
      %dma_start3A_63 = tpu.memref_slice %dma_start3A_61[%add3A_57, %dma_start3A_62] : memref<16384x128xf32, #tpu.memory_space<hbm>> -> memref<256x128xf32, #tpu.memory_space<hbm>>
      %dma_start3A_64 = arith.constant 0 : i32
      %dma_start3A_65 = arith.constant 0 : i32
      %dma_start3A_66 = tpu.memref_slice %arg4[%select_n3A, %dma_start3A_64, %dma_start3A_65] : memref<2x16384x128xf32, #tpu.memory_space<hbm>> -> memref<1x16384x128xf32, #tpu.memory_space<hbm>>
      %dma_start3A_67 = tpu.memref_squeeze %dma_start3A_66 : memref<1x16384x128xf32, #tpu.memory_space<hbm>> -> memref<16384x128xf32, #tpu.memory_space<hbm>>
      %dma_start3A_68 = arith.constant 0 : i32
      %dma_start3A_69 = tpu.memref_slice %dma_start3A_67[%add3A_57, %dma_start3A_68] : memref<16384x128xf32, #tpu.memory_space<hbm>> -> memref<256x128xf32, #tpu.memory_space<hbm>>
      tpu.enqueue_dma source(%arg8 : memref<256x128xf32, #tpu.memory_space<vmem>>) target(%dma_start3A_69 : memref<256x128xf32, #tpu.memory_space<hbm>>) target_semaphore(%run_scoped3A : memref<!tpu.dma_semaphore, #tpu.memory_space<semaphore_mem>>)
      %dma_wait3A_70 = arith.constant 0 : i32
      %dma_wait3A_71 = arith.constant 0 : i32
      %dma_wait3A_72 = tpu.memref_slice %arg4[%select_n3A, %dma_wait3A_70, %dma_wait3A_71] : memref<2x16384x128xf32, #tpu.memory_space<hbm>> -> memref<1x16384x128xf32, #tpu.memory_space<hbm>>
      %dma_wait3A_73 = tpu.memref_squeeze %dma_wait3A_72 : memref<1x16384x128xf32, #tpu.memory_space<hbm>> -> memref<16384x128xf32, #tpu.memory_space<hbm>>
      %dma_wait3A_74 = arith.constant 0 : i32
      %dma_wait3A_75 = tpu.memref_slice %dma_wait3A_73[%add3A_57, %dma_wait3A_74] : memref<16384x128xf32, #tpu.memory_space<hbm>> -> memref<256x128xf32, #tpu.memory_space<hbm>>
      %dma_wait3A_76 = arith.constant 0 : i32
      %dma_wait3A_77 = arith.constant 0 : i32
      %dma_wait3A_78 = tpu.memref_slice %arg4[%select_n3A, %dma_wait3A_76, %dma_wait3A_77] : memref<2x16384x128xf32, #tpu.memory_space<hbm>> -> memref<1x16384x128xf32, #tpu.memory_space<hbm>>
      %dma_wait3A_79 = tpu.memref_squeeze %dma_wait3A_78 : memref<1x16384x128xf32, #tpu.memory_space<hbm>> -> memref<16384x128xf32, #tpu.memory_space<hbm>>
      %dma_wait3A_80 = arith.constant 0 : i32
      %dma_wait3A_81 = tpu.memref_slice %dma_wait3A_79[%add3A_57, %dma_wait3A_80] : memref<16384x128xf32, #tpu.memory_space<hbm>> -> memref<256x128xf32, #tpu.memory_space<hbm>>
      tpu.wait_dma2 semaphore(%run_scoped3A : memref<!tpu.dma_semaphore, #tpu.memory_space<semaphore_mem>>) src(%arg8 : memref<256x128xf32, #tpu.memory_space<vmem>>) dst(%dma_wait3A_81 : memref<256x128xf32, #tpu.memory_space<hbm>>)
      tpu.yield
    }) : () -> ()
    return
  }
}

#map = affine_map<(d0, d1) -> (0, 0)>
module attributes {stable_mosaic.version = 14 : i64} {
  func.func @new_body(%arg0: i32, %arg1: i32, %arg2: memref<100000x128xf32, #tpu.memory_space<hbm>>, %arg3: memref<32768x128xf32, #tpu.memory_space<hbm>>, %arg4: memref<32x32768xi32, #tpu.memory_space<hbm>>, %arg5: memref<32x128xi32, #tpu.memory_space<hbm>>, %arg6: memref<100000x128xf32, #tpu.memory_space<hbm>>, %arg7: memref<128xi32, #tpu.memory_space<vmem>>, %arg8: memref<384xi32, #tpu.memory_space<vmem>>, %arg9: memref<384xi32, #tpu.memory_space<vmem>>, %arg10: memref<384xi32, #tpu.memory_space<vmem>>, %arg11: memref<384x128xf32, #tpu.memory_space<vmem>>, %arg12: memref<384xi32, #tpu.memory_space<vmem>>, %arg13: memref<384xi32, #tpu.memory_space<vmem>>, %arg14: memref<384x128xf32, #tpu.memory_space<vmem>>, %arg15: memref<!tpu.dma_semaphore, #tpu.memory_space<semaphore_mem>>, %arg16: memref<!tpu.dma_semaphore, #tpu.memory_space<semaphore_mem>>) attributes {dimension_semantics = [#tpu.dimension_semantics<core_parallel>, #tpu.dimension_semantics<subcore_parallel>], iteration_bounds = array<i64: 2, 16>, scalar_prefetch = 0 : i64, scratch_operands = 10 : i64, tpu.core_type = #tpu.core_type<sc_vector_subcore>, window_params = [{transform_indices = #map}, {transform_indices = #map}, {transform_indices = #map}, {transform_indices = #map}, {transform_indices = #map}]} {
    %mul3A = arith.constant 2 : i32
    %mul3A_0 = arith.muli %arg1, %mul3A : i32
    %add3A = arith.addi %mul3A_0, %arg0 : i32
    "tpu.region"() ({
      %run_scoped3A = tpu.sem_alloc : memref<!tpu.dma_semaphore, #tpu.memory_space<semaphore_mem>>
      %dma_start3A = arith.constant 0 : i32
      %dma_start3A_20 = tpu.memref_slice %arg5[%add3A, %dma_start3A] : memref<32x128xi32, #tpu.memory_space<hbm>> -> memref<1x128xi32, #tpu.memory_space<hbm>>
      %dma_start3A_21 = tpu.memref_squeeze %dma_start3A_20 : memref<1x128xi32, #tpu.memory_space<hbm>> -> memref<128xi32, #tpu.memory_space<hbm>>
      %dma_start3A_22 = arith.constant 0 : i32
      %dma_start3A_23 = tpu.memref_slice %arg5[%add3A, %dma_start3A_22] : memref<32x128xi32, #tpu.memory_space<hbm>> -> memref<1x128xi32, #tpu.memory_space<hbm>>
      %dma_start3A_24 = tpu.memref_squeeze %dma_start3A_23 : memref<1x128xi32, #tpu.memory_space<hbm>> -> memref<128xi32, #tpu.memory_space<hbm>>
      tpu.enqueue_dma source(%dma_start3A_24 : memref<128xi32, #tpu.memory_space<hbm>>) target(%arg7 : memref<128xi32, #tpu.memory_space<vmem>>) target_semaphore(%run_scoped3A : memref<!tpu.dma_semaphore, #tpu.memory_space<semaphore_mem>>)
      %dma_wait3A = arith.constant 0 : i32
      %dma_wait3A_25 = tpu.memref_slice %arg5[%add3A, %dma_wait3A] : memref<32x128xi32, #tpu.memory_space<hbm>> -> memref<1x128xi32, #tpu.memory_space<hbm>>
      %dma_wait3A_26 = tpu.memref_squeeze %dma_wait3A_25 : memref<1x128xi32, #tpu.memory_space<hbm>> -> memref<128xi32, #tpu.memory_space<hbm>>
      %dma_wait3A_27 = arith.constant 0 : i32
      %dma_wait3A_28 = tpu.memref_slice %arg5[%add3A, %dma_wait3A_27] : memref<32x128xi32, #tpu.memory_space<hbm>> -> memref<1x128xi32, #tpu.memory_space<hbm>>
      %dma_wait3A_29 = tpu.memref_squeeze %dma_wait3A_28 : memref<1x128xi32, #tpu.memory_space<hbm>> -> memref<128xi32, #tpu.memory_space<hbm>>
      tpu.wait_dma2 semaphore(%run_scoped3A : memref<!tpu.dma_semaphore, #tpu.memory_space<semaphore_mem>>) src(%dma_wait3A_29 : memref<128xi32, #tpu.memory_space<hbm>>) dst(%arg7 : memref<128xi32, #tpu.memory_space<vmem>>)
      tpu.yield
    }) : () -> ()
    %get3A = arith.constant 0 : index
    %get3A_1 = tpu.vector_load %arg7[%get3A] {strides = array<i32>} : memref<128xi32, #tpu.memory_space<vmem>>, vector<16xi32>,
    %slice3A = vector.extract_strided_slice %get3A_1 {offsets = [0], sizes = [1], strides = [1]} : vector<16xi32> to vector<1xi32>
    %squeeze3A = vector.extract %slice3A[0] : i32 from vector<1xi32>
    %jit3A = arith.constant 384 : i32
    %div3A = arith.divsi %squeeze3A, %jit3A : i32
    %sign3A = arith.constant 0 : i32
    %sign3A_2 = arith.cmpi sgt, %squeeze3A, %sign3A : i32
    %sign3A_3 = arith.extui %sign3A_2 : i1 to i32
    %sign3A_4 = arith.constant 0 : i32
    %sign3A_5 = arith.cmpi slt, %squeeze3A, %sign3A_4 : i32
    %sign3A_6 = arith.extui %sign3A_5 : i1 to i32
    %sign3A_7 = arith.subi %sign3A_3, %sign3A_6 : i32
    %sign3A_8 = arith.constant 0 : i32
    %sign3A_9 = arith.cmpi sgt, %jit3A, %sign3A_8 : i32
    %sign3A_10 = arith.extui %sign3A_9 : i1 to i32
    %sign3A_11 = arith.constant 0 : i32
    %sign3A_12 = arith.cmpi slt, %jit3A, %sign3A_11 : i32
    %sign3A_13 = arith.extui %sign3A_12 : i1 to i32
    %sign3A_14 = arith.subi %sign3A_10, %sign3A_13 : i32
    %ne3A = arith.cmpi ne, %sign3A_7, %sign3A_14 : i32
    %rem3A = arith.remsi %squeeze3A, %jit3A : i32
    %ne3A_15 = arith.constant 0 : i32
    %ne3A_16 = arith.cmpi ne, %rem3A, %ne3A_15 : i32
    %and3A = arith.andi %ne3A, %ne3A_16 : i1
    %sub3A = arith.constant 1 : i32
    %sub3A_17 = arith.subi %div3A, %sub3A : i32
    %select_n3A = arith.select %and3A, %sub3A_17, %div3A : i32
    %gt3A = arith.constant 0 : i32
    %gt3A_18 = arith.cmpi sgt, %select_n3A, %gt3A : i32
    %convert_element_type3A = arith.extui %gt3A_18 : i1 to i32
    %cond3A = arith.constant 0 : i32
    %cond3A_19 = arith.cmpi ne, %convert_element_type3A, %cond3A : i32
    scf.if %cond3A_19 {
      "tpu.region"() ({
        %run_scoped3A = tpu.sem_alloc : memref<!tpu.dma_semaphore, #tpu.memory_space<semaphore_mem>>
        %dma_start3A_36 = arith.constant 0 : i32
        %dma_start3A_37 = tpu.memref_slice %arg4[%add3A, %dma_start3A_36] : memref<32x32768xi32, #tpu.memory_space<hbm>> -> memref<1x32768xi32, #tpu.memory_space<hbm>>
        %dma_start3A_38 = tpu.memref_squeeze %dma_start3A_37 : memref<1x32768xi32, #tpu.memory_space<hbm>> -> memref<32768xi32, #tpu.memory_space<hbm>>
        %dma_start3A_39 = arith.constant 0 : i32
        %dma_start3A_40 = tpu.memref_slice %dma_start3A_38[%dma_start3A_39] : memref<32768xi32, #tpu.memory_space<hbm>> -> memref<384xi32, #tpu.memory_space<hbm>>
        %dma_start3A_41 = arith.constant 0 : i32
        %dma_start3A_42 = tpu.memref_slice %arg4[%add3A, %dma_start3A_41] : memref<32x32768xi32, #tpu.memory_space<hbm>> -> memref<1x32768xi32, #tpu.memory_space<hbm>>
        %dma_start3A_43 = tpu.memref_squeeze %dma_start3A_42 : memref<1x32768xi32, #tpu.memory_space<hbm>> -> memref<32768xi32, #tpu.memory_space<hbm>>
        %dma_start3A_44 = arith.constant 0 : i32
        %dma_start3A_45 = tpu.memref_slice %dma_start3A_43[%dma_start3A_44] : memref<32768xi32, #tpu.memory_space<hbm>> -> memref<384xi32, #tpu.memory_space<hbm>>
        tpu.enqueue_dma source(%dma_start3A_45 : memref<384xi32, #tpu.memory_space<hbm>>) target(%arg8 : memref<384xi32, #tpu.memory_space<vmem>>) target_semaphore(%run_scoped3A : memref<!tpu.dma_semaphore, #tpu.memory_space<semaphore_mem>>)
        %dma_wait3A = arith.constant 0 : i32
        %dma_wait3A_46 = tpu.memref_slice %arg4[%add3A, %dma_wait3A] : memref<32x32768xi32, #tpu.memory_space<hbm>> -> memref<1x32768xi32, #tpu.memory_space<hbm>>
        %dma_wait3A_47 = tpu.memref_squeeze %dma_wait3A_46 : memref<1x32768xi32, #tpu.memory_space<hbm>> -> memref<32768xi32, #tpu.memory_space<hbm>>
        %dma_wait3A_48 = arith.constant 0 : i32
        %dma_wait3A_49 = tpu.memref_slice %dma_wait3A_47[%dma_wait3A_48] : memref<32768xi32, #tpu.memory_space<hbm>> -> memref<384xi32, #tpu.memory_space<hbm>>
        %dma_wait3A_50 = arith.constant 0 : i32
        %dma_wait3A_51 = tpu.memref_slice %arg4[%add3A, %dma_wait3A_50] : memref<32x32768xi32, #tpu.memory_space<hbm>> -> memref<1x32768xi32, #tpu.memory_space<hbm>>
        %dma_wait3A_52 = tpu.memref_squeeze %dma_wait3A_51 : memref<1x32768xi32, #tpu.memory_space<hbm>> -> memref<32768xi32, #tpu.memory_space<hbm>>
        %dma_wait3A_53 = arith.constant 0 : i32
        %dma_wait3A_54 = tpu.memref_slice %dma_wait3A_52[%dma_wait3A_53] : memref<32768xi32, #tpu.memory_space<hbm>> -> memref<384xi32, #tpu.memory_space<hbm>>
        tpu.wait_dma2 semaphore(%run_scoped3A : memref<!tpu.dma_semaphore, #tpu.memory_space<semaphore_mem>>) src(%dma_wait3A_54 : memref<384xi32, #tpu.memory_space<hbm>>) dst(%arg8 : memref<384xi32, #tpu.memory_space<vmem>>)
        tpu.yield
      }) : () -> ()
      %scan3A = arith.constant 0 : i32
      %scan3A_20 = arith.constant 0 : i32
      %scan3A_21 = arith.constant 24 : i32
      %scan3A_22 = arith.addi %scan3A_20, %scan3A_21 : i32
      %scan3A_23 = arith.constant 1 : i32
      scf.for %scan3A_36 = %scan3A_20 to %scan3A_22 step %scan3A_23  : i32 {
        %mul3A_37 = arith.constant 16 : i32
        %mul3A_38 = arith.muli %scan3A_36, %mul3A_37 : i32
        %get3A_39 = arith.index_cast %mul3A_38 : i32 to index
        %get3A_40 = tpu.vector_load %arg8[%get3A_39] {strides = array<i32>} : memref<384xi32, #tpu.memory_space<vmem>>, vector<16xi32>,
        %and3A_41 = arith.constant 32767 : i32
        %and3A_42 = vector.broadcast %and3A_41 : i32 to vector<16xi32>
        %and3A_43 = arith.andi %get3A_40, %and3A_42 : vector<16xi32>
        %mul3A_44 = arith.constant 16 : i32
        %mul3A_45 = arith.muli %scan3A_36, %mul3A_44 : i32
        %swap3A = arith.index_cast %mul3A_45 : i32 to index
        %swap3A_46 = tpu.vector_load %arg10[%swap3A] {strides = array<i32>} : memref<384xi32, #tpu.memory_space<vmem>>, vector<16xi32>,
        tpu.vector_store %arg10[%swap3A], %and3A_43 {strides = array<i32>} : memref<384xi32, #tpu.memory_space<vmem>>, vector<16xi32>,
        %shift_right_arithmetic3A = arith.constant 15 : i32
        %shift_right_arithmetic3A_47 = vector.broadcast %shift_right_arithmetic3A : i32 to vector<16xi32>
        %shift_right_arithmetic3A_48 = arith.shrsi %get3A_40, %shift_right_arithmetic3A_47 : vector<16xi32>
        %shift_left3A = arith.constant 5 : i32
        %shift_left3A_49 = vector.broadcast %shift_left3A : i32 to vector<16xi32>
        %shift_left3A_50 = arith.shli %shift_right_arithmetic3A_48, %shift_left3A_49 : vector<16xi32>
        %or3A = vector.broadcast %add3A : i32 to vector<16xi32>
        %or3A_51 = arith.ori %shift_left3A_50, %or3A : vector<16xi32>
        %mul3A_52 = arith.constant 16 : i32
        %mul3A_53 = arith.muli %scan3A_36, %mul3A_52 : i32
        %swap3A_54 = arith.index_cast %mul3A_53 : i32 to index
        %swap3A_55 = tpu.vector_load %arg9[%swap3A_54] {strides = array<i32>} : memref<384xi32, #tpu.memory_space<vmem>>, vector<16xi32>,
        tpu.vector_store %arg9[%swap3A_54], %or3A_51 {strides = array<i32>} : memref<384xi32, #tpu.memory_space<vmem>>, vector<16xi32>,
      }
      %scan3A_24 = arith.constant 24 : i32
      %dma_start3A = arith.constant 0 : i32
      %dma_start3A_25 = arith.constant 0 : i32
      %dma_start3A_26 = tpu.memref_slice %arg3[%dma_start3A, %dma_start3A_25] : memref<32768x128xf32, #tpu.memory_space<hbm>> -> memref<32768x128xf32, #tpu.memory_space<hbm>>
      tpu.enqueue_indirect_dma source(%dma_start3A_26 : memref<32768x128xf32, #tpu.memory_space<hbm>>) target(%arg11 : memref<384x128xf32, #tpu.memory_space<vmem>>) offsets(%arg10 : memref<384xi32, #tpu.memory_space<vmem>>) semaphore(%arg15 : memref<!tpu.dma_semaphore, #tpu.memory_space<semaphore_mem>>)
      %while3A = arith.constant 0 : i32
      %while3A_27 = arith.constant 0 : i32
      %while3A_28 = arith.subi %select_n3A, %while3A_27 : i32
      %while3A_29 = arith.addi %while3A_27, %while3A_28 : i32
      %while3A_30 = arith.constant 1 : i32
      %while3A_31 = arith.divsi %while3A_28, %while3A_30 : i32
      %while3A_32 = arith.muli %while3A_31, %while3A_30 : i32
      %while3A_33 = arith.addi %while3A_27, %while3A_32 : i32
      %while3A_34 = arith.constant 1 : i32
      scf.for %while3A_36 = %while3A_27 to %while3A_33 step %while3A_34  : i32 {
        %jit3A_37 = arith.constant 2 : i32
        %eq3A = arith.constant 0 : i32
        %eq3A_38 = arith.cmpi eq, %jit3A_37, %eq3A : i32
        %jit3A_39 = arith.constant 1 : i32
        %select_n3A_40 = arith.select %eq3A_38, %jit3A_39, %jit3A_37 : i32
        %rem3A_41 = arith.remsi %while3A_36, %select_n3A_40 : i32
        %ne3A_42 = arith.constant 0 : i32
        %ne3A_43 = arith.cmpi ne, %rem3A_41, %ne3A_42 : i32
        %lt3A = arith.constant 0 : i32
        %lt3A_44 = arith.cmpi slt, %rem3A_41, %lt3A : i32
        %lt3A_45 = arith.constant 0 : i32
        %lt3A_46 = arith.cmpi slt, %select_n3A_40, %lt3A_45 : i32
        %ne3A_47 = arith.xori %lt3A_44, %lt3A_46 : i1
        %and3A_48 = arith.andi %ne3A_47, %ne3A_43 : i1
        %add3A_49 = arith.addi %rem3A_41, %select_n3A_40 : i32
        %select_n3A_50 = arith.select %and3A_48, %add3A_49, %rem3A_41 : i32
        %eq3A_51 = arith.constant 0 : i32
        %eq3A_52 = arith.cmpi eq, %select_n3A_50, %eq3A_51 : i32
        %convert_element_type3A_53 = arith.extui %eq3A_52 : i1 to i32
        %cond3A_54 = arith.constant 0 : i32
        %cond3A_55 = arith.cmpi ne, %convert_element_type3A_53, %cond3A_54 : i32
        scf.if %cond3A_55 {
          %add3A_77 = arith.constant 1 : i32
          %add3A_78 = arith.addi %while3A_36, %add3A_77 : i32
          %lt3A_79 = arith.cmpi slt, %add3A_78, %select_n3A : i32
          %convert_element_type3A_80 = arith.extui %lt3A_79 : i1 to i32
          %cond3A_81 = arith.constant 0 : i32
          %cond3A_82 = arith.cmpi ne, %convert_element_type3A_80, %cond3A_81 : i32
          scf.if %cond3A_82 {
            %add3A_91 = arith.constant 1 : i32
            %add3A_92 = arith.addi %while3A_36, %add3A_91 : i32
            %mul3A_93 = arith.constant 384 : i32
            %mul3A_94 = arith.muli %add3A_92, %mul3A_93 : i32
            "tpu.region"() ({
              %run_scoped3A = tpu.sem_alloc : memref<!tpu.dma_semaphore, #tpu.memory_space<semaphore_mem>>
              %dma_start3A_104 = arith.constant 0 : i32
              %dma_start3A_105 = tpu.memref_slice %arg4[%add3A, %dma_start3A_104] : memref<32x32768xi32, #tpu.memory_space<hbm>> -> memref<1x32768xi32, #tpu.memory_space<hbm>>
              %dma_start3A_106 = tpu.memref_squeeze %dma_start3A_105 : memref<1x32768xi32, #tpu.memory_space<hbm>> -> memref<32768xi32, #tpu.memory_space<hbm>>
              %dma_start3A_107 = tpu.memref_slice %dma_start3A_106[%mul3A_94] : memref<32768xi32, #tpu.memory_space<hbm>> -> memref<384xi32, #tpu.memory_space<hbm>>
              %dma_start3A_108 = arith.constant 0 : i32
              %dma_start3A_109 = tpu.memref_slice %arg4[%add3A, %dma_start3A_108] : memref<32x32768xi32, #tpu.memory_space<hbm>> -> memref<1x32768xi32, #tpu.memory_space<hbm>>
              %dma_start3A_110 = tpu.memref_squeeze %dma_start3A_109 : memref<1x32768xi32, #tpu.memory_space<hbm>> -> memref<32768xi32, #tpu.memory_space<hbm>>
              %dma_start3A_111 = tpu.memref_slice %dma_start3A_110[%mul3A_94] : memref<32768xi32, #tpu.memory_space<hbm>> -> memref<384xi32, #tpu.memory_space<hbm>>
              tpu.enqueue_dma source(%dma_start3A_111 : memref<384xi32, #tpu.memory_space<hbm>>) target(%arg8 : memref<384xi32, #tpu.memory_space<vmem>>) target_semaphore(%run_scoped3A : memref<!tpu.dma_semaphore, #tpu.memory_space<semaphore_mem>>)
              %dma_wait3A_112 = arith.constant 0 : i32
              %dma_wait3A_113 = tpu.memref_slice %arg4[%add3A, %dma_wait3A_112] : memref<32x32768xi32, #tpu.memory_space<hbm>> -> memref<1x32768xi32, #tpu.memory_space<hbm>>
              %dma_wait3A_114 = tpu.memref_squeeze %dma_wait3A_113 : memref<1x32768xi32, #tpu.memory_space<hbm>> -> memref<32768xi32, #tpu.memory_space<hbm>>
              %dma_wait3A_115 = tpu.memref_slice %dma_wait3A_114[%mul3A_94] : memref<32768xi32, #tpu.memory_space<hbm>> -> memref<384xi32, #tpu.memory_space<hbm>>
              %dma_wait3A_116 = arith.constant 0 : i32
              %dma_wait3A_117 = tpu.memref_slice %arg4[%add3A, %dma_wait3A_116] : memref<32x32768xi32, #tpu.memory_space<hbm>> -> memref<1x32768xi32, #tpu.memory_space<hbm>>
              %dma_wait3A_118 = tpu.memref_squeeze %dma_wait3A_117 : memref<1x32768xi32, #tpu.memory_space<hbm>> -> memref<32768xi32, #tpu.memory_space<hbm>>
              %dma_wait3A_119 = tpu.memref_slice %dma_wait3A_118[%mul3A_94] : memref<32768xi32, #tpu.memory_space<hbm>> -> memref<384xi32, #tpu.memory_space<hbm>>
              tpu.wait_dma2 semaphore(%run_scoped3A : memref<!tpu.dma_semaphore, #tpu.memory_space<semaphore_mem>>) src(%dma_wait3A_119 : memref<384xi32, #tpu.memory_space<hbm>>) dst(%arg8 : memref<384xi32, #tpu.memory_space<vmem>>)
              tpu.yield
            }) : () -> ()
            %scan3A_95 = arith.constant 0 : i32
            %scan3A_96 = arith.constant 0 : i32
            %scan3A_97 = arith.constant 24 : i32
            %scan3A_98 = arith.addi %scan3A_96, %scan3A_97 : i32
            %scan3A_99 = arith.constant 1 : i32
            scf.for %scan3A_104 = %scan3A_96 to %scan3A_98 step %scan3A_99  : i32 {
              %mul3A_105 = arith.constant 16 : i32
              %mul3A_106 = arith.muli %scan3A_104, %mul3A_105 : i32
              %get3A_107 = arith.index_cast %mul3A_106 : i32 to index
              %get3A_108 = tpu.vector_load %arg8[%get3A_107] {strides = array<i32>} : memref<384xi32, #tpu.memory_space<vmem>>, vector<16xi32>,
              %and3A_109 = arith.constant 32767 : i32
              %and3A_110 = vector.broadcast %and3A_109 : i32 to vector<16xi32>
              %and3A_111 = arith.andi %get3A_108, %and3A_110 : vector<16xi32>
              %mul3A_112 = arith.constant 16 : i32
              %mul3A_113 = arith.muli %scan3A_104, %mul3A_112 : i32
              %swap3A = arith.index_cast %mul3A_113 : i32 to index
              %swap3A_114 = tpu.vector_load %arg13[%swap3A] {strides = array<i32>} : memref<384xi32, #tpu.memory_space<vmem>>, vector<16xi32>,
              tpu.vector_store %arg13[%swap3A], %and3A_111 {strides = array<i32>} : memref<384xi32, #tpu.memory_space<vmem>>, vector<16xi32>,
              %shift_right_arithmetic3A = arith.constant 15 : i32
              %shift_right_arithmetic3A_115 = vector.broadcast %shift_right_arithmetic3A : i32 to vector<16xi32>
              %shift_right_arithmetic3A_116 = arith.shrsi %get3A_108, %shift_right_arithmetic3A_115 : vector<16xi32>
              %shift_left3A = arith.constant 5 : i32
              %shift_left3A_117 = vector.broadcast %shift_left3A : i32 to vector<16xi32>
              %shift_left3A_118 = arith.shli %shift_right_arithmetic3A_116, %shift_left3A_117 : vector<16xi32>
              %or3A = vector.broadcast %add3A : i32 to vector<16xi32>
              %or3A_119 = arith.ori %shift_left3A_118, %or3A : vector<16xi32>
              %mul3A_120 = arith.constant 16 : i32
              %mul3A_121 = arith.muli %scan3A_104, %mul3A_120 : i32
              %swap3A_122 = arith.index_cast %mul3A_121 : i32 to index
              %swap3A_123 = tpu.vector_load %arg12[%swap3A_122] {strides = array<i32>} : memref<384xi32, #tpu.memory_space<vmem>>, vector<16xi32>,
              tpu.vector_store %arg12[%swap3A_122], %or3A_119 {strides = array<i32>} : memref<384xi32, #tpu.memory_space<vmem>>, vector<16xi32>,
            }
            %scan3A_100 = arith.constant 24 : i32
            %dma_start3A_101 = arith.constant 0 : i32
            %dma_start3A_102 = arith.constant 0 : i32
            %dma_start3A_103 = tpu.memref_slice %arg3[%dma_start3A_101, %dma_start3A_102] : memref<32768x128xf32, #tpu.memory_space<hbm>> -> memref<32768x128xf32, #tpu.memory_space<hbm>>
            tpu.enqueue_indirect_dma source(%dma_start3A_103 : memref<32768x128xf32, #tpu.memory_space<hbm>>) target(%arg14 : memref<384x128xf32, #tpu.memory_space<vmem>>) offsets(%arg13 : memref<384xi32, #tpu.memory_space<vmem>>) semaphore(%arg16 : memref<!tpu.dma_semaphore, #tpu.memory_space<semaphore_mem>>)
          } else {
          }
          %dma_wait3A = arith.constant 0 : i32
          %dma_wait3A_83 = arith.constant 0 : i32
          %dma_wait3A_84 = tpu.memref_slice %arg3[%dma_wait3A, %dma_wait3A_83] : memref<32768x128xf32, #tpu.memory_space<hbm>> -> memref<32768x128xf32, #tpu.memory_space<hbm>>
          tpu.wait_indirect_dma semaphore(%arg15 : memref<!tpu.dma_semaphore, #tpu.memory_space<semaphore_mem>>) src(%dma_wait3A_84 : memref<32768x128xf32, #tpu.memory_space<hbm>>) dst(%arg11 : memref<384x128xf32, #tpu.memory_space<vmem>>)
          %dma_start3A_85 = arith.constant 0 : i32
          %dma_start3A_86 = arith.constant 0 : i32
          %dma_start3A_87 = tpu.memref_slice %arg2[%dma_start3A_85, %dma_start3A_86] : memref<100000x128xf32, #tpu.memory_space<hbm>> -> memref<100000x128xf32, #tpu.memory_space<hbm>>
          tpu.enqueue_indirect_dma source(%arg11 : memref<384x128xf32, #tpu.memory_space<vmem>>) target(%dma_start3A_87 : memref<100000x128xf32, #tpu.memory_space<hbm>>) offsets(%arg9 : memref<384xi32, #tpu.memory_space<vmem>>) semaphore(%arg15 : memref<!tpu.dma_semaphore, #tpu.memory_space<semaphore_mem>>)
          %dma_wait3A_88 = arith.constant 0 : i32
          %dma_wait3A_89 = arith.constant 0 : i32
          %dma_wait3A_90 = tpu.memref_slice %arg2[%dma_wait3A_88, %dma_wait3A_89] : memref<100000x128xf32, #tpu.memory_space<hbm>> -> memref<100000x128xf32, #tpu.memory_space<hbm>>
          tpu.wait_indirect_dma semaphore(%arg15 : memref<!tpu.dma_semaphore, #tpu.memory_space<semaphore_mem>>) src(%arg11 : memref<384x128xf32, #tpu.memory_space<vmem>>) dst(%dma_wait3A_90 : memref<100000x128xf32, #tpu.memory_space<hbm>>)
        } else {
        }
        %jit3A_56 = arith.constant 2 : i32
        %eq3A_57 = arith.constant 0 : i32
        %eq3A_58 = arith.cmpi eq, %jit3A_56, %eq3A_57 : i32
        %jit3A_59 = arith.constant 1 : i32
        %select_n3A_60 = arith.select %eq3A_58, %jit3A_59, %jit3A_56 : i32
        %rem3A_61 = arith.remsi %while3A_36, %select_n3A_60 : i32
        %ne3A_62 = arith.constant 0 : i32
        %ne3A_63 = arith.cmpi ne, %rem3A_61, %ne3A_62 : i32
        %lt3A_64 = arith.constant 0 : i32
        %lt3A_65 = arith.cmpi slt, %rem3A_61, %lt3A_64 : i32
        %lt3A_66 = arith.constant 0 : i32
        %lt3A_67 = arith.cmpi slt, %select_n3A_60, %lt3A_66 : i32
        %ne3A_68 = arith.xori %lt3A_65, %lt3A_67 : i1
        %and3A_69 = arith.andi %ne3A_68, %ne3A_63 : i1
        %add3A_70 = arith.addi %rem3A_61, %select_n3A_60 : i32
        %select_n3A_71 = arith.select %and3A_69, %add3A_70, %rem3A_61 : i32
        %eq3A_72 = arith.constant 1 : i32
        %eq3A_73 = arith.cmpi eq, %select_n3A_71, %eq3A_72 : i32
        %convert_element_type3A_74 = arith.extui %eq3A_73 : i1 to i32
        %cond3A_75 = arith.constant 0 : i32
        %cond3A_76 = arith.cmpi ne, %convert_element_type3A_74, %cond3A_75 : i32
        scf.if %cond3A_76 {
          %add3A_77 = arith.constant 1 : i32
          %add3A_78 = arith.addi %while3A_36, %add3A_77 : i32
          %lt3A_79 = arith.cmpi slt, %add3A_78, %select_n3A : i32
          %convert_element_type3A_80 = arith.extui %lt3A_79 : i1 to i32
          %cond3A_81 = arith.constant 0 : i32
          %cond3A_82 = arith.cmpi ne, %convert_element_type3A_80, %cond3A_81 : i32
          scf.if %cond3A_82 {
            %add3A_91 = arith.constant 1 : i32
            %add3A_92 = arith.addi %while3A_36, %add3A_91 : i32
            %mul3A_93 = arith.constant 384 : i32
            %mul3A_94 = arith.muli %add3A_92, %mul3A_93 : i32
            "tpu.region"() ({
              %run_scoped3A = tpu.sem_alloc : memref<!tpu.dma_semaphore, #tpu.memory_space<semaphore_mem>>
              %dma_start3A_104 = arith.constant 0 : i32
              %dma_start3A_105 = tpu.memref_slice %arg4[%add3A, %dma_start3A_104] : memref<32x32768xi32, #tpu.memory_space<hbm>> -> memref<1x32768xi32, #tpu.memory_space<hbm>>
              %dma_start3A_106 = tpu.memref_squeeze %dma_start3A_105 : memref<1x32768xi32, #tpu.memory_space<hbm>> -> memref<32768xi32, #tpu.memory_space<hbm>>
              %dma_start3A_107 = tpu.memref_slice %dma_start3A_106[%mul3A_94] : memref<32768xi32, #tpu.memory_space<hbm>> -> memref<384xi32, #tpu.memory_space<hbm>>
              %dma_start3A_108 = arith.constant 0 : i32
              %dma_start3A_109 = tpu.memref_slice %arg4[%add3A, %dma_start3A_108] : memref<32x32768xi32, #tpu.memory_space<hbm>> -> memref<1x32768xi32, #tpu.memory_space<hbm>>
              %dma_start3A_110 = tpu.memref_squeeze %dma_start3A_109 : memref<1x32768xi32, #tpu.memory_space<hbm>> -> memref<32768xi32, #tpu.memory_space<hbm>>
              %dma_start3A_111 = tpu.memref_slice %dma_start3A_110[%mul3A_94] : memref<32768xi32, #tpu.memory_space<hbm>> -> memref<384xi32, #tpu.memory_space<hbm>>
              tpu.enqueue_dma source(%dma_start3A_111 : memref<384xi32, #tpu.memory_space<hbm>>) target(%arg8 : memref<384xi32, #tpu.memory_space<vmem>>) target_semaphore(%run_scoped3A : memref<!tpu.dma_semaphore, #tpu.memory_space<semaphore_mem>>)
              %dma_wait3A_112 = arith.constant 0 : i32
              %dma_wait3A_113 = tpu.memref_slice %arg4[%add3A, %dma_wait3A_112] : memref<32x32768xi32, #tpu.memory_space<hbm>> -> memref<1x32768xi32, #tpu.memory_space<hbm>>
              %dma_wait3A_114 = tpu.memref_squeeze %dma_wait3A_113 : memref<1x32768xi32, #tpu.memory_space<hbm>> -> memref<32768xi32, #tpu.memory_space<hbm>>
              %dma_wait3A_115 = tpu.memref_slice %dma_wait3A_114[%mul3A_94] : memref<32768xi32, #tpu.memory_space<hbm>> -> memref<384xi32, #tpu.memory_space<hbm>>
              %dma_wait3A_116 = arith.constant 0 : i32
              %dma_wait3A_117 = tpu.memref_slice %arg4[%add3A, %dma_wait3A_116] : memref<32x32768xi32, #tpu.memory_space<hbm>> -> memref<1x32768xi32, #tpu.memory_space<hbm>>
              %dma_wait3A_118 = tpu.memref_squeeze %dma_wait3A_117 : memref<1x32768xi32, #tpu.memory_space<hbm>> -> memref<32768xi32, #tpu.memory_space<hbm>>
              %dma_wait3A_119 = tpu.memref_slice %dma_wait3A_118[%mul3A_94] : memref<32768xi32, #tpu.memory_space<hbm>> -> memref<384xi32, #tpu.memory_space<hbm>>
              tpu.wait_dma2 semaphore(%run_scoped3A : memref<!tpu.dma_semaphore, #tpu.memory_space<semaphore_mem>>) src(%dma_wait3A_119 : memref<384xi32, #tpu.memory_space<hbm>>) dst(%arg8 : memref<384xi32, #tpu.memory_space<vmem>>)
              tpu.yield
            }) : () -> ()
            %scan3A_95 = arith.constant 0 : i32
            %scan3A_96 = arith.constant 0 : i32
            %scan3A_97 = arith.constant 24 : i32
            %scan3A_98 = arith.addi %scan3A_96, %scan3A_97 : i32
            %scan3A_99 = arith.constant 1 : i32
            scf.for %scan3A_104 = %scan3A_96 to %scan3A_98 step %scan3A_99  : i32 {
              %mul3A_105 = arith.constant 16 : i32
              %mul3A_106 = arith.muli %scan3A_104, %mul3A_105 : i32
              %get3A_107 = arith.index_cast %mul3A_106 : i32 to index
              %get3A_108 = tpu.vector_load %arg8[%get3A_107] {strides = array<i32>} : memref<384xi32, #tpu.memory_space<vmem>>, vector<16xi32>,
              %and3A_109 = arith.constant 32767 : i32
              %and3A_110 = vector.broadcast %and3A_109 : i32 to vector<16xi32>
              %and3A_111 = arith.andi %get3A_108, %and3A_110 : vector<16xi32>
              %mul3A_112 = arith.constant 16 : i32
              %mul3A_113 = arith.muli %scan3A_104, %mul3A_112 : i32
              %swap3A = arith.index_cast %mul3A_113 : i32 to index
              %swap3A_114 = tpu.vector_load %arg10[%swap3A] {strides = array<i32>} : memref<384xi32, #tpu.memory_space<vmem>>, vector<16xi32>,
              tpu.vector_store %arg10[%swap3A], %and3A_111 {strides = array<i32>} : memref<384xi32, #tpu.memory_space<vmem>>, vector<16xi32>,
              %shift_right_arithmetic3A = arith.constant 15 : i32
              %shift_right_arithmetic3A_115 = vector.broadcast %shift_right_arithmetic3A : i32 to vector<16xi32>
              %shift_right_arithmetic3A_116 = arith.shrsi %get3A_108, %shift_right_arithmetic3A_115 : vector<16xi32>
              %shift_left3A = arith.constant 5 : i32
              %shift_left3A_117 = vector.broadcast %shift_left3A : i32 to vector<16xi32>
              %shift_left3A_118 = arith.shli %shift_right_arithmetic3A_116, %shift_left3A_117 : vector<16xi32>
              %or3A = vector.broadcast %add3A : i32 to vector<16xi32>
              %or3A_119 = arith.ori %shift_left3A_118, %or3A : vector<16xi32>
              %mul3A_120 = arith.constant 16 : i32
              %mul3A_121 = arith.muli %scan3A_104, %mul3A_120 : i32
              %swap3A_122 = arith.index_cast %mul3A_121 : i32 to index
              %swap3A_123 = tpu.vector_load %arg9[%swap3A_122] {strides = array<i32>} : memref<384xi32, #tpu.memory_space<vmem>>, vector<16xi32>,
              tpu.vector_store %arg9[%swap3A_122], %or3A_119 {strides = array<i32>} : memref<384xi32, #tpu.memory_space<vmem>>, vector<16xi32>,
            }
            %scan3A_100 = arith.constant 24 : i32
            %dma_start3A_101 = arith.constant 0 : i32
            %dma_start3A_102 = arith.constant 0 : i32
            %dma_start3A_103 = tpu.memref_slice %arg3[%dma_start3A_101, %dma_start3A_102] : memref<32768x128xf32, #tpu.memory_space<hbm>> -> memref<32768x128xf32, #tpu.memory_space<hbm>>
            tpu.enqueue_indirect_dma source(%dma_start3A_103 : memref<32768x128xf32, #tpu.memory_space<hbm>>) target(%arg11 : memref<384x128xf32, #tpu.memory_space<vmem>>) offsets(%arg10 : memref<384xi32, #tpu.memory_space<vmem>>) semaphore(%arg15 : memref<!tpu.dma_semaphore, #tpu.memory_space<semaphore_mem>>)
          } else {
          }
          %dma_wait3A = arith.constant 0 : i32
          %dma_wait3A_83 = arith.constant 0 : i32
          %dma_wait3A_84 = tpu.memref_slice %arg3[%dma_wait3A, %dma_wait3A_83] : memref<32768x128xf32, #tpu.memory_space<hbm>> -> memref<32768x128xf32, #tpu.memory_space<hbm>>
          tpu.wait_indirect_dma semaphore(%arg16 : memref<!tpu.dma_semaphore, #tpu.memory_space<semaphore_mem>>) src(%dma_wait3A_84 : memref<32768x128xf32, #tpu.memory_space<hbm>>) dst(%arg14 : memref<384x128xf32, #tpu.memory_space<vmem>>)
          %dma_start3A_85 = arith.constant 0 : i32
          %dma_start3A_86 = arith.constant 0 : i32
          %dma_start3A_87 = tpu.memref_slice %arg2[%dma_start3A_85, %dma_start3A_86] : memref<100000x128xf32, #tpu.memory_space<hbm>> -> memref<100000x128xf32, #tpu.memory_space<hbm>>
          tpu.enqueue_indirect_dma source(%arg14 : memref<384x128xf32, #tpu.memory_space<vmem>>) target(%dma_start3A_87 : memref<100000x128xf32, #tpu.memory_space<hbm>>) offsets(%arg12 : memref<384xi32, #tpu.memory_space<vmem>>) semaphore(%arg16 : memref<!tpu.dma_semaphore, #tpu.memory_space<semaphore_mem>>)
          %dma_wait3A_88 = arith.constant 0 : i32
          %dma_wait3A_89 = arith.constant 0 : i32
          %dma_wait3A_90 = tpu.memref_slice %arg2[%dma_wait3A_88, %dma_wait3A_89] : memref<100000x128xf32, #tpu.memory_space<hbm>> -> memref<100000x128xf32, #tpu.memory_space<hbm>>
          tpu.wait_indirect_dma semaphore(%arg16 : memref<!tpu.dma_semaphore, #tpu.memory_space<semaphore_mem>>) src(%arg14 : memref<384x128xf32, #tpu.memory_space<vmem>>) dst(%dma_wait3A_90 : memref<100000x128xf32, #tpu.memory_space<hbm>>)
        } else {
        }
      }
      %while3A_35 = arith.constant 1 : i32
      scf.for %while3A_36 = %while3A_33 to %while3A_29 step %while3A_35  : i32 {
        %jit3A_37 = arith.constant 2 : i32
        %eq3A = arith.constant 0 : i32
        %eq3A_38 = arith.cmpi eq, %jit3A_37, %eq3A : i32
        %jit3A_39 = arith.constant 1 : i32
        %select_n3A_40 = arith.select %eq3A_38, %jit3A_39, %jit3A_37 : i32
        %rem3A_41 = arith.remsi %while3A_36, %select_n3A_40 : i32
        %ne3A_42 = arith.constant 0 : i32
        %ne3A_43 = arith.cmpi ne, %rem3A_41, %ne3A_42 : i32
        %lt3A = arith.constant 0 : i32
        %lt3A_44 = arith.cmpi slt, %rem3A_41, %lt3A : i32
        %lt3A_45 = arith.constant 0 : i32
        %lt3A_46 = arith.cmpi slt, %select_n3A_40, %lt3A_45 : i32
        %ne3A_47 = arith.xori %lt3A_44, %lt3A_46 : i1
        %and3A_48 = arith.andi %ne3A_47, %ne3A_43 : i1
        %add3A_49 = arith.addi %rem3A_41, %select_n3A_40 : i32
        %select_n3A_50 = arith.select %and3A_48, %add3A_49, %rem3A_41 : i32
        %eq3A_51 = arith.constant 0 : i32
        %eq3A_52 = arith.cmpi eq, %select_n3A_50, %eq3A_51 : i32
        %convert_element_type3A_53 = arith.extui %eq3A_52 : i1 to i32
        %cond3A_54 = arith.constant 0 : i32
        %cond3A_55 = arith.cmpi ne, %convert_element_type3A_53, %cond3A_54 : i32
        scf.if %cond3A_55 {
          %add3A_77 = arith.constant 1 : i32
          %add3A_78 = arith.addi %while3A_36, %add3A_77 : i32
          %lt3A_79 = arith.cmpi slt, %add3A_78, %select_n3A : i32
          %convert_element_type3A_80 = arith.extui %lt3A_79 : i1 to i32
          %cond3A_81 = arith.constant 0 : i32
          %cond3A_82 = arith.cmpi ne, %convert_element_type3A_80, %cond3A_81 : i32
          scf.if %cond3A_82 {
            %add3A_91 = arith.constant 1 : i32
            %add3A_92 = arith.addi %while3A_36, %add3A_91 : i32
            %mul3A_93 = arith.constant 384 : i32
            %mul3A_94 = arith.muli %add3A_92, %mul3A_93 : i32
            "tpu.region"() ({
              %run_scoped3A = tpu.sem_alloc : memref<!tpu.dma_semaphore, #tpu.memory_space<semaphore_mem>>
              %dma_start3A_104 = arith.constant 0 : i32
              %dma_start3A_105 = tpu.memref_slice %arg4[%add3A, %dma_start3A_104] : memref<32x32768xi32, #tpu.memory_space<hbm>> -> memref<1x32768xi32, #tpu.memory_space<hbm>>
              %dma_start3A_106 = tpu.memref_squeeze %dma_start3A_105 : memref<1x32768xi32, #tpu.memory_space<hbm>> -> memref<32768xi32, #tpu.memory_space<hbm>>
              %dma_start3A_107 = tpu.memref_slice %dma_start3A_106[%mul3A_94] : memref<32768xi32, #tpu.memory_space<hbm>> -> memref<384xi32, #tpu.memory_space<hbm>>
              %dma_start3A_108 = arith.constant 0 : i32
              %dma_start3A_109 = tpu.memref_slice %arg4[%add3A, %dma_start3A_108] : memref<32x32768xi32, #tpu.memory_space<hbm>> -> memref<1x32768xi32, #tpu.memory_space<hbm>>
              %dma_start3A_110 = tpu.memref_squeeze %dma_start3A_109 : memref<1x32768xi32, #tpu.memory_space<hbm>> -> memref<32768xi32, #tpu.memory_space<hbm>>
              %dma_start3A_111 = tpu.memref_slice %dma_start3A_110[%mul3A_94] : memref<32768xi32, #tpu.memory_space<hbm>> -> memref<384xi32, #tpu.memory_space<hbm>>
              tpu.enqueue_dma source(%dma_start3A_111 : memref<384xi32, #tpu.memory_space<hbm>>) target(%arg8 : memref<384xi32, #tpu.memory_space<vmem>>) target_semaphore(%run_scoped3A : memref<!tpu.dma_semaphore, #tpu.memory_space<semaphore_mem>>)
              %dma_wait3A_112 = arith.constant 0 : i32
              %dma_wait3A_113 = tpu.memref_slice %arg4[%add3A, %dma_wait3A_112] : memref<32x32768xi32, #tpu.memory_space<hbm>> -> memref<1x32768xi32, #tpu.memory_space<hbm>>
              %dma_wait3A_114 = tpu.memref_squeeze %dma_wait3A_113 : memref<1x32768xi32, #tpu.memory_space<hbm>> -> memref<32768xi32, #tpu.memory_space<hbm>>
              %dma_wait3A_115 = tpu.memref_slice %dma_wait3A_114[%mul3A_94] : memref<32768xi32, #tpu.memory_space<hbm>> -> memref<384xi32, #tpu.memory_space<hbm>>
              %dma_wait3A_116 = arith.constant 0 : i32
              %dma_wait3A_117 = tpu.memref_slice %arg4[%add3A, %dma_wait3A_116] : memref<32x32768xi32, #tpu.memory_space<hbm>> -> memref<1x32768xi32, #tpu.memory_space<hbm>>
              %dma_wait3A_118 = tpu.memref_squeeze %dma_wait3A_117 : memref<1x32768xi32, #tpu.memory_space<hbm>> -> memref<32768xi32, #tpu.memory_space<hbm>>
              %dma_wait3A_119 = tpu.memref_slice %dma_wait3A_118[%mul3A_94] : memref<32768xi32, #tpu.memory_space<hbm>> -> memref<384xi32, #tpu.memory_space<hbm>>
              tpu.wait_dma2 semaphore(%run_scoped3A : memref<!tpu.dma_semaphore, #tpu.memory_space<semaphore_mem>>) src(%dma_wait3A_119 : memref<384xi32, #tpu.memory_space<hbm>>) dst(%arg8 : memref<384xi32, #tpu.memory_space<vmem>>)
              tpu.yield
            }) : () -> ()
            %scan3A_95 = arith.constant 0 : i32
            %scan3A_96 = arith.constant 0 : i32
            %scan3A_97 = arith.constant 24 : i32
            %scan3A_98 = arith.addi %scan3A_96, %scan3A_97 : i32
            %scan3A_99 = arith.constant 1 : i32
            scf.for %scan3A_104 = %scan3A_96 to %scan3A_98 step %scan3A_99  : i32 {
              %mul3A_105 = arith.constant 16 : i32
              %mul3A_106 = arith.muli %scan3A_104, %mul3A_105 : i32
              %get3A_107 = arith.index_cast %mul3A_106 : i32 to index
              %get3A_108 = tpu.vector_load %arg8[%get3A_107] {strides = array<i32>} : memref<384xi32, #tpu.memory_space<vmem>>, vector<16xi32>,
              %and3A_109 = arith.constant 32767 : i32
              %and3A_110 = vector.broadcast %and3A_109 : i32 to vector<16xi32>
              %and3A_111 = arith.andi %get3A_108, %and3A_110 : vector<16xi32>
              %mul3A_112 = arith.constant 16 : i32
              %mul3A_113 = arith.muli %scan3A_104, %mul3A_112 : i32
              %swap3A = arith.index_cast %mul3A_113 : i32 to index
              %swap3A_114 = tpu.vector_load %arg13[%swap3A] {strides = array<i32>} : memref<384xi32, #tpu.memory_space<vmem>>, vector<16xi32>,
              tpu.vector_store %arg13[%swap3A], %and3A_111 {strides = array<i32>} : memref<384xi32, #tpu.memory_space<vmem>>, vector<16xi32>,
              %shift_right_arithmetic3A = arith.constant 15 : i32
              %shift_right_arithmetic3A_115 = vector.broadcast %shift_right_arithmetic3A : i32 to vector<16xi32>
              %shift_right_arithmetic3A_116 = arith.shrsi %get3A_108, %shift_right_arithmetic3A_115 : vector<16xi32>
              %shift_left3A = arith.constant 5 : i32
              %shift_left3A_117 = vector.broadcast %shift_left3A : i32 to vector<16xi32>
              %shift_left3A_118 = arith.shli %shift_right_arithmetic3A_116, %shift_left3A_117 : vector<16xi32>
              %or3A = vector.broadcast %add3A : i32 to vector<16xi32>
              %or3A_119 = arith.ori %shift_left3A_118, %or3A : vector<16xi32>
              %mul3A_120 = arith.constant 16 : i32
              %mul3A_121 = arith.muli %scan3A_104, %mul3A_120 : i32
              %swap3A_122 = arith.index_cast %mul3A_121 : i32 to index
              %swap3A_123 = tpu.vector_load %arg12[%swap3A_122] {strides = array<i32>} : memref<384xi32, #tpu.memory_space<vmem>>, vector<16xi32>,
              tpu.vector_store %arg12[%swap3A_122], %or3A_119 {strides = array<i32>} : memref<384xi32, #tpu.memory_space<vmem>>, vector<16xi32>,
            }
            %scan3A_100 = arith.constant 24 : i32
            %dma_start3A_101 = arith.constant 0 : i32
            %dma_start3A_102 = arith.constant 0 : i32
            %dma_start3A_103 = tpu.memref_slice %arg3[%dma_start3A_101, %dma_start3A_102] : memref<32768x128xf32, #tpu.memory_space<hbm>> -> memref<32768x128xf32, #tpu.memory_space<hbm>>
            tpu.enqueue_indirect_dma source(%dma_start3A_103 : memref<32768x128xf32, #tpu.memory_space<hbm>>) target(%arg14 : memref<384x128xf32, #tpu.memory_space<vmem>>) offsets(%arg13 : memref<384xi32, #tpu.memory_space<vmem>>) semaphore(%arg16 : memref<!tpu.dma_semaphore, #tpu.memory_space<semaphore_mem>>)
          } else {
          }
          %dma_wait3A = arith.constant 0 : i32
          %dma_wait3A_83 = arith.constant 0 : i32
          %dma_wait3A_84 = tpu.memref_slice %arg3[%dma_wait3A, %dma_wait3A_83] : memref<32768x128xf32, #tpu.memory_space<hbm>> -> memref<32768x128xf32, #tpu.memory_space<hbm>>
          tpu.wait_indirect_dma semaphore(%arg15 : memref<!tpu.dma_semaphore, #tpu.memory_space<semaphore_mem>>) src(%dma_wait3A_84 : memref<32768x128xf32, #tpu.memory_space<hbm>>) dst(%arg11 : memref<384x128xf32, #tpu.memory_space<vmem>>)
          %dma_start3A_85 = arith.constant 0 : i32
          %dma_start3A_86 = arith.constant 0 : i32
          %dma_start3A_87 = tpu.memref_slice %arg2[%dma_start3A_85, %dma_start3A_86] : memref<100000x128xf32, #tpu.memory_space<hbm>> -> memref<100000x128xf32, #tpu.memory_space<hbm>>
          tpu.enqueue_indirect_dma source(%arg11 : memref<384x128xf32, #tpu.memory_space<vmem>>) target(%dma_start3A_87 : memref<100000x128xf32, #tpu.memory_space<hbm>>) offsets(%arg9 : memref<384xi32, #tpu.memory_space<vmem>>) semaphore(%arg15 : memref<!tpu.dma_semaphore, #tpu.memory_space<semaphore_mem>>)
          %dma_wait3A_88 = arith.constant 0 : i32
          %dma_wait3A_89 = arith.constant 0 : i32
          %dma_wait3A_90 = tpu.memref_slice %arg2[%dma_wait3A_88, %dma_wait3A_89] : memref<100000x128xf32, #tpu.memory_space<hbm>> -> memref<100000x128xf32, #tpu.memory_space<hbm>>
          tpu.wait_indirect_dma semaphore(%arg15 : memref<!tpu.dma_semaphore, #tpu.memory_space<semaphore_mem>>) src(%arg11 : memref<384x128xf32, #tpu.memory_space<vmem>>) dst(%dma_wait3A_90 : memref<100000x128xf32, #tpu.memory_space<hbm>>)
        } else {
        }
        %jit3A_56 = arith.constant 2 : i32
        %eq3A_57 = arith.constant 0 : i32
        %eq3A_58 = arith.cmpi eq, %jit3A_56, %eq3A_57 : i32
        %jit3A_59 = arith.constant 1 : i32
        %select_n3A_60 = arith.select %eq3A_58, %jit3A_59, %jit3A_56 : i32
        %rem3A_61 = arith.remsi %while3A_36, %select_n3A_60 : i32
        %ne3A_62 = arith.constant 0 : i32
        %ne3A_63 = arith.cmpi ne, %rem3A_61, %ne3A_62 : i32
        %lt3A_64 = arith.constant 0 : i32
        %lt3A_65 = arith.cmpi slt, %rem3A_61, %lt3A_64 : i32
        %lt3A_66 = arith.constant 0 : i32
        %lt3A_67 = arith.cmpi slt, %select_n3A_60, %lt3A_66 : i32
        %ne3A_68 = arith.xori %lt3A_65, %lt3A_67 : i1
        %and3A_69 = arith.andi %ne3A_68, %ne3A_63 : i1
        %add3A_70 = arith.addi %rem3A_61, %select_n3A_60 : i32
        %select_n3A_71 = arith.select %and3A_69, %add3A_70, %rem3A_61 : i32
        %eq3A_72 = arith.constant 1 : i32
        %eq3A_73 = arith.cmpi eq, %select_n3A_71, %eq3A_72 : i32
        %convert_element_type3A_74 = arith.extui %eq3A_73 : i1 to i32
        %cond3A_75 = arith.constant 0 : i32
        %cond3A_76 = arith.cmpi ne, %convert_element_type3A_74, %cond3A_75 : i32
        scf.if %cond3A_76 {
          %add3A_77 = arith.constant 1 : i32
          %add3A_78 = arith.addi %while3A_36, %add3A_77 : i32
          %lt3A_79 = arith.cmpi slt, %add3A_78, %select_n3A : i32
          %convert_element_type3A_80 = arith.extui %lt3A_79 : i1 to i32
          %cond3A_81 = arith.constant 0 : i32
          %cond3A_82 = arith.cmpi ne, %convert_element_type3A_80, %cond3A_81 : i32
          scf.if %cond3A_82 {
            %add3A_91 = arith.constant 1 : i32
            %add3A_92 = arith.addi %while3A_36, %add3A_91 : i32
            %mul3A_93 = arith.constant 384 : i32
            %mul3A_94 = arith.muli %add3A_92, %mul3A_93 : i32
            "tpu.region"() ({
              %run_scoped3A = tpu.sem_alloc : memref<!tpu.dma_semaphore, #tpu.memory_space<semaphore_mem>>
              %dma_start3A_104 = arith.constant 0 : i32
              %dma_start3A_105 = tpu.memref_slice %arg4[%add3A, %dma_start3A_104] : memref<32x32768xi32, #tpu.memory_space<hbm>> -> memref<1x32768xi32, #tpu.memory_space<hbm>>
              %dma_start3A_106 = tpu.memref_squeeze %dma_start3A_105 : memref<1x32768xi32, #tpu.memory_space<hbm>> -> memref<32768xi32, #tpu.memory_space<hbm>>
              %dma_start3A_107 = tpu.memref_slice %dma_start3A_106[%mul3A_94] : memref<32768xi32, #tpu.memory_space<hbm>> -> memref<384xi32, #tpu.memory_space<hbm>>
              %dma_start3A_108 = arith.constant 0 : i32
              %dma_start3A_109 = tpu.memref_slice %arg4[%add3A, %dma_start3A_108] : memref<32x32768xi32, #tpu.memory_space<hbm>> -> memref<1x32768xi32, #tpu.memory_space<hbm>>
              %dma_start3A_110 = tpu.memref_squeeze %dma_start3A_109 : memref<1x32768xi32, #tpu.memory_space<hbm>> -> memref<32768xi32, #tpu.memory_space<hbm>>
              %dma_start3A_111 = tpu.memref_slice %dma_start3A_110[%mul3A_94] : memref<32768xi32, #tpu.memory_space<hbm>> -> memref<384xi32, #tpu.memory_space<hbm>>
              tpu.enqueue_dma source(%dma_start3A_111 : memref<384xi32, #tpu.memory_space<hbm>>) target(%arg8 : memref<384xi32, #tpu.memory_space<vmem>>) target_semaphore(%run_scoped3A : memref<!tpu.dma_semaphore, #tpu.memory_space<semaphore_mem>>)
              %dma_wait3A_112 = arith.constant 0 : i32
              %dma_wait3A_113 = tpu.memref_slice %arg4[%add3A, %dma_wait3A_112] : memref<32x32768xi32, #tpu.memory_space<hbm>> -> memref<1x32768xi32, #tpu.memory_space<hbm>>
              %dma_wait3A_114 = tpu.memref_squeeze %dma_wait3A_113 : memref<1x32768xi32, #tpu.memory_space<hbm>> -> memref<32768xi32, #tpu.memory_space<hbm>>
              %dma_wait3A_115 = tpu.memref_slice %dma_wait3A_114[%mul3A_94] : memref<32768xi32, #tpu.memory_space<hbm>> -> memref<384xi32, #tpu.memory_space<hbm>>
              %dma_wait3A_116 = arith.constant 0 : i32
              %dma_wait3A_117 = tpu.memref_slice %arg4[%add3A, %dma_wait3A_116] : memref<32x32768xi32, #tpu.memory_space<hbm>> -> memref<1x32768xi32, #tpu.memory_space<hbm>>
              %dma_wait3A_118 = tpu.memref_squeeze %dma_wait3A_117 : memref<1x32768xi32, #tpu.memory_space<hbm>> -> memref<32768xi32, #tpu.memory_space<hbm>>
              %dma_wait3A_119 = tpu.memref_slice %dma_wait3A_118[%mul3A_94] : memref<32768xi32, #tpu.memory_space<hbm>> -> memref<384xi32, #tpu.memory_space<hbm>>
              tpu.wait_dma2 semaphore(%run_scoped3A : memref<!tpu.dma_semaphore, #tpu.memory_space<semaphore_mem>>) src(%dma_wait3A_119 : memref<384xi32, #tpu.memory_space<hbm>>) dst(%arg8 : memref<384xi32, #tpu.memory_space<vmem>>)
              tpu.yield
            }) : () -> ()
            %scan3A_95 = arith.constant 0 : i32
            %scan3A_96 = arith.constant 0 : i32
            %scan3A_97 = arith.constant 24 : i32
            %scan3A_98 = arith.addi %scan3A_96, %scan3A_97 : i32
            %scan3A_99 = arith.constant 1 : i32
            scf.for %scan3A_104 = %scan3A_96 to %scan3A_98 step %scan3A_99  : i32 {
              %mul3A_105 = arith.constant 16 : i32
              %mul3A_106 = arith.muli %scan3A_104, %mul3A_105 : i32
              %get3A_107 = arith.index_cast %mul3A_106 : i32 to index
              %get3A_108 = tpu.vector_load %arg8[%get3A_107] {strides = array<i32>} : memref<384xi32, #tpu.memory_space<vmem>>, vector<16xi32>,
              %and3A_109 = arith.constant 32767 : i32
              %and3A_110 = vector.broadcast %and3A_109 : i32 to vector<16xi32>
              %and3A_111 = arith.andi %get3A_108, %and3A_110 : vector<16xi32>
              %mul3A_112 = arith.constant 16 : i32
              %mul3A_113 = arith.muli %scan3A_104, %mul3A_112 : i32
              %swap3A = arith.index_cast %mul3A_113 : i32 to index
              %swap3A_114 = tpu.vector_load %arg10[%swap3A] {strides = array<i32>} : memref<384xi32, #tpu.memory_space<vmem>>, vector<16xi32>,
              tpu.vector_store %arg10[%swap3A], %and3A_111 {strides = array<i32>} : memref<384xi32, #tpu.memory_space<vmem>>, vector<16xi32>,
              %shift_right_arithmetic3A = arith.constant 15 : i32
              %shift_right_arithmetic3A_115 = vector.broadcast %shift_right_arithmetic3A : i32 to vector<16xi32>
              %shift_right_arithmetic3A_116 = arith.shrsi %get3A_108, %shift_right_arithmetic3A_115 : vector<16xi32>
              %shift_left3A = arith.constant 5 : i32
              %shift_left3A_117 = vector.broadcast %shift_left3A : i32 to vector<16xi32>
              %shift_left3A_118 = arith.shli %shift_right_arithmetic3A_116, %shift_left3A_117 : vector<16xi32>
              %or3A = vector.broadcast %add3A : i32 to vector<16xi32>
              %or3A_119 = arith.ori %shift_left3A_118, %or3A : vector<16xi32>
              %mul3A_120 = arith.constant 16 : i32
              %mul3A_121 = arith.muli %scan3A_104, %mul3A_120 : i32
              %swap3A_122 = arith.index_cast %mul3A_121 : i32 to index
              %swap3A_123 = tpu.vector_load %arg9[%swap3A_122] {strides = array<i32>} : memref<384xi32, #tpu.memory_space<vmem>>, vector<16xi32>,
              tpu.vector_store %arg9[%swap3A_122], %or3A_119 {strides = array<i32>} : memref<384xi32, #tpu.memory_space<vmem>>, vector<16xi32>,
            }
            %scan3A_100 = arith.constant 24 : i32
            %dma_start3A_101 = arith.constant 0 : i32
            %dma_start3A_102 = arith.constant 0 : i32
            %dma_start3A_103 = tpu.memref_slice %arg3[%dma_start3A_101, %dma_start3A_102] : memref<32768x128xf32, #tpu.memory_space<hbm>> -> memref<32768x128xf32, #tpu.memory_space<hbm>>
            tpu.enqueue_indirect_dma source(%dma_start3A_103 : memref<32768x128xf32, #tpu.memory_space<hbm>>) target(%arg11 : memref<384x128xf32, #tpu.memory_space<vmem>>) offsets(%arg10 : memref<384xi32, #tpu.memory_space<vmem>>) semaphore(%arg15 : memref<!tpu.dma_semaphore, #tpu.memory_space<semaphore_mem>>)
          } else {
          }
          %dma_wait3A = arith.constant 0 : i32
          %dma_wait3A_83 = arith.constant 0 : i32
          %dma_wait3A_84 = tpu.memref_slice %arg3[%dma_wait3A, %dma_wait3A_83] : memref<32768x128xf32, #tpu.memory_space<hbm>> -> memref<32768x128xf32, #tpu.memory_space<hbm>>
          tpu.wait_indirect_dma semaphore(%arg16 : memref<!tpu.dma_semaphore, #tpu.memory_space<semaphore_mem>>) src(%dma_wait3A_84 : memref<32768x128xf32, #tpu.memory_space<hbm>>) dst(%arg14 : memref<384x128xf32, #tpu.memory_space<vmem>>)
          %dma_start3A_85 = arith.constant 0 : i32
          %dma_start3A_86 = arith.constant 0 : i32
          %dma_start3A_87 = tpu.memref_slice %arg2[%dma_start3A_85, %dma_start3A_86] : memref<100000x128xf32, #tpu.memory_space<hbm>> -> memref<100000x128xf32, #tpu.memory_space<hbm>>
          tpu.enqueue_indirect_dma source(%arg14 : memref<384x128xf32, #tpu.memory_space<vmem>>) target(%dma_start3A_87 : memref<100000x128xf32, #tpu.memory_space<hbm>>) offsets(%arg12 : memref<384xi32, #tpu.memory_space<vmem>>) semaphore(%arg16 : memref<!tpu.dma_semaphore, #tpu.memory_space<semaphore_mem>>)
          %dma_wait3A_88 = arith.constant 0 : i32
          %dma_wait3A_89 = arith.constant 0 : i32
          %dma_wait3A_90 = tpu.memref_slice %arg2[%dma_wait3A_88, %dma_wait3A_89] : memref<100000x128xf32, #tpu.memory_space<hbm>> -> memref<100000x128xf32, #tpu.memory_space<hbm>>
          tpu.wait_indirect_dma semaphore(%arg16 : memref<!tpu.dma_semaphore, #tpu.memory_space<semaphore_mem>>) src(%arg14 : memref<384x128xf32, #tpu.memory_space<vmem>>) dst(%dma_wait3A_90 : memref<100000x128xf32, #tpu.memory_space<hbm>>)
        } else {
        }
      }
    } else {
    }
    return
  }
}

module attributes {stable_mosaic.version = 14 : i64} {
  func.func @_copy_body(%arg0: i32, %arg1: memref<4520x128xf32, #tpu.memory_space<vmem>>, %arg2: memref<4520x128xf32, #tpu.memory_space<vmem>>) attributes {dimension_semantics = [#tpu.dimension_semantics<arbitrary>], iteration_bounds = array<i64: 4>, scalar_prefetch = 0 : i64, scratch_operands = 0 : i64, tpu.core_type = #tpu.core_type<tc>, window_params = [{transform_indices = @transform_0, window_bounds = array<i64: 4520, 128>}, {transform_indices = @transform_1, window_bounds = array<i64: 4520, 128>}]} {
    %get3A = arith.constant 0 : index
    %get3A_0 = arith.constant 0 : index
    %get3A_1 = vector.load %arg1[%get3A, %get3A_0] : memref<4520x128xf32, #tpu.memory_space<vmem>>, vector<4520x128xf32>
    %swap3A = arith.constant 0 : index
    %swap3A_2 = arith.constant 0 : index
    %swap3A_3 = vector.load %arg2[%swap3A, %swap3A_2] : memref<4520x128xf32, #tpu.memory_space<vmem>>, vector<4520x128xf32>
    tpu.vector_store %arg2[%swap3A, %swap3A_2], %get3A_1 {strides = array<i32>} : memref<4520x128xf32, #tpu.memory_space<vmem>>, vector<4520x128xf32>,
    return
  }
  func.func @transform_0(%arg0: i32) -> (i32, i32) {
    %c0_i32 = arith.constant 0 : i32
    %c0_i32_0 = arith.constant 0 : i32
    return %arg0, %c0_i32 : i32, i32
  }
  func.func @transform_1(%arg0: i32) -> (i32, i32) {
    %c0_i32 = arith.constant 0 : i32
    %c0_i32_0 = arith.constant 0 : i32
    return %arg0, %c0_i32 : i32, i32
  }
}

module attributes {stable_mosaic.version = 14 : i64} {
  func.func @_dense_body(%arg0: i32, %arg1: memref<2x2048x128xf32, #tpu.memory_space<vmem>>, %arg2: memref<2048x128xf32, #tpu.memory_space<vmem>>, %arg3: memref<2048x128xf32, #tpu.memory_space<vmem>>, %arg4: memref<2048x16xf32, #tpu.memory_space<vmem>>, %arg5: memref<2048x1xf32, #tpu.memory_space<vmem>>, %arg6: memref<1x128xf32, #tpu.memory_space<vmem>>, %arg7: memref<1x128xf32, #tpu.memory_space<vmem>>, %arg8: memref<128x128xbf16, #tpu.memory_space<vmem>>, %arg9: memref<128x128xbf16, #tpu.memory_space<vmem>>, %arg10: memref<128x128xbf16, #tpu.memory_space<vmem>>, %arg11: memref<128x128xbf16, #tpu.memory_space<vmem>>, %arg12: memref<16x128xbf16, #tpu.memory_space<vmem>>, %arg13: memref<128x128xbf16, #tpu.memory_space<vmem>>, %arg14: memref<128x128xbf16, #tpu.memory_space<vmem>>, %arg15: memref<16x128xbf16, #tpu.memory_space<vmem>>, %arg16: memref<128x128xbf16, #tpu.memory_space<vmem>>, %arg17: memref<128x128xbf16, #tpu.memory_space<vmem>>, %arg18: memref<128x128xbf16, #tpu.memory_space<vmem>>, %arg19: memref<128x128xbf16, #tpu.memory_space<vmem>>, %arg20: memref<1x128xf32, #tpu.memory_space<vmem>>, %arg21: memref<1x128xf32, #tpu.memory_space<vmem>>, %arg22: memref<1x128xf32, #tpu.memory_space<vmem>>, %arg23: memref<1x128xf32, #tpu.memory_space<vmem>>, %arg24: memref<1x128xf32, #tpu.memory_space<vmem>>, %arg25: memref<2x2048x128xf32, #tpu.memory_space<vmem>>, %arg26: memref<2x2048x128xf32, #tpu.memory_space<vmem>>) attributes {dimension_semantics = [#tpu.dimension_semantics<arbitrary>], iteration_bounds = array<i64: 8>, scalar_prefetch = 0 : i64, scratch_operands = 0 : i64, tpu.core_type = #tpu.core_type<tc>, window_params = [{transform_indices = @transform_0, window_bounds = array<i64: 2, 2048, 128>}, {transform_indices = @transform_1, window_bounds = array<i64: 2048, 128>}, {transform_indices = @transform_2, window_bounds = array<i64: 2048, 128>}, {transform_indices = @transform_3, window_bounds = array<i64: 2048, 16>}, {transform_indices = @transform_4, window_bounds = array<i64: 2048, 1>}, {pipeline_mode = #tpu.pipeline_mode<synchronous>, transform_indices = @transform_5, window_bounds = array<i64: 1, 128>}, {pipeline_mode = #tpu.pipeline_mode<synchronous>, transform_indices = @transform_6, window_bounds = array<i64: 1, 128>}, {pipeline_mode = #tpu.pipeline_mode<synchronous>, transform_indices = @transform_7, window_bounds = array<i64: 128, 128>}, {pipeline_mode = #tpu.pipeline_mode<synchronous>, transform_indices = @transform_8, window_bounds = array<i64: 128, 128>}, {pipeline_mode = #tpu.pipeline_mode<synchronous>, transform_indices = @transform_9, window_bounds = array<i64: 128, 128>}, {pipeline_mode = #tpu.pipeline_mode<synchronous>, transform_indices = @transform_10, window_bounds = array<i64: 128, 128>}, {pipeline_mode = #tpu.pipeline_mode<synchronous>, transform_indices = @transform_11, window_bounds = array<i64: 16, 128>}, {pipeline_mode = #tpu.pipeline_mode<synchronous>, transform_indices = @transform_12, window_bounds = array<i64: 128, 128>}, {pipeline_mode = #tpu.pipeline_mode<synchronous>, transform_indices = @transform_13, window_bounds = array<i64: 128, 128>}, {pipeline_mode = #tpu.pipeline_mode<synchronous>, transform_indices = @transform_14, window_bounds = array<i64: 16, 128>}, {pipeline_mode = #tpu.pipeline_mode<synchronous>, transform_indices = @transform_15, window_bounds = array<i64: 128, 128>}, {pipeline_mode = #tpu.pipeline_mode<synchronous>, transform_indices = @transform_16, window_bounds = array<i64: 128, 128>}, {pipeline_mode = #tpu.pipeline_mode<synchronous>, transform_indices = @transform_17, window_bounds = array<i64: 128, 128>}, {pipeline_mode = #tpu.pipeline_mode<synchronous>, transform_indices = @transform_18, window_bounds = array<i64: 128, 128>}, {pipeline_mode = #tpu.pipeline_mode<synchronous>, transform_indices = @transform_19, window_bounds = array<i64: 1, 128>}, {pipeline_mode = #tpu.pipeline_mode<synchronous>, transform_indices = @transform_20, window_bounds = array<i64: 1, 128>}, {pipeline_mode = #tpu.pipeline_mode<synchronous>, transform_indices = @transform_21, window_bounds = array<i64: 1, 128>}, {pipeline_mode = #tpu.pipeline_mode<synchronous>, transform_indices = @transform_22, window_bounds = array<i64: 1, 128>}, {pipeline_mode = #tpu.pipeline_mode<synchronous>, transform_indices = @transform_23, window_bounds = array<i64: 1, 128>}, {transform_indices = @transform_24, window_bounds = array<i64: 2, 2048, 128>}, {transform_indices = @transform_25, window_bounds = array<i64: 2, 2048, 128>}]} {
    %get3A = arith.constant 0 : index
    %get3A_0 = arith.constant 0 : index
    %get3A_1 = vector.load %arg5[%get3A, %get3A_0] : memref<2048x1xf32, #tpu.memory_space<vmem>>, vector<2048x1xf32>
    %get3A_2 = arith.constant 0 : index
    %get3A_3 = arith.constant 0 : index
    %get3A_4 = vector.load %arg6[%get3A_2, %get3A_3] : memref<1x128xf32, #tpu.memory_space<vmem>>, vector<1x128xf32>
    %mul3A = vector.broadcast %get3A_1 : vector<2048x1xf32> to vector<2048x128xf32>
    %mul3A_5 = vector.broadcast %get3A_4 : vector<1x128xf32> to vector<2048x128xf32>
    %mul3A_6 = arith.mulf %mul3A, %mul3A_5 : vector<2048x128xf32>
    %get3A_7 = arith.constant 0 : index
    %get3A_8 = arith.constant 0 : index
    %get3A_9 = vector.load %arg7[%get3A_7, %get3A_8] : memref<1x128xf32, #tpu.memory_space<vmem>>, vector<1x128xf32>
    %add3A = vector.broadcast %get3A_9 : vector<1x128xf32> to vector<2048x128xf32>
    %add3A_10 = arith.addf %mul3A_6, %add3A : vector<2048x128xf32>
    %cos3A = math.cos %add3A_10 : vector<2048x128xf32>
    %get3A_11 = arith.constant 0 : index
    %get3A_12 = arith.constant 0 : index
    %get3A_13 = vector.load %arg4[%get3A_11, %get3A_12] : memref<2048x16xf32, #tpu.memory_space<vmem>>, vector<2048x16xf32>
    %get3A_14 = arith.constant 0 : index
    %get3A_15 = arith.constant 0 : index
    %get3A_16 = arith.constant 0 : index
    %get3A_17 = vector.load %arg1[%get3A_14, %get3A_15, %get3A_16] : memref<2x2048x128xf32, #tpu.memory_space<vmem>>, vector<1x2048x128xf32>
    %get3A_18 = vector.shape_cast %get3A_17 : vector<1x2048x128xf32> to vector<2048x128xf32>
    %get3A_19 = arith.constant 1 : index
    %get3A_20 = arith.constant 0 : index
    %get3A_21 = arith.constant 0 : index
    %get3A_22 = vector.load %arg1[%get3A_19, %get3A_20, %get3A_21] : memref<2x2048x128xf32, #tpu.memory_space<vmem>>, vector<1x2048x128xf32>
    %get3A_23 = vector.shape_cast %get3A_22 : vector<1x2048x128xf32> to vector<2048x128xf32>
    %get3A_24 = arith.constant 0 : index
    %get3A_25 = arith.constant 0 : index
    %get3A_26 = vector.load %arg9[%get3A_24, %get3A_25] : memref<128x128xbf16, #tpu.memory_space<vmem>>, vector<128x128xbf16>
    %convert_element_type3A = arith.truncf %cos3A : vector<2048x128xf32> to vector<2048x128xbf16>
    %dot_general3A = arith.constant dense<0.000000e+00> : vector<2048x128xf32>
    %dot_general3A_27 = tpu.matmul %convert_element_type3A, %get3A_26, %dot_general3A {dimension_numbers = #tpu.dot_dimension_numbers<[1], [0], [0], [1], [0, 0, 1, 1], [], []>, transpose_lhs_hint = false} : vector<2048x128xbf16>, vector<128x128xbf16>, vector<2048x128xf32> -> vector<2048x128xf32>
    %get3A_28 = arith.constant 0 : index
    %get3A_29 = arith.constant 0 : index
    %get3A_30 = vector.load %arg20[%get3A_28, %get3A_29] : memref<1x128xf32, #tpu.memory_space<vmem>>, vector<1x128xf32>
    %add3A_31 = vector.broadcast %get3A_30 : vector<1x128xf32> to vector<2048x128xf32>
    %add3A_32 = arith.addf %dot_general3A_27, %add3A_31 : vector<2048x128xf32>
    %get3A_33 = arith.constant 0 : index
    %get3A_34 = arith.constant 0 : index
    %get3A_35 = vector.load %arg8[%get3A_33, %get3A_34] : memref<128x128xbf16, #tpu.memory_space<vmem>>, vector<128x128xbf16>
    %convert_element_type3A_36 = arith.truncf %get3A_18 : vector<2048x128xf32> to vector<2048x128xbf16>
    %dot_general3A_37 = arith.constant dense<0.000000e+00> : vector<2048x128xf32>
    %dot_general3A_38 = tpu.matmul %convert_element_type3A_36, %get3A_35, %dot_general3A_37 {dimension_numbers = #tpu.dot_dimension_numbers<[1], [0], [0], [1], [0, 0, 1, 1], [], []>, transpose_lhs_hint = false} : vector<2048x128xbf16>, vector<128x128xbf16>, vector<2048x128xf32> -> vector<2048x128xf32>
    %add3A_39 = arith.addf %dot_general3A_38, %add3A_32 : vector<2048x128xf32>
    %tanh3A = math.tanh %add3A_39 : vector<2048x128xf32>
    %get3A_40 = arith.constant 0 : index
    %get3A_41 = arith.constant 0 : index
    %get3A_42 = vector.load %arg8[%get3A_40, %get3A_41] : memref<128x128xbf16, #tpu.memory_space<vmem>>, vector<128x128xbf16>
    %convert_element_type3A_43 = arith.truncf %get3A_23 : vector<2048x128xf32> to vector<2048x128xbf16>
    %dot_general3A_44 = arith.constant dense<0.000000e+00> : vector<2048x128xf32>
    %dot_general3A_45 = tpu.matmul %convert_element_type3A_43, %get3A_42, %dot_general3A_44 {dimension_numbers = #tpu.dot_dimension_numbers<[1], [0], [0], [1], [0, 0, 1, 1], [], []>, transpose_lhs_hint = false} : vector<2048x128xbf16>, vector<128x128xbf16>, vector<2048x128xf32> -> vector<2048x128xf32>
    %add3A_46 = arith.addf %dot_general3A_45, %add3A_32 : vector<2048x128xf32>
    %tanh3A_47 = math.tanh %add3A_46 : vector<2048x128xf32>
    %get3A_48 = arith.constant 0 : index
    %get3A_49 = arith.constant 0 : index
    %get3A_50 = vector.load %arg12[%get3A_48, %get3A_49] : memref<16x128xbf16, #tpu.memory_space<vmem>>, vector<16x128xbf16>
    %convert_element_type3A_51 = arith.truncf %get3A_13 : vector<2048x16xf32> to vector<2048x16xbf16>
    %dot_general3A_52 = arith.constant dense<0.000000e+00> : vector<2048x128xf32>
    %dot_general3A_53 = tpu.matmul %convert_element_type3A_51, %get3A_50, %dot_general3A_52 {dimension_numbers = #tpu.dot_dimension_numbers<[1], [0], [0], [1], [0, 0, 1, 1], [], []>, transpose_lhs_hint = false} : vector<2048x16xbf16>, vector<16x128xbf16>, vector<2048x128xf32> -> vector<2048x128xf32>
    %get3A_54 = arith.constant 0 : index
    %get3A_55 = arith.constant 0 : index
    %get3A_56 = vector.load %arg13[%get3A_54, %get3A_55] : memref<128x128xbf16, #tpu.memory_space<vmem>>, vector<128x128xbf16>
    %convert_element_type3A_57 = arith.truncf %cos3A : vector<2048x128xf32> to vector<2048x128xbf16>
    %dot_general3A_58 = arith.constant dense<0.000000e+00> : vector<2048x128xf32>
    %dot_general3A_59 = tpu.matmul %convert_element_type3A_57, %get3A_56, %dot_general3A_58 {dimension_numbers = #tpu.dot_dimension_numbers<[1], [0], [0], [1], [0, 0, 1, 1], [], []>, transpose_lhs_hint = false} : vector<2048x128xbf16>, vector<128x128xbf16>, vector<2048x128xf32> -> vector<2048x128xf32>
    %add3A_60 = arith.addf %dot_general3A_53, %dot_general3A_59 : vector<2048x128xf32>
    %get3A_61 = arith.constant 0 : index
    %get3A_62 = arith.constant 0 : index
    %get3A_63 = vector.load %arg21[%get3A_61, %get3A_62] : memref<1x128xf32, #tpu.memory_space<vmem>>, vector<1x128xf32>
    %add3A_64 = vector.broadcast %get3A_63 : vector<1x128xf32> to vector<2048x128xf32>
    %add3A_65 = arith.addf %add3A_60, %add3A_64 : vector<2048x128xf32>
    %get3A_66 = arith.constant 0 : index
    %get3A_67 = arith.constant 0 : index
    %get3A_68 = vector.load %arg10[%get3A_66, %get3A_67] : memref<128x128xbf16, #tpu.memory_space<vmem>>, vector<128x128xbf16>
    %convert_element_type3A_69 = arith.truncf %tanh3A : vector<2048x128xf32> to vector<2048x128xbf16>
    %dot_general3A_70 = arith.constant dense<0.000000e+00> : vector<2048x128xf32>
    %dot_general3A_71 = tpu.matmul %convert_element_type3A_69, %get3A_68, %dot_general3A_70 {dimension_numbers = #tpu.dot_dimension_numbers<[1], [0], [0], [1], [0, 0, 1, 1], [], []>, transpose_lhs_hint = false} : vector<2048x128xbf16>, vector<128x128xbf16>, vector<2048x128xf32> -> vector<2048x128xf32>
    %get3A_72 = arith.constant 0 : index
    %get3A_73 = arith.constant 0 : index
    %get3A_74 = vector.load %arg11[%get3A_72, %get3A_73] : memref<128x128xbf16, #tpu.memory_space<vmem>>, vector<128x128xbf16>
    %convert_element_type3A_75 = arith.truncf %tanh3A_47 : vector<2048x128xf32> to vector<2048x128xbf16>
    %dot_general3A_76 = arith.constant dense<0.000000e+00> : vector<2048x128xf32>
    %dot_general3A_77 = tpu.matmul %convert_element_type3A_75, %get3A_74, %dot_general3A_76 {dimension_numbers = #tpu.dot_dimension_numbers<[1], [0], [0], [1], [0, 0, 1, 1], [], []>, transpose_lhs_hint = false} : vector<2048x128xbf16>, vector<128x128xbf16>, vector<2048x128xf32> -> vector<2048x128xf32>
    %add3A_78 = arith.addf %dot_general3A_71, %dot_general3A_77 : vector<2048x128xf32>
    %add3A_79 = arith.addf %add3A_78, %add3A_65 : vector<2048x128xf32>
    %tanh3A_80 = math.tanh %add3A_79 : vector<2048x128xf32>
    %get3A_81 = arith.constant 0 : index
    %get3A_82 = arith.constant 0 : index
    %get3A_83 = vector.load %arg10[%get3A_81, %get3A_82] : memref<128x128xbf16, #tpu.memory_space<vmem>>, vector<128x128xbf16>
    %convert_element_type3A_84 = arith.truncf %tanh3A_47 : vector<2048x128xf32> to vector<2048x128xbf16>
    %dot_general3A_85 = arith.constant dense<0.000000e+00> : vector<2048x128xf32>
    %dot_general3A_86 = tpu.matmul %convert_element_type3A_84, %get3A_83, %dot_general3A_85 {dimension_numbers = #tpu.dot_dimension_numbers<[1], [0], [0], [1], [0, 0, 1, 1], [], []>, transpose_lhs_hint = false} : vector<2048x128xbf16>, vector<128x128xbf16>, vector<2048x128xf32> -> vector<2048x128xf32>
    %get3A_87 = arith.constant 0 : index
    %get3A_88 = arith.constant 0 : index
    %get3A_89 = vector.load %arg11[%get3A_87, %get3A_88] : memref<128x128xbf16, #tpu.memory_space<vmem>>, vector<128x128xbf16>
    %convert_element_type3A_90 = arith.truncf %tanh3A : vector<2048x128xf32> to vector<2048x128xbf16>
    %dot_general3A_91 = arith.constant dense<0.000000e+00> : vector<2048x128xf32>
    %dot_general3A_92 = tpu.matmul %convert_element_type3A_90, %get3A_89, %dot_general3A_91 {dimension_numbers = #tpu.dot_dimension_numbers<[1], [0], [0], [1], [0, 0, 1, 1], [], []>, transpose_lhs_hint = false} : vector<2048x128xbf16>, vector<128x128xbf16>, vector<2048x128xf32> -> vector<2048x128xf32>
    %add3A_93 = arith.addf %dot_general3A_86, %dot_general3A_92 : vector<2048x128xf32>
    %add3A_94 = arith.addf %add3A_93, %add3A_65 : vector<2048x128xf32>
    %tanh3A_95 = math.tanh %add3A_94 : vector<2048x128xf32>
    %get3A_96 = arith.constant 0 : index
    %get3A_97 = arith.constant 0 : index
    %get3A_98 = vector.load %arg15[%get3A_96, %get3A_97] : memref<16x128xbf16, #tpu.memory_space<vmem>>, vector<16x128xbf16>
    %convert_element_type3A_99 = arith.truncf %get3A_13 : vector<2048x16xf32> to vector<2048x16xbf16>
    %dot_general3A_100 = arith.constant dense<0.000000e+00> : vector<2048x128xf32>
    %dot_general3A_101 = tpu.matmul %convert_element_type3A_99, %get3A_98, %dot_general3A_100 {dimension_numbers = #tpu.dot_dimension_numbers<[1], [0], [0], [1], [0, 0, 1, 1], [], []>, transpose_lhs_hint = false} : vector<2048x16xbf16>, vector<16x128xbf16>, vector<2048x128xf32> -> vector<2048x128xf32>
    %get3A_102 = arith.constant 0 : index
    %get3A_103 = arith.constant 0 : index
    %get3A_104 = vector.load %arg16[%get3A_102, %get3A_103] : memref<128x128xbf16, #tpu.memory_space<vmem>>, vector<128x128xbf16>
    %convert_element_type3A_105 = arith.truncf %cos3A : vector<2048x128xf32> to vector<2048x128xbf16>
    %dot_general3A_106 = arith.constant dense<0.000000e+00> : vector<2048x128xf32>
    %dot_general3A_107 = tpu.matmul %convert_element_type3A_105, %get3A_104, %dot_general3A_106 {dimension_numbers = #tpu.dot_dimension_numbers<[1], [0], [0], [1], [0, 0, 1, 1], [], []>, transpose_lhs_hint = false} : vector<2048x128xbf16>, vector<128x128xbf16>, vector<2048x128xf32> -> vector<2048x128xf32>
    %add3A_108 = arith.addf %dot_general3A_101, %dot_general3A_107 : vector<2048x128xf32>
    %get3A_109 = arith.constant 0 : index
    %get3A_110 = arith.constant 0 : index
    %get3A_111 = vector.load %arg22[%get3A_109, %get3A_110] : memref<1x128xf32, #tpu.memory_space<vmem>>, vector<1x128xf32>
    %add3A_112 = vector.broadcast %get3A_111 : vector<1x128xf32> to vector<2048x128xf32>
    %add3A_113 = arith.addf %add3A_108, %add3A_112 : vector<2048x128xf32>
    %get3A_114 = arith.constant 0 : index
    %get3A_115 = arith.constant 0 : index
    %get3A_116 = vector.load %arg14[%get3A_114, %get3A_115] : memref<128x128xbf16, #tpu.memory_space<vmem>>, vector<128x128xbf16>
    %convert_element_type3A_117 = arith.truncf %tanh3A_80 : vector<2048x128xf32> to vector<2048x128xbf16>
    %dot_general3A_118 = arith.constant dense<0.000000e+00> : vector<2048x128xf32>
    %dot_general3A_119 = tpu.matmul %convert_element_type3A_117, %get3A_116, %dot_general3A_118 {dimension_numbers = #tpu.dot_dimension_numbers<[1], [0], [0], [1], [0, 0, 1, 1], [], []>, transpose_lhs_hint = false} : vector<2048x128xbf16>, vector<128x128xbf16>, vector<2048x128xf32> -> vector<2048x128xf32>
    %add3A_120 = arith.addf %dot_general3A_119, %add3A_113 : vector<2048x128xf32>
    %max3A = arith.constant 0.000000e+00 : f32
    %max3A_121 = vector.broadcast %max3A : f32 to vector<2048x128xf32>
    %max3A_122 = arith.maximumf %add3A_120, %max3A_121 : vector<2048x128xf32>
    %get3A_123 = arith.constant 0 : index
    %get3A_124 = arith.constant 0 : index
    %get3A_125 = vector.load %arg14[%get3A_123, %get3A_124] : memref<128x128xbf16, #tpu.memory_space<vmem>>, vector<128x128xbf16>
    %convert_element_type3A_126 = arith.truncf %tanh3A_95 : vector<2048x128xf32> to vector<2048x128xbf16>
    %dot_general3A_127 = arith.constant dense<0.000000e+00> : vector<2048x128xf32>
    %dot_general3A_128 = tpu.matmul %convert_element_type3A_126, %get3A_125, %dot_general3A_127 {dimension_numbers = #tpu.dot_dimension_numbers<[1], [0], [0], [1], [0, 0, 1, 1], [], []>, transpose_lhs_hint = false} : vector<2048x128xbf16>, vector<128x128xbf16>, vector<2048x128xf32> -> vector<2048x128xf32>
    %add3A_129 = arith.addf %dot_general3A_128, %add3A_113 : vector<2048x128xf32>
    %max3A_130 = arith.constant 0.000000e+00 : f32
    %max3A_131 = vector.broadcast %max3A_130 : f32 to vector<2048x128xf32>
    %max3A_132 = arith.maximumf %add3A_129, %max3A_131 : vector<2048x128xf32>
    %get3A_133 = arith.constant 0 : index
    %get3A_134 = arith.constant 0 : index
    %get3A_135 = vector.load %arg17[%get3A_133, %get3A_134] : memref<128x128xbf16, #tpu.memory_space<vmem>>, vector<128x128xbf16>
    %convert_element_type3A_136 = arith.truncf %max3A_122 : vector<2048x128xf32> to vector<2048x128xbf16>
    %dot_general3A_137 = arith.constant dense<0.000000e+00> : vector<2048x128xf32>
    %dot_general3A_138 = tpu.matmul %convert_element_type3A_136, %get3A_135, %dot_general3A_137 {dimension_numbers = #tpu.dot_dimension_numbers<[1], [0], [0], [1], [0, 0, 1, 1], [], []>, transpose_lhs_hint = false} : vector<2048x128xbf16>, vector<128x128xbf16>, vector<2048x128xf32> -> vector<2048x128xf32>
    %get3A_139 = arith.constant 0 : index
    %get3A_140 = arith.constant 0 : index
    %get3A_141 = vector.load %arg23[%get3A_139, %get3A_140] : memref<1x128xf32, #tpu.memory_space<vmem>>, vector<1x128xf32>
    %add3A_142 = vector.broadcast %get3A_141 : vector<1x128xf32> to vector<2048x128xf32>
    %add3A_143 = arith.addf %dot_general3A_138, %add3A_142 : vector<2048x128xf32>
    %tanh3A_144 = math.tanh %add3A_143 : vector<2048x128xf32>
    %get3A_145 = arith.constant 0 : index
    %get3A_146 = arith.constant 0 : index
    %get3A_147 = vector.load %arg17[%get3A_145, %get3A_146] : memref<128x128xbf16, #tpu.memory_space<vmem>>, vector<128x128xbf16>
    %convert_element_type3A_148 = arith.truncf %max3A_132 : vector<2048x128xf32> to vector<2048x128xbf16>
    %dot_general3A_149 = arith.constant dense<0.000000e+00> : vector<2048x128xf32>
    %dot_general3A_150 = tpu.matmul %convert_element_type3A_148, %get3A_147, %dot_general3A_149 {dimension_numbers = #tpu.dot_dimension_numbers<[1], [0], [0], [1], [0, 0, 1, 1], [], []>, transpose_lhs_hint = false} : vector<2048x128xbf16>, vector<128x128xbf16>, vector<2048x128xf32> -> vector<2048x128xf32>
    %get3A_151 = arith.constant 0 : index
    %get3A_152 = arith.constant 0 : index
    %get3A_153 = vector.load %arg23[%get3A_151, %get3A_152] : memref<1x128xf32, #tpu.memory_space<vmem>>, vector<1x128xf32>
    %add3A_154 = vector.broadcast %get3A_153 : vector<1x128xf32> to vector<2048x128xf32>
    %add3A_155 = arith.addf %dot_general3A_150, %add3A_154 : vector<2048x128xf32>
    %tanh3A_156 = math.tanh %add3A_155 : vector<2048x128xf32>
    %add3A_157 = arith.addf %tanh3A, %tanh3A_144 : vector<2048x128xf32>
    %add3A_158 = arith.addf %tanh3A_47, %tanh3A_156 : vector<2048x128xf32>
    %swap3A = arith.constant 0 : index
    %swap3A_159 = arith.constant 0 : index
    %swap3A_160 = arith.constant 0 : index
    %swap3A_161 = vector.load %arg26[%swap3A, %swap3A_159, %swap3A_160] : memref<2x2048x128xf32, #tpu.memory_space<vmem>>, vector<1x2048x128xf32>
    %swap3A_162 = vector.shape_cast %swap3A_161 : vector<1x2048x128xf32> to vector<2048x128xf32>
    %swap3A_163 = vector.shape_cast %add3A_157 : vector<2048x128xf32> to vector<1x2048x128xf32>
    tpu.vector_store %arg26[%swap3A, %swap3A_159, %swap3A_160], %swap3A_163 {strides = array<i32>} : memref<2x2048x128xf32, #tpu.memory_space<vmem>>, vector<1x2048x128xf32>,
    %swap3A_164 = arith.constant 1 : index
    %swap3A_165 = arith.constant 0 : index
    %swap3A_166 = arith.constant 0 : index
    %swap3A_167 = vector.load %arg26[%swap3A_164, %swap3A_165, %swap3A_166] : memref<2x2048x128xf32, #tpu.memory_space<vmem>>, vector<1x2048x128xf32>
    %swap3A_168 = vector.shape_cast %swap3A_167 : vector<1x2048x128xf32> to vector<2048x128xf32>
    %swap3A_169 = vector.shape_cast %add3A_158 : vector<2048x128xf32> to vector<1x2048x128xf32>
    tpu.vector_store %arg26[%swap3A_164, %swap3A_165, %swap3A_166], %swap3A_169 {strides = array<i32>} : memref<2x2048x128xf32, #tpu.memory_space<vmem>>, vector<1x2048x128xf32>,
    %get3A_170 = arith.constant 0 : index
    %get3A_171 = arith.constant 0 : index
    %get3A_172 = vector.load %arg18[%get3A_170, %get3A_171] : memref<128x128xbf16, #tpu.memory_space<vmem>>, vector<128x128xbf16>
    %convert_element_type3A_173 = arith.truncf %add3A_157 : vector<2048x128xf32> to vector<2048x128xbf16>
    %dot_general3A_174 = arith.constant dense<0.000000e+00> : vector<2048x128xf32>
    %dot_general3A_175 = tpu.matmul %convert_element_type3A_173, %get3A_172, %dot_general3A_174 {dimension_numbers = #tpu.dot_dimension_numbers<[1], [0], [0], [1], [0, 0, 1, 1], [], []>, transpose_lhs_hint = false} : vector<2048x128xbf16>, vector<128x128xbf16>, vector<2048x128xf32> -> vector<2048x128xf32>
    %get3A_176 = arith.constant 0 : index
    %get3A_177 = arith.constant 0 : index
    %get3A_178 = vector.load %arg2[%get3A_176, %get3A_177] : memref<2048x128xf32, #tpu.memory_space<vmem>>, vector<2048x128xf32>
    %get3A_179 = arith.constant 0 : index
    %get3A_180 = arith.constant 0 : index
    %get3A_181 = vector.load %arg19[%get3A_179, %get3A_180] : memref<128x128xbf16, #tpu.memory_space<vmem>>, vector<128x128xbf16>
    %convert_element_type3A_182 = arith.truncf %get3A_178 : vector<2048x128xf32> to vector<2048x128xbf16>
    %dot_general3A_183 = arith.constant dense<0.000000e+00> : vector<2048x128xf32>
    %dot_general3A_184 = tpu.matmul %convert_element_type3A_182, %get3A_181, %dot_general3A_183 {dimension_numbers = #tpu.dot_dimension_numbers<[1], [0], [0], [1], [0, 0, 1, 1], [], []>, transpose_lhs_hint = false} : vector<2048x128xbf16>, vector<128x128xbf16>, vector<2048x128xf32> -> vector<2048x128xf32>
    %add3A_185 = arith.addf %dot_general3A_175, %dot_general3A_184 : vector<2048x128xf32>
    %get3A_186 = arith.constant 0 : index
    %get3A_187 = arith.constant 0 : index
    %get3A_188 = vector.load %arg24[%get3A_186, %get3A_187] : memref<1x128xf32, #tpu.memory_space<vmem>>, vector<1x128xf32>
    %add3A_189 = vector.broadcast %get3A_188 : vector<1x128xf32> to vector<2048x128xf32>
    %add3A_190 = arith.addf %add3A_185, %add3A_189 : vector<2048x128xf32>
    %swap3A_191 = arith.constant 0 : index
    %swap3A_192 = arith.constant 0 : index
    %swap3A_193 = arith.constant 0 : index
    %swap3A_194 = vector.load %arg25[%swap3A_191, %swap3A_192, %swap3A_193] : memref<2x2048x128xf32, #tpu.memory_space<vmem>>, vector<1x2048x128xf32>
    %swap3A_195 = vector.shape_cast %swap3A_194 : vector<1x2048x128xf32> to vector<2048x128xf32>
    %swap3A_196 = vector.shape_cast %add3A_190 : vector<2048x128xf32> to vector<1x2048x128xf32>
    tpu.vector_store %arg25[%swap3A_191, %swap3A_192, %swap3A_193], %swap3A_196 {strides = array<i32>} : memref<2x2048x128xf32, #tpu.memory_space<vmem>>, vector<1x2048x128xf32>,
    %get3A_197 = arith.constant 0 : index
    %get3A_198 = arith.constant 0 : index
    %get3A_199 = vector.load %arg18[%get3A_197, %get3A_198] : memref<128x128xbf16, #tpu.memory_space<vmem>>, vector<128x128xbf16>
    %convert_element_type3A_200 = arith.truncf %add3A_158 : vector<2048x128xf32> to vector<2048x128xbf16>
    %dot_general3A_201 = arith.constant dense<0.000000e+00> : vector<2048x128xf32>
    %dot_general3A_202 = tpu.matmul %convert_element_type3A_200, %get3A_199, %dot_general3A_201 {dimension_numbers = #tpu.dot_dimension_numbers<[1], [0], [0], [1], [0, 0, 1, 1], [], []>, transpose_lhs_hint = false} : vector<2048x128xbf16>, vector<128x128xbf16>, vector<2048x128xf32> -> vector<2048x128xf32>
    %get3A_203 = arith.constant 0 : index
    %get3A_204 = arith.constant 0 : index
    %get3A_205 = vector.load %arg3[%get3A_203, %get3A_204] : memref<2048x128xf32, #tpu.memory_space<vmem>>, vector<2048x128xf32>
    %get3A_206 = arith.constant 0 : index
    %get3A_207 = arith.constant 0 : index
    %get3A_208 = vector.load %arg19[%get3A_206, %get3A_207] : memref<128x128xbf16, #tpu.memory_space<vmem>>, vector<128x128xbf16>
    %convert_element_type3A_209 = arith.truncf %get3A_205 : vector<2048x128xf32> to vector<2048x128xbf16>
    %dot_general3A_210 = arith.constant dense<0.000000e+00> : vector<2048x128xf32>
    %dot_general3A_211 = tpu.matmul %convert_element_type3A_209, %get3A_208, %dot_general3A_210 {dimension_numbers = #tpu.dot_dimension_numbers<[1], [0], [0], [1], [0, 0, 1, 1], [], []>, transpose_lhs_hint = false} : vector<2048x128xbf16>, vector<128x128xbf16>, vector<2048x128xf32> -> vector<2048x128xf32>
    %add3A_212 = arith.addf %dot_general3A_202, %dot_general3A_211 : vector<2048x128xf32>
    %get3A_213 = arith.constant 0 : index
    %get3A_214 = arith.constant 0 : index
    %get3A_215 = vector.load %arg24[%get3A_213, %get3A_214] : memref<1x128xf32, #tpu.memory_space<vmem>>, vector<1x128xf32>
    %add3A_216 = vector.broadcast %get3A_215 : vector<1x128xf32> to vector<2048x128xf32>
    %add3A_217 = arith.addf %add3A_212, %add3A_216 : vector<2048x128xf32>
    %swap3A_218 = arith.constant 1 : index
    %swap3A_219 = arith.constant 0 : index
    %swap3A_220 = arith.constant 0 : index
    %swap3A_221 = vector.load %arg25[%swap3A_218, %swap3A_219, %swap3A_220] : memref<2x2048x128xf32, #tpu.memory_space<vmem>>, vector<1x2048x128xf32>
    %swap3A_222 = vector.shape_cast %swap3A_221 : vector<1x2048x128xf32> to vector<2048x128xf32>
    %swap3A_223 = vector.shape_cast %add3A_217 : vector<2048x128xf32> to vector<1x2048x128xf32>
    tpu.vector_store %arg25[%swap3A_218, %swap3A_219, %swap3A_220], %swap3A_223 {strides = array<i32>} : memref<2x2048x128xf32, #tpu.memory_space<vmem>>, vector<1x2048x128xf32>,
    return
  }
  func.func @transform_0(%arg0: i32) -> (i32, i32, i32) {
    %c0_i32 = arith.constant 0 : i32
    %c0_i32_0 = arith.constant 0 : i32
    %c0_i32_1 = arith.constant 0 : i32
    return %c0_i32, %arg0, %c0_i32_0 : i32, i32, i32
  }
  func.func @transform_1(%arg0: i32) -> (i32, i32) {
    %c0_i32 = arith.constant 0 : i32
    %c0_i32_0 = arith.constant 0 : i32
    return %arg0, %c0_i32 : i32, i32
  }
  func.func @transform_2(%arg0: i32) -> (i32, i32) {
    %c0_i32 = arith.constant 0 : i32
    %c0_i32_0 = arith.constant 0 : i32
    return %arg0, %c0_i32 : i32, i32
  }
  func.func @transform_3(%arg0: i32) -> (i32, i32) {
    %c0_i32 = arith.constant 0 : i32
    %c0_i32_0 = arith.constant 0 : i32
    return %arg0, %c0_i32 : i32, i32
  }
  func.func @transform_4(%arg0: i32) -> (i32, i32) {
    %c0_i32 = arith.constant 0 : i32
    %c0_i32_0 = arith.constant 0 : i32
    return %arg0, %c0_i32 : i32, i32
  }
  func.func @transform_5(%arg0: i32) -> (i32, i32) {
    %c0_i32 = arith.constant 0 : i32
    %c0_i32_0 = arith.constant 0 : i32
    %c0_i32_1 = arith.constant 0 : i32
    return %c0_i32, %c0_i32_0 : i32, i32
  }
  func.func @transform_6(%arg0: i32) -> (i32, i32) {
    %c0_i32 = arith.constant 0 : i32
    %c0_i32_0 = arith.constant 0 : i32
    %c0_i32_1 = arith.constant 0 : i32
    return %c0_i32, %c0_i32_0 : i32, i32
  }
  func.func @transform_7(%arg0: i32) -> (i32, i32) {
    %c0_i32 = arith.constant 0 : i32
    %c0_i32_0 = arith.constant 0 : i32
    %c0_i32_1 = arith.constant 0 : i32
    return %c0_i32, %c0_i32_0 : i32, i32
  }
  func.func @transform_8(%arg0: i32) -> (i32, i32) {
    %c0_i32 = arith.constant 0 : i32
    %c0_i32_0 = arith.constant 0 : i32
    %c0_i32_1 = arith.constant 0 : i32
    return %c0_i32, %c0_i32_0 : i32, i32
  }
  func.func @transform_9(%arg0: i32) -> (i32, i32) {
    %c0_i32 = arith.constant 0 : i32
    %c0_i32_0 = arith.constant 0 : i32
    %c0_i32_1 = arith.constant 0 : i32
    return %c0_i32, %c0_i32_0 : i32, i32
  }
  func.func @transform_10(%arg0: i32) -> (i32, i32) {
    %c0_i32 = arith.constant 0 : i32
    %c0_i32_0 = arith.constant 0 : i32
    %c0_i32_1 = arith.constant 0 : i32
    return %c0_i32, %c0_i32_0 : i32, i32
  }
  func.func @transform_11(%arg0: i32) -> (i32, i32) {
    %c0_i32 = arith.constant 0 : i32
    %c0_i32_0 = arith.constant 0 : i32
    %c0_i32_1 = arith.constant 0 : i32
    return %c0_i32, %c0_i32_0 : i32, i32
  }
  func.func @transform_12(%arg0: i32) -> (i32, i32) {
    %c0_i32 = arith.constant 0 : i32
    %c0_i32_0 = arith.constant 0 : i32
    %c0_i32_1 = arith.constant 0 : i32
    return %c0_i32, %c0_i32_0 : i32, i32
  }
  func.func @transform_13(%arg0: i32) -> (i32, i32) {
    %c0_i32 = arith.constant 0 : i32
    %c0_i32_0 = arith.constant 0 : i32
    %c0_i32_1 = arith.constant 0 : i32
    return %c0_i32, %c0_i32_0 : i32, i32
  }
  func.func @transform_14(%arg0: i32) -> (i32, i32) {
    %c0_i32 = arith.constant 0 : i32
    %c0_i32_0 = arith.constant 0 : i32
    %c0_i32_1 = arith.constant 0 : i32
    return %c0_i32, %c0_i32_0 : i32, i32
  }
  func.func @transform_15(%arg0: i32) -> (i32, i32) {
    %c0_i32 = arith.constant 0 : i32
    %c0_i32_0 = arith.constant 0 : i32
    %c0_i32_1 = arith.constant 0 : i32
    return %c0_i32, %c0_i32_0 : i32, i32
  }
  func.func @transform_16(%arg0: i32) -> (i32, i32) {
    %c0_i32 = arith.constant 0 : i32
    %c0_i32_0 = arith.constant 0 : i32
    %c0_i32_1 = arith.constant 0 : i32
    return %c0_i32, %c0_i32_0 : i32, i32
  }
  func.func @transform_17(%arg0: i32) -> (i32, i32) {
    %c0_i32 = arith.constant 0 : i32
    %c0_i32_0 = arith.constant 0 : i32
    %c0_i32_1 = arith.constant 0 : i32
    return %c0_i32, %c0_i32_0 : i32, i32
  }
  func.func @transform_18(%arg0: i32) -> (i32, i32) {
    %c0_i32 = arith.constant 0 : i32
    %c0_i32_0 = arith.constant 0 : i32
    %c0_i32_1 = arith.constant 0 : i32
    return %c0_i32, %c0_i32_0 : i32, i32
  }
  func.func @transform_19(%arg0: i32) -> (i32, i32) {
    %c0_i32 = arith.constant 0 : i32
    %c0_i32_0 = arith.constant 0 : i32
    %c0_i32_1 = arith.constant 0 : i32
    return %c0_i32, %c0_i32_0 : i32, i32
  }
  func.func @transform_20(%arg0: i32) -> (i32, i32) {
    %c0_i32 = arith.constant 0 : i32
    %c0_i32_0 = arith.constant 0 : i32
    %c0_i32_1 = arith.constant 0 : i32
    return %c0_i32, %c0_i32_0 : i32, i32
  }
  func.func @transform_21(%arg0: i32) -> (i32, i32) {
    %c0_i32 = arith.constant 0 : i32
    %c0_i32_0 = arith.constant 0 : i32
    %c0_i32_1 = arith.constant 0 : i32
    return %c0_i32, %c0_i32_0 : i32, i32
  }
  func.func @transform_22(%arg0: i32) -> (i32, i32) {
    %c0_i32 = arith.constant 0 : i32
    %c0_i32_0 = arith.constant 0 : i32
    %c0_i32_1 = arith.constant 0 : i32
    return %c0_i32, %c0_i32_0 : i32, i32
  }
  func.func @transform_23(%arg0: i32) -> (i32, i32) {
    %c0_i32 = arith.constant 0 : i32
    %c0_i32_0 = arith.constant 0 : i32
    %c0_i32_1 = arith.constant 0 : i32
    return %c0_i32, %c0_i32_0 : i32, i32
  }
  func.func @transform_24(%arg0: i32) -> (i32, i32, i32) {
    %c0_i32 = arith.constant 0 : i32
    %c0_i32_0 = arith.constant 0 : i32
    %c0_i32_1 = arith.constant 0 : i32
    return %c0_i32, %arg0, %c0_i32_0 : i32, i32, i32
  }
  func.func @transform_25(%arg0: i32) -> (i32, i32, i32) {
    %c0_i32 = arith.constant 0 : i32
    %c0_i32_0 = arith.constant 0 : i32
    %c0_i32_1 = arith.constant 0 : i32
    return %c0_i32, %arg0, %c0_i32_0 : i32, i32, i32
  }
}

</mosaic_0001>

<sc_bundles>
// kernel: kernel.10.cloned.1.call-start
scs
__scs_entry_jumppad:
0x0: {  	(pc) =	sbr.rel $0x88, $3  }
0x1: {  	(tag) =	ssettag $0x0;
	lr =	simm.s32 $0x1  }
0x2: {  	[smem:$0x3F8E] =	sst lr;
	_ =	strace $0xD0000000  }
0x3: {  	_ = 	snop  }
0x4: {  	_ = 	snop  }
0x5: {  	_ = 	snop  }
0x6: {  	_ = 	snop  }
0x7: {  	_ = 	snop  }
__scs_overlays_trampoline_lowered:
0x8: {  	[smem:$0x3F9D] =	sst s0  }
0x9: {  	[smem:$0x3F9E] =	sst s1  }
0xa: {  	[smem:$0x3F9F] =	sst s2  }
0xb: {  	[smem:$0x3FA0] =	sst s3  }
0xc: {  	[smem:$0x3FA1] =	sst s4  }
0xd: {  	[smem:$0x3FA2] =	sst s5  }
0xe: {  	[smem:$0x3FA3] =	sst s6  }
0xf: {  	[smem:$0x3FA4] =	sst s7  }
0x10: {  	[smem:$0x3FA5] =	sst s8  }
0x11: {  	[smem:$0x3FA6] =	sst s9;
	s0 =	simm.s32 @!p0 $0x0  }
0x12: {  	s1 =	sld [smem:$0x3F8C];
	s0 =	simm.s32 @p0 $0x1  }
0x13: {  	[smem:$0x3FA7] =	sst s0;
	s0 =	simm.s32 @!p1 $0x0  }
0x14: {  	s2 =	sld [smem:$0x3F8B];
	s0 =	simm.s32 @p1 $0x1  }
0x15: {  	[smem:$0x3FA8] =	sst s0;
	s0 =	simm.s32 @!p2 $0x0  }
0x16: {  	s3 =	sld [smem:$0x3FDB];
	s0 =	simm.s32 @p2 $0x1  }
0x17: {  	s4 =	simm.s32 $0x1BF5;
	[smem:$0x3FAA] =	sst s0  }
0x18: {  	s0 =	sld [smem:$0x3F8D];
	_ =	swait.ge [sflag:s4], $0x0  }
0x19: {  	s7 =	sld [smem:$0x3F8E]  }
0x1a: {  	s8 =	sadd.s32 $0xFFFFE003, lr  }
0x1b: {  	s9 =	sadd.s32 $0xFFFFFEF7, lr;
	s5 =	simm.s32 $0xFFFFFFFF;
	p2 =	slt.u32 s8, $0xFFFFF086  }
0x1c: {  	p1 =	slt.u32 s9, $0xF7A;
	s5 =	simm.s32 @!p2 $0x0  }
0x1d: {  	s5 =	simm.s32 @p1 $0x1;
	p0 =	seq.s32 s7, s2  }
0x1e: {  	s7 =	smul.u32 @!p0 $0xF7A, s2;
	p2 =	seq.s32 @!p0 s5, $0x0  }
0x1f: {  	s9 =	smul.u32 $0xF7A, s1;
	s8 =	simm.s32 @!p0 $0x1BF5;
	p2 =	por !p2, p0  }
0x20: {  	[sflag:s8] =	ssyncset.s32 @!p0 $0xFFFFF086;
	s6 =	sadd.s32 @!p0 s3, s7;
	s7 =	simm.s32 @!p0 $0x108  }
0x21: {  	s3 =	sadd.s32 s3, s9;
	s6 =	sadd.s32 @!p0 $0x88, s6;
	s7 =	simm.s32 @p2 $0x1082  }
0x22: {  	[simem:s7], [sflag:s8] =	dma.local @!p0 [hbm:s6], $0xF7A  }
0x23: {  	s9 =	sor.u32 $0xD0000000, s2;
	s6 =	simm.s32 $0x108;
	_ =	swait.ge @!p0 [sflag:s8], $0x0  }
0x24: {  	s3 =	sadd.s32 $0x88, s3;
	s6 =	simm.s32 @!p1 $0x1082;
	[sflag:s4] =	ssyncset.s32 $0xFFFFF086  }
0x25: {  	[simem:s6], [sflag:s4] =	dma.local [hbm:s3], $0xF7A  }
0x26: {  	[smem:$0x3F8E] =	sst s1;
	(tag) =	ssettag s2;
	_ =	strace s9  }
0x27: {  	s1 =	sld [smem:$0x3F9E]  }
0x28: {  	s2 =	sld [smem:$0x3F9F]  }
0x29: {  	s4 =	sld [smem:$0x3FA1]  }
0x2a: {  	p0 =	seq.s32 s5, $0x0;
	s5 =	sld [smem:$0x3FA2]  }
0x2b: {  	s6 =	sld [smem:$0x3FA3]  }
0x2c: {  	s7 =	sld [smem:$0x3FA4]  }
0x2d: {  	s3 =	simm.s32 $0x108;
	s8 =	sld [smem:$0x3FA5]  }
0x2e: {  	s3 =	simm.s32 @!p0 $0x1082;
	s9 =	sld [smem:$0x3FA6]  }
0x2f: {  	lr =	sadd.s32 s0, s3;
	s0 =	sld [smem:$0x3F9D]  }
0x30: {  	s3 =	sld [smem:$0x3FA0]  }
0x31: {  	[smem:$0x3FA9] =	sst s10  }
0x32: {  	s10 =	sld [smem:$0x3FA7];
	_ =	sdelay $0x3  }
0x33: {  	p0 =	seq.s32 s10, $0x1;
	s10 =	sld [smem:$0x3FA9];
	_ =	sdelay $0x3  }
0x34: {  	[smem:$0x3FA9] =	sst s10  }
0x35: {  	s10 =	sld [smem:$0x3FA8];
	_ =	sdelay $0x3  }
0x36: {  	p1 =	seq.s32 s10, $0x1;
	s10 =	sld [smem:$0x3FA9];
	_ =	sdelay $0x3  }
0x37: {  	[smem:$0x3FA9] =	sst s10  }
0x38: {  	s10 =	sld [smem:$0x3FAA]  }
0x39: {  	_ = 	snop;
	(pc) =	sbr.ind lr, $3  }
0x3a: {  	_ = 	snop  }
0x3b: {  	_ = 	snop  }
0x3c: {  	p2 =	seq.s32 s10, $0x1;
	s10 =	sld [smem:$0x3FA9]  }
0x3d: {  	_ =	shalt  }
0x3e: {  	_ =	shalt  }
0x3f: {  	_ =	shalt  }
0x40: {  	_ =	shalt  }
0x41: {  	_ =	shalt  }
0x42: {  	_ =	shalt  }
0x43: {  	_ =	shalt  }
0x44: {  	_ =	shalt  }
0x45: {  	_ =	shalt  }
0x46: {  	_ =	shalt  }
0x47: {  	_ =	shalt  }
0x48: {  	_ =	shalt  }
0x49: {  	_ =	shalt  }
0x4a: {  	_ =	shalt  }
0x4b: {  	_ =	shalt  }
0x4c: {  	_ =	shalt  }
0x4d: {  	_ =	shalt  }
0x4e: {  	_ =	shalt  }
0x4f: {  	_ =	shalt  }
0x50: {  	_ =	shalt  }
0x51: {  	_ =	shalt  }
0x52: {  	_ =	shalt  }
0x53: {  	_ =	shalt  }
0x54: {  	_ =	shalt  }
0x55: {  	_ =	shalt  }
0x56: {  	_ =	shalt  }
0x57: {  	_ =	shalt  }
0x58: {  	_ =	shalt  }
0x59: {  	_ =	shalt  }
0x5a: {  	_ =	shalt  }
0x5b: {  	_ =	shalt  }
0x5c: {  	_ =	shalt  }
0x5d: {  	_ =	shalt  }
0x5e: {  	_ =	shalt  }
0x5f: {  	_ =	shalt  }
0x60: {  	_ =	shalt  }
0x61: {  	_ =	shalt  }
0x62: {  	_ =	shalt  }
0x63: {  	_ =	shalt  }
0x64: {  	_ =	shalt  }
0x65: {  	_ =	shalt  }
0x66: {  	_ =	shalt  }
0x67: {  	_ =	shalt  }
0x68: {  	_ =	shalt  }
0x69: {  	_ =	shalt  }
0x6a: {  	_ =	shalt  }
0x6b: {  	_ =	shalt  }
0x6c: {  	_ =	shalt  }
0x6d: {  	_ =	shalt  }
0x6e: {  	_ =	shalt  }
0x6f: {  	_ =	shalt  }
0x70: {  	_ =	shalt  }
0x71: {  	_ =	shalt  }
0x72: {  	_ =	shalt  }
0x73: {  	_ =	shalt  }
0x74: {  	_ =	shalt  }
0x75: {  	_ =	shalt  }
0x76: {  	_ =	shalt  }
0x77: {  	_ =	shalt  }
0x78: {  	_ =	shalt  }
0x79: {  	_ =	shalt  }
0x7a: {  	_ =	shalt  }
0x7b: {  	_ =	shalt  }
0x7c: {  	_ =	shalt  }
0x7d: {  	_ =	shalt  }
0x7e: {  	_ =	shalt  }
0x7f: {  	_ =	shalt  }
0x80: {  	_ =	shalt  }
0x81: {  	_ =	shalt  }
0x82: {  	_ =	shalt  }
0x83: {  	_ =	shalt  }
0x84: {  	_ =	shalt  }
0x85: {  	_ =	shalt  }
0x86: {  	_ =	shalt  }
0x87: {  	_ =	shalt  }
.Lfunc_end0:
.L_simem_size_0:
called_computation.1_lowered:
.L_overlay_start_0:
0x88: {  	s2 =	sld [smem:$0x3FD9]  }
0x89: {  	s3 =	sld [smem:$0x3FFE];
	_ =	sdelay $0x1  }
0x8a: {  	s1 =	srdreg.scid  }
0x8b: {  	s0 =	sand.u32 $0x1, s1  }
0x8c: {  	s15 =	sshll.u32 s0, $0xA;
	s2 =	sadd.s32 s3, s2  }
0x8d: {  	s2 =	sadd.s32 s2, s15  }
0x8e: {  	[smem:$0x3FB5] =	sst s2  }
0x8f: {  	_ = 	snop  }
0x90: {  	s16 =	sld [smem:$0x3FD0];
	_ =	sdelay $0x2  }
0x91: {  	s4 =	simm.s32 $0xB;
	s5 =	simm.s32 $0x10;
	s2 =	sld [smem:$0x3FC3]  }
0x92: {  	[smem:s5], [sflag:s4] =	dma.local [hbm:s16], $0x1  }
0x93: {  	_ =	swait.eq [sflag:s4], $0x1  }
0x94: {  	[sflag:s4] =	ssyncset.done $0x0  }
0x95: {  	[sflag:s4] =	ssyncadd.s32 $0xFFFFFFFF  }
0x96: {  	s17 =	sld [smem:$0x11];
	(tm) =	ssettm $0x1  }
0x97: {  	s18 =	sld [smem:$0x3FFB];
	_ =	sdelay $0x3  }
0x98: {  	_ =	strace s18  }
0x99: {  	s3 =	sld [smem:$0x3FFC];
	_ =	sdelay $0x3  }
0x9a: {  	_ =	strace s3  }
0x9b: {  	s3 =	sld [smem:$0x3FFD];
	_ =	sdelay $0x3  }
0x9c: {  	_ =	strace s3  }
0x9d: {  	_ =	strace $0x8FFFFFFF  }
0x9e: {  	s19 =	sld [smem:$0x3FDB];
	_ =	sdelay $0x1  }
0x9f: {  	s20 =	simm.s32 $_scs_section_size  }
0xa0: {  	s6 =	simm.s32 $_size__tile_overlayer_lowered;
	s7 =	simm.s32 $_tile_overlayer_lowered  }
0xa1: {  	s8 =	simm.s32 $0x1BFF;
	s21 =	sshll.u32 s7, $0x1;
	s5 =	sadd.s32 s20, s19  }
0xa2: {  	s22 =	simm.s32 $0x0;
	s6 =	sshll.u32 s6, $0x1;
	s7 =	sadd.s32 s21, s5  }
0xa3: {  	[timem:s22], [sflag:s8] =	dma.local [hbm:s7], s6  }
0xa4: {  	_ =	swait.ge [sflag:s8], s6  }
0xa5: {  	s6 =	ssub.s32 $0x0, s6;
	[sflag:s8] =	ssyncset.done $0x0  }
0xa6: {  	[sflag:s8] =	ssyncadd.s32 s6;
	_ =	sdelay $0x1  }
0xa7: {  	s23 =	simm.s32 $0x1B8B  }
0xa8: {  	_ =	swait.ge [sflag:s23], $0x1  }
0xa9: {  	[sflag:s23] =	ssyncset.done $0x0  }
0xaa: {  	[sflag:s23] =	ssyncadd.s32 $0xFFFFFFFF  }
0xab: {  	s6 =	sld [smem:$0x0]  }
0xac: {  	s7 =	sand.u32 $0xFFFFFFFE, s1  }
0xad: {  	p0 =	sne.s32 s1, s7  }
0xae: {  	s7 =	sshll.u32 @p0 s7, $0xE  }
0xaf: {  	s7 =	sadd.s32 @p0 $0x11B8D, s7;
	s8 =	sshll.u32 @p0 s6, $0x11  }
0xb0: {  	s7 =	sor.u32 @p0 s8, s7  }
0xb1: {  	[sflag:s7] =	ssyncadd.remote.s32 @p0 $0x1;
	_ =	sdelay $0x1  }
0xb2: {  	s7 =	simm.s32 @p0 $0x1B8D  }
0xb3: {  	_ =	swait.eq @p0 [sflag:s7], $0x1  }
0xb4: {  	[sflag:s7] =	ssyncadd.s32 @p0 $0xFFFFFFFF  }
0xb5: {  	s8 =	sshll.u32 @!p0 s1, $0xE  }
0xb6: {  	s8 =	sor.u32 @!p0 $0x4000, s8;
	s7 =	simm.s32 @!p0 $0x1B8D  }
0xb7: {  	s6 =	sshll.u32 @!p0 s6, $0x11;
	s8 =	sadd.s32 @!p0 $0x11B8D, s8;
	_ =	swait.eq @!p0 [sflag:s7], $0x1  }
0xb8: {  	s6 =	sor.u32 @!p0 s6, s8;
	[sflag:s7] =	ssyncadd.s32 @!p0 $0xFFFFFFFF  }
0xb9: {  	s25 =	simm.s32 $0x1B8E;
	s24 =	sld [smem:$0x3FFE];
	[sflag:s6] =	ssyncadd.remote.s32 @!p0 $0x1  }
0xba: {  	s26 =	simm.s32 $execute0_lowered;
	[smem:$0x3FD2] =	sst s25  }
0xbb: {  	s7 =	sshll.u32 s26, $0x1;
	_ =	strace $0x80000049;
	[dreg:$0x1] =	wrdreg $0xFFFFFFFF  }
0xbc: {  	s28 =	simm.s32 $_size_execute0_lowered;
	s5 =	sadd.s32 s5, s7;
	[dreg:$0x0] =	wrdreg $0x0  }
0xbd: {  	s7 =	sshll.u32 s28, $0x1;
	[dreg:$0x2] =	wrdreg s5  }
0xbe: {  	[dreg:$0x3] =	wrdreg s7  }
0xbf: {  	[dreg:$0x4] =	wrdreg $0xC0  }
0xc0: {  	_ =	task [dreg:s22], $0x5FFFF  }
0xc1: {  	[dreg:$0x1] =	wrdreg $0xFFFFFFFF  }
0xc2: {  	[dreg:$0x0] =	wrdreg $0x60  }
0xc3: {  	[dreg:$0x2] =	wrdreg s24  }
0xc4: {  	[dreg:$0x3] =	wrdreg s2  }
0xc5: {  	[dreg:$0x4] =	wrdreg s17  }
0xc6: {  	[dreg:$0x5] =	wrdreg $0xA  }
0xc7: {  	_ =	task.clear_ibuf [dreg:s22], $0x6FFFF;
	_ =	strace $0x90000049  }
0xc8: {  	s29 =	simm.s32 $0xA;
	_ =	strace $0x8000004B  }
0xc9: {  	_ =	swait.ge [sflag:s29], $0x1  }
0xca: {  	[sflag:s29] =	ssyncadd.s32 $0xFFFFFFFF  }
0xcb: {  	_ =	strace $0x9000004B  }
0xcc: {  	_ =	sfence  }
0xcd: {  	s30 =	sld [smem:$0x0];
	_ =	sdelay $0x2  }
0xce: {  	s31 =	sshll.u32 s1, $0xD;
	s1 =	sshrl.u32 s1, $0x2  }
0xcf: {  	s4 =	sand.u32 $0x4000, s31;
	s1 =	sadd.s32 s1, s30  }
0xd0: {  	s0 =	sor.u32 s4, s0;
	s1 =	sshll.u32 s1, $0x11  }
0xd1: {  	s0 =	sor.u32 s1, s0  }
0xd2: {  	s0 =	sadd.s32 $0x8F2B, s0  }
0xd3: {  	[sflag:s0] =	ssyncadd.remote.s32 $0x1  }
0xd4: {  	_ =	sfence.sel $0xFFFF  }
0xd5: {  	[dreg:$0x0] =	wrdreg $0xFFFFFFFF;
	(pc) =	sbr.abs _section_cstart, $3  }
0xd6: {  	[dreg:$0x1] =	wrdreg $0xFFFFFFFF  }
0xd7: {  	_ =	task.clear_ibuf [dreg:s22], $0x2FFFF;
	_ =	strace $0x9FFFFFFF  }
0xd8: {  	(tm) =	ssettm $0x7FFFFFFF  }
0xd9: {  	_ =	shalt  }
tec
execute0_lowered:
.L_overlay_start_1:
0x0: {  	(tag) =	ssettag $0x1  }
0x1: {  	s0 =	rddreg [dreg:$0x0]  }
0x2: {  	s5 =	stileid.u32;
	s1 =	srdreg.scid  }
0x3: {  	s2 =	rddreg [dreg:$0x1];
	s1 =	sand.u32 $0x1, s1;
	s3 =	sshll.u32 s5, $0x1  }
0x4: {  	s4 =	rddreg [dreg:$0x2];
	s10 =	simm.s32 $0x0;
	s3 =	sor.u32 s1, s3  }
0x5: {  	[smem:$0x7FF] =	sst s10;
	s30 =	sadd.s32 $0x4400, s0;
	s6 =	smul.u32 $0x50000, s3  }
0x6: {  	s31 =	sadd.s32 $0x4500, s0;
	_ =	strace $0x8000004A;
	[smem:$0x7FB] =	sst s30  }
0x7: {  	[smem:$0x7FC] =	sst s31;
	s6 =	sshrl.u32 s6, $0x3  }
0x8: {  	s8 =	sadd.s32 $0x46A00, s6;
	s11 =	sadd.s32 $0x48A00, s6;
	s12 =	sadd.s32 $0x49A00, s6  }
0x9: {  	s18 =	sadd.s32 $0x4AA00, s6;
	s24 =	sadd.s32 $0x4BA00, s6;
	s25 =	sadd.s32 $0x4CA00, s6  }
0xa: {  	s26 =	sadd.s32 $0x4DA00, s6;
	s16 =	sadd.s32 s2, s11;
	s19 =	sadd.s32 s2, s12  }
0xb: {  	s20 =	sadd.s32 s4, s11;
	s21 =	sadd.s32 s2, s18;
	s22 =	sadd.s32 s4, s12  }
0xc: {  	s23 =	sadd.s32 s2, s24;
	s11 =	sadd.s32 s4, s18;
	s18 =	sadd.s32 s2, s26  }
0xd: {  	s29 =	sadd.s32 s4, s24;
	s24 =	sadd.s32 s4, s25;
	[smem:$0x7E7] =	sst s18  }
0xe: {  	s12 =	sadd.s32 s2, s25;
	s25 =	sadd.s32 s4, s26;
	[smem:$0x7E8] =	sst s24  }
0xf: {  	s9 =	sadd.s32 $0x47A00, s6;
	s13 =	sadd.s32 s2, s8;
	[smem:$0x7E9] =	sst s25  }
0x10: {  	s14 =	sadd.s32 s2, s9;
	[smem:$0x7EE] =	sst s13  }
0x11: {  	s15 =	sadd.s32 s4, s8;
	[smem:$0x7EF] =	sst s14  }
0x12: {  	[smem:$0x7F0] =	sst s15  }
0x13: {  	s17 =	sadd.s32 s4, s9;
	[smem:$0x7F1] =	sst s16  }
0x14: {  	[smem:$0x7F2] =	sst s17  }
0x15: {  	[smem:$0x7F3] =	sst s19  }
0x16: {  	s1 =	ssub.s32 $0x2, s1;
	[smem:$0x7F4] =	sst s20  }
0x17: {  	s7 =	sshrl.u32 s1, $0x1;
	[smem:$0x7F5] =	sst s21  }
0x18: {  	s1 =	ssub.s32 s1, s7;
	[smem:$0x7F6] =	sst s22  }
0x19: {  	s8 =	sshll.u32 s3, $0x4;
	s9 =	smov.u32 s11;
	[smem:$0x7F7] =	sst s23  }
0x1a: {  	s11 =	sadd.s32 $0x4EA00, s6;
	s6 =	sadd.s32 $0x4FA00, s6;
	[smem:$0x7FA] =	sst s29  }
0x1b: {  	s26 =	sadd.s32 s2, s11;
	s28 =	sadd.s32 s2, s6;
	s7 =	sadd.s32 s4, s11  }
0x1c: {  	s11 =	sand.u32 $0x70, s8;
	s6 =	sadd.s32 s4, s6;
	s4 =	sadd.s32 s8, s0  }
0x1d: {  	s8 =	smov.u32 s12;
	s12 =	sadd.s32 $0x4600, s0;
	[smem:$0x7F8] =	sst s9  }
0x1e: {  	[smem:$0x7D7] =	sst s12  }
0x1f: {  	[smem:$0x7EA] =	sst s26  }
0x20: {  	s5 =	sshll.u32 s5, $0xD;
	[smem:$0x7EB] =	sst s28  }
0x21: {  	s5 =	sand.u32 $0x18000, s5;
	[smem:$0x7EC] =	sst s7  }
0x22: {  	s5 =	sadd.s32 s5, s0;
	[smem:$0x7ED] =	sst s6  }
0x23: {  	s2 =	sadd.s32 s11, s5;
	s11 =	sadd.s32 $0x4700, s0;
	[smem:$0x7F9] =	sst s8  }
0x24: {  	s12 =	sadd.s32 $0x4800, s0;
	[smem:$0x7D8] =	sst s11  }
0x25: {  	[smem:$0x7D9] =	sst s12;
	s11 =	sadd.s32 $0x4900, s0  }
0x26: {  	s12 =	sadd.s32 $0x4A00, s0;
	[smem:$0x7DA] =	sst s11  }
0x27: {  	[smem:$0x7DB] =	sst s12;
	s11 =	sadd.s32 $0x4B00, s0  }
0x28: {  	s12 =	sadd.s32 $0x4C00, s0;
	[smem:$0x7DC] =	sst s11  }
0x29: {  	[smem:$0x7DD] =	sst s12;
	s11 =	sadd.s32 $0x4D00, s0  }
0x2a: {  	s12 =	sadd.s32 $0x4E00, s0;
	[smem:$0x7DE] =	sst s11  }
0x2b: {  	[smem:$0x7DF] =	sst s12;
	s11 =	sadd.s32 $0x4F00, s0  }
0x2c: {  	s12 =	sadd.s32 $0x5000, s0;
	[smem:$0x7E0] =	sst s11  }
0x2d: {  	[smem:$0x7E1] =	sst s12;
	s11 =	sadd.s32 $0x5100, s0  }
0x2e: {  	v1 =	vlaneseq.u32;
	v2 =	vimm.s32 $0x0;
	s12 =	sadd.s32 $0x5200, s0;
	[smem:$0x7E2] =	sst s11  }
.Ltmp0:
0x2f: {  	vm1 =	vcmask $0x704;
	vm2 =	vcmask $0xB08;
	vm3 =	vcmask $0xF0C;
	s0 =	sadd.s32 $0x5300, s0;
	[smem:$0x7E3] =	sst s12;
	(pc) =	sbr.rel .LBB2_1-.Ltmp0, $4  }
0x30: {  	vm4 =	vcmask $0x1310;
	vm5 =	vcmask $0x1714;
	vm6 =	vcmask $0x1B18;
	[smem:$0x7E4] =	sst s0;
	s11 =	sadd.s32 $0xA5400, s4  }
0x31: {  	vm7 =	vcmask $0x1F1C;
	vm8 =	vcmask $0x2320;
	vm9 =	vcmask $0x2724;
	s5 =	sadd.s32 $0x85400, s2;
	s12 =	smax.u32 s1, $0x1;
	[smem:$0x7E5] =	sst s11  }
0x32: {  	vm10 =	vcmask $0x2B28;
	vm11 =	vcmask $0x2F2C;
	vm12 =	vcmask $0x3330;
	s4 =	smov.u32 s5;
	s5 =	simm.s32 $0x5;
	[smem:$0x7E6] =	sst s12  }
0x33: {  	vm13 =	vcmask $0x3734;
	vm14 =	vcmask $0x3B38;
	v0 =	vmov s3;
	s11 =	simm.s32 $0x400;
	s12 =	simm.s32 $0x0;
	[smem:$0x7FD] =	sst s4  }
.LBB2_65:
0x34: {  	[sflag:s5] =	ssyncset.done $0x0  }
0x35: {  	s12 =	smov.u32 s13;
	s13 =	smov.u32 s14;
	s14 =	smov.u32 s15  }
0x36: {  	s15 =	smov.u32 s16;
	s16 =	smov.u32 s17;
	s17 =	smov.u32 s19  }
0x37: {  	s19 =	smov.u32 s20;
	s20 =	smov.u32 s21;
	s21 =	smov.u32 s22  }
0x38: {  	s22 =	smov.u32 s23;
	s23 =	smov.u32 s9;
	s9 =	smov.u32 s8  }
0x39: {  	s8 =	smov.u32 s29;
	s29 =	smov.u32 s30;
	s30 =	smov.u32 s31  }
0x3a: {  	s31 =	smov.u32 s25;
	s25 =	smov.u32 s26;
	s26 =	smov.u32 s28  }
0x3b: {  	s28 =	smov.u32 s7;
	s7 =	smov.u32 s6;
	s6 =	smov.u32 s10  }
0x3c: {  	s10 =	simm.s32 $0x0;
	s2 =	sld [smem:$0x7D6];
	[sflag:s5] =	ssyncadd.s32 $0xFFFFF800  }
.LBB2_66:
0x3d: {  	_ =	sdelay $0x1  }
0x3e: {  	v3 =	vmov s2  }
0x3f: {  	[tilespmem:$0x0] =	vst v3  }
0x40: {  	[tilespmem:$0x10] =	vst v3  }
0x41: {  	[tilespmem:$0x20] =	vst v3  }
0x42: {  	[tilespmem:$0x30] =	vst v3  }
0x43: {  	[tilespmem:$0x40] =	vst v3  }
0x44: {  	s0 =	sld [smem:$0x7E5];
	[tilespmem:$0x50] =	vst v3  }
0x45: {  	[tilespmem:$0x60] =	vst v3  }
0x46: {  	[tilespmem:$0x70] =	vst v3  }
0x47: {  	[hbm4b:s0+s10] =	stream.linear.scatter [tilespmem:s10], [sflag:$0x5], $0x80, $0x38;
	[tilespmem:$0x19500] =	vst v63  }
0x48: {  	_ =	swait.ge [sflag:s5], $0x80  }
0x49: {  	s3 =	sld [smem:$0x7E6];
	_ =	sdelay $0x1  }
0x4a: {  	s12 =	sadd.s32 $0x1, s12  }
0x4b: {  	p0 =	sne.s32 s12, s3  }
.Ltmp1:
0x4c: {  	_ = 	snop;
	(pc) =	sbr.rel @!p0 .LBB2_67-.Ltmp1, $3  }
0x4d: {  	_ =	sdelay $0x1  }
0x4e: {  	[sflag:s5] =	ssyncset.done $0x0  }
0x4f: {  	[sflag:s5] =	ssyncadd.s32 $0xFFFFFF80  }
.LBB2_1:
0x50: {  	s0 =	simm.s32 $0x9500  }
0x51: {  	[tilespmem:s0], [sflag:$0x1] =	stream.linear.gather [hbm4b:s13+s10], $0x8000, $0x38;
	[tilespmem:$0x19500] =	vst v63  }
0x52: {  	_ = 	snop  }
0x53: {  	[tilespmem:s10], [sflag:$0x5] =	stream.linear.gather [hbm4b:s30+s10], $0x800, $0x38;
	[tilespmem:$0x19500] =	vst v63  }
0x54: {  	_ =	swait.ge [sflag:s5], $0x800  }
0x55: {  	[sflag:s5] =	ssyncset.done $0x0  }
0x56: {  	[sflag:s5] =	ssyncadd.s32 $0xFFFFF800  }
0x57: {  	v3 =	vld [tilespmem:s10+$0x0];
	_ =	sdelay $0x4  }
0x58: {  	v4 =	vand.u32 $0x1F, v3  }
0x59: {  	vm15 =	veq.s32 v4, v0  }
0x5a: {  	v4 =	vmpcnt.ones.xlane vm15;
	_ =	sdelay $0x1  }
0x5b: {  	(v2sf) =	vpush v4, $0x0  }
0x5c: {  	v3 =	vshll.u32 v3, $0xA  }
0x5d: {  	v3 =	vand.u32 $0xFFFF8000, v3  }
0x5e: {  	v3 =	vor.u32 s10, v3  }
0x5f: {  	v3 =	vor.u32 v1, v3  }
0x60: {  	s0 =	simm.s32 $0x10;
	[tilespmem:s10+$0x800] =	vst.msk vm15, v3  }
0x61: {  	v3 =	vld [tilespmem:s0+$0x0];
	_ =	sdelay $0x4  }
0x62: {  	v4 =	vand.u32 $0x1F, v3  }
0x63: {  	v3 =	vshll.u32 v3, $0xA;
	vm15 =	veq.s32 v4, v0  }
0x64: {  	v3 =	vand.u32 $0xFFFF8000, v3;
	v4 =	vmpcnt.ones.xlane vm15  }
0x65: {  	v3 =	vor.u32 s0, v3  }
0x66: {  	s1 =	simm.s32 $0x20;
	s2 =	simm.s32 $0x0;
	v3 =	vor.u32 v1, v3;
	(v2sf) =	vpush v4, $0x0;
	s3 =	spop (v2sf)  }
.LBB2_2:
0x67: {  	p0 =	sne.s32 s1, $0x7F0  }
0x68: {  	s2 =	sadd.s32 s2, s3;
	s3 =	smov.u32 s1;
	s1 =	sadd.s32 $0x10, s1  }
0x69: {  	[tilespmem:s2+$0x800] =	vst.msk vm15, v3  }
0x6a: {  	s0 =	sadd.s32 $0x10, s0  }
0x6b: {  	v3 =	vld [tilespmem:s0+$0x0];
	_ =	sdelay $0x4  }
0x6c: {  	v4 =	vand.u32 $0x1F, v3;
	v3 =	vshll.u32 v3, $0xA  }
.Ltmp2:
0x6d: {  	vm15 =	veq.s32 v4, v0;
	v3 =	vand.u32 $0xFFFF8000, v3;
	(pc) =	sbr.rel @p0 .LBB2_2-.Ltmp2, $4  }
0x6e: {  	v3 =	vor.u32 s3, v3;
	v4 =	vmpcnt.ones.xlane vm15  }
0x6f: {  	v3 =	vor.u32 v1, v3  }
0x70: {  	(v2sf) =	vpush v4, $0x0  }
0x71: {  	s3 =	spop (v2sf)  }
0x72: {  	_ =	sdelay $0x9  }
0x73: {  	s0 =	sadd.s32 s2, s3  }
0x74: {  	s2 =	simm.s32 $0x0;
	s3 =	simm.s32 $0x11500;
	[tilespmem:s0+$0x800] =	vst.msk vm15, v3  }
0x75: {  	[tilespmem:s3], [sflag:$0x2] =	stream.linear.gather [hbm4b:s14+s2], $0x8000, $0x38;
	[tilespmem:$0x19500] =	vst v63  }
0x76: {  	s3 =	simm.s32 $0x1;
	s1 =	spop (v2sf)  }
0x77: {  	_ =	swait.ge [sflag:s3], $0x8000  }
0x78: {  	[sflag:s3] =	ssyncset.done $0x0  }
0x79: {  	[sflag:s3] =	ssyncadd.s32 $0xFFFF8000;
	s3 =	simm.s32 $0x9500  }
0x7a: {  	[hbm4b:s15+s2] =	stream.linear.scatter [tilespmem:s3], [sflag:$0x3], $0x8000, $0x38;
	[tilespmem:$0x19500] =	vst v63  }
0x7b: {  	_ = 	snop  }
0x7c: {  	[tilespmem:s2], [sflag:$0x5] =	stream.linear.gather [hbm4b:s31+s2], $0x800, $0x38;
	[tilespmem:$0x19500] =	vst v63  }
0x7d: {  	_ =	swait.ge [sflag:s5], $0x800  }
0x7e: {  	[sflag:s5] =	ssyncset.done $0x0  }
0x7f: {  	[sflag:s5] =	ssyncadd.s32 $0xFFFFF800  }
0x80: {  	v3 =	vld [tilespmem:s2+$0x0];
	_ =	sdelay $0x4  }
0x81: {  	v4 =	vand.u32 $0x1F, v3  }
0x82: {  	vm15 =	veq.s32 v4, v0  }
0x83: {  	v4 =	vmpcnt.ones.xlane vm15;
	_ =	sdelay $0x1  }
0x84: {  	(v2sf) =	vpush v4, $0x0  }
0x85: {  	v3 =	vshll.u32 v3, $0xA  }
0x86: {  	s3 =	simm.s32 $0x800;
	v3 =	vand.u32 $0xFFFF8000, v3  }
0x87: {  	v3 =	vor.u32 s3, v3  }
0x88: {  	s0 =	sadd.s32 s0, s1;
	v3 =	vor.u32 v1, v3  }
0x89: {  	s1 =	simm.s32 $0x10;
	[tilespmem:s0+$0x800] =	vst.msk vm15, v3  }
0x8a: {  	v3 =	vld [tilespmem:s1+$0x0];
	_ =	sdelay $0x4  }
0x8b: {  	v4 =	vand.u32 $0x1F, v3  }
0x8c: {  	v3 =	vshll.u32 v3, $0xA;
	vm15 =	veq.s32 v4, v0  }
0x8d: {  	s3 =	simm.s32 $0x810;
	v3 =	vand.u32 $0xFFFF8000, v3;
	v4 =	vmpcnt.ones.xlane vm15  }
0x8e: {  	v3 =	vor.u32 s3, v3  }
0x8f: {  	s2 =	simm.s32 $0x820;
	v3 =	vor.u32 v1, v3;
	(v2sf) =	vpush v4, $0x0;
	s3 =	spop (v2sf)  }
.LBB2_4:
0x90: {  	p0 =	sne.s32 s2, $0xFF0  }
0x91: {  	s0 =	sadd.s32 s0, s3;
	s3 =	smov.u32 s2;
	s2 =	sadd.s32 $0x10, s2  }
0x92: {  	[tilespmem:s0+$0x800] =	vst.msk vm15, v3  }
0x93: {  	s1 =	sadd.s32 $0x10, s1  }
0x94: {  	v3 =	vld [tilespmem:s1+$0x0];
	_ =	sdelay $0x4  }
0x95: {  	v4 =	vand.u32 $0x1F, v3;
	v3 =	vshll.u32 v3, $0xA  }
.Ltmp3:
0x96: {  	vm15 =	veq.s32 v4, v0;
	v3 =	vand.u32 $0xFFFF8000, v3;
	(pc) =	sbr.rel @p0 .LBB2_4-.Ltmp3, $4  }
0x97: {  	v3 =	vor.u32 s3, v3;
	v4 =	vmpcnt.ones.xlane vm15  }
0x98: {  	v3 =	vor.u32 v1, v3  }
0x99: {  	(v2sf) =	vpush v4, $0x0  }
0x9a: {  	s3 =	spop (v2sf)  }
0x9b: {  	_ =	sdelay $0xb  }
0x9c: {  	s0 =	sadd.s32 s0, s3  }
0x9d: {  	s2 =	simm.s32 $0x3;
	[tilespmem:s0+$0x800] =	vst.msk vm15, v3;
	s1 =	spop (v2sf)  }
0x9e: {  	_ =	swait.ge [sflag:s2], $0x8000  }
0x9f: {  	[sflag:s2] =	ssyncset.done $0x0  }
0xa0: {  	s3 =	simm.s32 $0x9500;
	[sflag:s2] =	ssyncadd.s32 $0xFFFF8000;
	s2 =	simm.s32 $0x0  }
0xa1: {  	[tilespmem:s3], [sflag:$0x1] =	stream.linear.gather [hbm4b:s16+s2], $0x8000, $0x38;
	[tilespmem:$0x19500] =	vst v63  }
0xa2: {  	s3 =	simm.s32 $0x2  }
0xa3: {  	_ =	swait.ge [sflag:s3], $0x8000  }
0xa4: {  	[sflag:s3] =	ssyncset.done $0x0  }
0xa5: {  	[sflag:s3] =	ssyncadd.s32 $0xFFFF8000;
	s3 =	simm.s32 $0x11500  }
0xa6: {  	[hbm4b:s17+s2] =	stream.linear.scatter [tilespmem:s3], [sflag:$0x4], $0x8000, $0x38;
	[tilespmem:$0x19500] =	vst v63  }
0xa7: {  	s3 =	sld [smem:$0x7D7];
	_ =	sdelay $0x2  }
0xa8: {  	[tilespmem:s2], [sflag:$0x5] =	stream.linear.gather [hbm4b:s3+s2], $0x800, $0x38;
	[tilespmem:$0x19500] =	vst v63  }
0xa9: {  	_ =	swait.ge [sflag:s5], $0x800  }
0xaa: {  	[sflag:s5] =	ssyncset.done $0x0  }
0xab: {  	[sflag:s5] =	ssyncadd.s32 $0xFFFFF800  }
0xac: {  	v3 =	vld [tilespmem:s2+$0x0];
	_ =	sdelay $0x4  }
0xad: {  	v4 =	vand.u32 $0x1F, v3  }
0xae: {  	vm15 =	veq.s32 v4, v0  }
0xaf: {  	v4 =	vmpcnt.ones.xlane vm15;
	_ =	sdelay $0x1  }
0xb0: {  	(v2sf) =	vpush v4, $0x0  }
0xb1: {  	v3 =	vshll.u32 v3, $0xA  }
0xb2: {  	s3 =	simm.s32 $0x1000;
	v3 =	vand.u32 $0xFFFF8000, v3  }
0xb3: {  	v3 =	vor.u32 s3, v3  }
0xb4: {  	s0 =	sadd.s32 s0, s1;
	v3 =	vor.u32 v1, v3  }
0xb5: {  	s1 =	simm.s32 $0x10;
	[tilespmem:s0+$0x800] =	vst.msk vm15, v3  }
0xb6: {  	v3 =	vld [tilespmem:s1+$0x0];
	_ =	sdelay $0x4  }
0xb7: {  	v4 =	vand.u32 $0x1F, v3  }
0xb8: {  	v3 =	vshll.u32 v3, $0xA;
	vm15 =	veq.s32 v4, v0  }
0xb9: {  	s3 =	simm.s32 $0x1010;
	v3 =	vand.u32 $0xFFFF8000, v3;
	v4 =	vmpcnt.ones.xlane vm15  }
0xba: {  	v3 =	vor.u32 s3, v3  }
0xbb: {  	s2 =	simm.s32 $0x1020;
	v3 =	vor.u32 v1, v3;
	(v2sf) =	vpush v4, $0x0;
	s3 =	spop (v2sf)  }
.LBB2_6:
0xbc: {  	p0 =	sne.s32 s2, $0x17F0  }
0xbd: {  	s0 =	sadd.s32 s0, s3;
	s3 =	smov.u32 s2;
	s2 =	sadd.s32 $0x10, s2  }
0xbe: {  	[tilespmem:s0+$0x800] =	vst.msk vm15, v3  }
0xbf: {  	s1 =	sadd.s32 $0x10, s1  }
0xc0: {  	v3 =	vld [tilespmem:s1+$0x0];
	_ =	sdelay $0x4  }
0xc1: {  	v4 =	vand.u32 $0x1F, v3;
	v3 =	vshll.u32 v3, $0xA  }
.Ltmp4:
0xc2: {  	vm15 =	veq.s32 v4, v0;
	v3 =	vand.u32 $0xFFFF8000, v3;
	(pc) =	sbr.rel @p0 .LBB2_6-.Ltmp4, $4  }
0xc3: {  	v3 =	vor.u32 s3, v3;
	v4 =	vmpcnt.ones.xlane vm15  }
0xc4: {  	v3 =	vor.u32 v1, v3  }
0xc5: {  	(v2sf) =	vpush v4, $0x0  }
0xc6: {  	s3 =	spop (v2sf)  }
0xc7: {  	_ =	sdelay $0xb  }
0xc8: {  	s0 =	sadd.s32 s0, s3  }
0xc9: {  	s2 =	simm.s32 $0x4;
	[tilespmem:s0+$0x800] =	vst.msk vm15, v3;
	s1 =	spop (v2sf)  }
0xca: {  	_ =	swait.ge [sflag:s2], $0x8000  }
0xcb: {  	[sflag:s2] =	ssyncset.done $0x0  }
0xcc: {  	s3 =	simm.s32 $0x11500;
	[sflag:s2] =	ssyncadd.s32 $0xFFFF8000;
	s2 =	simm.s32 $0x0  }
0xcd: {  	[tilespmem:s3], [sflag:$0x2] =	stream.linear.gather [hbm4b:s19+s2], $0x8000, $0x38;
	[tilespmem:$0x19500] =	vst v63  }
0xce: {  	s3 =	simm.s32 $0x1  }
0xcf: {  	_ =	swait.ge [sflag:s3], $0x8000  }
0xd0: {  	[sflag:s3] =	ssyncset.done $0x0  }
0xd1: {  	[sflag:s3] =	ssyncadd.s32 $0xFFFF8000;
	s3 =	simm.s32 $0x9500  }
0xd2: {  	[hbm4b:s20+s2] =	stream.linear.scatter [tilespmem:s3], [sflag:$0x3], $0x8000, $0x38;
	[tilespmem:$0x19500] =	vst v63  }
0xd3: {  	s3 =	sld [smem:$0x7D8];
	_ =	sdelay $0x2  }
0xd4: {  	[tilespmem:s2], [sflag:$0x5] =	stream.linear.gather [hbm4b:s3+s2], $0x800, $0x38;
	[tilespmem:$0x19500] =	vst v63  }
0xd5: {  	_ =	swait.ge [sflag:s5], $0x800  }
0xd6: {  	[sflag:s5] =	ssyncset.done $0x0  }
0xd7: {  	[sflag:s5] =	ssyncadd.s32 $0xFFFFF800  }
0xd8: {  	v3 =	vld [tilespmem:s2+$0x0];
	_ =	sdelay $0x4  }
0xd9: {  	v4 =	vand.u32 $0x1F, v3  }
0xda: {  	vm15 =	veq.s32 v4, v0  }
0xdb: {  	v4 =	vmpcnt.ones.xlane vm15;
	_ =	sdelay $0x1  }
0xdc: {  	(v2sf) =	vpush v4, $0x0  }
0xdd: {  	v3 =	vshll.u32 v3, $0xA  }
0xde: {  	s3 =	simm.s32 $0x1800;
	v3 =	vand.u32 $0xFFFF8000, v3  }
0xdf: {  	v3 =	vor.u32 s3, v3  }
0xe0: {  	s0 =	sadd.s32 s0, s1;
	v3 =	vor.u32 v1, v3  }
0xe1: {  	s1 =	simm.s32 $0x10;
	[tilespmem:s0+$0x800] =	vst.msk vm15, v3  }
0xe2: {  	v3 =	vld [tilespmem:s1+$0x0];
	_ =	sdelay $0x4  }
0xe3: {  	v4 =	vand.u32 $0x1F, v3  }
0xe4: {  	v3 =	vshll.u32 v3, $0xA;
	vm15 =	veq.s32 v4, v0  }
0xe5: {  	s3 =	simm.s32 $0x1810;
	v3 =	vand.u32 $0xFFFF8000, v3;
	v4 =	vmpcnt.ones.xlane vm15  }
0xe6: {  	v3 =	vor.u32 s3, v3  }
0xe7: {  	s2 =	simm.s32 $0x1820;
	v3 =	vor.u32 v1, v3;
	(v2sf) =	vpush v4, $0x0;
	s3 =	spop (v2sf)  }
.LBB2_8:
0xe8: {  	p0 =	sne.s32 s2, $0x1FF0  }
0xe9: {  	s0 =	sadd.s32 s0, s3;
	s3 =	smov.u32 s2;
	s2 =	sadd.s32 $0x10, s2  }
0xea: {  	[tilespmem:s0+$0x800] =	vst.msk vm15, v3  }
0xeb: {  	s1 =	sadd.s32 $0x10, s1  }
0xec: {  	v3 =	vld [tilespmem:s1+$0x0];
	_ =	sdelay $0x4  }
0xed: {  	v4 =	vand.u32 $0x1F, v3;
	v3 =	vshll.u32 v3, $0xA  }
.Ltmp5:
0xee: {  	vm15 =	veq.s32 v4, v0;
	v3 =	vand.u32 $0xFFFF8000, v3;
	(pc) =	sbr.rel @p0 .LBB2_8-.Ltmp5, $4  }
0xef: {  	v3 =	vor.u32 s3, v3;
	v4 =	vmpcnt.ones.xlane vm15  }
0xf0: {  	v3 =	vor.u32 v1, v3  }
0xf1: {  	(v2sf) =	vpush v4, $0x0  }
0xf2: {  	s3 =	spop (v2sf)  }
0xf3: {  	_ =	sdelay $0xb  }
0xf4: {  	s0 =	sadd.s32 s0, s3  }
0xf5: {  	s2 =	simm.s32 $0x3;
	[tilespmem:s0+$0x800] =	vst.msk vm15, v3;
	s1 =	spop (v2sf)  }
0xf6: {  	_ =	swait.ge [sflag:s2], $0x8000  }
0xf7: {  	[sflag:s2] =	ssyncset.done $0x0  }
0xf8: {  	s3 =	simm.s32 $0x9500;
	[sflag:s2] =	ssyncadd.s32 $0xFFFF8000;
	s2 =	simm.s32 $0x0  }
0xf9: {  	[tilespmem:s3], [sflag:$0x1] =	stream.linear.gather [hbm4b:s21+s2], $0x8000, $0x38;
	[tilespmem:$0x19500] =	vst v63  }
0xfa: {  	s3 =	simm.s32 $0x2  }
0xfb: {  	_ =	swait.ge [sflag:s3], $0x8000  }
0xfc: {  	[sflag:s3] =	ssyncset.done $0x0  }
0xfd: {  	[sflag:s3] =	ssyncadd.s32 $0xFFFF8000;
	s3 =	simm.s32 $0x11500  }
0xfe: {  	[hbm4b:s22+s2] =	stream.linear.scatter [tilespmem:s3], [sflag:$0x4], $0x8000, $0x38;
	[tilespmem:$0x19500] =	vst v63  }
0xff: {  	s3 =	sld [smem:$0x7D9];
	_ =	sdelay $0x2  }
0x100: {  	[tilespmem:s2], [sflag:$0x5] =	stream.linear.gather [hbm4b:s3+s2], $0x800, $0x38;
	[tilespmem:$0x19500] =	vst v63  }
0x101: {  	_ =	swait.ge [sflag:s5], $0x800  }
0x102: {  	[sflag:s5] =	ssyncset.done $0x0  }
0x103: {  	[sflag:s5] =	ssyncadd.s32 $0xFFFFF800  }
0x104: {  	v3 =	vld [tilespmem:s2+$0x0];
	_ =	sdelay $0x4  }
0x105: {  	v4 =	vand.u32 $0x1F, v3  }
0x106: {  	vm15 =	veq.s32 v4, v0  }
0x107: {  	v4 =	vmpcnt.ones.xlane vm15;
	_ =	sdelay $0x1  }
0x108: {  	(v2sf) =	vpush v4, $0x0  }
0x109: {  	v3 =	vshll.u32 v3, $0xA  }
0x10a: {  	s3 =	simm.s32 $0x2000;
	v3 =	vand.u32 $0xFFFF8000, v3  }
0x10b: {  	v3 =	vor.u32 s3, v3  }
0x10c: {  	s0 =	sadd.s32 s0, s1;
	v3 =	vor.u32 v1, v3  }
0x10d: {  	s1 =	simm.s32 $0x10;
	[tilespmem:s0+$0x800] =	vst.msk vm15, v3  }
0x10e: {  	v3 =	vld [tilespmem:s1+$0x0];
	_ =	sdelay $0x4  }
0x10f: {  	v4 =	vand.u32 $0x1F, v3  }
0x110: {  	v3 =	vshll.u32 v3, $0xA;
	vm15 =	veq.s32 v4, v0  }
0x111: {  	s3 =	simm.s32 $0x2010;
	v3 =	vand.u32 $0xFFFF8000, v3;
	v4 =	vmpcnt.ones.xlane vm15  }
0x112: {  	v3 =	vor.u32 s3, v3  }
0x113: {  	s2 =	simm.s32 $0x2020;
	v3 =	vor.u32 v1, v3;
	(v2sf) =	vpush v4, $0x0;
	s3 =	spop (v2sf)  }
.LBB2_10:
0x114: {  	p0 =	sne.s32 s2, $0x27F0  }
0x115: {  	s0 =	sadd.s32 s0, s3;
	s3 =	smov.u32 s2;
	s2 =	sadd.s32 $0x10, s2  }
0x116: {  	[tilespmem:s0+$0x800] =	vst.msk vm15, v3  }
0x117: {  	s1 =	sadd.s32 $0x10, s1  }
0x118: {  	v3 =	vld [tilespmem:s1+$0x0];
	_ =	sdelay $0x4  }
0x119: {  	v4 =	vand.u32 $0x1F, v3;
	v3 =	vshll.u32 v3, $0xA  }
.Ltmp6:
0x11a: {  	vm15 =	veq.s32 v4, v0;
	v3 =	vand.u32 $0xFFFF8000, v3;
	(pc) =	sbr.rel @p0 .LBB2_10-.Ltmp6, $4  }
0x11b: {  	v3 =	vor.u32 s3, v3;
	v4 =	vmpcnt.ones.xlane vm15  }
0x11c: {  	v3 =	vor.u32 v1, v3  }
0x11d: {  	(v2sf) =	vpush v4, $0x0  }
0x11e: {  	s3 =	spop (v2sf)  }
0x11f: {  	_ =	sdelay $0xb  }
0x120: {  	s0 =	sadd.s32 s0, s3  }
0x121: {  	s2 =	simm.s32 $0x4;
	[tilespmem:s0+$0x800] =	vst.msk vm15, v3;
	s1 =	spop (v2sf)  }
0x122: {  	_ =	swait.ge [sflag:s2], $0x8000  }
0x123: {  	[sflag:s2] =	ssyncset.done $0x0  }
0x124: {  	s3 =	simm.s32 $0x11500;
	[sflag:s2] =	ssyncadd.s32 $0xFFFF8000;
	s2 =	simm.s32 $0x0  }
0x125: {  	[tilespmem:s3], [sflag:$0x2] =	stream.linear.gather [hbm4b:s23+s2], $0x8000, $0x38;
	[tilespmem:$0x19500] =	vst v63  }
0x126: {  	s3 =	simm.s32 $0x1  }
0x127: {  	_ =	swait.ge [sflag:s3], $0x8000  }
0x128: {  	[sflag:s3] =	ssyncset.done $0x0  }
0x129: {  	[sflag:s3] =	ssyncadd.s32 $0xFFFF8000;
	s3 =	simm.s32 $0x9500  }
0x12a: {  	[hbm4b:s9+s2] =	stream.linear.scatter [tilespmem:s3], [sflag:$0x3], $0x8000, $0x38;
	[tilespmem:$0x19500] =	vst v63  }
0x12b: {  	s3 =	sld [smem:$0x7DA];
	_ =	sdelay $0x2  }
0x12c: {  	[tilespmem:s2], [sflag:$0x5] =	stream.linear.gather [hbm4b:s3+s2], $0x800, $0x38;
	[tilespmem:$0x19500] =	vst v63  }
0x12d: {  	_ =	swait.ge [sflag:s5], $0x800  }
0x12e: {  	[sflag:s5] =	ssyncset.done $0x0  }
0x12f: {  	[sflag:s5] =	ssyncadd.s32 $0xFFFFF800  }
0x130: {  	v3 =	vld [tilespmem:s2+$0x0];
	_ =	sdelay $0x4  }
0x131: {  	v4 =	vand.u32 $0x1F, v3  }
0x132: {  	vm15 =	veq.s32 v4, v0  }
0x133: {  	v4 =	vmpcnt.ones.xlane vm15;
	_ =	sdelay $0x1  }
0x134: {  	(v2sf) =	vpush v4, $0x0  }
0x135: {  	v3 =	vshll.u32 v3, $0xA  }
0x136: {  	s3 =	simm.s32 $0x2800;
	v3 =	vand.u32 $0xFFFF8000, v3  }
0x137: {  	v3 =	vor.u32 s3, v3  }
0x138: {  	s0 =	sadd.s32 s0, s1;
	v3 =	vor.u32 v1, v3  }
0x139: {  	s1 =	simm.s32 $0x10;
	[tilespmem:s0+$0x800] =	vst.msk vm15, v3  }
0x13a: {  	v3 =	vld [tilespmem:s1+$0x0];
	_ =	sdelay $0x4  }
0x13b: {  	v4 =	vand.u32 $0x1F, v3  }
0x13c: {  	v3 =	vshll.u32 v3, $0xA;
	vm15 =	veq.s32 v4, v0  }
0x13d: {  	s3 =	simm.s32 $0x2810;
	v3 =	vand.u32 $0xFFFF8000, v3;
	v4 =	vmpcnt.ones.xlane vm15  }
0x13e: {  	v3 =	vor.u32 s3, v3  }
0x13f: {  	s2 =	simm.s32 $0x2820;
	v3 =	vor.u32 v1, v3;
	(v2sf) =	vpush v4, $0x0;
	s3 =	spop (v2sf)  }
.LBB2_12:
0x140: {  	p0 =	sne.s32 s2, $0x2FF0  }
0x141: {  	s0 =	sadd.s32 s0, s3;
	s3 =	smov.u32 s2;
	s2 =	sadd.s32 $0x10, s2  }
0x142: {  	[tilespmem:s0+$0x800] =	vst.msk vm15, v3  }
0x143: {  	s1 =	sadd.s32 $0x10, s1  }
0x144: {  	v3 =	vld [tilespmem:s1+$0x0];
	_ =	sdelay $0x4  }
0x145: {  	v4 =	vand.u32 $0x1F, v3;
	v3 =	vshll.u32 v3, $0xA  }
.Ltmp7:
0x146: {  	vm15 =	veq.s32 v4, v0;
	v3 =	vand.u32 $0xFFFF8000, v3;
	(pc) =	sbr.rel @p0 .LBB2_12-.Ltmp7, $4  }
0x147: {  	v3 =	vor.u32 s3, v3;
	v4 =	vmpcnt.ones.xlane vm15  }
0x148: {  	v3 =	vor.u32 v1, v3  }
0x149: {  	(v2sf) =	vpush v4, $0x0  }
0x14a: {  	s3 =	spop (v2sf)  }
0x14b: {  	_ =	sdelay $0xb  }
0x14c: {  	s0 =	sadd.s32 s0, s3  }
0x14d: {  	s2 =	simm.s32 $0x3;
	[tilespmem:s0+$0x800] =	vst.msk vm15, v3;
	s1 =	spop (v2sf)  }
0x14e: {  	_ =	swait.ge [sflag:s2], $0x8000  }
0x14f: {  	[sflag:s2] =	ssyncset.done $0x0  }
0x150: {  	s3 =	simm.s32 $0x9500;
	[sflag:s2] =	ssyncadd.s32 $0xFFFF8000;
	s2 =	simm.s32 $0x0  }
0x151: {  	[tilespmem:s3], [sflag:$0x1] =	stream.linear.gather [hbm4b:s8+s2], $0x8000, $0x38;
	[tilespmem:$0x19500] =	vst v63  }
0x152: {  	s3 =	simm.s32 $0x2  }
0x153: {  	_ =	swait.ge [sflag:s3], $0x8000  }
0x154: {  	[sflag:s3] =	ssyncset.done $0x0  }
0x155: {  	[sflag:s3] =	ssyncadd.s32 $0xFFFF8000;
	s3 =	simm.s32 $0x11500  }
0x156: {  	[hbm4b:s29+s2] =	stream.linear.scatter [tilespmem:s3], [sflag:$0x4], $0x8000, $0x38;
	[tilespmem:$0x19500] =	vst v63  }
0x157: {  	s3 =	sld [smem:$0x7DB];
	_ =	sdelay $0x2  }
0x158: {  	[tilespmem:s2], [sflag:$0x5] =	stream.linear.gather [hbm4b:s3+s2], $0x800, $0x38;
	[tilespmem:$0x19500] =	vst v63  }
0x159: {  	_ =	swait.ge [sflag:s5], $0x800  }
0x15a: {  	[sflag:s5] =	ssyncset.done $0x0  }
0x15b: {  	[sflag:s5] =	ssyncadd.s32 $0xFFFFF800  }
0x15c: {  	v3 =	vld [tilespmem:s2+$0x0];
	_ =	sdelay $0x4  }
0x15d: {  	v4 =	vand.u32 $0x1F, v3  }
0x15e: {  	vm15 =	veq.s32 v4, v0  }
0x15f: {  	v4 =	vmpcnt.ones.xlane vm15;
	_ =	sdelay $0x1  }
0x160: {  	(v2sf) =	vpush v4, $0x0  }
0x161: {  	v3 =	vshll.u32 v3, $0xA  }
0x162: {  	s3 =	simm.s32 $0x3000;
	v3 =	vand.u32 $0xFFFF8000, v3  }
0x163: {  	v3 =	vor.u32 s3, v3  }
0x164: {  	s0 =	sadd.s32 s0, s1;
	v3 =	vor.u32 v1, v3  }
0x165: {  	s1 =	simm.s32 $0x10;
	[tilespmem:s0+$0x800] =	vst.msk vm15, v3  }
0x166: {  	v3 =	vld [tilespmem:s1+$0x0];
	_ =	sdelay $0x4  }
0x167: {  	v4 =	vand.u32 $0x1F, v3  }
0x168: {  	v3 =	vshll.u32 v3, $0xA;
	vm15 =	veq.s32 v4, v0  }
0x169: {  	s3 =	simm.s32 $0x3010;
	v3 =	vand.u32 $0xFFFF8000, v3;
	v4 =	vmpcnt.ones.xlane vm15  }
0x16a: {  	v3 =	vor.u32 s3, v3  }
0x16b: {  	s2 =	simm.s32 $0x3020;
	v3 =	vor.u32 v1, v3;
	(v2sf) =	vpush v4, $0x0;
	s3 =	spop (v2sf)  }
.LBB2_14:
0x16c: {  	p0 =	sne.s32 s2, $0x37F0  }
0x16d: {  	s0 =	sadd.s32 s0, s3;
	s3 =	smov.u32 s2;
	s2 =	sadd.s32 $0x10, s2  }
0x16e: {  	[tilespmem:s0+$0x800] =	vst.msk vm15, v3  }
0x16f: {  	s1 =	sadd.s32 $0x10, s1  }
0x170: {  	v3 =	vld [tilespmem:s1+$0x0];
	_ =	sdelay $0x4  }
0x171: {  	v4 =	vand.u32 $0x1F, v3;
	v3 =	vshll.u32 v3, $0xA  }
.Ltmp8:
0x172: {  	vm15 =	veq.s32 v4, v0;
	v3 =	vand.u32 $0xFFFF8000, v3;
	(pc) =	sbr.rel @p0 .LBB2_14-.Ltmp8, $4  }
0x173: {  	v3 =	vor.u32 s3, v3;
	v4 =	vmpcnt.ones.xlane vm15  }
0x174: {  	v3 =	vor.u32 v1, v3  }
0x175: {  	(v2sf) =	vpush v4, $0x0  }
0x176: {  	s3 =	spop (v2sf)  }
0x177: {  	_ =	sdelay $0xb  }
0x178: {  	s0 =	sadd.s32 s0, s3  }
0x179: {  	s2 =	simm.s32 $0x4;
	[tilespmem:s0+$0x800] =	vst.msk vm15, v3;
	s1 =	spop (v2sf)  }
0x17a: {  	_ =	swait.ge [sflag:s2], $0x8000  }
0x17b: {  	[sflag:s2] =	ssyncset.done $0x0  }
0x17c: {  	s3 =	simm.s32 $0x11500;
	[sflag:s2] =	ssyncadd.s32 $0xFFFF8000;
	s2 =	simm.s32 $0x0  }
0x17d: {  	[tilespmem:s3], [sflag:$0x2] =	stream.linear.gather [hbm4b:s18+s2], $0x8000, $0x38;
	[tilespmem:$0x19500] =	vst v63  }
0x17e: {  	s3 =	simm.s32 $0x1  }
0x17f: {  	_ =	swait.ge [sflag:s3], $0x8000  }
0x180: {  	[sflag:s3] =	ssyncset.done $0x0  }
0x181: {  	[sflag:s3] =	ssyncadd.s32 $0xFFFF8000;
	s3 =	simm.s32 $0x9500  }
0x182: {  	[hbm4b:s24+s2] =	stream.linear.scatter [tilespmem:s3], [sflag:$0x3], $0x8000, $0x38;
	[tilespmem:$0x19500] =	vst v63  }
0x183: {  	s3 =	sld [smem:$0x7DC];
	_ =	sdelay $0x2  }
0x184: {  	[tilespmem:s2], [sflag:$0x5] =	stream.linear.gather [hbm4b:s3+s2], $0x800, $0x38;
	[tilespmem:$0x19500] =	vst v63  }
0x185: {  	_ =	swait.ge [sflag:s5], $0x800  }
0x186: {  	[sflag:s5] =	ssyncset.done $0x0  }
0x187: {  	[sflag:s5] =	ssyncadd.s32 $0xFFFFF800  }
0x188: {  	v3 =	vld [tilespmem:s2+$0x0];
	_ =	sdelay $0x4  }
0x189: {  	v4 =	vand.u32 $0x1F, v3  }
0x18a: {  	vm15 =	veq.s32 v4, v0  }
0x18b: {  	v4 =	vmpcnt.ones.xlane vm15;
	_ =	sdelay $0x1  }
0x18c: {  	(v2sf) =	vpush v4, $0x0  }
0x18d: {  	v3 =	vshll.u32 v3, $0xA  }
0x18e: {  	s3 =	simm.s32 $0x3800;
	v3 =	vand.u32 $0xFFFF8000, v3  }
0x18f: {  	v3 =	vor.u32 s3, v3  }
0x190: {  	s0 =	sadd.s32 s0, s1;
	v3 =	vor.u32 v1, v3  }
0x191: {  	s1 =	simm.s32 $0x10;
	[tilespmem:s0+$0x800] =	vst.msk vm15, v3  }
0x192: {  	v3 =	vld [tilespmem:s1+$0x0];
	_ =	sdelay $0x4  }
0x193: {  	v4 =	vand.u32 $0x1F, v3  }
0x194: {  	v3 =	vshll.u32 v3, $0xA;
	vm15 =	veq.s32 v4, v0  }
0x195: {  	s3 =	simm.s32 $0x3810;
	v3 =	vand.u32 $0xFFFF8000, v3;
	v4 =	vmpcnt.ones.xlane vm15  }
0x196: {  	v3 =	vor.u32 s3, v3  }
0x197: {  	s2 =	simm.s32 $0x3820;
	v3 =	vor.u32 v1, v3;
	(v2sf) =	vpush v4, $0x0;
	s3 =	spop (v2sf)  }
.LBB2_16:
0x198: {  	p0 =	sne.s32 s2, $0x3FF0  }
0x199: {  	s0 =	sadd.s32 s0, s3;
	s3 =	smov.u32 s2;
	s2 =	sadd.s32 $0x10, s2  }
0x19a: {  	[tilespmem:s0+$0x800] =	vst.msk vm15, v3  }
0x19b: {  	s1 =	sadd.s32 $0x10, s1  }
0x19c: {  	v3 =	vld [tilespmem:s1+$0x0];
	_ =	sdelay $0x4  }
0x19d: {  	v4 =	vand.u32 $0x1F, v3;
	v3 =	vshll.u32 v3, $0xA  }
.Ltmp9:
0x19e: {  	vm15 =	veq.s32 v4, v0;
	v3 =	vand.u32 $0xFFFF8000, v3;
	(pc) =	sbr.rel @p0 .LBB2_16-.Ltmp9, $4  }
0x19f: {  	v3 =	vor.u32 s3, v3;
	v4 =	vmpcnt.ones.xlane vm15  }
0x1a0: {  	v3 =	vor.u32 v1, v3  }
0x1a1: {  	(v2sf) =	vpush v4, $0x0  }
0x1a2: {  	s3 =	spop (v2sf)  }
0x1a3: {  	_ =	sdelay $0xb  }
0x1a4: {  	s0 =	sadd.s32 s0, s3  }
0x1a5: {  	s2 =	simm.s32 $0x3;
	[tilespmem:s0+$0x800] =	vst.msk vm15, v3;
	s1 =	spop (v2sf)  }
0x1a6: {  	_ =	swait.ge [sflag:s2], $0x8000  }
0x1a7: {  	[sflag:s2] =	ssyncset.done $0x0  }
0x1a8: {  	s3 =	simm.s32 $0x9500;
	[sflag:s2] =	ssyncadd.s32 $0xFFFF8000;
	s2 =	simm.s32 $0x0  }
0x1a9: {  	[tilespmem:s3], [sflag:$0x1] =	stream.linear.gather [hbm4b:s26+s2], $0x8000, $0x38;
	[tilespmem:$0x19500] =	vst v63  }
0x1aa: {  	s3 =	simm.s32 $0x2  }
0x1ab: {  	_ =	swait.ge [sflag:s3], $0x8000  }
0x1ac: {  	[sflag:s3] =	ssyncset.done $0x0  }
0x1ad: {  	[sflag:s3] =	ssyncadd.s32 $0xFFFF8000;
	s3 =	simm.s32 $0x11500  }
0x1ae: {  	[hbm4b:s25+s2] =	stream.linear.scatter [tilespmem:s3], [sflag:$0x4], $0x8000, $0x38;
	[tilespmem:$0x19500] =	vst v63  }
0x1af: {  	s3 =	sld [smem:$0x7DD];
	_ =	sdelay $0x2  }
0x1b0: {  	[tilespmem:s2], [sflag:$0x5] =	stream.linear.gather [hbm4b:s3+s2], $0x800, $0x38;
	[tilespmem:$0x19500] =	vst v63  }
0x1b1: {  	_ =	swait.ge [sflag:s5], $0x800  }
0x1b2: {  	[sflag:s5] =	ssyncset.done $0x0  }
0x1b3: {  	[sflag:s5] =	ssyncadd.s32 $0xFFFFF800  }
0x1b4: {  	v3 =	vld [tilespmem:s2+$0x0];
	_ =	sdelay $0x4  }
0x1b5: {  	v4 =	vand.u32 $0x1F, v3  }
0x1b6: {  	vm15 =	veq.s32 v4, v0  }
0x1b7: {  	v4 =	vmpcnt.ones.xlane vm15;
	_ =	sdelay $0x1  }
0x1b8: {  	(v2sf) =	vpush v4, $0x0  }
0x1b9: {  	v3 =	vshll.u32 v3, $0xA  }
0x1ba: {  	s3 =	simm.s32 $0x4000;
	v3 =	vand.u32 $0xFFFF8000, v3  }
0x1bb: {  	v3 =	vor.u32 s3, v3  }
0x1bc: {  	s0 =	sadd.s32 s0, s1;
	v3 =	vor.u32 v1, v3  }
0x1bd: {  	s1 =	simm.s32 $0x10;
	[tilespmem:s0+$0x800] =	vst.msk vm15, v3  }
0x1be: {  	v3 =	vld [tilespmem:s1+$0x0];
	_ =	sdelay $0x4  }
0x1bf: {  	v4 =	vand.u32 $0x1F, v3  }
0x1c0: {  	v3 =	vshll.u32 v3, $0xA;
	vm15 =	veq.s32 v4, v0  }
0x1c1: {  	s3 =	simm.s32 $0x4010;
	v3 =	vand.u32 $0xFFFF8000, v3;
	v4 =	vmpcnt.ones.xlane vm15  }
0x1c2: {  	v3 =	vor.u32 s3, v3  }
0x1c3: {  	s2 =	simm.s32 $0x4020;
	v3 =	vor.u32 v1, v3;
	(v2sf) =	vpush v4, $0x0;
	s3 =	spop (v2sf)  }
.LBB2_18:
0x1c4: {  	p0 =	sne.s32 s2, $0x47F0  }
0x1c5: {  	s0 =	sadd.s32 s0, s3;
	s3 =	smov.u32 s2;
	s2 =	sadd.s32 $0x10, s2  }
0x1c6: {  	[tilespmem:s0+$0x800] =	vst.msk vm15, v3  }
0x1c7: {  	s1 =	sadd.s32 $0x10, s1  }
0x1c8: {  	v3 =	vld [tilespmem:s1+$0x0];
	_ =	sdelay $0x4  }
0x1c9: {  	v4 =	vand.u32 $0x1F, v3;
	v3 =	vshll.u32 v3, $0xA  }
.Ltmp10:
0x1ca: {  	vm15 =	veq.s32 v4, v0;
	v3 =	vand.u32 $0xFFFF8000, v3;
	(pc) =	sbr.rel @p0 .LBB2_18-.Ltmp10, $4  }
0x1cb: {  	v3 =	vor.u32 s3, v3;
	v4 =	vmpcnt.ones.xlane vm15  }
0x1cc: {  	v3 =	vor.u32 v1, v3  }
0x1cd: {  	(v2sf) =	vpush v4, $0x0  }
0x1ce: {  	s3 =	spop (v2sf)  }
0x1cf: {  	_ =	sdelay $0xb  }
0x1d0: {  	s0 =	sadd.s32 s0, s3  }
0x1d1: {  	s2 =	simm.s32 $0x4;
	[tilespmem:s0+$0x800] =	vst.msk vm15, v3;
	s1 =	spop (v2sf)  }
0x1d2: {  	_ =	swait.ge [sflag:s2], $0x8000  }
0x1d3: {  	[sflag:s2] =	ssyncset.done $0x0  }
0x1d4: {  	s3 =	simm.s32 $0x11500;
	[sflag:s2] =	ssyncadd.s32 $0xFFFF8000;
	s2 =	simm.s32 $0x0  }
0x1d5: {  	[tilespmem:s3], [sflag:$0x2] =	stream.linear.gather [hbm4b:s28+s2], $0x8000, $0x38;
	[tilespmem:$0x19500] =	vst v63  }
0x1d6: {  	s3 =	simm.s32 $0x1  }
0x1d7: {  	_ =	swait.ge [sflag:s3], $0x8000  }
0x1d8: {  	[sflag:s3] =	ssyncset.done $0x0  }
0x1d9: {  	[sflag:s3] =	ssyncadd.s32 $0xFFFF8000;
	s3 =	simm.s32 $0x9500  }
0x1da: {  	[hbm4b:s7+s2] =	stream.linear.scatter [tilespmem:s3], [sflag:$0x3], $0x8000, $0x38;
	[tilespmem:$0x19500] =	vst v63  }
0x1db: {  	s3 =	sld [smem:$0x7DE];
	_ =	sdelay $0x2  }
0x1dc: {  	[tilespmem:s2], [sflag:$0x5] =	stream.linear.gather [hbm4b:s3+s2], $0x800, $0x38;
	[tilespmem:$0x19500] =	vst v63  }
0x1dd: {  	_ =	swait.ge [sflag:s5], $0x800  }
0x1de: {  	[sflag:s5] =	ssyncset.done $0x0  }
0x1df: {  	[sflag:s5] =	ssyncadd.s32 $0xFFFFF800  }
0x1e0: {  	v3 =	vld [tilespmem:s2+$0x0];
	_ =	sdelay $0x4  }
0x1e1: {  	v4 =	vand.u32 $0x1F, v3  }
0x1e2: {  	vm15 =	veq.s32 v4, v0  }
0x1e3: {  	v4 =	vmpcnt.ones.xlane vm15;
	_ =	sdelay $0x1  }
0x1e4: {  	(v2sf) =	vpush v4, $0x0  }
0x1e5: {  	v3 =	vshll.u32 v3, $0xA  }
0x1e6: {  	s3 =	simm.s32 $0x4800;
	v3 =	vand.u32 $0xFFFF8000, v3  }
0x1e7: {  	v3 =	vor.u32 s3, v3  }
0x1e8: {  	s0 =	sadd.s32 s0, s1;
	v3 =	vor.u32 v1, v3  }
0x1e9: {  	s1 =	simm.s32 $0x10;
	[tilespmem:s0+$0x800] =	vst.msk vm15, v3  }
0x1ea: {  	v3 =	vld [tilespmem:s1+$0x0];
	_ =	sdelay $0x4  }
0x1eb: {  	v4 =	vand.u32 $0x1F, v3  }
0x1ec: {  	v3 =	vshll.u32 v3, $0xA;
	vm15 =	veq.s32 v4, v0  }
0x1ed: {  	s3 =	simm.s32 $0x4810;
	v3 =	vand.u32 $0xFFFF8000, v3;
	v4 =	vmpcnt.ones.xlane vm15  }
0x1ee: {  	v3 =	vor.u32 s3, v3  }
0x1ef: {  	s2 =	simm.s32 $0x4820;
	v3 =	vor.u32 v1, v3;
	(v2sf) =	vpush v4, $0x0;
	s3 =	spop (v2sf)  }
.LBB2_20:
0x1f0: {  	p0 =	sne.s32 s2, $0x4FF0  }
0x1f1: {  	s0 =	sadd.s32 s0, s3;
	s3 =	smov.u32 s2;
	s2 =	sadd.s32 $0x10, s2  }
0x1f2: {  	[tilespmem:s0+$0x800] =	vst.msk vm15, v3  }
0x1f3: {  	s1 =	sadd.s32 $0x10, s1  }
0x1f4: {  	v3 =	vld [tilespmem:s1+$0x0];
	_ =	sdelay $0x4  }
0x1f5: {  	v4 =	vand.u32 $0x1F, v3;
	v3 =	vshll.u32 v3, $0xA  }
.Ltmp11:
0x1f6: {  	vm15 =	veq.s32 v4, v0;
	v3 =	vand.u32 $0xFFFF8000, v3;
	(pc) =	sbr.rel @p0 .LBB2_20-.Ltmp11, $4  }
0x1f7: {  	v3 =	vor.u32 s3, v3;
	v4 =	vmpcnt.ones.xlane vm15  }
0x1f8: {  	v3 =	vor.u32 v1, v3  }
0x1f9: {  	(v2sf) =	vpush v4, $0x0  }
0x1fa: {  	s3 =	spop (v2sf)  }
0x1fb: {  	_ =	sdelay $0xb  }
0x1fc: {  	s0 =	sadd.s32 s0, s3  }
0x1fd: {  	s2 =	simm.s32 $0x2;
	[tilespmem:s0+$0x800] =	vst.msk vm15, v3;
	s1 =	spop (v2sf)  }
0x1fe: {  	_ =	swait.ge [sflag:s2], $0x8000  }
0x1ff: {  	[sflag:s2] =	ssyncset.done $0x0  }
0x200: {  	s3 =	simm.s32 $0x11500;
	[sflag:s2] =	ssyncadd.s32 $0xFFFF8000;
	s2 =	simm.s32 $0x0  }
0x201: {  	[hbm4b:s6+s2] =	stream.linear.scatter [tilespmem:s3], [sflag:$0x4], $0x8000, $0x38;
	[tilespmem:$0x19500] =	vst v63  }
0x202: {  	s3 =	sld [smem:$0x7DF];
	_ =	sdelay $0x2  }
0x203: {  	[tilespmem:s2], [sflag:$0x5] =	stream.linear.gather [hbm4b:s3+s2], $0x800, $0x38;
	[tilespmem:$0x19500] =	vst v63  }
0x204: {  	_ =	swait.ge [sflag:s5], $0x800  }
0x205: {  	[sflag:s5] =	ssyncset.done $0x0  }
0x206: {  	[sflag:s5] =	ssyncadd.s32 $0xFFFFF800  }
0x207: {  	v3 =	vld [tilespmem:s2+$0x0];
	_ =	sdelay $0x4  }
0x208: {  	v4 =	vand.u32 $0x1F, v3  }
0x209: {  	vm15 =	veq.s32 v4, v0  }
0x20a: {  	v4 =	vmpcnt.ones.xlane vm15;
	_ =	sdelay $0x1  }
0x20b: {  	(v2sf) =	vpush v4, $0x0  }
0x20c: {  	v3 =	vshll.u32 v3, $0xA  }
0x20d: {  	s3 =	simm.s32 $0x5000;
	v3 =	vand.u32 $0xFFFF8000, v3  }
0x20e: {  	v3 =	vor.u32 s3, v3  }
0x20f: {  	s0 =	sadd.s32 s0, s1;
	v3 =	vor.u32 v1, v3  }
0x210: {  	s1 =	simm.s32 $0x10;
	[tilespmem:s0+$0x800] =	vst.msk vm15, v3  }
0x211: {  	v3 =	vld [tilespmem:s1+$0x0];
	_ =	sdelay $0x4  }
0x212: {  	v4 =	vand.u32 $0x1F, v3  }
0x213: {  	v3 =	vshll.u32 v3, $0xA;
	vm15 =	veq.s32 v4, v0  }
0x214: {  	s3 =	simm.s32 $0x5010;
	v3 =	vand.u32 $0xFFFF8000, v3;
	v4 =	vmpcnt.ones.xlane vm15  }
0x215: {  	v3 =	vor.u32 s3, v3  }
0x216: {  	s2 =	simm.s32 $0x5020;
	v3 =	vor.u32 v1, v3;
	(v2sf) =	vpush v4, $0x0;
	s3 =	spop (v2sf)  }
.LBB2_22:
0x217: {  	p0 =	sne.s32 s2, $0x57F0  }
0x218: {  	s0 =	sadd.s32 s0, s3;
	s3 =	smov.u32 s2;
	s2 =	sadd.s32 $0x10, s2  }
0x219: {  	[tilespmem:s0+$0x800] =	vst.msk vm15, v3  }
0x21a: {  	s1 =	sadd.s32 $0x10, s1  }
0x21b: {  	v3 =	vld [tilespmem:s1+$0x0];
	_ =	sdelay $0x4  }
0x21c: {  	v4 =	vand.u32 $0x1F, v3;
	v3 =	vshll.u32 v3, $0xA  }
.Ltmp12:
0x21d: {  	vm15 =	veq.s32 v4, v0;
	v3 =	vand.u32 $0xFFFF8000, v3;
	(pc) =	sbr.rel @p0 .LBB2_22-.Ltmp12, $4  }
0x21e: {  	v3 =	vor.u32 s3, v3;
	v4 =	vmpcnt.ones.xlane vm15  }
0x21f: {  	v3 =	vor.u32 v1, v3  }
0x220: {  	(v2sf) =	vpush v4, $0x0  }
0x221: {  	s3 =	spop (v2sf)  }
0x222: {  	_ =	sdelay $0x8  }
0x223: {  	s0 =	sadd.s32 s0, s3;
	s3 =	sld [smem:$0x7E0];
	_ =	sdelay $0x1  }
0x224: {  	s2 =	simm.s32 $0x0;
	[tilespmem:s0+$0x800] =	vst.msk vm15, v3  }
0x225: {  	[tilespmem:s2], [sflag:$0x5] =	stream.linear.gather [hbm4b:s3+s2], $0x800, $0x38;
	[tilespmem:$0x19500] =	vst v63  }
0x226: {  	s1 =	spop (v2sf)  }
0x227: {  	_ =	swait.ge [sflag:s5], $0x800  }
0x228: {  	[sflag:s5] =	ssyncset.done $0x0  }
0x229: {  	[sflag:s5] =	ssyncadd.s32 $0xFFFFF800  }
0x22a: {  	v3 =	vld [tilespmem:s2+$0x0];
	_ =	sdelay $0x4  }
0x22b: {  	v4 =	vand.u32 $0x1F, v3  }
0x22c: {  	vm15 =	veq.s32 v4, v0  }
0x22d: {  	v4 =	vmpcnt.ones.xlane vm15;
	_ =	sdelay $0x1  }
0x22e: {  	(v2sf) =	vpush v4, $0x0  }
0x22f: {  	v3 =	vshll.u32 v3, $0xA  }
0x230: {  	s3 =	simm.s32 $0x5800;
	v3 =	vand.u32 $0xFFFF8000, v3  }
0x231: {  	v3 =	vor.u32 s3, v3  }
0x232: {  	s0 =	sadd.s32 s0, s1;
	v3 =	vor.u32 v1, v3  }
0x233: {  	s1 =	simm.s32 $0x10;
	[tilespmem:s0+$0x800] =	vst.msk vm15, v3  }
0x234: {  	v3 =	vld [tilespmem:s1+$0x0];
	_ =	sdelay $0x4  }
0x235: {  	v4 =	vand.u32 $0x1F, v3  }
0x236: {  	v3 =	vshll.u32 v3, $0xA;
	vm15 =	veq.s32 v4, v0  }
0x237: {  	s3 =	simm.s32 $0x5810;
	v3 =	vand.u32 $0xFFFF8000, v3;
	v4 =	vmpcnt.ones.xlane vm15  }
0x238: {  	v3 =	vor.u32 s3, v3  }
0x239: {  	s2 =	simm.s32 $0x5820;
	v3 =	vor.u32 v1, v3;
	(v2sf) =	vpush v4, $0x0;
	s3 =	spop (v2sf)  }
.LBB2_24:
0x23a: {  	p0 =	sne.s32 s2, $0x5FF0  }
0x23b: {  	s0 =	sadd.s32 s0, s3;
	s3 =	smov.u32 s2;
	s2 =	sadd.s32 $0x10, s2  }
0x23c: {  	[tilespmem:s0+$0x800] =	vst.msk vm15, v3  }
0x23d: {  	s1 =	sadd.s32 $0x10, s1  }
0x23e: {  	v3 =	vld [tilespmem:s1+$0x0];
	_ =	sdelay $0x4  }
0x23f: {  	v4 =	vand.u32 $0x1F, v3;
	v3 =	vshll.u32 v3, $0xA  }
.Ltmp13:
0x240: {  	vm15 =	veq.s32 v4, v0;
	v3 =	vand.u32 $0xFFFF8000, v3;
	(pc) =	sbr.rel @p0 .LBB2_24-.Ltmp13, $4  }
0x241: {  	v3 =	vor.u32 s3, v3;
	v4 =	vmpcnt.ones.xlane vm15  }
0x242: {  	v3 =	vor.u32 v1, v3  }
0x243: {  	(v2sf) =	vpush v4, $0x0  }
0x244: {  	s3 =	spop (v2sf)  }
0x245: {  	_ =	sdelay $0x8  }
0x246: {  	s0 =	sadd.s32 s0, s3;
	s3 =	sld [smem:$0x7E1];
	_ =	sdelay $0x1  }
0x247: {  	s2 =	simm.s32 $0x0;
	[tilespmem:s0+$0x800] =	vst.msk vm15, v3  }
0x248: {  	[tilespmem:s2], [sflag:$0x5] =	stream.linear.gather [hbm4b:s3+s2], $0x800, $0x38;
	[tilespmem:$0x19500] =	vst v63  }
0x249: {  	s1 =	spop (v2sf)  }
0x24a: {  	_ =	swait.ge [sflag:s5], $0x800  }
0x24b: {  	[sflag:s5] =	ssyncset.done $0x0  }
0x24c: {  	[sflag:s5] =	ssyncadd.s32 $0xFFFFF800  }
0x24d: {  	v3 =	vld [tilespmem:s2+$0x0];
	_ =	sdelay $0x4  }
0x24e: {  	v4 =	vand.u32 $0x1F, v3  }
0x24f: {  	vm15 =	veq.s32 v4, v0  }
0x250: {  	v4 =	vmpcnt.ones.xlane vm15;
	_ =	sdelay $0x1  }
0x251: {  	(v2sf) =	vpush v4, $0x0  }
0x252: {  	v3 =	vshll.u32 v3, $0xA  }
0x253: {  	s3 =	simm.s32 $0x6000;
	v3 =	vand.u32 $0xFFFF8000, v3  }
0x254: {  	v3 =	vor.u32 s3, v3  }
0x255: {  	s0 =	sadd.s32 s0, s1;
	v3 =	vor.u32 v1, v3  }
0x256: {  	s1 =	simm.s32 $0x10;
	[tilespmem:s0+$0x800] =	vst.msk vm15, v3  }
0x257: {  	v3 =	vld [tilespmem:s1+$0x0];
	_ =	sdelay $0x4  }
0x258: {  	v4 =	vand.u32 $0x1F, v3  }
0x259: {  	v3 =	vshll.u32 v3, $0xA;
	vm15 =	veq.s32 v4, v0  }
0x25a: {  	s3 =	simm.s32 $0x6010;
	v3 =	vand.u32 $0xFFFF8000, v3;
	v4 =	vmpcnt.ones.xlane vm15  }
0x25b: {  	v3 =	vor.u32 s3, v3  }
0x25c: {  	s2 =	simm.s32 $0x6020;
	v3 =	vor.u32 v1, v3;
	(v2sf) =	vpush v4, $0x0;
	s3 =	spop (v2sf)  }
.LBB2_26:
0x25d: {  	p0 =	sne.s32 s2, $0x67F0  }
0x25e: {  	s0 =	sadd.s32 s0, s3;
	s3 =	smov.u32 s2;
	s2 =	sadd.s32 $0x10, s2  }
0x25f: {  	[tilespmem:s0+$0x800] =	vst.msk vm15, v3  }
0x260: {  	s1 =	sadd.s32 $0x10, s1  }
0x261: {  	v3 =	vld [tilespmem:s1+$0x0];
	_ =	sdelay $0x4  }
0x262: {  	v4 =	vand.u32 $0x1F, v3;
	v3 =	vshll.u32 v3, $0xA  }
.Ltmp14:
0x263: {  	vm15 =	veq.s32 v4, v0;
	v3 =	vand.u32 $0xFFFF8000, v3;
	(pc) =	sbr.rel @p0 .LBB2_26-.Ltmp14, $4  }
0x264: {  	v3 =	vor.u32 s3, v3;
	v4 =	vmpcnt.ones.xlane vm15  }
0x265: {  	v3 =	vor.u32 v1, v3  }
0x266: {  	(v2sf) =	vpush v4, $0x0  }
0x267: {  	s3 =	spop (v2sf)  }
0x268: {  	_ =	sdelay $0x8  }
0x269: {  	s0 =	sadd.s32 s0, s3;
	s3 =	sld [smem:$0x7E2];
	_ =	sdelay $0x1  }
0x26a: {  	s2 =	simm.s32 $0x0;
	[tilespmem:s0+$0x800] =	vst.msk vm15, v3  }
0x26b: {  	[tilespmem:s2], [sflag:$0x5] =	stream.linear.gather [hbm4b:s3+s2], $0x800, $0x38;
	[tilespmem:$0x19500] =	vst v63  }
0x26c: {  	s1 =	spop (v2sf)  }
0x26d: {  	_ =	swait.ge [sflag:s5], $0x800  }
0x26e: {  	[sflag:s5] =	ssyncset.done $0x0  }
0x26f: {  	[sflag:s5] =	ssyncadd.s32 $0xFFFFF800  }
0x270: {  	v3 =	vld [tilespmem:s2+$0x0];
	_ =	sdelay $0x4  }
0x271: {  	v4 =	vand.u32 $0x1F, v3  }
0x272: {  	vm15 =	veq.s32 v4, v0  }
0x273: {  	v4 =	vmpcnt.ones.xlane vm15;
	_ =	sdelay $0x1  }
0x274: {  	(v2sf) =	vpush v4, $0x0  }
0x275: {  	v3 =	vshll.u32 v3, $0xA  }
0x276: {  	s3 =	simm.s32 $0x6800;
	v3 =	vand.u32 $0xFFFF8000, v3  }
0x277: {  	v3 =	vor.u32 s3, v3  }
0x278: {  	s0 =	sadd.s32 s0, s1;
	v3 =	vor.u32 v1, v3  }
0x279: {  	s1 =	simm.s32 $0x10;
	[tilespmem:s0+$0x800] =	vst.msk vm15, v3  }
0x27a: {  	v3 =	vld [tilespmem:s1+$0x0];
	_ =	sdelay $0x4  }
0x27b: {  	v4 =	vand.u32 $0x1F, v3  }
0x27c: {  	v3 =	vshll.u32 v3, $0xA;
	vm15 =	veq.s32 v4, v0  }
0x27d: {  	s3 =	simm.s32 $0x6810;
	v3 =	vand.u32 $0xFFFF8000, v3;
	v4 =	vmpcnt.ones.xlane vm15  }
0x27e: {  	v3 =	vor.u32 s3, v3  }
0x27f: {  	s2 =	simm.s32 $0x6820;
	v3 =	vor.u32 v1, v3;
	(v2sf) =	vpush v4, $0x0;
	s3 =	spop (v2sf)  }
.LBB2_28:
0x280: {  	p0 =	sne.s32 s2, $0x6FF0  }
0x281: {  	s0 =	sadd.s32 s0, s3;
	s3 =	smov.u32 s2;
	s2 =	sadd.s32 $0x10, s2  }
0x282: {  	[tilespmem:s0+$0x800] =	vst.msk vm15, v3  }
0x283: {  	s1 =	sadd.s32 $0x10, s1  }
0x284: {  	v3 =	vld [tilespmem:s1+$0x0];
	_ =	sdelay $0x4  }
0x285: {  	v4 =	vand.u32 $0x1F, v3;
	v3 =	vshll.u32 v3, $0xA  }
.Ltmp15:
0x286: {  	vm15 =	veq.s32 v4, v0;
	v3 =	vand.u32 $0xFFFF8000, v3;
	(pc) =	sbr.rel @p0 .LBB2_28-.Ltmp15, $4  }
0x287: {  	v3 =	vor.u32 s3, v3;
	v4 =	vmpcnt.ones.xlane vm15  }
0x288: {  	v3 =	vor.u32 v1, v3  }
0x289: {  	(v2sf) =	vpush v4, $0x0  }
0x28a: {  	s3 =	spop (v2sf)  }
0x28b: {  	_ =	sdelay $0x8  }
0x28c: {  	s0 =	sadd.s32 s0, s3;
	s3 =	sld [smem:$0x7E3];
	_ =	sdelay $0x1  }
0x28d: {  	s2 =	simm.s32 $0x0;
	[tilespmem:s0+$0x800] =	vst.msk vm15, v3  }
0x28e: {  	[tilespmem:s2], [sflag:$0x5] =	stream.linear.gather [hbm4b:s3+s2], $0x800, $0x38;
	[tilespmem:$0x19500] =	vst v63  }
0x28f: {  	s1 =	spop (v2sf)  }
0x290: {  	_ =	swait.ge [sflag:s5], $0x800  }
0x291: {  	[sflag:s5] =	ssyncset.done $0x0  }
0x292: {  	[sflag:s5] =	ssyncadd.s32 $0xFFFFF800  }
0x293: {  	v3 =	vld [tilespmem:s2+$0x0];
	_ =	sdelay $0x4  }
0x294: {  	v4 =	vand.u32 $0x1F, v3  }
0x295: {  	vm15 =	veq.s32 v4, v0  }
0x296: {  	v4 =	vmpcnt.ones.xlane vm15;
	_ =	sdelay $0x1  }
0x297: {  	(v2sf) =	vpush v4, $0x0  }
0x298: {  	v3 =	vshll.u32 v3, $0xA  }
0x299: {  	s3 =	simm.s32 $0x7000;
	v3 =	vand.u32 $0xFFFF8000, v3  }
0x29a: {  	v3 =	vor.u32 s3, v3  }
0x29b: {  	s0 =	sadd.s32 s0, s1;
	v3 =	vor.u32 v1, v3  }
0x29c: {  	s1 =	simm.s32 $0x10;
	[tilespmem:s0+$0x800] =	vst.msk vm15, v3  }
0x29d: {  	v3 =	vld [tilespmem:s1+$0x0];
	_ =	sdelay $0x4  }
0x29e: {  	v4 =	vand.u32 $0x1F, v3  }
0x29f: {  	v3 =	vshll.u32 v3, $0xA;
	vm15 =	veq.s32 v4, v0  }
0x2a0: {  	s3 =	simm.s32 $0x7010;
	v3 =	vand.u32 $0xFFFF8000, v3;
	v4 =	vmpcnt.ones.xlane vm15  }
0x2a1: {  	v3 =	vor.u32 s3, v3  }
0x2a2: {  	s2 =	simm.s32 $0x7020;
	v3 =	vor.u32 v1, v3;
	(v2sf) =	vpush v4, $0x0;
	s3 =	spop (v2sf)  }
.LBB2_30:
0x2a3: {  	p0 =	sne.s32 s2, $0x77F0  }
0x2a4: {  	s0 =	sadd.s32 s0, s3;
	s3 =	smov.u32 s2;
	s2 =	sadd.s32 $0x10, s2  }
0x2a5: {  	[tilespmem:s0+$0x800] =	vst.msk vm15, v3  }
0x2a6: {  	s1 =	sadd.s32 $0x10, s1  }
0x2a7: {  	v3 =	vld [tilespmem:s1+$0x0];
	_ =	sdelay $0x4  }
0x2a8: {  	v4 =	vand.u32 $0x1F, v3;
	v3 =	vshll.u32 v3, $0xA  }
.Ltmp16:
0x2a9: {  	vm15 =	veq.s32 v4, v0;
	v3 =	vand.u32 $0xFFFF8000, v3;
	(pc) =	sbr.rel @p0 .LBB2_30-.Ltmp16, $4  }
0x2aa: {  	v3 =	vor.u32 s3, v3;
	v4 =	vmpcnt.ones.xlane vm15  }
0x2ab: {  	v3 =	vor.u32 v1, v3  }
0x2ac: {  	(v2sf) =	vpush v4, $0x0  }
0x2ad: {  	s3 =	spop (v2sf)  }
0x2ae: {  	_ =	sdelay $0x8  }
0x2af: {  	s0 =	sadd.s32 s0, s3;
	s3 =	sld [smem:$0x7E4];
	_ =	sdelay $0x1  }
0x2b0: {  	s2 =	simm.s32 $0x0;
	[tilespmem:s0+$0x800] =	vst.msk vm15, v3  }
0x2b1: {  	[tilespmem:s2], [sflag:$0x5] =	stream.linear.gather [hbm4b:s3+s2], $0x800, $0x38;
	[tilespmem:$0x19500] =	vst v63  }
0x2b2: {  	s1 =	spop (v2sf)  }
0x2b3: {  	_ =	swait.ge [sflag:s5], $0x800  }
0x2b4: {  	[sflag:s5] =	ssyncset.done $0x0  }
0x2b5: {  	[sflag:s5] =	ssyncadd.s32 $0xFFFFF800  }
0x2b6: {  	v3 =	vld [tilespmem:s2+$0x0];
	_ =	sdelay $0x4  }
0x2b7: {  	v4 =	vand.u32 $0x1F, v3  }
0x2b8: {  	vm15 =	veq.s32 v4, v0  }
0x2b9: {  	v4 =	vmpcnt.ones.xlane vm15;
	_ =	sdelay $0x1  }
0x2ba: {  	(v2sf) =	vpush v4, $0x0  }
0x2bb: {  	v3 =	vshll.u32 v3, $0xA  }
0x2bc: {  	s3 =	simm.s32 $0x7800;
	v3 =	vand.u32 $0xFFFF8000, v3  }
0x2bd: {  	v3 =	vor.u32 s3, v3  }
0x2be: {  	s0 =	sadd.s32 s0, s1;
	v3 =	vor.u32 v1, v3  }
0x2bf: {  	s1 =	simm.s32 $0x10;
	[tilespmem:s0+$0x800] =	vst.msk vm15, v3  }
0x2c0: {  	v3 =	vld [tilespmem:s1+$0x0];
	_ =	sdelay $0x4  }
0x2c1: {  	v4 =	vand.u32 $0x1F, v3  }
0x2c2: {  	v3 =	vshll.u32 v3, $0xA;
	vm15 =	veq.s32 v4, v0  }
0x2c3: {  	s3 =	simm.s32 $0x7810;
	v3 =	vand.u32 $0xFFFF8000, v3;
	v4 =	vmpcnt.ones.xlane vm15  }
0x2c4: {  	v3 =	vor.u32 s3, v3  }
0x2c5: {  	s2 =	simm.s32 $0x7820;
	v3 =	vor.u32 v1, v3;
	(v2sf) =	vpush v4, $0x0;
	s3 =	spop (v2sf)  }
.LBB2_32:
0x2c6: {  	p0 =	sne.s32 s2, $0x7FF0  }
0x2c7: {  	s0 =	sadd.s32 s0, s3;
	s3 =	smov.u32 s2;
	s2 =	sadd.s32 $0x10, s2  }
0x2c8: {  	[tilespmem:s0+$0x800] =	vst.msk vm15, v3  }
0x2c9: {  	s1 =	sadd.s32 $0x10, s1  }
0x2ca: {  	v3 =	vld [tilespmem:s1+$0x0];
	_ =	sdelay $0x4  }
0x2cb: {  	v4 =	vand.u32 $0x1F, v3;
	v3 =	vshll.u32 v3, $0xA  }
.Ltmp17:
0x2cc: {  	vm15 =	veq.s32 v4, v0;
	v3 =	vand.u32 $0xFFFF8000, v3;
	(pc) =	sbr.rel @p0 .LBB2_32-.Ltmp17, $4  }
0x2cd: {  	v3 =	vor.u32 s3, v3;
	v4 =	vmpcnt.ones.xlane vm15  }
0x2ce: {  	v3 =	vor.u32 v1, v3  }
0x2cf: {  	(v2sf) =	vpush v4, $0x0  }
0x2d0: {  	s3 =	spop (v2sf)  }
0x2d1: {  	_ =	sdelay $0xc  }
0x2d2: {  	s0 =	sadd.s32 s0, s3;
	s1 =	spop (v2sf)  }
0x2d3: {  	[tilespmem:s0+$0x800] =	vst.msk vm15, v3;
	s0 =	sadd.s32 s0, s1  }
0x2d4: {  	s2 =	simm.s32 $0x3;
	s1 =	sadd.s32 $0xF, s0  }
0x2d5: {  	_ =	swait.ge [sflag:s2], $0x8000;
	p0 =	slt.s32 s1, $0x10  }
.Ltmp18:
0x2d6: {  	[sflag:s2] =	ssyncset.done $0x0;
	(pc) =	sbr.rel @p0 .LBB2_34-.Ltmp18, $4  }
0x2d7: {  	s3 =	simm.s32 $0x4;
	[sflag:s2] =	ssyncadd.s32 $0xFFFF8000  }
0x2d8: {  	_ =	swait.ge [sflag:s3], $0x8000  }
0x2d9: {  	[sflag:s3] =	ssyncset.done $0x0  }
0x2da: {  	s2 =	simm.s32 $0x0;
	[sflag:s3] =	ssyncadd.s32 $0xFFFF8000  }
0x2db: {  	s2 =	sshra.s32 s1, $0x1F  }
0x2dc: {  	s2 =	sshrl.u32 s2, $0x1C  }
0x2dd: {  	s26 =	sadd.s32 s2, s1  }
0x2de: {  	s18 =	sshra.s32 s26, $0x4  }
0x2df: {  	p0 =	seq.s32 s18, $0x1  }
.Ltmp19:
0x2e0: {  	_ = 	snop;
	(pc) =	sbr.rel @p0 .LBB2_36-.Ltmp19, $3  }
0x2e1: {  	_ =	sdelay $0x1  }
0x2e2: {  	s28 =	simm.s32 $0x800  }
0x2e3: {  	s3 =	simm.s32 $0x0;
	v3 =	vmov s0;
	p1 =	por $0x0, $0x0;
	v4 =	vld [tilespmem:s28+$0x0];
	s0 =	sadd.s32 $0xFFFFFFFF, s18  }
0x2e4: {  	_ =	sdelay $0x2  }
0x2e5: {  	v5 =	vor.u32 s3, v1  }
0x2e6: {  	vm15 =	vlt.s32 v5, v3;
	v5 =	vshra.s32 v4, $0xF  }
0x2e7: {  	v5 =	vnsel vm15, $0x0, v5  }
0x2e8: {  	p2 =	seq.s32 s0, $0x1  }
.Ltmp20:
0x2e9: {  	_ = 	snop;
	(pc) =	sbr.rel @p2 .LBB2_38-.Ltmp20, $4  }
0x2ea: {  	_ = 	snop  }
0x2eb: {  	s24 =	simm.s32 $0x8880;
	v4 =	vand.u32 $0x7FFF, v4  }
0x2ec: {  	s2 =	simm.s32 $0x810;
	[tilespmem:v5+s24+$0x0] =	vst.idx.msk vm15, v4  }
0x2ed: {  	s3 =	sadd.s32 $0xFFFFFFFF, s0;
	p1 =	por $0x1, $0x1;
	s1 =	simm.s32 $0x0;
	v4 =	vld [tilespmem:s2+$0x0]  }
.LBB2_39:
0x2ee: {  	p2 =	seq.s32 s3, $0x1;
	_ =	sdelay $0x1  }
0x2ef: {  	s1 =	sadd.s32 $0x10, s1  }
0x2f0: {  	v5 =	vor.u32 s1, v1  }
0x2f1: {  	vm15 =	vlt.s32 v5, v3;
	v5 =	vshra.s32 v4, $0xF  }
0x2f2: {  	v5 =	vnsel vm15, $0x0, v5;
	_ =	sdelay $0x1  }
.Ltmp21:
0x2f3: {  	(pc) =	sbr.rel @!p2 .LBB2_39-.Ltmp21, $4  }
0x2f4: {  	_ = 	snop  }
0x2f5: {  	v4 =	vand.u32 $0x7FFF, v4  }
0x2f6: {  	s2 =	sadd.s32 $0x10, s2;
	[tilespmem:v5+s24+$0x0] =	vst.idx.msk vm15, v4  }
0x2f7: {  	s3 =	sadd.s32 $0xFFFFFFFF, s3;
	v4 =	vld [tilespmem:s2+$0x0]  }
0x2f8: {  	s2 =	simm.s32 $0x0  }
.LBB2_41:
0x2f9: {  	s1 =	sadd.s32 @p1 $0x10, s1  }
0x2fa: {  	s2 =	smov.u32 @p1 s1  }
0x2fb: {  	v5 =	vor.u32 s2, v1  }
0x2fc: {  	vm15 =	vlt.s32 v5, v3;
	v5 =	vshra.s32 v4, $0xF  }
0x2fd: {  	v5 =	vnsel vm15, $0x0, v5;
	_ =	sdelay $0x3  }
0x2fe: {  	v4 =	vand.u32 $0x7FFF, v4  }
0x2ff: {  	[tilespmem:v5+s24+$0x0] =	vst.idx.msk vm15, v4  }
.LBB2_43:
.Ltmp22:
0x300: {  	(pc) =	sbr.rel @p0 .LBB2_44-.Ltmp22, $3  }
0x301: {  	_ =	sdelay $0x1  }
0x302: {  	s2 =	simm.s32 $0x800  }
0x303: {  	s1 =	simm.s32 $0x0;
	p1 =	por $0x0, $0x0;
	p2 =	por $0x0, $0x0  }
0x304: {  	v4 =	vld [tilespmem:s2+$0x0]  }
0x305: {  	p3 =	seq.s32 s0, $0x1  }
.Ltmp23:
0x306: {  	_ = 	snop;
	(pc) =	sbr.rel @p3 .LBB2_46-.Ltmp23, $4  }
0x307: {  	_ = 	snop  }
0x308: {  	v5 =	vor.u32 s1, v1  }
0x309: {  	vm15 =	vlt.s32 v5, v3;
	v5 =	vshra.s32 v4, $0xF  }
0x30a: {  	s3 =	sadd.s32 $0xFFFFFFFF, s0;
	p1 =	por $0x1, $0x1;
	v5 =	vnsel vm15, $0x0, v5  }
0x30b: {  	_ =	sdelay $0x3  }
0x30c: {  	v6 =	vld.idx.msk [tilespmem:v5+s24+$0x0], $0xffff;
	_ =	sdelay $0x3  }
0x30d: {  	v4 =	vand.u32 $0x7FFF, v4  }
0x30e: {  	vm0 =	vgt.s32 v4, v6  }
0x30f: {  	vm0 =	vmand vm15, vm0  }
0x310: {  	v6 =	vsel vm0, $0x1, v2  }
0x311: {  	(xrf0) =	vadd.scan.msk.s32 $0xffff, v6;
	_ =	sdelay $0x3  }
0x312: {  	s4 =	simm.s32 $0x810;
	[tilespmem:v5+s24+$0x0] =	vst.idx.msk vm0, v4  }
0x313: {  	v4 =	vld [tilespmem:s4+$0x0]  }
0x314: {  	p3 =	seq.s32 s3, $0x1;
	v6, _, _ =	vpop (xrf0)  }
.Ltmp24:
0x315: {  	(v2sf) =	vpush v6, $0xF;
	(pc) =	sbr.rel @p3 .LBB2_48-.Ltmp24, $4  }
0x316: {  	s5 =	simm.s32 $0x10  }
0x317: {  	v5 =	vor.u32 s5, v1  }
0x318: {  	vm15 =	vlt.s32 v5, v3;
	v5 =	vshra.s32 v4, $0xF  }
0x319: {  	s6 =	sadd.s32 $0xFFFFFFFF, s3;
	p2 =	por $0x1, $0x1;
	s3 =	simm.s32 $0x0;
	v5 =	vnsel vm15, $0x0, v5  }
.LBB2_49:
0x31a: {  	p3 =	seq.s32 s6, $0x1;
	_ =	sdelay $0x3  }
0x31b: {  	v6 =	vld.idx.msk [tilespmem:v5+s24+$0x0], $0xffff;
	_ =	sdelay $0x4  }
0x31c: {  	v4 =	vand.u32 $0x7FFF, v4  }
0x31d: {  	vm0 =	vgt.s32 v4, v6;
	s7 =	spop (v2sf)  }
0x31e: {  	vm0 =	vmand vm15, vm0;
	s3 =	sadd.s32 s3, s7  }
0x31f: {  	v6 =	vsel vm0, $0x1, v2  }
0x320: {  	(xrf0) =	vadd.scan.msk.s32 $0xffff, v6;
	_ =	sdelay $0x3  }
0x321: {  	s4 =	sadd.s32 $0x10, s4;
	[tilespmem:v5+s24+$0x0] =	vst.idx.msk vm0, v4  }
0x322: {  	v4 =	vld [tilespmem:s4+$0x0]  }
0x323: {  	v5, _, _ =	vpop (xrf0)  }
.Ltmp25:
0x324: {  	(v2sf) =	vpush v5, $0xF;
	(pc) =	sbr.rel @!p3 .LBB2_49-.Ltmp25, $4  }
0x325: {  	s5 =	sadd.s32 $0x10, s5  }
0x326: {  	v5 =	vor.u32 s5, v1  }
0x327: {  	vm15 =	vlt.s32 v5, v3;
	v5 =	vshra.s32 v4, $0xF  }
0x328: {  	s6 =	sadd.s32 $0xFFFFFFFF, s6;
	v5 =	vnsel vm15, $0x0, v5  }
.LBB2_50:
0x329: {  	_ =	sdelay $0x3  }
0x32a: {  	v6 =	vld.idx.msk @p1 [tilespmem:v5+s24+$0x0], $0xffff;
	_ =	sdelay $0x3  }
0x32b: {  	v4 =	vand.u32 @p1 $0x7FFF, v4  }
0x32c: {  	vm0 =	vgt.s32 @p1 v4, v6  }
0x32d: {  	vm0 =	vmand @p1 vm15, vm0;
	_ =	sdelay $0x4  }
0x32e: {  	s4 =	sadd.s32 @p1 $0x10, s4  }
0x32f: {  	s2 =	smov.u32 @p1 s4;
	[tilespmem:v5+s24+$0x0] =	vst.idx.msk @p1 vm0, v4  }
0x330: {  	v4 =	vld [tilespmem:s2+$0x0];
	_ =	sdelay $0x1  }
0x331: {  	s4 =	simm.s32 $0x0;
	s2 =	sadd.s32 @p1 $0x10, s5  }
0x332: {  	s4 =	smov.u32 @p1 s2  }
0x333: {  	v5 =	vor.u32 s4, v1  }
0x334: {  	vm15 =	vlt.s32 v5, v3;
	v5 =	vshra.s32 v4, $0xF  }
0x335: {  	v5 =	vnsel vm15, $0x0, v5;
	_ =	sdelay $0x4  }
0x336: {  	v61 =	vld.idx.msk [tilespmem:v5+s24+$0x0], $0xffff;
	_ =	sdelay $0x3  }
0x337: {  	v4 =	vand.u32 $0x7FFF, v4  }
0x338: {  	v7 =	vsel @p1 vm0, $0x1, v2;
	vm0 =	vgt.s32 v4, v61  }
0x339: {  	(xrf0) =	vadd.scan.msk.s32 @p1 $0xffff, v7;
	vm0 =	vmand vm15, vm0  }
0x33a: {  	v62 =	vsel vm0, $0x1, v2  }
0x33b: {  	(xrf0) =	vadd.scan.msk.s32 $0xffff, v62;
	_ =	sdelay $0x3  }
0x33c: {  	v6, _, _ =	vpop @p1 (xrf0)  }
0x33d: {  	(v2sf) =	vpush @p1 v6, $0xF  }
0x33e: {  	v63, _, _ =	vpop (xrf0)  }
0x33f: {  	(v2sf) =	vpush v63, $0xF;
	_ =	sdelay $0xa  }
0x340: {  	s2 =	spop @p2 (v2sf)  }
0x341: {  	s2 =	sadd.s32 @p2 s3, s2;
	s3 =	simm.s32 $0x0  }
0x342: {  	s3 =	smov.u32 @p2 s2;
	s4 =	spop @p1 (v2sf)  }
0x343: {  	s2 =	sadd.s32 @p1 s3, s4  }
0x344: {  	s1 =	smov.u32 @p1 s2;
	s28 =	spop (v2sf)  }
0x345: {  	[tilespmem:v5+s24+$0x0] =	vst.idx.msk vm0, v4;
	s1 =	sadd.s32 s1, s28  }
0x346: {  	p1 =	slt.s32 s1, $0x1  }
.Ltmp26:
0x347: {  	_ = 	snop;
	(pc) =	sbr.rel @!p1 .LBB2_43-.Ltmp26, $4  }
.Ltmp27:
0x348: {  	_ = 	snop;
	(pc) =	sbr.rel @p1 .LBB2_51-.Ltmp27, $4  }
0x349: {  	_ = 	snop  }
0x34a: {  	_ = 	snop  }
0x34b: {  	s2 =	simm.s32 $0x800;
	s1 =	simm.s32 $0x0;
	s5 =	simm.s32 $0x5  }
0x34c: {  	_ = 	snop  }
.LBB2_44:
.Ltmp28:
0x34d: {  	(pc) =	sbr.rel .LBB2_50-.Ltmp28, $2  }
0x34e: {  	_ =	sdelay $0x2  }
0x34f: {  	s3 =	simm.s32 $0x0;
	s4 =	simm.s32 $0x800;
	s5 =	simm.s32 $0x0  }
.LBB2_46:
.Ltmp29:
0x350: {  	(pc) =	sbr.rel .LBB2_50-.Ltmp29, $2  }
0x351: {  	_ =	sdelay $0x2  }
0x352: {  	s3 =	simm.s32 $0x0;
	s4 =	simm.s32 $0x800;
	s5 =	simm.s32 $0x0  }
.LBB2_48:
.Ltmp30:
0x353: {  	(pc) =	sbr.rel .LBB2_50-.Ltmp30, $2  }
0x354: {  	_ =	sdelay $0x2  }
0x355: {  	s3 =	simm.s32 $0x0  }
.LBB2_34:
.Ltmp31:
0x356: {  	(pc) =	sbr.rel .LBB2_62-.Ltmp31, $2  }
0x357: {  	_ =	sdelay $0x2  }
0x358: {  	s3 =	simm.s32 $0x80  }
.LBB2_51:
0x359: {  	p1 =	sne.s32 s18, $0x1  }
.Ltmp32:
0x35a: {  	_ = 	snop;
	(pc) =	sbr.rel @!p1 .LBB2_52-.Ltmp32, $2  }
0x35b: {  	_ =	sdelay $0x2  }
0x35c: {  	v4 =	vld [tilespmem:s2+$0x0];
	s0 =	sadd.s32 $0xFFFFFFFF, s18;
	p0 =	por $0x0, $0x0  }
0x35d: {  	_ =	sdelay $0x2  }
0x35e: {  	v5 =	vor.u32 s1, v1  }
0x35f: {  	vm0 =	vlt.s32 v5, v3;
	v5 =	vshra.s32 v4, $0xF  }
0x360: {  	v5 =	vnsel vm0, $0x0, v5;
	_ =	sdelay $0x4  }
0x361: {  	v5 =	vld.idx.msk [tilespmem:v5+s24+$0x0], $0xffff;
	_ =	sdelay $0x3  }
0x362: {  	v6 =	vand.u32 $0x7FFF, v4  }
0x363: {  	vm15 =	veq.s32 v5, v6  }
0x364: {  	vm0 =	vmand vm0, vm15  }
0x365: {  	v5 =	vsel vm0, $0x1, v2  }
0x366: {  	(xrf0) =	vadd.scan.msk.s32 $0xffff, v5;
	_ =	sdelay $0x2  }
0x367: {  	v5 =	vmov s1  }
0x368: {  	v5 =	vadd.s32 $0xFFFFFFFF, v5  }
0x369: {  	v5 =	vbroadcast v5, $0x0  }
0x36a: {  	v6, _, _ =	vpop (xrf0)  }
0x36b: {  	v5 =	vadd.s32 v6, v5;
	(v2sf) =	vpush v6, $0xF  }
0x36c: {  	v5 =	vnsel vm0, $0x0, v5  }
0x36d: {  	p1 =	sne.s32 s0, $0x1  }
.Ltmp33:
0x36e: {  	_ = 	snop;
	(pc) =	sbr.rel @!p1 .LBB2_54-.Ltmp33, $4  }
0x36f: {  	_ = 	snop  }
0x370: {  	s6 =	simm.s32 $0x800  }
0x371: {  	s3 =	sadd.s32 $0x10, s2;
	s4 =	sadd.s32 $0xFFFFFFFF, s0;
	[tilespmem:v5+s6+$0x0] =	vst.idx.msk vm0, v4  }
0x372: {  	p0 =	por $0x1, $0x1;
	s2 =	simm.s32 $0x0;
	s0 =	simm.s32 $0x0;
	v4 =	vld [tilespmem:s3+$0x0]  }
.LBB2_55:
0x373: {  	p1 =	sne.s32 s4, $0x1;
	_ =	sdelay $0x1  }
0x374: {  	s2 =	sadd.s32 $0x10, s2  }
0x375: {  	v5 =	vor.u32 s2, v1  }
0x376: {  	vm0 =	vlt.s32 v5, v3;
	v5 =	vshra.s32 v4, $0xF  }
0x377: {  	v5 =	vnsel vm0, $0x0, v5;
	_ =	sdelay $0x1  }
0x378: {  	s5 =	spop (v2sf)  }
0x379: {  	s0 =	sadd.s32 s0, s5  }
0x37a: {  	v6 =	vmov s0  }
0x37b: {  	v5 =	vld.idx.msk [tilespmem:v5+s24+$0x0], $0xffff;
	v6 =	vadd.s32 $0xFFFFFFFF, v6  }
0x37c: {  	v6 =	vbroadcast v6, $0x0;
	_ =	sdelay $0x3  }
0x37d: {  	v7 =	vand.u32 $0x7FFF, v4  }
0x37e: {  	vm15 =	veq.s32 v5, v7  }
0x37f: {  	vm0 =	vmand vm0, vm15  }
0x380: {  	v5 =	vsel vm0, $0x1, v2  }
0x381: {  	(xrf0) =	vadd.scan.msk.s32 $0xffff, v5;
	_ =	sdelay $0x5  }
0x382: {  	v5, _, _ =	vpop (xrf0)  }
0x383: {  	v6 =	vadd.s32 v5, v6;
	(v2sf) =	vpush v5, $0xF  }
0x384: {  	v5 =	vnsel vm0, $0x0, v6;
	_ =	sdelay $0x1  }
.Ltmp34:
0x385: {  	(pc) =	sbr.rel @p1 .LBB2_55-.Ltmp34, $3  }
0x386: {  	_ =	sdelay $0x1  }
0x387: {  	s3 =	sadd.s32 $0x10, s3;
	[tilespmem:v5+s6+$0x0] =	vst.idx.msk vm0, v4  }
0x388: {  	s4 =	sadd.s32 $0xFFFFFFFF, s4;
	v4 =	vld [tilespmem:s3+$0x0]  }
0x389: {  	s5 =	simm.s32 $0x5  }
.LBB2_57:
0x38a: {  	s2 =	sadd.s32 @p0 $0x10, s2;
	s3 =	simm.s32 $0x0  }
0x38b: {  	s3 =	smov.u32 @p0 s2  }
0x38c: {  	v5 =	vor.u32 s3, v1  }
0x38d: {  	vm0 =	vlt.s32 v5, v3;
	v3 =	vshra.s32 v4, $0xF  }
0x38e: {  	v3 =	vnsel vm0, $0x0, v3;
	_ =	sdelay $0x4  }
0x38f: {  	v3 =	vld.idx.msk [tilespmem:v3+s24+$0x0], $0xffff;
	_ =	sdelay $0x3  }
0x390: {  	v62 =	vand.u32 $0x7FFF, v4  }
0x391: {  	vm15 =	veq.s32 v3, v62  }
0x392: {  	vm0 =	vmand vm0, vm15  }
0x393: {  	v3 =	vsel vm0, $0x1, v2  }
0x394: {  	(xrf0) =	vadd.scan.msk.s32 $0xffff, v3;
	_ =	sdelay $0x5  }
0x395: {  	v3, _, _ =	vpop (xrf0)  }
0x396: {  	(v2sf) =	vpush v3, $0xF;
	_ =	sdelay $0xa  }
0x397: {  	s2 =	spop @p0 (v2sf)  }
0x398: {  	s0 =	sadd.s32 @p0 s0, s2  }
0x399: {  	s1 =	smov.u32 @p0 s0  }
0x39a: {  	v63 =	vmov s1  }
0x39b: {  	v5 =	vadd.s32 $0xFFFFFFFF, v63;
	s25 =	spop (v2sf)  }
0x39c: {  	v5 =	vbroadcast v5, $0x0;
	s26 =	sadd.s32 s1, s25  }
0x39d: {  	s0 =	sadd.s32 $0x17F, s26  }
0x39e: {  	v3 =	vadd.s32 v3, v5;
	s28 =	smulhi.u32 $0x2AAAAAAB, s0;
	s0 =	sshra.s32 s0, $0x1F  }
0x39f: {  	v3 =	vnsel vm0, $0x0, v3;
	p0 =	slt.s32 s26, $0x1;
	s0 =	smul.u32 $0x2AAAAAAB, s0  }
.Ltmp35:
0x3a0: {  	_ = 	snop;
	(pc) =	sbr.rel @p0 .LBB2_58-.Ltmp35, $4  }
0x3a1: {  	s0 =	sadd.s32 s0, s28  }
0x3a2: {  	s1 =	sshrl.u32 s0, $0x1F;
	s0 =	sshrl.u32 s0, $0x6  }
0x3a3: {  	s0 =	sadd.s32 s1, s0  }
0x3a4: {  	[tilespmem:v3+s6+$0x0] =	vst.idx.msk vm0, v4;
	[dreg:$0x4] =	wrdreg s26;
	s2 =	smul.u32 $0x180, s0  }
0x3a5: {  	s0 =	rddreg [dreg:$0x4]  }
0x3a6: {  	v3 =	vmov s0  }
0x3a7: {  	(v2sf) =	vpush v3, $0xE  }
0x3a8: {  	(v2sf) =	vpush v3, $0xD  }
0x3a9: {  	(v2sf) =	vpush v3, $0xC  }
0x3aa: {  	(v2sf) =	vpush v3, $0xB  }
0x3ab: {  	(v2sf) =	vpush v3, $0xA  }
0x3ac: {  	(v2sf) =	vpush v3, $0x9  }
0x3ad: {  	(v2sf) =	vpush v3, $0x8  }
0x3ae: {  	(v2sf) =	vpush v3, $0x7  }
0x3af: {  	(v2sf) =	vpush v3, $0x6  }
0x3b0: {  	(v2sf) =	vpush v3, $0x5  }
0x3b1: {  	(v2sf) =	vpush v3, $0x4  }
0x3b2: {  	(v2sf) =	vpush v3, $0x3  }
0x3b3: {  	(v2sf) =	vpush v3, $0x2  }
0x3b4: {  	(v2sf) =	vpush v3, $0x1  }
0x3b5: {  	s0 =	sadd.s32 $0x0, s0;
	(v2sf) =	vpush v3, $0x0  }
0x3b6: {  	v4 =	vadd.s32 s0, v1;
	(v2sf) =	vpush v3, $0xF;
	s17 =	spop (v2sf)  }
0x3b7: {  	s1 =	spop (v2sf);
	(v2sf) =	vpush v4, $0xE  }
0x3b8: {  	s14 =	spop (v2sf);
	(v2sf) =	vpush v4, $0xD  }
0x3b9: {  	s4 =	spop (v2sf)  }
0x3ba: {  	(v2sf) =	vpush v4, $0xC;
	s6 =	spop (v2sf)  }
0x3bb: {  	(v2sf) =	vpush v4, $0xB;
	s8 =	spop (v2sf)  }
0x3bc: {  	(v2sf) =	vpush v4, $0xA;
	s18 =	spop (v2sf)  }
0x3bd: {  	s7 =	spop (v2sf)  }
0x3be: {  	s15 =	spop (v2sf)  }
0x3bf: {  	(v2sf) =	vpush v4, $0x9;
	s20 =	spop (v2sf)  }
0x3c0: {  	s22 =	spop (v2sf)  }
0x3c1: {  	(v2sf) =	vpush v4, $0x8;
	s29 =	spop (v2sf)  }
0x3c2: {  	s21 =	spop (v2sf)  }
0x3c3: {  	(v2sf) =	vpush v4, $0x7;
	s26 =	spop (v2sf)  }
0x3c4: {  	s13 =	spop (v2sf)  }
0x3c5: {  	(v2sf) =	vpush v4, $0x6;
	s16 =	spop (v2sf)  }
0x3c6: {  	[smem:$0x7D0] =	sst s12;
	s3 =	spop (v2sf)  }
0x3c7: {  	[smem:$0x7D1] =	sst s3;
	s5 =	spop (v2sf)  }
0x3c8: {  	(v2sf) =	vpush v4, $0x5;
	s3 =	sshra.s32 s8, $0x1F;
	[dreg:$0x18] =	wrdreg s5  }
0x3c9: {  	s19 =	spop (v2sf);
	[smem:$0x7D2] =	sst s3  }
0x3ca: {  	(v2sf) =	vpush v4, $0x4;
	[dreg:$0xe] =	wrdreg s19;
	s23 =	spop (v2sf)  }
0x3cb: {  	s19 =	sshra.s32 s14, $0x1F;
	[dreg:$0x10] =	wrdreg s23;
	s24 =	spop (v2sf)  }
0x3cc: {  	(v2sf) =	vpush v4, $0x3;
	s9 =	sxor.u32 s19, s14;
	s14 =	sxor.u32 s3, s8;
	[dreg:$0xd] =	wrdreg s24  }
0x3cd: {  	s11 =	sshra.s32 s17, $0x1F;
	s23 =	sshra.s32 s20, $0x1F;
	[dreg:$0x16] =	wrdreg s14  }
0x3ce: {  	(v2sf) =	vpush v4, $0x2;
	s5 =	sshra.s32 s1, $0x1F;
	s25 =	spop (v2sf);
	[dreg:$0x15] =	wrdreg s23  }
0x3cf: {  	(v2sf) =	vpush v4, $0x1;
	s24 =	smov.u32 s2;
	s2 =	sshra.s32 s4, $0x1F;
	[dreg:$0x6] =	wrdreg s25  }
0x3d0: {  	(v2sf) =	vpush v4, $0x0;
	s28 =	sxor.u32 s2, s4;
	s30 =	spop (v2sf);
	[smem:$0x7D6] =	sst s24  }
0x3d1: {  	(v2sf) =	vpush v4, $0xF;
	s4 =	sxor.u32 s5, s1;
	s1 =	sshra.s32 s18, $0x1F;
	[dreg:$0x7] =	wrdreg s30  }
0x3d2: {  	s10 =	sxor.u32 s11, s17;
	s31 =	spop (v2sf);
	[dreg:$0x17] =	wrdreg s1  }
0x3d3: {  	s3 =	smov.u32 s21;
	s0 =	sxor.u32 s1, s18;
	[dreg:$0x9] =	wrdreg s31  }
0x3d4: {  	s1 =	sshra.s32 s15, $0x1F;
	[dreg:$0x1a] =	wrdreg s0;
	s17 =	spop (v2sf)  }
0x3d5: {  	s0 =	sxor.u32 s23, s20;
	s31 =	sshra.s32 s7, $0x1F;
	[dreg:$0xa] =	wrdreg s17  }
0x3d6: {  	s8 =	sxor.u32 s1, s15;
	s15 =	sshra.s32 s22, $0x1F;
	[smem:$0x7D3] =	sst s0  }
0x3d7: {  	s20 =	sshra.s32 s29, $0x1F;
	s18 =	spop (v2sf);
	[dreg:$0x1c] =	wrdreg s8  }
0x3d8: {  	s17 =	sshra.s32 s6, $0x1F;
	[smem:$0x7D5] =	sst s31;
	s8 =	sxor.u32 s31, s7  }
0x3d9: {  	s23 =	smov.u32 s20;
	[dreg:$0xb] =	wrdreg s18;
	s25 =	spop (v2sf)  }
0x3da: {  	s18 =	smov.u32 s1;
	s1 =	sxor.u32 s20, s29;
	[dreg:$0x8] =	wrdreg s25  }
0x3db: {  	s6 =	sxor.u32 s17, s6;
	s30 =	spop (v2sf);
	[dreg:$0x1f] =	wrdreg s1  }
0x3dc: {  	s29 =	smov.u32 s13;
	s25 =	sxor.u32 s15, s22;
	[smem:$0x7D4] =	sst s30  }
0x3dd: {  	s13 =	smov.u32 s15;
	s12 =	spop (v2sf);
	[dreg:$0x1d] =	wrdreg s25  }
0x3de: {  	s20 =	sshra.s32 s16, $0x1F;
	[dreg:$0xc] =	wrdreg s12;
	s14 =	spop (v2sf)  }
0x3df: {  	s15 =	sshra.s32 s21, $0x1F;
	[dreg:$0xf] =	wrdreg s14;
	s30 =	spop (v2sf)  }
0x3e0: {  	s21 =	sshra.s32 s29, $0x1F;
	[dreg:$0x11] =	wrdreg s30;
	s31 =	spop (v2sf)  }
0x3e1: {  	vm15 =	vcmask $0x300;
	v5 =	vmov s24;
	s1 =	simm.s32 $0x10;
	s25 =	sshra.s32 s26, $0x1F;
	[dreg:$0x14] =	wrdreg s31  }
.LBB2_60:
0x3e2: {  	[dreg:$0x5] =	wrdreg s1  }
0x3e3: {  	s31 =	sld [smem:$0x7D4]  }
0x3e4: {  	s12 =	sld [smem:$0x7D1]  }
0x3e5: {  	s0 =	sxor.u32 s20, s16;
	s16 =	rddreg [dreg:$0x18]  }
0x3e6: {  	s22 =	smov.u32 s18;
	s7 =	rddreg [dreg:$0x16]  }
0x3e7: {  	s18 =	sxor.u32 s15, s3;
	s3 =	ssub.s32 s9, s19;
	s9 =	sld [smem:$0x7D2]  }
0x3e8: {  	s14 =	sxor.u32 s21, s29;
	s29 =	rddreg [dreg:$0x10]  }
0x3e9: {  	s4 =	ssub.s32 s4, s5;
	s5 =	ssub.s32 s6, s17;
	s17 =	sld [smem:$0x7D5]  }
0x3ea: {  	s19 =	rddreg [dreg:$0x17]  }
0x3eb: {  	s24 =	smov.u32 s25;
	s26 =	sxor.u32 s25, s26;
	s25 =	rddreg [dreg:$0x1a]  }
0x3ec: {  	s30 =	rddreg [dreg:$0x1c]  }
0x3ed: {  	p0 =	sne.s32 s1, $0x170;
	s1 =	ssub.s32 s10, s11;
	[smem:$0x7BD] =	sst s0  }
0x3ee: {  	[smem:$0x7BF] =	sst s1  }
0x3ef: {  	[smem:$0x7C2] =	sst s3  }
0x3f0: {  	[smem:$0x7C0] =	sst s4  }
0x3f1: {  	s6 =	ssub.s32 s28, s2;
	[smem:$0x7C4] =	sst s5  }
0x3f2: {  	[smem:$0x7C3] =	sst s6  }
0x3f3: {  	s4 =	rddreg [dreg:$0xd]  }
0x3f4: {  	s6 =	rddreg [dreg:$0x7]  }
0x3f5: {  	s5 =	rddreg [dreg:$0x1d]  }
0x3f6: {  	s10 =	sshra.s32 s29, $0x1F;
	s21 =	ssub.s32 s14, s21;
	s14 =	rddreg [dreg:$0xc]  }
0x3f7: {  	s3 =	ssub.s32 s30, s22;
	[smem:$0x7BE] =	sst s10  }
0x3f8: {  	[smem:$0x7CD] =	sst s3  }
0x3f9: {  	s10 =	rddreg [dreg:$0x1f]  }
0x3fa: {  	s3 =	ssub.s32 s5, s13;
	s5 =	rddreg [dreg:$0xa]  }
0x3fb: {  	[smem:$0x7C6] =	sst s21  }
0x3fc: {  	s1 =	sshra.s32 s16, $0x1F;
	s13 =	ssub.s32 s26, s24;
	s24 =	sld [smem:$0x7BD]  }
0x3fd: {  	[dreg:$0x13] =	wrdreg s1  }
0x3fe: {  	[smem:$0x7D4] =	sst s31  }
0x3ff: {  	s2 =	ssub.s32 s7, s9;
	s7 =	rddreg [dreg:$0xe]  }
0x400: {  	[smem:$0x7CB] =	sst s3  }
0x401: {  	s9 =	sld [smem:$0x7D3]  }
0x402: {  	[smem:$0x7C7] =	sst s13  }
0x403: {  	s26 =	sshra.s32 s31, $0x1F;
	s31 =	rddreg [dreg:$0x11]  }
0x404: {  	[dreg:$0x1b] =	wrdreg s2  }
0x405: {  	s0 =	sshra.s32 s12, $0x1F;
	s2 =	ssub.s32 s8, s17;
	s8 =	rddreg [dreg:$0x15]  }
0x406: {  	s13 =	sxor.u32 s1, s16;
	[dreg:$0x12] =	wrdreg s0  }
0x407: {  	s11 =	sshra.s32 s7, $0x1F;
	s13 =	ssub.s32 s13, s1;
	s1 =	sld [smem:$0x7C0]  }
0x408: {  	[dreg:$0x19] =	wrdreg s11  }
0x409: {  	[smem:$0x7CE] =	sst s2  }
0x40a: {  	s2 =	ssub.s32 s25, s19;
	s19 =	rddreg [dreg:$0x6]  }
0x40b: {  	s17 =	ssub.s32 s18, s15;
	s25 =	rddreg [dreg:$0x9]  }
0x40c: {  	[smem:$0x7C9] =	sst s17  }
0x40d: {  	[dreg:$0x1e] =	wrdreg s2  }
0x40e: {  	s3 =	ssub.s32 s9, s8;
	s9 =	rddreg [dreg:$0xb]  }
0x40f: {  	s8 =	rddreg [dreg:$0xf]  }
0x410: {  	[smem:$0x7CC] =	sst s3  }
0x411: {  	s3 =	ssub.s32 s10, s23;
	s23 =	rddreg [dreg:$0x8]  }
0x412: {  	s2 =	sshra.s32 s4, $0x1F;
	s11 =	sshra.s32 s9, $0x1F;
	[smem:$0x7CA] =	sst s3  }
0x413: {  	s16 =	smov.u32 s2;
	[smem:$0x7C1] =	sst s11  }
0x414: {  	s3 =	ssub.s32 s24, s20;
	s20 =	sxor.u32 s2, s4;
	s2 =	sld [smem:$0x7BE]  }
0x415: {  	s18 =	sshra.s32 s23, $0x1F;
	s24 =	sxor.u32 s0, s12;
	s12 =	rddreg [dreg:$0x19]  }
0x416: {  	s28 =	sshra.s32 s6, $0x1F;
	[smem:$0x7C8] =	sst s18  }
0x417: {  	s15 =	sshra.s32 s31, $0x1F;
	s30 =	sshra.s32 s25, $0x1F;
	[smem:$0x7C5] =	sst s3  }
0x418: {  	s10 =	sshra.s32 s5, $0x1F;
	s3 =	rddreg [dreg:$0x14];
	s21 =	sxor.u32 s12, s7  }
0x419: {  	s0 =	ssub.s32 s24, s0;
	s24 =	sxor.u32 s30, s25;
	s25 =	sld [smem:$0x7BF]  }
0x41a: {  	s17 =	sshra.s32 s8, $0x1F;
	s7 =	sld [smem:$0x7C2];
	s21 =	ssub.s32 s21, s12  }
0x41b: {  	s12 =	sld [smem:$0x7C1];
	s4 =	sxor.u32 s2, s29;
	s29 =	smov.u32 s2  }
0x41c: {  	(drf) =	srem.u32 s0, s25;
	s4 =	ssub.s32 s4, s2;
	s2 =	sld [smem:$0x7C3]  }
0x41d: {  	s11 =	sshra.s32 s3, $0x1F;
	s25 =	sxor.u32 s10, s5;
	(drf) =	srem.u32 s13, s1  }
0x41e: {  	(drf) =	srem.u32 s21, s7;
	s7 =	sxor.u32 s17, s8;
	s8 =	sld [smem:$0x7C5]  }
0x41f: {  	s5 =	sxor.u32 s12, s9;
	(drf) =	srem.u32 s4, s2;
	s4 =	sld [smem:$0x7C4]  }
0x420: {  	s9 =	sxor.u32 s11, s3;
	s3 =	sxor.u32 s15, s31;
	s21 =	sld [smem:$0x7C6]  }
0x421: {  	s20 =	ssub.s32 s20, s16;
	s0 =	ssub.s32 s3, s15;
	s3 =	sld [smem:$0x7D4]  }
0x422: {  	s18 =	sshra.s32 s14, $0x1F;
	(drf) =	srem.u32 s20, s4;
	s4 =	sld [smem:$0x7C7]  }
0x423: {  	s13 =	ssub.s32 s9, s11;
	s20 =	sxor.u32 s18, s14;
	s14 =	sld [smem:$0x7C8]  }
0x424: {  	s9 =	ssub.s32 s7, s17;
	(drf) =	srem.u32 s13, s8;
	s8 =	sld [smem:$0x7C9]  }
0x425: {  	s1 =	sxor.u32 s26, s3;
	s13 =	sld [smem:$0x7CA];
	(drf) =	srem.u32 s0, s21  }
0x426: {  	s31 =	ssub.s32 s20, s18;
	s21 =	sld [smem:$0x7CB];
	(drf) =	srem.u32 s9, s4  }
0x427: {  	s7 =	sxor.u32 s14, s23;
	s23 =	ssub.s32 s25, s10;
	s25 =	sld [smem:$0x7CC]  }
0x428: {  	s1 =	ssub.s32 s1, s26;
	s4 =	sld [smem:$0x7CD];
	(drf) =	srem.u32 s31, s8  }
0x429: {  	s9 =	ssub.s32 s7, s14;
	(drf) =	srem.u32 s1, s13;
	s1 =	spop (drf)  }
0x42a: {  	s6 =	sxor.u32 s28, s6;
	(drf) =	srem.u32 s9, s21;
	s9 =	sld [smem:$0x7CE]  }
0x42b: {  	s20 =	ssub.s32 s5, s12;
	s7 =	spop (drf);
	s21 =	rddreg [dreg:$0x1e]  }
0x42c: {  	(v2sf) =	vpush v3, $0xE;
	s22 =	sshra.s32 s19, $0x1F;
	(drf) =	srem.u32 s20, s25;
	s0 =	spop (drf)  }
0x42d: {  	(v2sf) =	vpush v3, $0xD;
	s19 =	sxor.u32 s22, s19;
	s25 =	rddreg [dreg:$0x1b];
	s13 =	spop (drf)  }
0x42e: {  	(v2sf) =	vpush v3, $0xC;
	s31 =	ssub.s32 s24, s30;
	(drf) =	srem.u32 s23, s4;
	s2 =	spop (drf)  }
0x42f: {  	(v2sf) =	vpush v3, $0xB;
	s8 =	ssub.s32 s6, s28;
	(drf) =	srem.u32 s31, s9;
	s20 =	spop (drf)  }
0x430: {  	(v2sf) =	vpush v3, $0xA;
	s19 =	ssub.s32 s19, s22;
	(drf) =	srem.u32 s8, s21;
	s24 =	spop (drf)  }
0x431: {  	(v2sf) =	vpush v3, $0x9;
	s23 =	sxor.u32 s11, s20;
	(drf) =	srem.u32 s19, s25;
	s3 =	spop (drf)  }
0x432: {  	(v2sf) =	vpush v3, $0x8;
	s31 =	sxor.u32 s15, s24;
	s4 =	ssub.s32 s23, s11;
	s9 =	spop (drf)  }
0x433: {  	(v2sf) =	vpush v3, $0x7;
	s5 =	ssub.s32 s31, s15;
	s8 =	sxor.u32 s17, s3;
	s15 =	sxor.u32 s18, s9  }
0x434: {  	(v2sf) =	vpush v3, $0x6;
	v6 =	vmov s4;
	s11 =	ssub.s32 s8, s17;
	s17 =	spop (drf);
	s18 =	ssub.s32 s15, s18  }
0x435: {  	(v2sf) =	vpush v3, $0x5;
	v6 =	vsel vm15, s5, v6;
	s19 =	sxor.u32 s26, s17;
	s20 =	spop (drf);
	s17 =	rddreg [dreg:$0x4]  }
0x436: {  	(v2sf) =	vpush v3, $0x4;
	v6 =	vsel vm1, s11, v6;
	s21 =	ssub.s32 s19, s26;
	s23 =	sxor.u32 s14, s20;
	s24 =	spop (drf)  }
0x437: {  	(v2sf) =	vpush v3, $0x3;
	v6 =	vsel vm2, s18, v6;
	s18 =	rddreg [dreg:$0x5];
	s25 =	ssub.s32 s23, s14;
	s31 =	spop (drf)  }
0x438: {  	(v2sf) =	vpush v3, $0x2;
	v6 =	vsel vm3, s21, v6;
	s26 =	sxor.u32 s12, s24;
	s6 =	sxor.u32 s10, s31;
	s8 =	spop (drf)  }
0x439: {  	(v2sf) =	vpush v3, $0x1;
	v6 =	vsel vm4, s25, v6;
	s4 =	ssub.s32 s26, s12;
	s9 =	ssub.s32 s6, s10;
	s11 =	spop (drf)  }
0x43a: {  	(v2sf) =	vpush v3, $0x0;
	v6 =	vsel vm5, s4, v6;
	s10 =	sxor.u32 s30, s8;
	s6 =	sadd.s32 s18, s17;
	s15 =	spop (drf)  }
0x43b: {  	(v2sf) =	vpush v3, $0xF;
	v6 =	vsel vm6, s9, v6;
	s12 =	ssub.s32 s10, s30;
	s14 =	sxor.u32 s28, s11;
	v7 =	vadd.s32 s6, v1;
	s10 =	spop (v2sf)  }
0x43c: {  	v6 =	vsel vm7, s12, v6;
	s19 =	ssub.s32 s14, s28;
	s20 =	sxor.u32 s22, s15;
	s8 =	spop (v2sf);
	(v2sf) =	vpush v7, $0xE  }
0x43d: {  	v6 =	vsel vm8, s19, v6;
	s21 =	ssub.s32 s20, s22;
	s9 =	spop (v2sf);
	(v2sf) =	vpush v7, $0xD  }
0x43e: {  	s2 =	sxor.u32 s16, s2;
	v6 =	vsel vm9, s21, v6;
	s21 =	spop (v2sf);
	(v2sf) =	vpush v7, $0xC  }
0x43f: {  	s2 =	ssub.s32 s2, s16;
	s16 =	spop (v2sf);
	(v2sf) =	vpush v7, $0xB  }
0x440: {  	s12 =	spop (v2sf);
	(v2sf) =	vpush v7, $0xA  }
0x441: {  	s6 =	spop (v2sf);
	(v2sf) =	vpush v7, $0x9  }
0x442: {  	s22 =	sxor.u32 s29, s13;
	s13 =	spop (v2sf);
	(v2sf) =	vpush v7, $0x8  }
0x443: {  	s31 =	rddreg [dreg:$0x12];
	s14 =	spop (v2sf);
	(v2sf) =	vpush v7, $0x7  }
0x444: {  	s24 =	rddreg [dreg:$0x19];
	s1 =	sxor.u32 s31, s1;
	s18 =	spop (v2sf);
	(v2sf) =	vpush v7, $0x6  }
0x445: {  	s0 =	sxor.u32 s24, s0;
	v6 =	vsel vm10, s2, v6;
	s2 =	ssub.s32 s1, s31;
	s31 =	spop (v2sf);
	(v2sf) =	vpush v7, $0x5  }
0x446: {  	s0 =	ssub.s32 s0, s24;
	s24 =	spop (v2sf)  }
0x447: {  	s15 =	spop (v2sf)  }
0x448: {  	s25 =	rddreg [dreg:$0x13];
	s23 =	ssub.s32 s22, s29;
	(v2sf) =	vpush v7, $0x4;
	s28 =	spop (v2sf)  }
0x449: {  	s26 =	sxor.u32 s25, s7;
	v6 =	vsel vm11, s23, v6;
	s29 =	spop (v2sf)  }
0x44a: {  	s30 =	ssub.s32 s26, s25;
	v6 =	vsel vm12, s0, v6;
	(v2sf) =	vpush v7, $0x3;
	s1 =	spop (v2sf)  }
0x44b: {  	v6 =	vsel vm13, s30, v6;
	[smem:$0x7CF] =	sst s13;
	(v2sf) =	vpush v7, $0x2;
	s7 =	spop (v2sf)  }
0x44c: {  	s3 =	simm.s32 $0x800;
	v6 =	vsel vm14, s2, v6;
	(v2sf) =	vpush v7, $0x1;
	[smem:$0x7D1] =	sst s7;
	s11 =	spop (v2sf)  }
0x44d: {  	vm0 =	vlt.s32 v4, v5;
	v8 =	vshra.s32 v6, $0x1F;
	s0 =	smov.u32 s28;
	(v2sf) =	vpush v7, $0x0;
	[dreg:$0x18] =	wrdreg s11;
	s17 =	spop (v2sf)  }
0x44e: {  	v63 =	vnsel vm0, $0x0, v4;
	v4 =	vmov v7;
	v8 =	vand.u32 v3, v8;
	s11 =	sshra.s32 s10, $0x1F;
	[dreg:$0xe] =	wrdreg s17;
	s19 =	spop (v2sf)  }
0x44f: {  	v6 =	vadd.s32 v6, v8;
	(v2sf) =	vpush v4, $0xF;
	s17 =	sshra.s32 s16, $0x1F;
	[dreg:$0x10] =	wrdreg s19;
	s20 =	spop (v2sf)  }
0x450: {  	s10 =	sxor.u32 s11, s10;
	[dreg:$0xd] =	wrdreg s20;
	s22 =	spop (v2sf)  }
0x451: {  	s19 =	sshra.s32 s9, $0x1F;
	[dreg:$0x6] =	wrdreg s22;
	s23 =	spop (v2sf)  }
0x452: {  	s20 =	sshra.s32 s1, $0x1F;
	[dreg:$0x7] =	wrdreg s23;
	s25 =	spop (v2sf)  }
0x453: {  	s9 =	sxor.u32 s19, s9;
	[dreg:$0x9] =	wrdreg s25;
	s26 =	spop (v2sf)  }
0x454: {  	v6 =	vld.idx.msk [tilespmem:v6+s3+$0x0], $0xffff;
	s25 =	sshra.s32 s28, $0x1F;
	[dreg:$0xa] =	wrdreg s26;
	s30 =	spop (v2sf)  }
0x455: {  	s28 =	sshra.s32 s24, $0x1F;
	s26 =	sshra.s32 s6, $0x1F;
	[dreg:$0xb] =	wrdreg s30  }
0x456: {  	s22 =	sshra.s32 s14, $0x1F;
	s24 =	sxor.u32 s28, s24;
	[dreg:$0x17] =	wrdreg s26  }
0x457: {  	s23 =	sshra.s32 s8, $0x1F;
	s2 =	spop (v2sf);
	[dreg:$0x1f] =	wrdreg s24  }
0x458: {  	s30 =	sshra.s32 s29, $0x1F;
	s6 =	sxor.u32 s26, s6;
	[dreg:$0x8] =	wrdreg s2  }
0x459: {  	[tilespmem:v63+s3+$0x0] =	vst.idx.msk vm0, v6;
	s26 =	smov.u32 s0;
	s3 =	spop (v2sf);
	[dreg:$0x1a] =	wrdreg s6  }
0x45a: {  	s2 =	sshra.s32 s21, $0x1F;
	[smem:$0x7D4] =	sst s3;
	s4 =	spop (v2sf)  }
0x45b: {  	s6 =	sxor.u32 s17, s16;
	[dreg:$0xc] =	wrdreg s4;
	s5 =	spop (v2sf)  }
0x45c: {  	s16 =	smov.u32 s1;
	[dreg:$0xf] =	wrdreg s5;
	s7 =	spop (v2sf)  }
0x45d: {  	s4 =	smov.u32 s8;
	s5 =	sshra.s32 s12, $0x1F;
	[dreg:$0x11] =	wrdreg s7  }
0x45e: {  	s4 =	sxor.u32 s23, s4;
	s8 =	spop (v2sf);
	[smem:$0x7D2] =	sst s5  }
0x45f: {  	s12 =	sxor.u32 s5, s12;
	s5 =	smov.u32 s23;
	s23 =	sld [smem:$0x7CF]  }
0x460: {  	s3 =	smov.u32 s15;
	s21 =	sxor.u32 s2, s21;
	[dreg:$0x14] =	wrdreg s8  }
0x461: {  	s7 =	sshra.s32 s18, $0x1F;
	s8 =	sshra.s32 s13, $0x1F;
	[dreg:$0x16] =	wrdreg s12  }
0x462: {  	s13 =	sshra.s32 s31, $0x1F;
	[dreg:$0x15] =	wrdreg s7;
	s18 =	sxor.u32 s7, s18  }
.Ltmp36:
0x463: {  	[smem:$0x7D3] =	sst s18;
	s18 =	smov.u32 s22;
	(pc) =	sbr.rel @p0 .LBB2_60-.Ltmp36, $4  }
0x464: {  	s22 =	sxor.u32 s22, s14;
	[smem:$0x7D5] =	sst s8;
	s31 =	sxor.u32 s13, s31  }
0x465: {  	[dreg:$0x1c] =	wrdreg s22;
	s8 =	sxor.u32 s8, s23;
	s23 =	smov.u32 s28  }
0x466: {  	s28 =	smov.u32 s21;
	s21 =	smov.u32 s30;
	s30 =	rddreg [dreg:$0x5]  }
0x467: {  	s15 =	sshra.s32 s15, $0x1F;
	[dreg:$0x1d] =	wrdreg s31;
	s1 =	sadd.s32 $0x10, s30  }
0x468: {  	s1 =	sld [smem:$0x7D1]  }
0x469: {  	s14 =	rddreg [dreg:$0x18]  }
0x46a: {  	s10 =	ssub.s32 s10, s11;
	s11 =	rddreg [dreg:$0x10]  }
0x46b: {  	s2 =	ssub.s32 s28, s2;
	s28 =	sld [smem:$0x7EB]  }
0x46c: {  	s30 =	sld [smem:$0x7FB]  }
0x46d: {  	s4 =	ssub.s32 s4, s5;
	s31 =	sld [smem:$0x7FC];
	s0 =	sshra.s32 s14, $0x1F  }
0x46e: {  	[smem:$0x7BB] =	sst s0;
	s22 =	sxor.u32 s0, s14;
	s7 =	sshra.s32 s1, $0x1F  }
0x46f: {  	s24 =	ssub.s32 s22, s0;
	s0 =	rddreg [dreg:$0xe];
	s1 =	sxor.u32 s7, s1  }
0x470: {  	s12 =	ssub.s32 s9, s19;
	s22 =	rddreg [dreg:$0xd];
	s1 =	ssub.s32 s1, s7  }
0x471: {  	s9 =	sxor.u32 s20, s16;
	[smem:$0x7BC] =	sst s7;
	(drf) =	srem.u32 s1, s10  }
0x472: {  	s7 =	rddreg [dreg:$0x14];
	s10 =	sshra.s32 s11, $0x1F;
	(drf) =	srem.u32 s24, s4  }
0x473: {  	s14 =	sxor.u32 s10, s11;
	s24 =	ssub.s32 s6, s17;
	s17 =	sxor.u32 s21, s29  }
0x474: {  	s19 =	ssub.s32 s14, s10;
	s14 =	ssub.s32 s9, s20;
	s20 =	ssub.s32 s17, s21  }
0x475: {  	s21 =	sxor.u32 s25, s26;
	s26 =	sxor.u32 s15, s3;
	s3 =	sld [smem:$0x7D4]  }
0x476: {  	s1 =	sshra.s32 s0, $0x1F;
	s11 =	sshra.s32 s22, $0x1F;
	s9 =	rddreg [dreg:$0x1f]  }
0x477: {  	s6 =	sxor.u32 s11, s22;
	s22 =	ssub.s32 s21, s25;
	s25 =	rddreg [dreg:$0xc]  }
0x478: {  	s5 =	sxor.u32 s1, s0;
	s0 =	ssub.s32 s26, s15;
	s15 =	sld [smem:$0x7D5]  }
0x479: {  	s4 =	ssub.s32 s5, s1;
	s17 =	smov.u32 s13;
	s21 =	rddreg [dreg:$0x1c]  }
0x47a: {  	(drf) =	srem.u32 s4, s12;
	s5 =	ssub.s32 s6, s11;
	s26 =	sld [smem:$0x7D3]  }
0x47b: {  	(drf) =	srem.u32 s19, s2;
	s2 =	sshra.s32 s7, $0x1F;
	s19 =	rddreg [dreg:$0x11]  }
0x47c: {  	s12 =	sxor.u32 s2, s7;
	(drf) =	srem.u32 s5, s24;
	s5 =	sshra.s32 s19, $0x1F  }
0x47d: {  	s16 =	ssub.s32 s12, s2;
	s6 =	sxor.u32 s5, s19;
	s12 =	rddreg [dreg:$0xf]  }
0x47e: {  	s19 =	rddreg [dreg:$0x17];
	(drf) =	srem.u32 s16, s14;
	s4 =	sshra.s32 s12, $0x1F  }
0x47f: {  	s6 =	ssub.s32 s6, s5;
	s16 =	rddreg [dreg:$0x8];
	s12 =	sxor.u32 s4, s12  }
0x480: {  	(drf) =	srem.u32 s6, s20;
	s6 =	sshra.s32 s25, $0x1F;
	s13 =	sshra.s32 s16, $0x1F  }
0x481: {  	s20 =	rddreg [dreg:$0x1a];
	s24 =	ssub.s32 s12, s4;
	s7 =	sxor.u32 s6, s25  }
0x482: {  	s25 =	rddreg [dreg:$0x15];
	(drf) =	srem.u32 s24, s22;
	s22 =	sshra.s32 s3, $0x1F  }
0x483: {  	s7 =	ssub.s32 s7, s6;
	s24 =	rddreg [dreg:$0xb];
	s12 =	sxor.u32 s22, s3  }
0x484: {  	(drf) =	srem.u32 s7, s0;
	s0 =	ssub.s32 s9, s23;
	s7 =	ssub.s32 s8, s15  }
0x485: {  	s8 =	ssub.s32 s21, s18;
	s23 =	rddreg [dreg:$0x1d];
	s15 =	sshra.s32 s24, $0x1F  }
0x486: {  	s9 =	rddreg [dreg:$0xa];
	s14 =	ssub.s32 s12, s22;
	s3 =	ssub.s32 s23, s17  }
0x487: {  	s12 =	ssub.s32 s26, s25;
	s17 =	sshra.s32 s9, $0x1F;
	s23 =	rddreg [dreg:$0x7]  }
0x488: {  	s26 =	rddreg [dreg:$0x6];
	(drf) =	srem.u32 s14, s0;
	s0 =	sxor.u32 s13, s16  }
0x489: {  	s14 =	ssub.s32 s20, s19;
	s16 =	sxor.u32 s15, s24;
	s0 =	ssub.s32 s0, s13  }
0x48a: {  	s19 =	rddreg [dreg:$0x9];
	s16 =	ssub.s32 s16, s15;
	(drf) =	srem.u32 s0, s3  }
0x48b: {  	s20 =	sxor.u32 s17, s9;
	s0 =	spop (drf);
	(drf) =	srem.u32 s16, s12  }
0x48c: {  	s12 =	sshra.s32 s19, $0x1F;
	s3 =	spop (drf);
	s16 =	ssub.s32 s20, s17  }
0x48d: {  	s21 =	sxor.u32 s12, s19;
	(drf) =	srem.u32 s16, s8;
	s8 =	sshra.s32 s23, $0x1F  }
0x48e: {  	s19 =	spop (drf);
	s24 =	ssub.s32 s21, s12;
	s21 =	rddreg [dreg:$0x16]  }
0x48f: {  	s25 =	sxor.u32 s8, s23;
	s16 =	spop (drf);
	s23 =	sld [smem:$0x7D2]  }
0x490: {  	(drf) =	srem.u32 s24, s7;
	s7 =	sshra.s32 s26, $0x1F;
	s18 =	ssub.s32 s25, s8  }
0x491: {  	(drf) =	srem.u32 s18, s14;
	s14 =	spop (drf);
	s9 =	sxor.u32 s7, s26  }
0x492: {  	s20 =	ssub.s32 s21, s23;
	s18 =	ssub.s32 s9, s7;
	s24 =	spop (drf)  }
0x493: {  	(drf) =	srem.u32 s18, s20;
	s26 =	spop (drf)  }
0x494: {  	s25 =	sxor.u32 s2, s24;
	s20 =	sxor.u32 s5, s26;
	s9 =	spop (drf)  }
0x495: {  	s2 =	ssub.s32 s25, s2;
	s5 =	ssub.s32 s20, s5;
	s20 =	spop (drf)  }
0x496: {  	s29 =	sld [smem:$0x7FA];
	v6 =	vmov s2;
	s18 =	sxor.u32 s4, s9;
	s21 =	sxor.u32 s6, s20  }
0x497: {  	v6 =	vsel vm15, s5, v6;
	s2 =	ssub.s32 s18, s4;
	s23 =	spop (drf);
	s24 =	ssub.s32 s21, s6  }
0x498: {  	v6 =	vsel vm1, s2, v6;
	s25 =	sxor.u32 s22, s23;
	s26 =	spop (drf);
	s2 =	sld [smem:$0x7D6]  }
0x499: {  	s4 =	ssub.s32 s25, s22;
	s6 =	sxor.u32 s13, s26;
	s9 =	spop (drf)  }
0x49a: {  	v6 =	vsel vm2, s24, v6;
	s13 =	ssub.s32 s6, s13;
	s18 =	sxor.u32 s15, s9;
	s20 =	spop (drf)  }
0x49b: {  	v6 =	vsel vm3, s4, v6;
	s21 =	ssub.s32 s18, s15;
	s22 =	sxor.u32 s17, s20;
	s23 =	spop (drf)  }
0x49c: {  	v6 =	vsel vm4, s13, v6;
	s15 =	sxor.u32 s11, s14;
	s18 =	sxor.u32 s10, s16;
	s14 =	sld [smem:$0x7EF]  }
0x49d: {  	v6 =	vsel vm5, s21, v6;
	s24 =	ssub.s32 s22, s17;
	s25 =	sxor.u32 s12, s23;
	s26 =	spop (drf)  }
0x49e: {  	v6 =	vsel vm6, s24, v6;
	s4 =	ssub.s32 s25, s12;
	s5 =	sxor.u32 s8, s26;
	s6 =	spop (drf)  }
0x49f: {  	s16 =	sld [smem:$0x7F1];
	v6 =	vsel vm7, s4, v6;
	s9 =	ssub.s32 s5, s8;
	s12 =	sxor.u32 s7, s6  }
0x4a0: {  	s22 =	sld [smem:$0x7BB];
	v6 =	vsel vm8, s9, v6;
	s13 =	ssub.s32 s12, s7  }
0x4a1: {  	s17 =	ssub.s32 s15, s11;
	s25 =	sld [smem:$0x7BC];
	v6 =	vsel vm9, s13, v6  }
0x4a2: {  	s20 =	ssub.s32 s18, s10;
	s21 =	sxor.u32 s1, s19;
	s15 =	sld [smem:$0x7F0];
	v6 =	vsel vm10, s17, v6  }
0x4a3: {  	s19 =	sld [smem:$0x7F3];
	s1 =	ssub.s32 s21, s1;
	s23 =	sxor.u32 s22, s3;
	v6 =	vsel vm11, s20, v6  }
0x4a4: {  	s18 =	sld [smem:$0x7E7];
	s24 =	ssub.s32 s23, s22;
	s0 =	sxor.u32 s25, s0;
	v6 =	vsel vm12, s1, v6  }
0x4a5: {  	s21 =	sld [smem:$0x7F5];
	s0 =	ssub.s32 s0, s25;
	v6 =	vsel vm13, s24, v6  }
0x4a6: {  	s8 =	sld [smem:$0x7F9];
	v6 =	vsel vm14, s0, v6  }
0x4a7: {  	s6 =	sld [smem:$0x7ED];
	v7 =	vshra.s32 v6, $0x1F  }
0x4a8: {  	s4 =	sld [smem:$0x7FD];
	v3 =	vand.u32 v3, v7  }
0x4a9: {  	s9 =	sld [smem:$0x7F8];
	v3 =	vadd.s32 v6, v3  }
0x4aa: {  	s7 =	sld [smem:$0x7EC]  }
0x4ab: {  	s12 =	sld [smem:$0x7D0]  }
0x4ac: {  	s13 =	sld [smem:$0x7EE]  }
0x4ad: {  	vm0 =	vlt.s32 v4, v5;
	s26 =	simm.s32 $0x800;
	s22 =	sld [smem:$0x7F6]  }
0x4ae: {  	v4 =	vnsel vm0, $0x0, v4;
	s23 =	sld [smem:$0x7F7];
	v3 =	vld.idx.msk [tilespmem:v3+s26+$0x0], $0xffff  }
.Ltmp37:
0x4af: {  	s17 =	sld [smem:$0x7F2];
	(pc) =	sbr.rel .LBB2_62-.Ltmp37, $4  }
0x4b0: {  	s25 =	sld [smem:$0x7E9]  }
0x4b1: {  	s20 =	sld [smem:$0x7F4]  }
0x4b2: {  	s10 =	simm.s32 $0x0;
	s11 =	simm.s32 $0x400;
	s24 =	sld [smem:$0x7E8]  }
0x4b3: {  	s5 =	simm.s32 $0x5;
	s3 =	simm.s32 $0x80;
	[tilespmem:v4+s26+$0x0] =	vst.idx.msk vm0, v3;
	s26 =	sld [smem:$0x7EA]  }
.LBB2_58:
0x4b4: {  	s18 =	sld [smem:$0x7E7]  }
0x4b5: {  	s24 =	sld [smem:$0x7E8]  }
0x4b6: {  	s25 =	sld [smem:$0x7E9]  }
0x4b7: {  	s26 =	sld [smem:$0x7EA]  }
0x4b8: {  	s28 =	sld [smem:$0x7EB]  }
0x4b9: {  	s7 =	sld [smem:$0x7EC]  }
0x4ba: {  	s6 =	sld [smem:$0x7ED]  }
0x4bb: {  	s4 =	sld [smem:$0x7FD];
	s3 =	simm.s32 $0x80  }
.LBB2_62:
0x4bc: {  	s0 =	sadd.s32 $0x7FF, s2  }
0x4bd: {  	s1 =	sshra.s32 s0, $0x1F  }
0x4be: {  	s1 =	sshrl.u32 s1, $0x15  }
0x4bf: {  	p0 =	slt.s32 s0, $0x1;
	s1 =	sadd.s32 s1, s0;
	s0 =	simm.s32 $0x1  }
0x4c0: {  	s1 =	sshra.s32 s1, $0xB;
	s0 =	simm.s32 @!p0 $0x0  }
0x4c1: {  	s1 =	ssub.s32 s1, s0  }
0x4c2: {  	p0 =	slt.s32 s1, $0x1  }
.Ltmp38:
0x4c3: {  	_ = 	snop;
	(pc) =	sbr.rel @p0 .LBB2_66-.Ltmp38, $1  }
0x4c4: {  	_ =	sdelay $0x3  }
0x4c5: {  	s10 =	smov.u32 s6  }
0x4c6: {  	s6 =	smov.u32 s7;
	s7 =	smov.u32 s28;
	s28 =	smov.u32 s26  }
0x4c7: {  	s26 =	smov.u32 s25;
	s25 =	smov.u32 s31;
	s31 =	smov.u32 s30  }
0x4c8: {  	s30 =	smov.u32 s29;
	s29 =	smov.u32 s8;
	s8 =	smov.u32 s9  }
0x4c9: {  	s9 =	smov.u32 s23;
	s23 =	smov.u32 s22;
	s22 =	smov.u32 s21  }
0x4ca: {  	s21 =	smov.u32 s20;
	s20 =	smov.u32 s19;
	s19 =	smov.u32 s17  }
0x4cb: {  	s17 =	smov.u32 s16;
	s16 =	smov.u32 s15;
	p0 =	sne.s32 s1, $0x1  }
.Ltmp39:
0x4cc: {  	s15 =	smov.u32 s14;
	s0 =	simm.s32 $0x0;
	(pc) =	sbr.rel @!p0 .LBB2_65-.Ltmp39, $4  }
0x4cd: {  	s14 =	smov.u32 s13;
	s13 =	smov.u32 s12;
	s12 =	sand.u32 $0x1FFFF800, s0  }
0x4ce: {  	[smem:$0x7D6] =	sst s2;
	s0 =	simm.s32 $0x800;
	s2 =	sadd.s32 s12, s4  }
0x4cf: {  	[hbm4b:s2+s3] =	stream.strided.scatter [tilespmem:s0], [sflag:$0x5], $0x800, s11, s3, $0x38;
	[tilespmem:$0x19500] =	vst v63  }
0x4d0: {  	s1 =	sadd.s32 $0xFFFFFFFF, s1;
	s2 =	simm.s32 $0x800;
	_ =	swait.ge [sflag:s5], $0x800  }
.LBB2_64:
0x4d1: {  	s12 =	simm.s32 $0x400;
	s11 =	simm.s32 $0x80  }
0x4d2: {  	s3 =	sand.u32 $0x1FFFF800, s2;
	[sflag:s5] =	ssyncset.done $0x0;
	s0 =	sadd.s32 $0x800, s0  }
0x4d3: {  	p0 =	sne.s32 s1, $0x1;
	s3 =	sadd.s32 s3, s4;
	[sflag:s5] =	ssyncadd.s32 $0xFFFFF800  }
0x4d4: {  	[hbm4b:s3+s11] =	stream.strided.scatter [tilespmem:s0], [sflag:$0x5], $0x800, s12, s11, $0x38;
	[tilespmem:$0x19500] =	vst v63  }
.Ltmp40:
0x4d5: {  	_ = 	snop;
	(pc) =	sbr.rel @p0 .LBB2_64-.Ltmp40, $3  }
0x4d6: {  	s11 =	simm.s32 $0x400  }
0x4d7: {  	s1 =	sadd.s32 $0xFFFFFFFF, s1;
	_ =	sdelay $0x1  }
0x4d8: {  	s2 =	sadd.s32 $0x800, s2;
	_ =	swait.ge [sflag:s5], $0x800  }
.Ltmp41:
0x4d9: {  	_ = 	snop;
	(pc) =	sbr.rel .LBB2_65-.Ltmp41, $1  }
0x4da: {  	_ =	sdelay $0x3  }
.LBB2_36:
.Ltmp42:
0x4db: {  	(pc) =	sbr.rel .LBB2_41-.Ltmp42, $2  }
0x4dc: {  	_ =	sdelay $0x2  }
0x4dd: {  	s1 =	simm.s32 $0x0;
	s24 =	simm.s32 $0x8880;
	s2 =	simm.s32 $0x0  }
.LBB2_52:
.Ltmp43:
0x4de: {  	(pc) =	sbr.rel .LBB2_57-.Ltmp43, $2  }
0x4df: {  	_ =	sdelay $0x2  }
0x4e0: {  	s2 =	simm.s32 $0x0;
	s0 =	simm.s32 $0x0;
	s6 =	simm.s32 $0x800  }
.LBB2_38:
.Ltmp44:
0x4e1: {  	(pc) =	sbr.rel .LBB2_41-.Ltmp44, $2  }
0x4e2: {  	_ =	sdelay $0x2  }
0x4e3: {  	s1 =	simm.s32 $0x0;
	s2 =	simm.s32 $0x0  }
.LBB2_54:
.Ltmp45:
0x4e4: {  	(pc) =	sbr.rel .LBB2_57-.Ltmp45, $2  }
0x4e5: {  	_ =	sdelay $0x2  }
0x4e6: {  	s2 =	simm.s32 $0x0;
	s0 =	simm.s32 $0x0;
	s5 =	simm.s32 $0x5  }
.LBB2_67:
0x4e7: {  	_ =	sfence.sel $0x180000  }
0x4e8: {  	[bflag:$0x0] =	sbarrier.arrive $0xFFFF  }
0x4e9: {  	_ =	strace $0x9000004A  }
0x4ea: {  	s0 =	stileid.u32;
	[bflag:$0x2] =	sbarrier.arrive $0xFFFF  }
0x4eb: {  	p0 =	sne.s32 s0, $0x0;
	s0 =	rddreg [dreg:$0x3]  }
0x4ec: {  	s0 =	sadd.s32 @!p0 $0x100000, s0  }
0x4ed: {  	[sflag:s0] =	ssyncadd.tile.s32 @!p0 $0x1;
	_ =	shalt  }
.Lfunc_end2:
_tile_overlayer_lowered:
.L_overlay_start_2:
0x4ee: {  	(tag) =	ssettag $0x2  }
0x4ef: {  	s0 =	rddreg [dreg:$0x0];
	s2 =	stileid.u32  }
0x4f0: {  	s1 =	rddreg [dreg:$0x1];
	p0 =	sne.s32 s2, $0x0  }
0x4f1: {  	s3 =	rddreg [dreg:$0x2];
	[bflag:$0x3] =	sbarrier.arrive $0xFFFF;
	s2 =	simm.s32 @!p0 $0x1C05  }
0x4f2: {  	[timem:s3], [sflag:s2] =	dma.local @!p0 [hbm:s0], s1  }
0x4f3: {  	s0 =	simm.s32 @!p0 $0x5  }
0x4f4: {  	_ =	swait.ge @!p0 [sflag:s0], s1  }
0x4f5: {  	s1 =	ssub.s32 @!p0 $0x0, s1;
	[sflag:s0] =	ssyncset.done @!p0 $0x0  }
0x4f6: {  	[sflag:s0] =	ssyncadd.s32 @!p0 s1  }
0x4f7: {  	[bflag:$0x3] =	sbarrier.arrive $0xFFFF  }
0x4f8: {  	_ =	shalt  }

// kernel: kernel.13.cloned.1.call-start
scs
__scs_entry_jumppad:
0x0: {  	(pc) =	sbr.rel $0x88, $3  }
0x1: {  	(tag) =	ssettag $0x0;
	lr =	simm.s32 $0x1  }
0x2: {  	[smem:$0x3F8E] =	sst lr;
	_ =	strace $0xD0000000  }
0x3: {  	_ = 	snop  }
0x4: {  	_ = 	snop  }
0x5: {  	_ = 	snop  }
0x6: {  	_ = 	snop  }
0x7: {  	_ = 	snop  }
__scs_overlays_trampoline_lowered:
0x8: {  	[smem:$0x3F9D] =	sst s0  }
0x9: {  	[smem:$0x3F9E] =	sst s1  }
0xa: {  	[smem:$0x3F9F] =	sst s2  }
0xb: {  	[smem:$0x3FA0] =	sst s3  }
0xc: {  	[smem:$0x3FA1] =	sst s4  }
0xd: {  	[smem:$0x3FA2] =	sst s5  }
0xe: {  	[smem:$0x3FA3] =	sst s6  }
0xf: {  	[smem:$0x3FA4] =	sst s7  }
0x10: {  	[smem:$0x3FA5] =	sst s8  }
0x11: {  	[smem:$0x3FA6] =	sst s9;
	s0 =	simm.s32 @!p0 $0x0  }
0x12: {  	s1 =	sld [smem:$0x3F8C];
	s0 =	simm.s32 @p0 $0x1  }
0x13: {  	[smem:$0x3FA7] =	sst s0;
	s0 =	simm.s32 @!p1 $0x0  }
0x14: {  	s2 =	sld [smem:$0x3F8B];
	s0 =	simm.s32 @p1 $0x1  }
0x15: {  	[smem:$0x3FA8] =	sst s0;
	s0 =	simm.s32 @!p2 $0x0  }
0x16: {  	s3 =	sld [smem:$0x3FDB];
	s0 =	simm.s32 @p2 $0x1  }
0x17: {  	s4 =	simm.s32 $0x1BF5;
	[smem:$0x3FAA] =	sst s0  }
0x18: {  	s0 =	sld [smem:$0x3F8D];
	_ =	swait.ge [sflag:s4], $0x0  }
0x19: {  	s7 =	sld [smem:$0x3F8E]  }
0x1a: {  	s8 =	sadd.s32 $0xFFFFE003, lr  }
0x1b: {  	s9 =	sadd.s32 $0xFFFFFEF7, lr;
	s5 =	simm.s32 $0xFFFFFFFF;
	p2 =	slt.u32 s8, $0xFFFFF086  }
0x1c: {  	p1 =	slt.u32 s9, $0xF7A;
	s5 =	simm.s32 @!p2 $0x0  }
0x1d: {  	s5 =	simm.s32 @p1 $0x1;
	p0 =	seq.s32 s7, s2  }
0x1e: {  	s7 =	smul.u32 @!p0 $0xF7A, s2;
	p2 =	seq.s32 @!p0 s5, $0x0  }
0x1f: {  	s9 =	smul.u32 $0xF7A, s1;
	s8 =	simm.s32 @!p0 $0x1BF5;
	p2 =	por !p2, p0  }
0x20: {  	[sflag:s8] =	ssyncset.s32 @!p0 $0xFFFFF086;
	s6 =	sadd.s32 @!p0 s3, s7;
	s7 =	simm.s32 @!p0 $0x108  }
0x21: {  	s3 =	sadd.s32 s3, s9;
	s6 =	sadd.s32 @!p0 $0x88, s6;
	s7 =	simm.s32 @p2 $0x1082  }
0x22: {  	[simem:s7], [sflag:s8] =	dma.local @!p0 [hbm:s6], $0xF7A  }
0x23: {  	s9 =	sor.u32 $0xD0000000, s2;
	s6 =	simm.s32 $0x108;
	_ =	swait.ge @!p0 [sflag:s8], $0x0  }
0x24: {  	s3 =	sadd.s32 $0x88, s3;
	s6 =	simm.s32 @!p1 $0x1082;
	[sflag:s4] =	ssyncset.s32 $0xFFFFF086  }
0x25: {  	[simem:s6], [sflag:s4] =	dma.local [hbm:s3], $0xF7A  }
0x26: {  	[smem:$0x3F8E] =	sst s1;
	(tag) =	ssettag s2;
	_ =	strace s9  }
0x27: {  	s1 =	sld [smem:$0x3F9E]  }
0x28: {  	s2 =	sld [smem:$0x3F9F]  }
0x29: {  	s4 =	sld [smem:$0x3FA1]  }
0x2a: {  	p0 =	seq.s32 s5, $0x0;
	s5 =	sld [smem:$0x3FA2]  }
0x2b: {  	s6 =	sld [smem:$0x3FA3]  }
0x2c: {  	s7 =	sld [smem:$0x3FA4]  }
0x2d: {  	s3 =	simm.s32 $0x108;
	s8 =	sld [smem:$0x3FA5]  }
0x2e: {  	s3 =	simm.s32 @!p0 $0x1082;
	s9 =	sld [smem:$0x3FA6]  }
0x2f: {  	lr =	sadd.s32 s0, s3;
	s0 =	sld [smem:$0x3F9D]  }
0x30: {  	s3 =	sld [smem:$0x3FA0]  }
0x31: {  	[smem:$0x3FA9] =	sst s10  }
0x32: {  	s10 =	sld [smem:$0x3FA7];
	_ =	sdelay $0x3  }
0x33: {  	p0 =	seq.s32 s10, $0x1;
	s10 =	sld [smem:$0x3FA9];
	_ =	sdelay $0x3  }
0x34: {  	[smem:$0x3FA9] =	sst s10  }
0x35: {  	s10 =	sld [smem:$0x3FA8];
	_ =	sdelay $0x3  }
0x36: {  	p1 =	seq.s32 s10, $0x1;
	s10 =	sld [smem:$0x3FA9];
	_ =	sdelay $0x3  }
0x37: {  	[smem:$0x3FA9] =	sst s10  }
0x38: {  	s10 =	sld [smem:$0x3FAA]  }
0x39: {  	_ = 	snop;
	(pc) =	sbr.ind lr, $3  }
0x3a: {  	_ = 	snop  }
0x3b: {  	_ = 	snop  }
0x3c: {  	p2 =	seq.s32 s10, $0x1;
	s10 =	sld [smem:$0x3FA9]  }
0x3d: {  	_ =	shalt  }
0x3e: {  	_ =	shalt  }
0x3f: {  	_ =	shalt  }
0x40: {  	_ =	shalt  }
0x41: {  	_ =	shalt  }
0x42: {  	_ =	shalt  }
0x43: {  	_ =	shalt  }
0x44: {  	_ =	shalt  }
0x45: {  	_ =	shalt  }
0x46: {  	_ =	shalt  }
0x47: {  	_ =	shalt  }
0x48: {  	_ =	shalt  }
0x49: {  	_ =	shalt  }
0x4a: {  	_ =	shalt  }
0x4b: {  	_ =	shalt  }
0x4c: {  	_ =	shalt  }
0x4d: {  	_ =	shalt  }
0x4e: {  	_ =	shalt  }
0x4f: {  	_ =	shalt  }
0x50: {  	_ =	shalt  }
0x51: {  	_ =	shalt  }
0x52: {  	_ =	shalt  }
0x53: {  	_ =	shalt  }
0x54: {  	_ =	shalt  }
0x55: {  	_ =	shalt  }
0x56: {  	_ =	shalt  }
0x57: {  	_ =	shalt  }
0x58: {  	_ =	shalt  }
0x59: {  	_ =	shalt  }
0x5a: {  	_ =	shalt  }
0x5b: {  	_ =	shalt  }
0x5c: {  	_ =	shalt  }
0x5d: {  	_ =	shalt  }
0x5e: {  	_ =	shalt  }
0x5f: {  	_ =	shalt  }
0x60: {  	_ =	shalt  }
0x61: {  	_ =	shalt  }
0x62: {  	_ =	shalt  }
0x63: {  	_ =	shalt  }
0x64: {  	_ =	shalt  }
0x65: {  	_ =	shalt  }
0x66: {  	_ =	shalt  }
0x67: {  	_ =	shalt  }
0x68: {  	_ =	shalt  }
0x69: {  	_ =	shalt  }
0x6a: {  	_ =	shalt  }
0x6b: {  	_ =	shalt  }
0x6c: {  	_ =	shalt  }
0x6d: {  	_ =	shalt  }
0x6e: {  	_ =	shalt  }
0x6f: {  	_ =	shalt  }
0x70: {  	_ =	shalt  }
0x71: {  	_ =	shalt  }
0x72: {  	_ =	shalt  }
0x73: {  	_ =	shalt  }
0x74: {  	_ =	shalt  }
0x75: {  	_ =	shalt  }
0x76: {  	_ =	shalt  }
0x77: {  	_ =	shalt  }
0x78: {  	_ =	shalt  }
0x79: {  	_ =	shalt  }
0x7a: {  	_ =	shalt  }
0x7b: {  	_ =	shalt  }
0x7c: {  	_ =	shalt  }
0x7d: {  	_ =	shalt  }
0x7e: {  	_ =	shalt  }
0x7f: {  	_ =	shalt  }
0x80: {  	_ =	shalt  }
0x81: {  	_ =	shalt  }
0x82: {  	_ =	shalt  }
0x83: {  	_ =	shalt  }
0x84: {  	_ =	shalt  }
0x85: {  	_ =	shalt  }
0x86: {  	_ =	shalt  }
0x87: {  	_ =	shalt  }
.Lfunc_end0:
.L_simem_size_0:
called_computation.2_lowered:
.L_overlay_start_0:
0x88: {  	s2 =	sld [smem:$0x3FD9]  }
0x89: {  	s3 =	sld [smem:$0x3FFE];
	_ =	sdelay $0x1  }
0x8a: {  	s1 =	srdreg.scid  }
0x8b: {  	s0 =	sand.u32 $0x1, s1  }
0x8c: {  	s14 =	sshll.u32 s0, $0xA;
	s2 =	sadd.s32 s3, s2  }
0x8d: {  	s2 =	sadd.s32 s2, s14  }
0x8e: {  	[smem:$0x3FB5] =	sst s2  }
0x8f: {  	_ = 	snop  }
0x90: {  	s2 =	sld [smem:$0x3FD0];
	_ =	sdelay $0x2  }
0x91: {  	s15 =	simm.s32 $0xB;
	s4 =	simm.s32 $0x10  }
0x92: {  	[smem:s4], [sflag:s15] =	dma.local [hbm:s2], $0x1  }
0x93: {  	_ =	swait.eq [sflag:s15], $0x1  }
0x94: {  	[sflag:s15] =	ssyncset.done $0x0  }
0x95: {  	[sflag:s15] =	ssyncadd.s32 $0xFFFFFFFF  }
0x96: {  	s16 =	sld [smem:$0x11];
	(tm) =	ssettm $0x1  }
0x97: {  	s17 =	sld [smem:$0x3FFB];
	_ =	sdelay $0x3  }
0x98: {  	_ =	strace s17  }
0x99: {  	s3 =	sld [smem:$0x3FFC];
	_ =	sdelay $0x3  }
0x9a: {  	_ =	strace s3  }
0x9b: {  	s3 =	sld [smem:$0x3FFD];
	_ =	sdelay $0x3  }
0x9c: {  	_ =	strace s3  }
0x9d: {  	_ =	strace $0x8FFFFFFF  }
0x9e: {  	s18 =	sld [smem:$0x3FDB];
	_ =	sdelay $0x1  }
0x9f: {  	s19 =	simm.s32 $_scs_section_size  }
0xa0: {  	s5 =	simm.s32 $_size__tile_overlayer_lowered;
	s6 =	simm.s32 $_tile_overlayer_lowered  }
0xa1: {  	s22 =	simm.s32 $0x1BFF;
	s21 =	sshll.u32 s6, $0x1;
	s3 =	sadd.s32 s19, s18  }
0xa2: {  	s7 =	simm.s32 $0x0;
	s20 =	sshll.u32 s5, $0x1;
	s5 =	sadd.s32 s21, s3  }
0xa3: {  	[timem:s7], [sflag:s22] =	dma.local [hbm:s5], s20  }
0xa4: {  	_ =	swait.ge [sflag:s22], s20  }
0xa5: {  	s4 =	ssub.s32 $0x0, s20;
	[sflag:s22] =	ssyncset.done $0x0  }
0xa6: {  	[sflag:s22] =	ssyncadd.s32 s4;
	_ =	sdelay $0x1  }
0xa7: {  	s23 =	simm.s32 $0x1B8B  }
0xa8: {  	_ =	swait.ge [sflag:s23], $0x1  }
0xa9: {  	[sflag:s23] =	ssyncset.done $0x0  }
0xaa: {  	s25 =	simm.s32 $0x1B8E;
	s24 =	sld [smem:$0x3FFE];
	[sflag:s23] =	ssyncadd.s32 $0xFFFFFFFF  }
0xab: {  	s26 =	simm.s32 $execute0_lowered;
	[smem:$0x3FD2] =	sst s25  }
0xac: {  	s5 =	sshll.u32 s26, $0x1;
	_ =	strace $0x8000004C;
	[dreg:$0x1] =	wrdreg $0xFFFFFFFF  }
0xad: {  	s28 =	simm.s32 $_size_execute0_lowered;
	s3 =	sadd.s32 s3, s5;
	[dreg:$0x0] =	wrdreg $0x0  }
0xae: {  	s5 =	sshll.u32 s28, $0x1;
	[dreg:$0x2] =	wrdreg s3  }
0xaf: {  	[dreg:$0x3] =	wrdreg s5  }
0xb0: {  	[dreg:$0x4] =	wrdreg $0xC0  }
0xb1: {  	_ =	task [dreg:s7], $0x5FFFF  }
0xb2: {  	[dreg:$0x1] =	wrdreg $0xFFFFFFFF  }
0xb3: {  	[dreg:$0x0] =	wrdreg $0x60  }
0xb4: {  	[dreg:$0x2] =	wrdreg s16  }
0xb5: {  	[dreg:$0x3] =	wrdreg s24  }
0xb6: {  	[dreg:$0x4] =	wrdreg $0x9  }
0xb7: {  	_ =	task.clear_ibuf [dreg:s7], $0x5FFFF;
	_ =	strace $0x9000004C  }
0xb8: {  	s29 =	simm.s32 $0x9;
	_ =	strace $0x8000004E  }
0xb9: {  	_ =	swait.ge [sflag:s29], $0x1  }
0xba: {  	[sflag:s29] =	ssyncadd.s32 $0xFFFFFFFF  }
0xbb: {  	_ =	strace $0x9000004E  }
0xbc: {  	_ =	sfence  }
0xbd: {  	s30 =	sld [smem:$0x0];
	_ =	sdelay $0x2  }
0xbe: {  	s31 =	sshll.u32 s1, $0xD;
	s1 =	sshrl.u32 s1, $0x2  }
0xbf: {  	s3 =	sand.u32 $0x4000, s31;
	s1 =	sadd.s32 s1, s30  }
0xc0: {  	s0 =	sor.u32 s3, s0;
	s1 =	sshll.u32 s1, $0x11  }
0xc1: {  	s0 =	sor.u32 s1, s0  }
0xc2: {  	s0 =	sadd.s32 $0x8F2B, s0  }
0xc3: {  	[sflag:s0] =	ssyncadd.remote.s32 $0x1  }
0xc4: {  	_ =	sfence.sel $0xFFFF  }
0xc5: {  	[dreg:$0x0] =	wrdreg $0xFFFFFFFF;
	(pc) =	sbr.abs _section_cstart, $3  }
0xc6: {  	[dreg:$0x1] =	wrdreg $0xFFFFFFFF  }
0xc7: {  	_ =	task.clear_ibuf [dreg:s7], $0x2FFFF;
	_ =	strace $0x9FFFFFFF  }
0xc8: {  	(tm) =	ssettm $0x7FFFFFFF  }
0xc9: {  	_ =	shalt  }
tec
execute0_lowered:
.L_overlay_start_1:
0x0: {  	(tag) =	ssettag $0x1  }
0x1: {  	s2 =	rddreg [dreg:$0x0];
	s1 =	srdreg.scid  }
0x2: {  	s0 =	stileid.u32;
	s5 =	rddreg [dreg:$0x1]  }
0x3: {  	s3 =	simm.s32 $0x0;
	s10 =	simm.s32 $0x400;
	s11 =	simm.s32 $0x80  }
0x4: {  	s12 =	simm.s32 $0x180;
	s13 =	simm.s32 $0x380;
	s14 =	simm.s32 $0x500  }
0x5: {  	s15 =	simm.s32 $0x2;
	s16 =	simm.s32 $0xC500;
	s17 =	simm.s32 $0xC800  }
0x6: {  	s19 =	simm.s32 $0x200;
	s6 =	sand.u32 $0x1, s1;
	s1 =	rddreg [dreg:$0x2]  }
0x7: {  	s20 =	simm.s32 $0x0;
	s4 =	sshll.u32 s0, $0x1;
	[smem:$0x7FF] =	sst s3  }
0x8: {  	s7 =	sshrl.u32 s0, $0x2;
	s18 =	sor.u32 s6, s4;
	_ =	strace $0x8000004D  }
0x9: {  	s9 =	sshll.u32 s7, $0xA;
	s6 =	ssub.s32 $0x2, s6;
	s4 =	sshll.u32 s18, $0x7  }
0xa: {  	s7 =	sshll.u32 s7, $0x12;
	s31 =	sshrl.u32 s6, $0x1;
	s8 =	sand.u32 $0x380, s4  }
.Ltmp0:
0xb: {  	s9 =	sor.u32 s9, s8;
	s7 =	sor.u32 s7, s8;
	(pc) =	sbr.rel .LBB2_1-.Ltmp0, $4  }
0xc: {  	v0 =	vmov s18;
	s18 =	simm.s32 $0xC680;
	s30 =	sshrl.u32 s9, $0x3;
	s7 =	sshrl.u32 s7, $0x3  }
0xd: {  	s4 =	sadd.s32 $0x125600, s5;
	s8 =	sadd.s32 s30, s5;
	s7 =	sadd.s32 s7, s5  }
0xe: {  	s9 =	ssub.s32 s6, s31;
	s5 =	sadd.s32 $0xA5400, s8;
	s6 =	sadd.s32 $0x85400, s7  }
0xf: {  	s7 =	smax.u32 s9, $0x1;
	s8 =	simm.s32 $0x3;
	s9 =	simm.s32 $0x1  }
.LBB2_17:
0x10: {  	s20 =	sadd.s32 $0x1, s20  }
0x11: {  	p0 =	sne.s32 s20, s7  }
.Ltmp1:
0x12: {  	_ = 	snop;
	(pc) =	sbr.rel @!p0 .LBB2_18-.Ltmp1, $1  }
0x13: {  	_ =	sdelay $0x3  }
.LBB2_1:
0x14: {  	[tilespmem:s3], [sflag:$0x3] =	stream.linear.gather [hbm4b:s5+s3], $0x80, $0x38;
	[tilespmem:$0x18800] =	vst v63  }
0x15: {  	_ =	swait.ge [sflag:s8], $0x80  }
0x16: {  	[sflag:s8] =	ssyncset.done $0x0  }
0x17: {  	[sflag:s8] =	ssyncadd.s32 $0xFFFFFF80  }
0x18: {  	v1 =	vld [tilespmem:$0x0];
	_ =	sdelay $0x4  }
0x19: {  	(v2sf) =	vpush v1, $0x0;
	_ =	sdelay $0xe  }
0x1a: {  	s21 =	spop (v2sf)  }
0x1b: {  	s22 =	smulhi.u32 $0x2AAAAAAB, s21;
	s23 =	sshra.s32 s21, $0x1F  }
0x1c: {  	s23 =	smul.u32 $0x2AAAAAAB, s23;
	_ =	sdelay $0x1  }
0x1d: {  	s22 =	sadd.s32 s23, s22  }
0x1e: {  	s23 =	sshrl.u32 s22, $0x1F;
	s22 =	sshra.s32 s22, $0x6  }
0x1f: {  	s22 =	sadd.s32 s23, s22  }
0x20: {  	s23 =	smul.u32 $0xFFFFFE80, s22  }
0x21: {  	s24 =	ssub.s32 $0x0, s21  }
0x22: {  	p0 =	slt.s32 s21, $0x1;
	p1 =	sne.s32 s23, s24  }
0x23: {  	p0 =	por !p0, !p1  }
0x24: {  	s21 =	simm.s32 $0x1;
	p0 =	por !p0, !p0  }
0x25: {  	s21 =	simm.s32 @!p0 $0x0  }
0x26: {  	s21 =	ssub.s32 s22, s21  }
0x27: {  	p0 =	slt.s32 s21, $0x1  }
.Ltmp2:
0x28: {  	_ = 	snop;
	(pc) =	sbr.rel @p0 .LBB2_17-.Ltmp2, $1  }
0x29: {  	_ =	sdelay $0x3  }
0x2a: {  	[tilespmem:s11], [sflag:$0x3] =	stream.strided.gather [hbm4b:s6+s11], $0x180, s10, s11, $0x38;
	[tilespmem:$0x18800] =	vst v63  }
0x2b: {  	_ =	swait.ge [sflag:s8], $0x180  }
0x2c: {  	[sflag:s8] =	ssyncset.done $0x0  }
0x2d: {  	s22 =	simm.s32 $0x0;
	[sflag:s8] =	ssyncadd.s32 $0xFFFFFE80  }
0x2e: {  	v1 =	vld [tilespmem:s22+$0x80];
	_ =	sdelay $0x1  }
0x2f: {  	s23 =	simm.s32 $0x40  }
.LBB2_3:
0x30: {  	p0 =	sne.s32 s23, $0x5C0  }
.Ltmp3:
0x31: {  	_ = 	snop;
	(pc) =	sbr.rel @p0 .LBB2_3-.Ltmp3, $4  }
0x32: {  	s24 =	sshra.s32 s23, $0x2;
	v2 =	vand.u32 $0x7FFF, v1;
	v3 =	vshra.s32 v1, $0xA  }
0x33: {  	v1 =	vld [tilespmem:s24+$0x80];
	[tilespmem:s22+$0x380] =	vst v2;
	v2 =	vand.u32 $0xFFFFFFE0, v3  }
0x34: {  	v2 =	vor.u32 v0, v2  }
0x35: {  	s23 =	sadd.s32 $0x40, s23;
	[tilespmem:s22+$0x200] =	vst v2;
	s22 =	smov.u32 s24  }
0x36: {  	_ =	sdelay $0x1  }
.Ltmp4:
0x37: {  	v2 =	vshra.s32 v1, $0xA;
	(pc) =	sbr.rel .LBB2_5-.Ltmp4, $4  }
0x38: {  	v1 =	vand.u32 $0x7FFF, v1;
	v2 =	vand.u32 $0xFFFFFFE0, v2  }
0x39: {  	[tilespmem:s22+$0x380] =	vst v1;
	v1 =	vor.u32 v0, v2  }
0x3a: {  	s23 =	simm.s32 $0x0;
	[tilespmem:s22+$0x200] =	vst v1  }
0x3b: {  	[tilespmem:s14], [sflag:$0x1] =	stream.indirect.gather [hbm4b:s4+s12], $0x80, s13, s12, $0xb8;
	[tilespmem:$0x18800] =	vst v63  }
.LBB2_15:
0x3c: {  	_ =	swait.ge [sflag:s15], $0xC000  }
0x3d: {  	[sflag:s15] =	ssyncset.done $0x0  }
0x3e: {  	[sflag:s15] =	ssyncadd.s32 $0xFFFF4000  }
0x3f: {  	[hbm4b:s2+s12] =	stream.indirect.scatter [tilespmem:s17], [sflag:$0x2], $0x80, s16, s12, $0xb8;
	[tilespmem:$0x18800] =	vst v63  }
0x40: {  	_ =	swait.ge [sflag:s15], $0xC000  }
0x41: {  	[sflag:s15] =	ssyncset.done $0x0  }
0x42: {  	[sflag:s15] =	ssyncadd.s32 $0xFFFF4000  }
.LBB2_16:
0x43: {  	p0 =	sne.s32 s22, s21  }
.Ltmp5:
0x44: {  	_ = 	snop;
	(pc) =	sbr.rel @!p0 .LBB2_17-.Ltmp5, $2  }
0x45: {  	_ =	sdelay $0x2  }
0x46: {  	s23 =	smov.u32 s22  }
.LBB2_5:
0x47: {  	s24 =	sand.u32 $0x1, s23  }
0x48: {  	p0 =	seq.s32 s24, $0x1  }
.Ltmp6:
0x49: {  	_ = 	snop;
	(pc) =	sbr.rel @p0 .LBB2_11-.Ltmp6, $1  }
0x4a: {  	_ =	sdelay $0x3  }
0x4b: {  	s22 =	sor.u32 $0x1, s23  }
0x4c: {  	p0 =	sge.s32 s22, s21  }
.Ltmp7:
0x4d: {  	_ = 	snop;
	(pc) =	sbr.rel @p0 .LBB2_10-.Ltmp7, $1  }
0x4e: {  	_ =	sdelay $0x3  }
0x4f: {  	s25 =	smul.u32 $0xC00, s22;
	_ =	sdelay $0x1  }
0x50: {  	s25 =	sshrl.u32 s25, $0x3  }
0x51: {  	s25 =	sadd.s32 s6, s25  }
0x52: {  	[tilespmem:s11], [sflag:$0x3] =	stream.strided.gather [hbm4b:s25+s11], $0x180, s10, s11, $0x38;
	[tilespmem:$0x18800] =	vst v63  }
0x53: {  	_ =	swait.ge [sflag:s8], $0x180  }
0x54: {  	[sflag:s8] =	ssyncset.done $0x0  }
0x55: {  	s25 =	simm.s32 $0x0;
	[sflag:s8] =	ssyncadd.s32 $0xFFFFFE80  }
0x56: {  	v1 =	vld [tilespmem:s25+$0x80];
	_ =	sdelay $0x1  }
0x57: {  	s26 =	simm.s32 $0x40  }
.LBB2_8:
0x58: {  	p0 =	sne.s32 s26, $0x5C0  }
.Ltmp8:
0x59: {  	_ = 	snop;
	(pc) =	sbr.rel @p0 .LBB2_8-.Ltmp8, $4  }
0x5a: {  	s28 =	sshra.s32 s26, $0x2;
	v2 =	vand.u32 $0x7FFF, v1;
	v3 =	vshra.s32 v1, $0xA  }
0x5b: {  	v1 =	vld [tilespmem:s28+$0x80];
	[tilespmem:s25+$0xC680] =	vst v2;
	v2 =	vand.u32 $0xFFFFFFE0, v3  }
0x5c: {  	v2 =	vor.u32 v0, v2  }
0x5d: {  	s26 =	sadd.s32 $0x40, s26;
	[tilespmem:s25+$0xC500] =	vst v2;
	s25 =	smov.u32 s28  }
0x5e: {  	_ =	sdelay $0x1  }
0x5f: {  	v2 =	vshra.s32 v1, $0xA  }
0x60: {  	v1 =	vand.u32 $0x7FFF, v1;
	v2 =	vand.u32 $0xFFFFFFE0, v2  }
0x61: {  	[tilespmem:s25+$0xC680] =	vst v1;
	v1 =	vor.u32 v0, v2  }
0x62: {  	[tilespmem:s25+$0xC500] =	vst v1  }
0x63: {  	[tilespmem:s17], [sflag:$0x2] =	stream.indirect.gather [hbm4b:s4+s12], $0x80, s18, s12, $0xb8;
	[tilespmem:$0x18800] =	vst v63  }
.LBB2_10:
0x64: {  	_ =	swait.ge [sflag:s9], $0xC000  }
0x65: {  	p0 =	seq.s32 s24, $0x0;
	[sflag:s9] =	ssyncset.done $0x0  }
.Ltmp9:
0x66: {  	[sflag:s9] =	ssyncadd.s32 $0xFFFF4000;
	(pc) =	sbr.rel @p0 .LBB2_16-.Ltmp9, $4  }
0x67: {  	[hbm4b:s2+s12] =	stream.indirect.scatter [tilespmem:s14], [sflag:$0x1], $0x80, s19, s12, $0xb8;
	[tilespmem:$0x18800] =	vst v63  }
0x68: {  	_ =	swait.ge [sflag:s9], $0xC000  }
0x69: {  	[sflag:s9] =	ssyncset.done $0x0  }
0x6a: {  	[sflag:s9] =	ssyncadd.s32 $0xFFFF4000  }
.LBB2_11:
0x6b: {  	s22 =	sadd.s32 $0x1, s23  }
0x6c: {  	p0 =	sge.s32 s22, s21  }
.Ltmp10:
0x6d: {  	_ = 	snop;
	(pc) =	sbr.rel @p0 .LBB2_15-.Ltmp10, $1  }
0x6e: {  	_ =	sdelay $0x3  }
0x6f: {  	s23 =	smul.u32 $0xC00, s22;
	_ =	sdelay $0x1  }
0x70: {  	s23 =	sshrl.u32 s23, $0x3  }
0x71: {  	s23 =	sadd.s32 s6, s23  }
0x72: {  	[tilespmem:s11], [sflag:$0x3] =	stream.strided.gather [hbm4b:s23+s11], $0x180, s10, s11, $0x38;
	[tilespmem:$0x18800] =	vst v63  }
0x73: {  	_ =	swait.ge [sflag:s8], $0x180  }
0x74: {  	[sflag:s8] =	ssyncset.done $0x0  }
0x75: {  	s23 =	simm.s32 $0x0;
	[sflag:s8] =	ssyncadd.s32 $0xFFFFFE80  }
0x76: {  	v1 =	vld [tilespmem:s23+$0x80];
	_ =	sdelay $0x1  }
0x77: {  	s24 =	simm.s32 $0x40  }
.LBB2_13:
0x78: {  	p0 =	sne.s32 s24, $0x5C0  }
.Ltmp11:
0x79: {  	_ = 	snop;
	(pc) =	sbr.rel @p0 .LBB2_13-.Ltmp11, $4  }
0x7a: {  	s25 =	sshra.s32 s24, $0x2;
	v2 =	vand.u32 $0x7FFF, v1;
	v3 =	vshra.s32 v1, $0xA  }
0x7b: {  	v1 =	vld [tilespmem:s25+$0x80];
	[tilespmem:s23+$0x380] =	vst v2;
	v2 =	vand.u32 $0xFFFFFFE0, v3  }
0x7c: {  	v2 =	vor.u32 v0, v2  }
0x7d: {  	s24 =	sadd.s32 $0x40, s24;
	[tilespmem:s23+$0x200] =	vst v2;
	s23 =	smov.u32 s25  }
0x7e: {  	_ =	sdelay $0x1  }
.Ltmp12:
0x7f: {  	v2 =	vshra.s32 v1, $0xA;
	(pc) =	sbr.rel .LBB2_15-.Ltmp12, $4  }
0x80: {  	v1 =	vand.u32 $0x7FFF, v1;
	v2 =	vand.u32 $0xFFFFFFE0, v2  }
0x81: {  	[tilespmem:s23+$0x380] =	vst v1;
	v1 =	vor.u32 v0, v2  }
0x82: {  	[tilespmem:s23+$0x200] =	vst v1  }
0x83: {  	[tilespmem:s14], [sflag:$0x1] =	stream.indirect.gather [hbm4b:s4+s12], $0x80, s13, s12, $0xb8;
	[tilespmem:$0x18800] =	vst v63  }
.LBB2_18:
0x84: {  	_ =	sfence.sel $0x180000  }
0x85: {  	[bflag:$0x0] =	sbarrier.arrive $0xFFFF  }
0x86: {  	p0 =	sne.s32 s0, $0x0;
	_ =	strace $0x9000004D  }
0x87: {  	s0 =	sadd.s32 @!p0 $0x100000, s1;
	[bflag:$0x2] =	sbarrier.arrive $0xFFFF  }
0x88: {  	[sflag:s0] =	ssyncadd.tile.s32 @!p0 $0x1;
	_ =	shalt  }
.Lfunc_end2:
_tile_overlayer_lowered:
.L_overlay_start_2:
0x89: {  	(tag) =	ssettag $0x2  }
0x8a: {  	s0 =	rddreg [dreg:$0x0];
	s2 =	stileid.u32  }
0x8b: {  	s1 =	rddreg [dreg:$0x1];
	p0 =	sne.s32 s2, $0x0  }
0x8c: {  	s3 =	rddreg [dreg:$0x2];
	[bflag:$0x3] =	sbarrier.arrive $0xFFFF;
	s2 =	simm.s32 @!p0 $0x1C03  }
0x8d: {  	[timem:s3], [sflag:s2] =	dma.local @!p0 [hbm:s0], s1  }
0x8e: {  	s0 =	simm.s32 @!p0 $0x3  }
0x8f: {  	_ =	swait.ge @!p0 [sflag:s0], s1  }
0x90: {  	s1 =	ssub.s32 @!p0 $0x0, s1;
	[sflag:s0] =	ssyncset.done @!p0 $0x0  }
0x91: {  	[sflag:s0] =	ssyncadd.s32 @!p0 s1  }
0x92: {  	[bflag:$0x3] =	sbarrier.arrive $0xFFFF  }
0x93: {  	_ =	shalt  }

// kernel: kernel.7.cloned.1.call-start
scs
__scs_entry_jumppad:
0x0: {  	(pc) =	sbr.rel $0x88, $3  }
0x1: {  	(tag) =	ssettag $0x0;
	lr =	simm.s32 $0x1  }
0x2: {  	[smem:$0x3F8E] =	sst lr;
	_ =	strace $0xD0000000  }
0x3: {  	_ = 	snop  }
0x4: {  	_ = 	snop  }
0x5: {  	_ = 	snop  }
0x6: {  	_ = 	snop  }
0x7: {  	_ = 	snop  }
__scs_overlays_trampoline_lowered:
0x8: {  	[smem:$0x3F9D] =	sst s0  }
0x9: {  	[smem:$0x3F9E] =	sst s1  }
0xa: {  	[smem:$0x3F9F] =	sst s2  }
0xb: {  	[smem:$0x3FA0] =	sst s3  }
0xc: {  	[smem:$0x3FA1] =	sst s4  }
0xd: {  	[smem:$0x3FA2] =	sst s5  }
0xe: {  	[smem:$0x3FA3] =	sst s6  }
0xf: {  	[smem:$0x3FA4] =	sst s7  }
0x10: {  	[smem:$0x3FA5] =	sst s8  }
0x11: {  	[smem:$0x3FA6] =	sst s9;
	s0 =	simm.s32 @!p0 $0x0  }
0x12: {  	s1 =	sld [smem:$0x3F8C];
	s0 =	simm.s32 @p0 $0x1  }
0x13: {  	[smem:$0x3FA7] =	sst s0;
	s0 =	simm.s32 @!p1 $0x0  }
0x14: {  	s2 =	sld [smem:$0x3F8B];
	s0 =	simm.s32 @p1 $0x1  }
0x15: {  	[smem:$0x3FA8] =	sst s0;
	s0 =	simm.s32 @!p2 $0x0  }
0x16: {  	s3 =	sld [smem:$0x3FDB];
	s0 =	simm.s32 @p2 $0x1  }
0x17: {  	s4 =	simm.s32 $0x1BF5;
	[smem:$0x3FAA] =	sst s0  }
0x18: {  	s0 =	sld [smem:$0x3F8D];
	_ =	swait.ge [sflag:s4], $0x0  }
0x19: {  	s7 =	sld [smem:$0x3F8E]  }
0x1a: {  	s8 =	sadd.s32 $0xFFFFE003, lr  }
0x1b: {  	s9 =	sadd.s32 $0xFFFFFEF7, lr;
	s5 =	simm.s32 $0xFFFFFFFF;
	p2 =	slt.u32 s8, $0xFFFFF086  }
0x1c: {  	p1 =	slt.u32 s9, $0xF7A;
	s5 =	simm.s32 @!p2 $0x0  }
0x1d: {  	s5 =	simm.s32 @p1 $0x1;
	p0 =	seq.s32 s7, s2  }
0x1e: {  	s7 =	smul.u32 @!p0 $0xF7A, s2;
	p2 =	seq.s32 @!p0 s5, $0x0  }
0x1f: {  	s9 =	smul.u32 $0xF7A, s1;
	s8 =	simm.s32 @!p0 $0x1BF5;
	p2 =	por !p2, p0  }
0x20: {  	[sflag:s8] =	ssyncset.s32 @!p0 $0xFFFFF086;
	s6 =	sadd.s32 @!p0 s3, s7;
	s7 =	simm.s32 @!p0 $0x108  }
0x21: {  	s3 =	sadd.s32 s3, s9;
	s6 =	sadd.s32 @!p0 $0x88, s6;
	s7 =	simm.s32 @p2 $0x1082  }
0x22: {  	[simem:s7], [sflag:s8] =	dma.local @!p0 [hbm:s6], $0xF7A  }
0x23: {  	s9 =	sor.u32 $0xD0000000, s2;
	s6 =	simm.s32 $0x108;
	_ =	swait.ge @!p0 [sflag:s8], $0x0  }
0x24: {  	s3 =	sadd.s32 $0x88, s3;
	s6 =	simm.s32 @!p1 $0x1082;
	[sflag:s4] =	ssyncset.s32 $0xFFFFF086  }
0x25: {  	[simem:s6], [sflag:s4] =	dma.local [hbm:s3], $0xF7A  }
0x26: {  	[smem:$0x3F8E] =	sst s1;
	(tag) =	ssettag s2;
	_ =	strace s9  }
0x27: {  	s1 =	sld [smem:$0x3F9E]  }
0x28: {  	s2 =	sld [smem:$0x3F9F]  }
0x29: {  	s4 =	sld [smem:$0x3FA1]  }
0x2a: {  	p0 =	seq.s32 s5, $0x0;
	s5 =	sld [smem:$0x3FA2]  }
0x2b: {  	s6 =	sld [smem:$0x3FA3]  }
0x2c: {  	s7 =	sld [smem:$0x3FA4]  }
0x2d: {  	s3 =	simm.s32 $0x108;
	s8 =	sld [smem:$0x3FA5]  }
0x2e: {  	s3 =	simm.s32 @!p0 $0x1082;
	s9 =	sld [smem:$0x3FA6]  }
0x2f: {  	lr =	sadd.s32 s0, s3;
	s0 =	sld [smem:$0x3F9D]  }
0x30: {  	s3 =	sld [smem:$0x3FA0]  }
0x31: {  	[smem:$0x3FA9] =	sst s10  }
0x32: {  	s10 =	sld [smem:$0x3FA7];
	_ =	sdelay $0x3  }
0x33: {  	p0 =	seq.s32 s10, $0x1;
	s10 =	sld [smem:$0x3FA9];
	_ =	sdelay $0x3  }
0x34: {  	[smem:$0x3FA9] =	sst s10  }
0x35: {  	s10 =	sld [smem:$0x3FA8];
	_ =	sdelay $0x3  }
0x36: {  	p1 =	seq.s32 s10, $0x1;
	s10 =	sld [smem:$0x3FA9];
	_ =	sdelay $0x3  }
0x37: {  	[smem:$0x3FA9] =	sst s10  }
0x38: {  	s10 =	sld [smem:$0x3FAA]  }
0x39: {  	_ = 	snop;
	(pc) =	sbr.ind lr, $3  }
0x3a: {  	_ = 	snop  }
0x3b: {  	_ = 	snop  }
0x3c: {  	p2 =	seq.s32 s10, $0x1;
	s10 =	sld [smem:$0x3FA9]  }
0x3d: {  	_ =	shalt  }
0x3e: {  	_ =	shalt  }
0x3f: {  	_ =	shalt  }
0x40: {  	_ =	shalt  }
0x41: {  	_ =	shalt  }
0x42: {  	_ =	shalt  }
0x43: {  	_ =	shalt  }
0x44: {  	_ =	shalt  }
0x45: {  	_ =	shalt  }
0x46: {  	_ =	shalt  }
0x47: {  	_ =	shalt  }
0x48: {  	_ =	shalt  }
0x49: {  	_ =	shalt  }
0x4a: {  	_ =	shalt  }
0x4b: {  	_ =	shalt  }
0x4c: {  	_ =	shalt  }
0x4d: {  	_ =	shalt  }
0x4e: {  	_ =	shalt  }
0x4f: {  	_ =	shalt  }
0x50: {  	_ =	shalt  }
0x51: {  	_ =	shalt  }
0x52: {  	_ =	shalt  }
0x53: {  	_ =	shalt  }
0x54: {  	_ =	shalt  }
0x55: {  	_ =	shalt  }
0x56: {  	_ =	shalt  }
0x57: {  	_ =	shalt  }
0x58: {  	_ =	shalt  }
0x59: {  	_ =	shalt  }
0x5a: {  	_ =	shalt  }
0x5b: {  	_ =	shalt  }
0x5c: {  	_ =	shalt  }
0x5d: {  	_ =	shalt  }
0x5e: {  	_ =	shalt  }
0x5f: {  	_ =	shalt  }
0x60: {  	_ =	shalt  }
0x61: {  	_ =	shalt  }
0x62: {  	_ =	shalt  }
0x63: {  	_ =	shalt  }
0x64: {  	_ =	shalt  }
0x65: {  	_ =	shalt  }
0x66: {  	_ =	shalt  }
0x67: {  	_ =	shalt  }
0x68: {  	_ =	shalt  }
0x69: {  	_ =	shalt  }
0x6a: {  	_ =	shalt  }
0x6b: {  	_ =	shalt  }
0x6c: {  	_ =	shalt  }
0x6d: {  	_ =	shalt  }
0x6e: {  	_ =	shalt  }
0x6f: {  	_ =	shalt  }
0x70: {  	_ =	shalt  }
0x71: {  	_ =	shalt  }
0x72: {  	_ =	shalt  }
0x73: {  	_ =	shalt  }
0x74: {  	_ =	shalt  }
0x75: {  	_ =	shalt  }
0x76: {  	_ =	shalt  }
0x77: {  	_ =	shalt  }
0x78: {  	_ =	shalt  }
0x79: {  	_ =	shalt  }
0x7a: {  	_ =	shalt  }
0x7b: {  	_ =	shalt  }
0x7c: {  	_ =	shalt  }
0x7d: {  	_ =	shalt  }
0x7e: {  	_ =	shalt  }
0x7f: {  	_ =	shalt  }
0x80: {  	_ =	shalt  }
0x81: {  	_ =	shalt  }
0x82: {  	_ =	shalt  }
0x83: {  	_ =	shalt  }
0x84: {  	_ =	shalt  }
0x85: {  	_ =	shalt  }
0x86: {  	_ =	shalt  }
0x87: {  	_ =	shalt  }
.Lfunc_end0:
.L_simem_size_0:
called_computation_lowered:
.L_overlay_start_0:
0x88: {  	s2 =	sld [smem:$0x3FD9]  }
0x89: {  	s3 =	sld [smem:$0x3FFE];
	_ =	sdelay $0x1  }
0x8a: {  	s1 =	srdreg.scid  }
0x8b: {  	s0 =	sand.u32 $0x1, s1  }
0x8c: {  	s17 =	sshll.u32 s0, $0xA;
	s2 =	sadd.s32 s3, s2  }
0x8d: {  	s2 =	sadd.s32 s2, s17  }
0x8e: {  	[smem:$0x3FB5] =	sst s2  }
0x8f: {  	_ = 	snop  }
0x90: {  	s2 =	sld [smem:$0x3FC3];
	(tm) =	ssettm $0x1  }
0x91: {  	s18 =	sld [smem:$0x3FFB];
	_ =	sdelay $0x3  }
0x92: {  	_ =	strace s18  }
0x93: {  	s3 =	sld [smem:$0x3FFC];
	_ =	sdelay $0x3  }
0x94: {  	_ =	strace s3  }
0x95: {  	s3 =	sld [smem:$0x3FFD];
	_ =	sdelay $0x3  }
0x96: {  	_ =	strace s3  }
0x97: {  	_ =	strace $0x8FFFFFFF  }
0x98: {  	s19 =	sld [smem:$0x3FDB];
	_ =	sdelay $0x1  }
0x99: {  	s4 =	simm.s32 $_scs_section_size  }
0x9a: {  	s5 =	simm.s32 $_size__tile_overlayer_lowered;
	s6 =	simm.s32 $_tile_overlayer_lowered  }
0x9b: {  	s22 =	simm.s32 $0x1BFF;
	s21 =	sshll.u32 s6, $0x1;
	s3 =	sadd.s32 s4, s19  }
0x9c: {  	s7 =	simm.s32 $0x0;
	s20 =	sshll.u32 s5, $0x1;
	s5 =	sadd.s32 s21, s3  }
0x9d: {  	[timem:s7], [sflag:s22] =	dma.local [hbm:s5], s20  }
0x9e: {  	_ =	swait.ge [sflag:s22], s20  }
0x9f: {  	s4 =	ssub.s32 $0x0, s20;
	[sflag:s22] =	ssyncset.done $0x0  }
0xa0: {  	[sflag:s22] =	ssyncadd.s32 s4;
	_ =	sdelay $0x1  }
0xa1: {  	s23 =	simm.s32 $0x1B8B  }
0xa2: {  	_ =	swait.ge [sflag:s23], $0x1  }
0xa3: {  	[sflag:s23] =	ssyncset.done $0x0  }
0xa4: {  	s25 =	simm.s32 $0x1B8E;
	s24 =	sld [smem:$0x3FFE];
	[sflag:s23] =	ssyncadd.s32 $0xFFFFFFFF  }
0xa5: {  	s26 =	simm.s32 $execute0_lowered;
	[smem:$0x3FD2] =	sst s25  }
0xa6: {  	s5 =	sshll.u32 s26, $0x1;
	_ =	strace $0x80000046;
	[dreg:$0x1] =	wrdreg $0xFFFFFFFF  }
0xa7: {  	s28 =	simm.s32 $_size_execute0_lowered;
	s3 =	sadd.s32 s3, s5;
	[dreg:$0x0] =	wrdreg $0x0  }
0xa8: {  	s5 =	sshll.u32 s28, $0x1;
	[dreg:$0x2] =	wrdreg s3  }
0xa9: {  	[dreg:$0x3] =	wrdreg s5  }
0xaa: {  	[dreg:$0x4] =	wrdreg $0xC0  }
0xab: {  	_ =	task [dreg:s7], $0x5FFFF  }
0xac: {  	[dreg:$0x1] =	wrdreg $0xFFFFFFFF  }
0xad: {  	[dreg:$0x0] =	wrdreg $0x60  }
0xae: {  	[dreg:$0x2] =	wrdreg s2  }
0xaf: {  	[dreg:$0x3] =	wrdreg s24  }
0xb0: {  	[dreg:$0x4] =	wrdreg $0x9  }
0xb1: {  	_ =	task.clear_ibuf [dreg:s7], $0x5FFFF;
	_ =	strace $0x90000046  }
0xb2: {  	s29 =	simm.s32 $0x9;
	_ =	strace $0x80000048  }
0xb3: {  	_ =	swait.ge [sflag:s29], $0x1  }
0xb4: {  	[sflag:s29] =	ssyncadd.s32 $0xFFFFFFFF  }
0xb5: {  	_ =	strace $0x90000048  }
0xb6: {  	_ =	sfence  }
0xb7: {  	s30 =	sld [smem:$0x0];
	_ =	sdelay $0x2  }
0xb8: {  	s31 =	sshll.u32 s1, $0xD;
	s1 =	sshrl.u32 s1, $0x2  }
0xb9: {  	s3 =	sand.u32 $0x4000, s31;
	s1 =	sadd.s32 s1, s30  }
0xba: {  	s0 =	sor.u32 s3, s0;
	s1 =	sshll.u32 s1, $0x11  }
0xbb: {  	s0 =	sor.u32 s1, s0  }
0xbc: {  	s0 =	sadd.s32 $0x8F2B, s0  }
0xbd: {  	[sflag:s0] =	ssyncadd.remote.s32 $0x1  }
0xbe: {  	_ =	sfence.sel $0xFFFF  }
0xbf: {  	[dreg:$0x0] =	wrdreg $0xFFFFFFFF;
	(pc) =	sbr.abs _section_cstart, $3  }
0xc0: {  	[dreg:$0x1] =	wrdreg $0xFFFFFFFF  }
0xc1: {  	_ =	task.clear_ibuf [dreg:s7], $0x2FFFF;
	_ =	strace $0x9FFFFFFF  }
0xc2: {  	(tm) =	ssettm $0x7FFFFFFF  }
0xc3: {  	_ =	shalt  }
tec
execute0_lowered:
.L_overlay_start_1:
0x0: {  	(tag) =	ssettag $0x1  }
0x1: {  	s1 =	srdreg.scid;
	s0 =	stileid.u32  }
0x2: {  	s2 =	rddreg [dreg:$0x0];
	s17 =	sand.u32 $0x1, s1;
	s31 =	sshll.u32 s0, $0x1  }
0x3: {  	s11 =	rddreg [dreg:$0x1];
	s12 =	sor.u32 s17, s31  }
0x4: {  	s3 =	simm.s32 $0x0;
	s1 =	rddreg [dreg:$0x2];
	s4 =	sshll.u32 s12, $0x7  }
0x5: {  	[smem:$0x7FF] =	sst s3;
	s15 =	sadd.s32 s4, s11  }
0x6: {  	_ =	strace $0x80000047;
	s4 =	simm.s32 $0x3;
	s5 =	sadd.s32 $0x4400, s15  }
0x7: {  	[tilespmem:s3], [sflag:$0x3] =	stream.linear.gather [hbm4b:s5+s3], $0x100, $0x38;
	[tilespmem:$0x10200] =	vst v63  }
0x8: {  	_ =	swait.ge [sflag:s4], $0x100  }
0x9: {  	[sflag:s4] =	ssyncset.done $0x0  }
0xa: {  	s6 =	simm.s32 $0x100;
	s7 =	simm.s32 $0x200;
	[sflag:s4] =	ssyncadd.s32 $0xFFFFFF00  }
0xb: {  	[tilespmem:s7], [sflag:$0x1] =	stream.indirect.gather [hbm4b:s2+s6], $0x80, s3, s6, $0xb8;
	[tilespmem:$0x10200] =	vst v63  }
0xc: {  	s8 =	sadd.s32 $0x4420, s15  }
0xd: {  	[tilespmem:s6], [sflag:$0x3] =	stream.linear.gather [hbm4b:s8+s3], $0x100, $0x38;
	[tilespmem:$0x10200] =	vst v63  }
0xe: {  	_ =	swait.ge [sflag:s4], $0x100  }
0xf: {  	s10 =	simm.s32 $0x1;
	s9 =	sshll.u32 s0, $0xF;
	[sflag:s4] =	ssyncset.done $0x0  }
0x10: {  	s13 =	sand.u32 $0x40000, s9;
	s9 =	simm.s32 $0x8200;
	[sflag:s4] =	ssyncadd.s32 $0xFFFFFF00  }
0x11: {  	[tilespmem:s9], [sflag:$0x2] =	stream.indirect.gather [hbm4b:s2+s6], $0x80, s6, s6, $0xb8;
	[tilespmem:$0x10200] =	vst v63  }
0x12: {  	s12 =	sshll.u32 s12, $0xE;
	s11 =	sadd.s32 s13, s11;
	_ =	swait.ge [sflag:s10], $0x8000  }
0x13: {  	s14 =	ssub.s32 s12, s13;
	s18 =	sadd.s32 $0x5400, s11;
	[sflag:s10] =	ssyncset.done $0x0  }
0x14: {  	s11 =	sadd.s32 s14, s18;
	[sflag:s10] =	ssyncadd.s32 $0xFFFF8000  }
0x15: {  	[hbm4b:s11+s3] =	stream.linear.scatter [tilespmem:s7], [sflag:$0x3], $0x8000, $0x38;
	[tilespmem:$0x10200] =	vst v63  }
0x16: {  	_ =	swait.ge [sflag:s4], $0x8000  }
0x17: {  	[sflag:s4] =	ssyncset.done $0x0  }
0x18: {  	s12 =	sadd.s32 $0x4440, s15;
	[sflag:s4] =	ssyncadd.s32 $0xFFFF8000  }
0x19: {  	[tilespmem:s3], [sflag:$0x3] =	stream.linear.gather [hbm4b:s12+s3], $0x100, $0x38;
	[tilespmem:$0x10200] =	vst v63  }
0x1a: {  	_ =	swait.ge [sflag:s4], $0x100  }
0x1b: {  	[sflag:s4] =	ssyncset.done $0x0  }
0x1c: {  	s13 =	simm.s32 $0x2;
	[sflag:s4] =	ssyncadd.s32 $0xFFFFFF00  }
0x1d: {  	[tilespmem:s7], [sflag:$0x1] =	stream.indirect.gather [hbm4b:s2+s6], $0x80, s3, s6, $0xb8;
	[tilespmem:$0x10200] =	vst v63  }
0x1e: {  	s19 =	sand.u32 $0x1FFFC000, s14;
	_ =	swait.ge [sflag:s13], $0x8000  }
0x1f: {  	s14 =	sor.u32 $0x1000, s19;
	[sflag:s13] =	ssyncset.done $0x0  }
0x20: {  	s14 =	sadd.s32 s18, s14;
	[sflag:s13] =	ssyncadd.s32 $0xFFFF8000  }
0x21: {  	[hbm4b:s14+s3] =	stream.linear.scatter [tilespmem:s9], [sflag:$0x3], $0x8000, $0x38;
	[tilespmem:$0x10200] =	vst v63  }
0x22: {  	_ =	swait.ge [sflag:s4], $0x8000  }
0x23: {  	[sflag:s4] =	ssyncset.done $0x0  }
0x24: {  	s15 =	sadd.s32 $0x4460, s15;
	[sflag:s4] =	ssyncadd.s32 $0xFFFF8000  }
0x25: {  	[tilespmem:s6], [sflag:$0x3] =	stream.linear.gather [hbm4b:s15+s3], $0x100, $0x38;
	[tilespmem:$0x10200] =	vst v63  }
0x26: {  	_ =	swait.ge [sflag:s4], $0x100  }
0x27: {  	[sflag:s4] =	ssyncset.done $0x0  }
0x28: {  	[sflag:s4] =	ssyncadd.s32 $0xFFFFFF00  }
0x29: {  	[tilespmem:s9], [sflag:$0x2] =	stream.indirect.gather [hbm4b:s2+s6], $0x80, s6, s6, $0xb8;
	[tilespmem:$0x10200] =	vst v63  }
0x2a: {  	_ =	swait.ge [sflag:s10], $0x8000  }
0x2b: {  	s16 =	sor.u32 $0x2000, s19;
	[sflag:s10] =	ssyncset.done $0x0  }
0x2c: {  	s17 =	ssub.s32 $0x2, s17;
	s16 =	sadd.s32 s18, s16;
	[sflag:s10] =	ssyncadd.s32 $0xFFFF8000  }
0x2d: {  	[hbm4b:s16+s3] =	stream.linear.scatter [tilespmem:s7], [sflag:$0x3], $0x8000, $0x38;
	[tilespmem:$0x10200] =	vst v63  }
0x2e: {  	s20 =	sshrl.u32 s17, $0x1;
	_ =	swait.ge [sflag:s4], $0x8000  }
0x2f: {  	s17 =	ssub.s32 s17, s20;
	[sflag:s4] =	ssyncset.done $0x0  }
0x30: {  	s20 =	smax.u32 s17, $0x1;
	[sflag:s4] =	ssyncadd.s32 $0xFFFF8000  }
0x31: {  	p0 =	sne.s32 s20, $0x1;
	_ =	swait.ge [sflag:s13], $0x8000  }
.Ltmp0:
0x32: {  	s19 =	sor.u32 $0x3000, s19;
	[sflag:s13] =	ssyncset.done $0x0;
	(pc) =	sbr.rel @!p0 .LBB2_2-.Ltmp0, $4  }
0x33: {  	s17 =	sadd.s32 s18, s19;
	[sflag:s13] =	ssyncadd.s32 $0xFFFF8000  }
0x34: {  	[hbm4b:s17+s3] =	stream.linear.scatter [tilespmem:s9], [sflag:$0x3], $0x8000, $0x38;
	[tilespmem:$0x10200] =	vst v63  }
0x35: {  	_ =	swait.ge [sflag:s4], $0x8000  }
0x36: {  	s18 =	sadd.s32 $0xFFFFFFFF, s20;
	[sflag:s4] =	ssyncset.done $0x0  }
.LBB2_1:
0x37: {  	p0 =	sne.s32 s18, $0x1;
	s18 =	sadd.s32 $0xFFFFFFFF, s18;
	[sflag:s4] =	ssyncadd.s32 $0xFFFF8000  }
0x38: {  	[tilespmem:s3], [sflag:$0x3] =	stream.linear.gather [hbm4b:s5+s3], $0x100, $0x38;
	[tilespmem:$0x10200] =	vst v63  }
0x39: {  	_ =	swait.ge [sflag:s4], $0x100  }
0x3a: {  	[sflag:s4] =	ssyncset.done $0x0  }
0x3b: {  	[sflag:s4] =	ssyncadd.s32 $0xFFFFFF00  }
0x3c: {  	[tilespmem:s7], [sflag:$0x1] =	stream.indirect.gather [hbm4b:s2+s6], $0x80, s3, s6, $0xb8;
	[tilespmem:$0x10200] =	vst v63  }
0x3d: {  	_ = 	snop  }
0x3e: {  	[tilespmem:s6], [sflag:$0x3] =	stream.linear.gather [hbm4b:s8+s3], $0x100, $0x38;
	[tilespmem:$0x10200] =	vst v63  }
0x3f: {  	_ =	swait.ge [sflag:s4], $0x100  }
0x40: {  	[sflag:s4] =	ssyncset.done $0x0  }
0x41: {  	[sflag:s4] =	ssyncadd.s32 $0xFFFFFF00  }
0x42: {  	[tilespmem:s9], [sflag:$0x2] =	stream.indirect.gather [hbm4b:s2+s6], $0x80, s6, s6, $0xb8;
	[tilespmem:$0x10200] =	vst v63  }
0x43: {  	_ =	swait.ge [sflag:s10], $0x8000  }
0x44: {  	[sflag:s10] =	ssyncset.done $0x0  }
0x45: {  	[sflag:s10] =	ssyncadd.s32 $0xFFFF8000  }
0x46: {  	[hbm4b:s11+s3] =	stream.linear.scatter [tilespmem:s7], [sflag:$0x3], $0x8000, $0x38;
	[tilespmem:$0x10200] =	vst v63  }
0x47: {  	_ =	swait.ge [sflag:s4], $0x8000  }
0x48: {  	[sflag:s4] =	ssyncset.done $0x0  }
0x49: {  	[sflag:s4] =	ssyncadd.s32 $0xFFFF8000  }
0x4a: {  	[tilespmem:s3], [sflag:$0x3] =	stream.linear.gather [hbm4b:s12+s3], $0x100, $0x38;
	[tilespmem:$0x10200] =	vst v63  }
0x4b: {  	_ =	swait.ge [sflag:s4], $0x100  }
0x4c: {  	[sflag:s4] =	ssyncset.done $0x0  }
0x4d: {  	[sflag:s4] =	ssyncadd.s32 $0xFFFFFF00  }
0x4e: {  	[tilespmem:s7], [sflag:$0x1] =	stream.indirect.gather [hbm4b:s2+s6], $0x80, s3, s6, $0xb8;
	[tilespmem:$0x10200] =	vst v63  }
0x4f: {  	_ =	swait.ge [sflag:s13], $0x8000  }
0x50: {  	[sflag:s13] =	ssyncset.done $0x0  }
0x51: {  	[sflag:s13] =	ssyncadd.s32 $0xFFFF8000  }
0x52: {  	[hbm4b:s14+s3] =	stream.linear.scatter [tilespmem:s9], [sflag:$0x3], $0x8000, $0x38;
	[tilespmem:$0x10200] =	vst v63  }
0x53: {  	_ =	swait.ge [sflag:s4], $0x8000  }
0x54: {  	[sflag:s4] =	ssyncset.done $0x0  }
0x55: {  	[sflag:s4] =	ssyncadd.s32 $0xFFFF8000  }
0x56: {  	[tilespmem:s6], [sflag:$0x3] =	stream.linear.gather [hbm4b:s15+s3], $0x100, $0x38;
	[tilespmem:$0x10200] =	vst v63  }
0x57: {  	_ =	swait.ge [sflag:s4], $0x100  }
0x58: {  	[sflag:s4] =	ssyncset.done $0x0  }
0x59: {  	[sflag:s4] =	ssyncadd.s32 $0xFFFFFF00  }
0x5a: {  	[tilespmem:s9], [sflag:$0x2] =	stream.indirect.gather [hbm4b:s2+s6], $0x80, s6, s6, $0xb8;
	[tilespmem:$0x10200] =	vst v63  }
0x5b: {  	_ =	swait.ge [sflag:s10], $0x8000  }
0x5c: {  	[sflag:s10] =	ssyncset.done $0x0  }
0x5d: {  	[sflag:s10] =	ssyncadd.s32 $0xFFFF8000  }
0x5e: {  	[hbm4b:s16+s3] =	stream.linear.scatter [tilespmem:s7], [sflag:$0x3], $0x8000, $0x38;
	[tilespmem:$0x10200] =	vst v63  }
0x5f: {  	_ =	swait.ge [sflag:s4], $0x8000  }
0x60: {  	[sflag:s4] =	ssyncset.done $0x0  }
0x61: {  	[sflag:s4] =	ssyncadd.s32 $0xFFFF8000  }
0x62: {  	_ =	swait.ge [sflag:s13], $0x8000  }
.Ltmp1:
0x63: {  	[sflag:s13] =	ssyncset.done $0x0;
	(pc) =	sbr.rel @p0 .LBB2_1-.Ltmp1, $4  }
0x64: {  	[sflag:s13] =	ssyncadd.s32 $0xFFFF8000  }
0x65: {  	[hbm4b:s17+s3] =	stream.linear.scatter [tilespmem:s9], [sflag:$0x3], $0x8000, $0x38;
	[tilespmem:$0x10200] =	vst v63  }
0x66: {  	_ =	swait.ge [sflag:s4], $0x8000  }
0x67: {  	[sflag:s4] =	ssyncset.done $0x0  }
.LBB2_2:
0x68: {  	[sflag:s4] =	ssyncadd.s32 $0xFFFF8000  }
0x69: {  	_ =	sfence.sel $0x180000  }
0x6a: {  	[bflag:$0x0] =	sbarrier.arrive $0xFFFF  }
0x6b: {  	p0 =	sne.s32 s0, $0x0;
	_ =	strace $0x90000047  }
0x6c: {  	s0 =	sadd.s32 @!p0 $0x100000, s1;
	[bflag:$0x2] =	sbarrier.arrive $0xFFFF  }
0x6d: {  	[sflag:s0] =	ssyncadd.tile.s32 @!p0 $0x1;
	_ =	shalt  }
.Lfunc_end2:
_tile_overlayer_lowered:
.L_overlay_start_2:
0x6e: {  	(tag) =	ssettag $0x2  }
0x6f: {  	s0 =	rddreg [dreg:$0x0];
	s2 =	stileid.u32  }
0x70: {  	s1 =	rddreg [dreg:$0x1];
	p0 =	sne.s32 s2, $0x0  }
0x71: {  	s3 =	rddreg [dreg:$0x2];
	[bflag:$0x3] =	sbarrier.arrive $0xFFFF;
	s2 =	simm.s32 @!p0 $0x1C03  }
0x72: {  	[timem:s3], [sflag:s2] =	dma.local @!p0 [hbm:s0], s1  }
0x73: {  	s0 =	simm.s32 @!p0 $0x3  }
0x74: {  	_ =	swait.ge @!p0 [sflag:s0], s1  }
0x75: {  	s1 =	ssub.s32 @!p0 $0x0, s1;
	[sflag:s0] =	ssyncset.done @!p0 $0x0  }
0x76: {  	[sflag:s0] =	ssyncadd.s32 @!p0 s1  }
0x77: {  	[bflag:$0x3] =	sbarrier.arrive $0xFFFF  }
0x78: {  	_ =	shalt  }

</sc_bundles>
